<compile_context>
chip_gen: v7x
topology: tpu7x:2x2x1
jax: 0.10.2.dev20260603
libtpu: 0.0.44.dev20260713+nightly
codegen_flags: <defaults>
</compile_context>

<pallas_src>
import functools

import jax
import jax.numpy as jnp
from jax import lax
from jax.experimental import pallas as pl
from jax.experimental.pallas import tpu as pltpu
from jax.experimental.pallas import tpu_sc as plsc

L = 20
H = 2048
R = 512
AR = 64
E = 256
TOPK = 8
B = 32
K = 8
N = B * K

_INV_SQRT2 = 0.7071067811865476


def _erf_gelu(v):
    return v * (0.5 * (1.0 + lax.erf(v * _INV_SQRT2)))


def _tc_body(x_ref, sd_ref, su_ref, ad_ref, au_ref, g_ref,
             logits_ref, shared_ref):
    l = pl.program_id(0)

    @pl.when(l == 0)
    def _():
        s = _erf_gelu(lax.dot_general(
            x_ref[...], sd_ref[...], (((1,), (1,)), ((), ()))))
        shared_ref[...] = lax.dot_general(
            s, su_ref[...], (((1,), (1,)), ((), ())))

    a = _erf_gelu(lax.dot_general(
        x_ref[...], ad_ref[0], (((1,), (1,)), ((), ()))))
    adapter = lax.dot_general(a, au_ref[0], (((1,), (1,)), ((), ())))
    h = shared_ref[...] + adapter
    logits_ref[0] = lax.dot_general(h, g_ref[0], (((1,), (1,)), ((), ())))


_NC = 2
_NS = 16
_NW = _NC * _NS
_ROWS = L * N
_RPW = _ROWS // _NW
_NCHUNK = E // 16


_CH = 32
_NCH = _RPW // _CH


def _sc_topk_body(logits_hbm, out_hbm, buf_a, buf_b, obuf, svec, sem0, sem1):
    wid = lax.axis_index("s") * _NC + lax.axis_index("c")
    base = wid * _RPW
    bufs = (buf_a, buf_b)
    sems = (sem0, sem1)

    lane = jnp.arange(16, dtype=jnp.int32)
    low = lane < 8
    shift = jnp.maximum(lane - 1, 0)

    def row_in(buf, k):
        def row(r, carry):
            def build(lo, hi, desc):
                if hi - lo == 1:
                    v = buf[r, pl.ds(lo * 16, 16)]
                    return plsc.sort_key_val(v, lane + lo * 16,
                                             descending=desc)
                mid = (lo + hi) // 2
                av, ai = build(lo, mid, True)
                bv, bi = build(mid, hi, False)
                mv = jnp.where(low, av, bv)
                mi = jnp.where(low, ai, bi)
                return plsc.sort_key_val(mv, mi, descending=desc)

            fv, fi = build(0, _NCHUNK, True)
            svec[...] = fv
            prev = plsc.load_gather(svec, [shift])
            cls = plsc.cummax(jnp.where(fv != prev, lane, 0))
            _, ti = plsc.sort_key_val(cls * 256 + fi, fi, descending=False)
            obuf[k * _CH + r, :] = ti
            return carry

        lax.fori_loop(0, _CH, row, 0, unroll=2)

    cur = pltpu.async_copy(
        logits_hbm.at[pl.ds(base, _CH)], bufs[0], sems[0])
    for k in range(_NCH):
        nxt = None
        if k + 1 < _NCH:
            nxt = pltpu.async_copy(
                logits_hbm.at[pl.ds(base + (k + 1) * _CH, _CH)],
                bufs[(k + 1) % 2], sems[(k + 1) % 2])
        cur.wait()
        row_in(bufs[k % 2], k)
        cur = nxt
    pltpu.sync_copy(obuf, out_hbm.at[pl.ds(base, _RPW)])


_sc_topk = functools.partial(
    pl.kernel,
    out_type=jax.ShapeDtypeStruct((_ROWS, 16), jnp.int32),
    mesh=plsc.VectorSubcoreMesh(core_axis_name="c", subcore_axis_name="s",
                                num_cores=_NC, num_subcores=_NS),
    scratch_types=[
        pltpu.VMEM((_CH, E), jnp.float32),
        pltpu.VMEM((_CH, E), jnp.float32),
        pltpu.VMEM((_RPW, 16), jnp.int32),
        pltpu.VMEM((16,), jnp.float32),
        pltpu.SemaphoreType.DMA,
        pltpu.SemaphoreType.DMA,
    ],
    compiler_params=pltpu.CompilerParams(needs_layout_passes=False),
)(_sc_topk_body)


@jax.jit
def kernel(x, shared_down, shared_up, adapters_down, adapters_up, gates):
    xf = x.reshape(N, H)
    logits = pl.pallas_call(
        _tc_body,
        grid=(L,),
        in_specs=[
            pl.BlockSpec((N, H), lambda l: (0, 0)),
            pl.BlockSpec((R, H), lambda l: (0, 0)),
            pl.BlockSpec((H, R), lambda l: (0, 0)),
            pl.BlockSpec((1, AR, H), lambda l: (l, 0, 0)),
            pl.BlockSpec((1, H, AR), lambda l: (l, 0, 0)),
            pl.BlockSpec((1, E, H), lambda l: (l, 0, 0)),
        ],
        out_specs=pl.BlockSpec((1, N, E), lambda l: (l, 0, 0)),
        out_shape=jax.ShapeDtypeStruct((L, N, E), jnp.float32),
        scratch_shapes=[pltpu.VMEM((N, H), jnp.float32)],
    )(xf, shared_down, shared_up, adapters_down, adapters_up, gates)
    idx16 = _sc_topk(logits.reshape(_ROWS, E))
    idx = idx16[:, :TOPK]
    return (idx.reshape(L, B, K, TOPK), logits.reshape(L, B, K, E))

# --- scband reference (transcript-rebuilt; emitter-appended) ---
"""Pipeline reference for scband-expert-prefetch-head-72292889526404 (READ-ONLY COPY).

The authoritative reference and input builder live on the scoring server;
editing this copy changes nothing except your own understanding.
"""

import jax, jax.numpy as jnp
import numpy as np

L = 20
H = 2048
R = 512
AR = 64
E = 256
TOPK = 8
B = 32
K = 8


def setup_inputs(seed: int = 0) -> dict:
    key = jax.random.key(seed)
    ks = jax.random.split(key, 6)
    x = jax.random.normal(ks[0], (B, K, H), dtype=jnp.float32)
    # kaiming-ish init for shared projection, near-zero adapters (per _init_weights)
    shared_down = jax.random.normal(ks[1], (R, H), dtype=jnp.float32) * (2.0 / H) ** 0.5
    shared_up = jax.random.normal(ks[2], (H, R), dtype=jnp.float32) * (2.0 / R) ** 0.5
    adapters_down = jax.random.normal(ks[3], (L, AR, H), dtype=jnp.float32) * 0.01
    adapters_up = jax.random.normal(ks[4], (L, H, AR), dtype=jnp.float32) * 0.01
    # frozen gate weights (one [E, H] matrix per routing layer)
    gates = jax.random.normal(ks[5], (L, E, H), dtype=jnp.float32) * 0.02
    return {
        "x": x,
        "shared_down": shared_down,
        "shared_up": shared_up,
        "adapters_down": adapters_down,
        "adapters_up": adapters_up,
        "gates": gates,
    }


def reference(x, shared_down, shared_up, adapters_down, adapters_up, gates):
    # torch F.gelu default is exact erf gelu
    gelu = lambda v: jax.nn.gelu(v, approximate=False)
    # shared = shared_up(gelu(shared_down(x)))  -> [B, K, H]
    shared = gelu(jnp.einsum('bkh,rh->bkr', x, shared_down))
    shared = jnp.einsum('bkr,hr->bkh', shared, shared_up)
    # per-layer adapter: adapter_out[l] = up_l(gelu(down_l(x)))  -> [L, B, K, H]
    a = gelu(jnp.einsum('bkh,lah->lbka', x, adapters_down))
    adapter_out = jnp.einsum('lbka,lha->lbkh', a, adapters_up)
    h = shared[None, ...] + adapter_out  # [L, B, K, H]
    # logits[l] = gate_l(h[l])  -> [L, B, K, E]
    logits = jnp.einsum('lbkh,leh->lbke', h, gates)
    _, indices = jax.lax.top_k(logits, TOPK)  # [L, B, K, TOPK]
    # dicts {layer_idx: tensor} represented as stacked arrays over the L routing layers (20..39)
    return (indices, logits)

if __name__ == "__main__":
    import jax
    _d = setup_inputs()
    print(jax.jit(kernel)(*tuple(_d.values())))

</pallas_src>

<mosaic_0001>
#map = affine_map<(d0, d1) -> (0, 0)>
module attributes {stable_mosaic.version = 14 : i64} {
  func.func @_sc_topk_body(%arg0: i32, %arg1: i32, %arg2: memref<5120x256xf32, #tpu.memory_space<hbm>>, %arg3: memref<5120x16xi32, #tpu.memory_space<hbm>>, %arg4: memref<32x256xf32, #tpu.memory_space<vmem>>, %arg5: memref<32x256xf32, #tpu.memory_space<vmem>>, %arg6: memref<160x16xi32, #tpu.memory_space<vmem>>, %arg7: memref<16xf32, #tpu.memory_space<vmem>>, %arg8: memref<!tpu.dma_semaphore, #tpu.memory_space<semaphore_mem>>, %arg9: memref<!tpu.dma_semaphore, #tpu.memory_space<semaphore_mem>>) attributes {dimension_semantics = [#tpu.dimension_semantics<core_parallel>, #tpu.dimension_semantics<subcore_parallel>], iteration_bounds = array<i64: 2, 16>, scalar_prefetch = 0 : i64, scratch_operands = 6 : i64, tpu.core_type = #tpu.core_type<sc_vector_subcore>, window_params = [{transform_indices = #map}, {transform_indices = #map}]} {
    %mul3A = arith.constant 2 : i32
    %mul3A_0 = arith.muli %arg1, %mul3A : i32
    %add3A = arith.addi %mul3A_0, %arg0 : i32
    %mul3A_1 = arith.constant 160 : i32
    %mul3A_2 = arith.muli %add3A, %mul3A_1 : i32
    %iota3A = tpu.iota {dimensions = array<i32: 0>} : vector<16xi32>
    %lt3A = arith.constant 8 : i32
    %lt3A_3 = vector.broadcast %lt3A : i32 to vector<16xi32>
    %lt3A_4 = arith.cmpi slt, %iota3A, %lt3A_3 : vector<16xi32>
    %sub3A = arith.constant 1 : i32
    %sub3A_5 = vector.broadcast %sub3A : i32 to vector<16xi32>
    %sub3A_6 = arith.subi %iota3A, %sub3A_5 : vector<16xi32>
    %max3A = arith.constant 0 : i32
    %max3A_7 = vector.broadcast %max3A : i32 to vector<16xi32>
    %max3A_8 = arith.maxsi %sub3A_6, %max3A_7 : vector<16xi32>
    %dma_start3A = arith.constant 0 : i32
    %dma_start3A_9 = tpu.memref_slice %arg2[%mul3A_2, %dma_start3A] : memref<5120x256xf32, #tpu.memory_space<hbm>> -> memref<32x256xf32, #tpu.memory_space<hbm>>
    %dma_start3A_10 = arith.constant 0 : i32
    %dma_start3A_11 = tpu.memref_slice %arg2[%mul3A_2, %dma_start3A_10] : memref<5120x256xf32, #tpu.memory_space<hbm>> -> memref<32x256xf32, #tpu.memory_space<hbm>>
    tpu.enqueue_dma source(%dma_start3A_11 : memref<32x256xf32, #tpu.memory_space<hbm>>) target(%arg4 : memref<32x256xf32, #tpu.memory_space<vmem>>) target_semaphore(%arg8 : memref<!tpu.dma_semaphore, #tpu.memory_space<semaphore_mem>>)
    %add3A_12 = arith.constant 32 : i32
    %add3A_13 = arith.addi %mul3A_2, %add3A_12 : i32
    %dma_start3A_14 = arith.constant 0 : i32
    %dma_start3A_15 = tpu.memref_slice %arg2[%add3A_13, %dma_start3A_14] : memref<5120x256xf32, #tpu.memory_space<hbm>> -> memref<32x256xf32, #tpu.memory_space<hbm>>
    %dma_start3A_16 = arith.constant 0 : i32
    %dma_start3A_17 = tpu.memref_slice %arg2[%add3A_13, %dma_start3A_16] : memref<5120x256xf32, #tpu.memory_space<hbm>> -> memref<32x256xf32, #tpu.memory_space<hbm>>
    tpu.enqueue_dma source(%dma_start3A_17 : memref<32x256xf32, #tpu.memory_space<hbm>>) target(%arg5 : memref<32x256xf32, #tpu.memory_space<vmem>>) target_semaphore(%arg9 : memref<!tpu.dma_semaphore, #tpu.memory_space<semaphore_mem>>)
    %dma_wait3A = arith.constant 0 : i32
    %dma_wait3A_18 = tpu.memref_slice %arg2[%mul3A_2, %dma_wait3A] : memref<5120x256xf32, #tpu.memory_space<hbm>> -> memref<32x256xf32, #tpu.memory_space<hbm>>
    %dma_wait3A_19 = arith.constant 0 : i32
    %dma_wait3A_20 = tpu.memref_slice %arg2[%mul3A_2, %dma_wait3A_19] : memref<5120x256xf32, #tpu.memory_space<hbm>> -> memref<32x256xf32, #tpu.memory_space<hbm>>
    tpu.wait_dma2 semaphore(%arg8 : memref<!tpu.dma_semaphore, #tpu.memory_space<semaphore_mem>>) src(%dma_wait3A_20 : memref<32x256xf32, #tpu.memory_space<hbm>>) dst(%arg4 : memref<32x256xf32, #tpu.memory_space<vmem>>)
    %scan3A = arith.constant 0 : i32
    %scan3A_21 = arith.constant 0 : i32
    %scan3A_22 = arith.constant 32 : i32
    %scan3A_23 = arith.addi %scan3A_21, %scan3A_22 : i32
    %scan3A_24 = arith.constant 2 : i32
    scf.for %scan3A_84 = %scan3A_21 to %scan3A_23 step %scan3A_24  : i32 {
      %get3A = arith.index_cast %scan3A_84 : i32 to index
      %get3A_85 = arith.constant 0 : index
      %get3A_86 = tpu.vector_load %arg4[%get3A, %get3A_85] {strides = array<i32>} : memref<32x256xf32, #tpu.memory_space<vmem>>, vector<16xf32>,
      %add3A_87 = arith.constant 0 : i32
      %add3A_88 = vector.broadcast %add3A_87 : i32 to vector<16xi32>
      %add3A_89 = arith.addi %iota3A, %add3A_88 : vector<16xi32>
      %masked_sort3A = arith.constant dense<true> : vector<16xi1>
      %masked_sort3A_90, %masked_sort3A_91, %masked_sort3A_92 = tpu.sort %get3A_86, %add3A_89 masked %masked_sort3A {descending = true} : (vector<16xf32>, vector<16xi32>, vector<16xi1>) -> (vector<16xi1>, vector<16xf32>, vector<16xi32>)
      %get3A_93 = arith.index_cast %scan3A_84 : i32 to index
      %get3A_94 = arith.constant 16 : index
      %get3A_95 = tpu.vector_load %arg4[%get3A_93, %get3A_94] {strides = array<i32>} : memref<32x256xf32, #tpu.memory_space<vmem>>, vector<16xf32>,
      %add3A_96 = arith.constant 16 : i32
      %add3A_97 = vector.broadcast %add3A_96 : i32 to vector<16xi32>
      %add3A_98 = arith.addi %iota3A, %add3A_97 : vector<16xi32>
      %masked_sort3A_99 = arith.constant dense<true> : vector<16xi1>
      %masked_sort3A_100, %masked_sort3A_101, %masked_sort3A_102 = tpu.sort %get3A_95, %add3A_98 masked %masked_sort3A_99 : (vector<16xf32>, vector<16xi32>, vector<16xi1>) -> (vector<16xi1>, vector<16xf32>, vector<16xi32>)
      %select_n3A = arith.select %lt3A_4, %masked_sort3A_91, %masked_sort3A_101 : vector<16xi1>, vector<16xf32>
      %select_n3A_103 = arith.select %lt3A_4, %masked_sort3A_92, %masked_sort3A_102 : vector<16xi1>, vector<16xi32>
      %masked_sort3A_104 = arith.constant dense<true> : vector<16xi1>
      %masked_sort3A_105, %masked_sort3A_106, %masked_sort3A_107 = tpu.sort %select_n3A, %select_n3A_103 masked %masked_sort3A_104 {descending = true} : (vector<16xf32>, vector<16xi32>, vector<16xi1>) -> (vector<16xi1>, vector<16xf32>, vector<16xi32>)
      %get3A_108 = arith.index_cast %scan3A_84 : i32 to index
      %get3A_109 = arith.constant 32 : index
      %get3A_110 = tpu.vector_load %arg4[%get3A_108, %get3A_109] {strides = array<i32>} : memref<32x256xf32, #tpu.memory_space<vmem>>, vector<16xf32>,
      %add3A_111 = arith.constant 32 : i32
      %add3A_112 = vector.broadcast %add3A_111 : i32 to vector<16xi32>
      %add3A_113 = arith.addi %iota3A, %add3A_112 : vector<16xi32>
      %masked_sort3A_114 = arith.constant dense<true> : vector<16xi1>
      %masked_sort3A_115, %masked_sort3A_116, %masked_sort3A_117 = tpu.sort %get3A_110, %add3A_113 masked %masked_sort3A_114 {descending = true} : (vector<16xf32>, vector<16xi32>, vector<16xi1>) -> (vector<16xi1>, vector<16xf32>, vector<16xi32>)
      %get3A_118 = arith.index_cast %scan3A_84 : i32 to index
      %get3A_119 = arith.constant 48 : index
      %get3A_120 = tpu.vector_load %arg4[%get3A_118, %get3A_119] {strides = array<i32>} : memref<32x256xf32, #tpu.memory_space<vmem>>, vector<16xf32>,
      %add3A_121 = arith.constant 48 : i32
      %add3A_122 = vector.broadcast %add3A_121 : i32 to vector<16xi32>
      %add3A_123 = arith.addi %iota3A, %add3A_122 : vector<16xi32>
      %masked_sort3A_124 = arith.constant dense<true> : vector<16xi1>
      %masked_sort3A_125, %masked_sort3A_126, %masked_sort3A_127 = tpu.sort %get3A_120, %add3A_123 masked %masked_sort3A_124 : (vector<16xf32>, vector<16xi32>, vector<16xi1>) -> (vector<16xi1>, vector<16xf32>, vector<16xi32>)
      %select_n3A_128 = arith.select %lt3A_4, %masked_sort3A_116, %masked_sort3A_126 : vector<16xi1>, vector<16xf32>
      %select_n3A_129 = arith.select %lt3A_4, %masked_sort3A_117, %masked_sort3A_127 : vector<16xi1>, vector<16xi32>
      %masked_sort3A_130 = arith.constant dense<true> : vector<16xi1>
      %masked_sort3A_131, %masked_sort3A_132, %masked_sort3A_133 = tpu.sort %select_n3A_128, %select_n3A_129 masked %masked_sort3A_130 : (vector<16xf32>, vector<16xi32>, vector<16xi1>) -> (vector<16xi1>, vector<16xf32>, vector<16xi32>)
      %select_n3A_134 = arith.select %lt3A_4, %masked_sort3A_106, %masked_sort3A_132 : vector<16xi1>, vector<16xf32>
      %select_n3A_135 = arith.select %lt3A_4, %masked_sort3A_107, %masked_sort3A_133 : vector<16xi1>, vector<16xi32>
      %masked_sort3A_136 = arith.constant dense<true> : vector<16xi1>
      %masked_sort3A_137, %masked_sort3A_138, %masked_sort3A_139 = tpu.sort %select_n3A_134, %select_n3A_135 masked %masked_sort3A_136 {descending = true} : (vector<16xf32>, vector<16xi32>, vector<16xi1>) -> (vector<16xi1>, vector<16xf32>, vector<16xi32>)
      %get3A_140 = arith.index_cast %scan3A_84 : i32 to index
      %get3A_141 = arith.constant 64 : index
      %get3A_142 = tpu.vector_load %arg4[%get3A_140, %get3A_141] {strides = array<i32>} : memref<32x256xf32, #tpu.memory_space<vmem>>, vector<16xf32>,
      %add3A_143 = arith.constant 64 : i32
      %add3A_144 = vector.broadcast %add3A_143 : i32 to vector<16xi32>
      %add3A_145 = arith.addi %iota3A, %add3A_144 : vector<16xi32>
      %masked_sort3A_146 = arith.constant dense<true> : vector<16xi1>
      %masked_sort3A_147, %masked_sort3A_148, %masked_sort3A_149 = tpu.sort %get3A_142, %add3A_145 masked %masked_sort3A_146 {descending = true} : (vector<16xf32>, vector<16xi32>, vector<16xi1>) -> (vector<16xi1>, vector<16xf32>, vector<16xi32>)
      %get3A_150 = arith.index_cast %scan3A_84 : i32 to index
      %get3A_151 = arith.constant 80 : index
      %get3A_152 = tpu.vector_load %arg4[%get3A_150, %get3A_151] {strides = array<i32>} : memref<32x256xf32, #tpu.memory_space<vmem>>, vector<16xf32>,
      %add3A_153 = arith.constant 80 : i32
      %add3A_154 = vector.broadcast %add3A_153 : i32 to vector<16xi32>
      %add3A_155 = arith.addi %iota3A, %add3A_154 : vector<16xi32>
      %masked_sort3A_156 = arith.constant dense<true> : vector<16xi1>
      %masked_sort3A_157, %masked_sort3A_158, %masked_sort3A_159 = tpu.sort %get3A_152, %add3A_155 masked %masked_sort3A_156 : (vector<16xf32>, vector<16xi32>, vector<16xi1>) -> (vector<16xi1>, vector<16xf32>, vector<16xi32>)
      %select_n3A_160 = arith.select %lt3A_4, %masked_sort3A_148, %masked_sort3A_158 : vector<16xi1>, vector<16xf32>
      %select_n3A_161 = arith.select %lt3A_4, %masked_sort3A_149, %masked_sort3A_159 : vector<16xi1>, vector<16xi32>
      %masked_sort3A_162 = arith.constant dense<true> : vector<16xi1>
      %masked_sort3A_163, %masked_sort3A_164, %masked_sort3A_165 = tpu.sort %select_n3A_160, %select_n3A_161 masked %masked_sort3A_162 {descending = true} : (vector<16xf32>, vector<16xi32>, vector<16xi1>) -> (vector<16xi1>, vector<16xf32>, vector<16xi32>)
      %get3A_166 = arith.index_cast %scan3A_84 : i32 to index
      %get3A_167 = arith.constant 96 : index
      %get3A_168 = tpu.vector_load %arg4[%get3A_166, %get3A_167] {strides = array<i32>} : memref<32x256xf32, #tpu.memory_space<vmem>>, vector<16xf32>,
      %add3A_169 = arith.constant 96 : i32
      %add3A_170 = vector.broadcast %add3A_169 : i32 to vector<16xi32>
      %add3A_171 = arith.addi %iota3A, %add3A_170 : vector<16xi32>
      %masked_sort3A_172 = arith.constant dense<true> : vector<16xi1>
      %masked_sort3A_173, %masked_sort3A_174, %masked_sort3A_175 = tpu.sort %get3A_168, %add3A_171 masked %masked_sort3A_172 {descending = true} : (vector<16xf32>, vector<16xi32>, vector<16xi1>) -> (vector<16xi1>, vector<16xf32>, vector<16xi32>)
      %get3A_176 = arith.index_cast %scan3A_84 : i32 to index
      %get3A_177 = arith.constant 112 : index
      %get3A_178 = tpu.vector_load %arg4[%get3A_176, %get3A_177] {strides = array<i32>} : memref<32x256xf32, #tpu.memory_space<vmem>>, vector<16xf32>,
      %add3A_179 = arith.constant 112 : i32
      %add3A_180 = vector.broadcast %add3A_179 : i32 to vector<16xi32>
      %add3A_181 = arith.addi %iota3A, %add3A_180 : vector<16xi32>
      %masked_sort3A_182 = arith.constant dense<true> : vector<16xi1>
      %masked_sort3A_183, %masked_sort3A_184, %masked_sort3A_185 = tpu.sort %get3A_178, %add3A_181 masked %masked_sort3A_182 : (vector<16xf32>, vector<16xi32>, vector<16xi1>) -> (vector<16xi1>, vector<16xf32>, vector<16xi32>)
      %select_n3A_186 = arith.select %lt3A_4, %masked_sort3A_174, %masked_sort3A_184 : vector<16xi1>, vector<16xf32>
      %select_n3A_187 = arith.select %lt3A_4, %masked_sort3A_175, %masked_sort3A_185 : vector<16xi1>, vector<16xi32>
      %masked_sort3A_188 = arith.constant dense<true> : vector<16xi1>
      %masked_sort3A_189, %masked_sort3A_190, %masked_sort3A_191 = tpu.sort %select_n3A_186, %select_n3A_187 masked %masked_sort3A_188 : (vector<16xf32>, vector<16xi32>, vector<16xi1>) -> (vector<16xi1>, vector<16xf32>, vector<16xi32>)
      %select_n3A_192 = arith.select %lt3A_4, %masked_sort3A_164, %masked_sort3A_190 : vector<16xi1>, vector<16xf32>
      %select_n3A_193 = arith.select %lt3A_4, %masked_sort3A_165, %masked_sort3A_191 : vector<16xi1>, vector<16xi32>
      %masked_sort3A_194 = arith.constant dense<true> : vector<16xi1>
      %masked_sort3A_195, %masked_sort3A_196, %masked_sort3A_197 = tpu.sort %select_n3A_192, %select_n3A_193 masked %masked_sort3A_194 : (vector<16xf32>, vector<16xi32>, vector<16xi1>) -> (vector<16xi1>, vector<16xf32>, vector<16xi32>)
      %select_n3A_198 = arith.select %lt3A_4, %masked_sort3A_138, %masked_sort3A_196 : vector<16xi1>, vector<16xf32>
      %select_n3A_199 = arith.select %lt3A_4, %masked_sort3A_139, %masked_sort3A_197 : vector<16xi1>, vector<16xi32>
      %masked_sort3A_200 = arith.constant dense<true> : vector<16xi1>
      %masked_sort3A_201, %masked_sort3A_202, %masked_sort3A_203 = tpu.sort %select_n3A_198, %select_n3A_199 masked %masked_sort3A_200 {descending = true} : (vector<16xf32>, vector<16xi32>, vector<16xi1>) -> (vector<16xi1>, vector<16xf32>, vector<16xi32>)
      %get3A_204 = arith.index_cast %scan3A_84 : i32 to index
      %get3A_205 = arith.constant 128 : index
      %get3A_206 = tpu.vector_load %arg4[%get3A_204, %get3A_205] {strides = array<i32>} : memref<32x256xf32, #tpu.memory_space<vmem>>, vector<16xf32>,
      %add3A_207 = arith.constant 128 : i32
      %add3A_208 = vector.broadcast %add3A_207 : i32 to vector<16xi32>
      %add3A_209 = arith.addi %iota3A, %add3A_208 : vector<16xi32>
      %masked_sort3A_210 = arith.constant dense<true> : vector<16xi1>
      %masked_sort3A_211, %masked_sort3A_212, %masked_sort3A_213 = tpu.sort %get3A_206, %add3A_209 masked %masked_sort3A_210 {descending = true} : (vector<16xf32>, vector<16xi32>, vector<16xi1>) -> (vector<16xi1>, vector<16xf32>, vector<16xi32>)
      %get3A_214 = arith.index_cast %scan3A_84 : i32 to index
      %get3A_215 = arith.constant 144 : index
      %get3A_216 = tpu.vector_load %arg4[%get3A_214, %get3A_215] {strides = array<i32>} : memref<32x256xf32, #tpu.memory_space<vmem>>, vector<16xf32>,
      %add3A_217 = arith.constant 144 : i32
      %add3A_218 = vector.broadcast %add3A_217 : i32 to vector<16xi32>
      %add3A_219 = arith.addi %iota3A, %add3A_218 : vector<16xi32>
      %masked_sort3A_220 = arith.constant dense<true> : vector<16xi1>
      %masked_sort3A_221, %masked_sort3A_222, %masked_sort3A_223 = tpu.sort %get3A_216, %add3A_219 masked %masked_sort3A_220 : (vector<16xf32>, vector<16xi32>, vector<16xi1>) -> (vector<16xi1>, vector<16xf32>, vector<16xi32>)
      %select_n3A_224 = arith.select %lt3A_4, %masked_sort3A_212, %masked_sort3A_222 : vector<16xi1>, vector<16xf32>
      %select_n3A_225 = arith.select %lt3A_4, %masked_sort3A_213, %masked_sort3A_223 : vector<16xi1>, vector<16xi32>
      %masked_sort3A_226 = arith.constant dense<true> : vector<16xi1>
      %masked_sort3A_227, %masked_sort3A_228, %masked_sort3A_229 = tpu.sort %select_n3A_224, %select_n3A_225 masked %masked_sort3A_226 {descending = true} : (vector<16xf32>, vector<16xi32>, vector<16xi1>) -> (vector<16xi1>, vector<16xf32>, vector<16xi32>)
      %get3A_230 = arith.index_cast %scan3A_84 : i32 to index
      %get3A_231 = arith.constant 160 : index
      %get3A_232 = tpu.vector_load %arg4[%get3A_230, %get3A_231] {strides = array<i32>} : memref<32x256xf32, #tpu.memory_space<vmem>>, vector<16xf32>,
      %add3A_233 = arith.constant 160 : i32
      %add3A_234 = vector.broadcast %add3A_233 : i32 to vector<16xi32>
      %add3A_235 = arith.addi %iota3A, %add3A_234 : vector<16xi32>
      %masked_sort3A_236 = arith.constant dense<true> : vector<16xi1>
      %masked_sort3A_237, %masked_sort3A_238, %masked_sort3A_239 = tpu.sort %get3A_232, %add3A_235 masked %masked_sort3A_236 {descending = true} : (vector<16xf32>, vector<16xi32>, vector<16xi1>) -> (vector<16xi1>, vector<16xf32>, vector<16xi32>)
      %get3A_240 = arith.index_cast %scan3A_84 : i32 to index
      %get3A_241 = arith.constant 176 : index
      %get3A_242 = tpu.vector_load %arg4[%get3A_240, %get3A_241] {strides = array<i32>} : memref<32x256xf32, #tpu.memory_space<vmem>>, vector<16xf32>,
      %add3A_243 = arith.constant 176 : i32
      %add3A_244 = vector.broadcast %add3A_243 : i32 to vector<16xi32>
      %add3A_245 = arith.addi %iota3A, %add3A_244 : vector<16xi32>
      %masked_sort3A_246 = arith.constant dense<true> : vector<16xi1>
      %masked_sort3A_247, %masked_sort3A_248, %masked_sort3A_249 = tpu.sort %get3A_242, %add3A_245 masked %masked_sort3A_246 : (vector<16xf32>, vector<16xi32>, vector<16xi1>) -> (vector<16xi1>, vector<16xf32>, vector<16xi32>)
      %select_n3A_250 = arith.select %lt3A_4, %masked_sort3A_238, %masked_sort3A_248 : vector<16xi1>, vector<16xf32>
      %select_n3A_251 = arith.select %lt3A_4, %masked_sort3A_239, %masked_sort3A_249 : vector<16xi1>, vector<16xi32>
      %masked_sort3A_252 = arith.constant dense<true> : vector<16xi1>
      %masked_sort3A_253, %masked_sort3A_254, %masked_sort3A_255 = tpu.sort %select_n3A_250, %select_n3A_251 masked %masked_sort3A_252 : (vector<16xf32>, vector<16xi32>, vector<16xi1>) -> (vector<16xi1>, vector<16xf32>, vector<16xi32>)
      %select_n3A_256 = arith.select %lt3A_4, %masked_sort3A_228, %masked_sort3A_254 : vector<16xi1>, vector<16xf32>
      %select_n3A_257 = arith.select %lt3A_4, %masked_sort3A_229, %masked_sort3A_255 : vector<16xi1>, vector<16xi32>
      %masked_sort3A_258 = arith.constant dense<true> : vector<16xi1>
      %masked_sort3A_259, %masked_sort3A_260, %masked_sort3A_261 = tpu.sort %select_n3A_256, %select_n3A_257 masked %masked_sort3A_258 {descending = true} : (vector<16xf32>, vector<16xi32>, vector<16xi1>) -> (vector<16xi1>, vector<16xf32>, vector<16xi32>)
      %get3A_262 = arith.index_cast %scan3A_84 : i32 to index
      %get3A_263 = arith.constant 192 : index
      %get3A_264 = tpu.vector_load %arg4[%get3A_262, %get3A_263] {strides = array<i32>} : memref<32x256xf32, #tpu.memory_space<vmem>>, vector<16xf32>,
      %add3A_265 = arith.constant 192 : i32
      %add3A_266 = vector.broadcast %add3A_265 : i32 to vector<16xi32>
      %add3A_267 = arith.addi %iota3A, %add3A_266 : vector<16xi32>
      %masked_sort3A_268 = arith.constant dense<true> : vector<16xi1>
      %masked_sort3A_269, %masked_sort3A_270, %masked_sort3A_271 = tpu.sort %get3A_264, %add3A_267 masked %masked_sort3A_268 {descending = true} : (vector<16xf32>, vector<16xi32>, vector<16xi1>) -> (vector<16xi1>, vector<16xf32>, vector<16xi32>)
      %get3A_272 = arith.index_cast %scan3A_84 : i32 to index
      %get3A_273 = arith.constant 208 : index
      %get3A_274 = tpu.vector_load %arg4[%get3A_272, %get3A_273] {strides = array<i32>} : memref<32x256xf32, #tpu.memory_space<vmem>>, vector<16xf32>,
      %add3A_275 = arith.constant 208 : i32
      %add3A_276 = vector.broadcast %add3A_275 : i32 to vector<16xi32>
      %add3A_277 = arith.addi %iota3A, %add3A_276 : vector<16xi32>
      %masked_sort3A_278 = arith.constant dense<true> : vector<16xi1>
      %masked_sort3A_279, %masked_sort3A_280, %masked_sort3A_281 = tpu.sort %get3A_274, %add3A_277 masked %masked_sort3A_278 : (vector<16xf32>, vector<16xi32>, vector<16xi1>) -> (vector<16xi1>, vector<16xf32>, vector<16xi32>)
      %select_n3A_282 = arith.select %lt3A_4, %masked_sort3A_270, %masked_sort3A_280 : vector<16xi1>, vector<16xf32>
      %select_n3A_283 = arith.select %lt3A_4, %masked_sort3A_271, %masked_sort3A_281 : vector<16xi1>, vector<16xi32>
      %masked_sort3A_284 = arith.constant dense<true> : vector<16xi1>
      %masked_sort3A_285, %masked_sort3A_286, %masked_sort3A_287 = tpu.sort %select_n3A_282, %select_n3A_283 masked %masked_sort3A_284 {descending = true} : (vector<16xf32>, vector<16xi32>, vector<16xi1>) -> (vector<16xi1>, vector<16xf32>, vector<16xi32>)
      %get3A_288 = arith.index_cast %scan3A_84 : i32 to index
      %get3A_289 = arith.constant 224 : index
      %get3A_290 = tpu.vector_load %arg4[%get3A_288, %get3A_289] {strides = array<i32>} : memref<32x256xf32, #tpu.memory_space<vmem>>, vector<16xf32>,
      %add3A_291 = arith.constant 224 : i32
      %add3A_292 = vector.broadcast %add3A_291 : i32 to vector<16xi32>
      %add3A_293 = arith.addi %iota3A, %add3A_292 : vector<16xi32>
      %masked_sort3A_294 = arith.constant dense<true> : vector<16xi1>
      %masked_sort3A_295, %masked_sort3A_296, %masked_sort3A_297 = tpu.sort %get3A_290, %add3A_293 masked %masked_sort3A_294 {descending = true} : (vector<16xf32>, vector<16xi32>, vector<16xi1>) -> (vector<16xi1>, vector<16xf32>, vector<16xi32>)
      %get3A_298 = arith.index_cast %scan3A_84 : i32 to index
      %get3A_299 = arith.constant 240 : index
      %get3A_300 = tpu.vector_load %arg4[%get3A_298, %get3A_299] {strides = array<i32>} : memref<32x256xf32, #tpu.memory_space<vmem>>, vector<16xf32>,
      %add3A_301 = arith.constant 240 : i32
      %add3A_302 = vector.broadcast %add3A_301 : i32 to vector<16xi32>
      %add3A_303 = arith.addi %iota3A, %add3A_302 : vector<16xi32>
      %masked_sort3A_304 = arith.constant dense<true> : vector<16xi1>
      %masked_sort3A_305, %masked_sort3A_306, %masked_sort3A_307 = tpu.sort %get3A_300, %add3A_303 masked %masked_sort3A_304 : (vector<16xf32>, vector<16xi32>, vector<16xi1>) -> (vector<16xi1>, vector<16xf32>, vector<16xi32>)
      %select_n3A_308 = arith.select %lt3A_4, %masked_sort3A_296, %masked_sort3A_306 : vector<16xi1>, vector<16xf32>
      %select_n3A_309 = arith.select %lt3A_4, %masked_sort3A_297, %masked_sort3A_307 : vector<16xi1>, vector<16xi32>
      %masked_sort3A_310 = arith.constant dense<true> : vector<16xi1>
      %masked_sort3A_311, %masked_sort3A_312, %masked_sort3A_313 = tpu.sort %select_n3A_308, %select_n3A_309 masked %masked_sort3A_310 : (vector<16xf32>, vector<16xi32>, vector<16xi1>) -> (vector<16xi1>, vector<16xf32>, vector<16xi32>)
      %select_n3A_314 = arith.select %lt3A_4, %masked_sort3A_286, %masked_sort3A_312 : vector<16xi1>, vector<16xf32>
      %select_n3A_315 = arith.select %lt3A_4, %masked_sort3A_287, %masked_sort3A_313 : vector<16xi1>, vector<16xi32>
      %masked_sort3A_316 = arith.constant dense<true> : vector<16xi1>
      %masked_sort3A_317, %masked_sort3A_318, %masked_sort3A_319 = tpu.sort %select_n3A_314, %select_n3A_315 masked %masked_sort3A_316 : (vector<16xf32>, vector<16xi32>, vector<16xi1>) -> (vector<16xi1>, vector<16xf32>, vector<16xi32>)
      %select_n3A_320 = arith.select %lt3A_4, %masked_sort3A_260, %masked_sort3A_318 : vector<16xi1>, vector<16xf32>
      %select_n3A_321 = arith.select %lt3A_4, %masked_sort3A_261, %masked_sort3A_319 : vector<16xi1>, vector<16xi32>
      %masked_sort3A_322 = arith.constant dense<true> : vector<16xi1>
      %masked_sort3A_323, %masked_sort3A_324, %masked_sort3A_325 = tpu.sort %select_n3A_320, %select_n3A_321 masked %masked_sort3A_322 : (vector<16xf32>, vector<16xi32>, vector<16xi1>) -> (vector<16xi1>, vector<16xf32>, vector<16xi32>)
      %select_n3A_326 = arith.select %lt3A_4, %masked_sort3A_202, %masked_sort3A_324 : vector<16xi1>, vector<16xf32>
      %select_n3A_327 = arith.select %lt3A_4, %masked_sort3A_203, %masked_sort3A_325 : vector<16xi1>, vector<16xi32>
      %masked_sort3A_328 = arith.constant dense<true> : vector<16xi1>
      %masked_sort3A_329, %masked_sort3A_330, %masked_sort3A_331 = tpu.sort %select_n3A_326, %select_n3A_327 masked %masked_sort3A_328 {descending = true} : (vector<16xf32>, vector<16xi32>, vector<16xi1>) -> (vector<16xi1>, vector<16xf32>, vector<16xi32>)
      %swap3A = arith.constant 0 : index
      %swap3A_332 = tpu.vector_load %arg7[%swap3A] {strides = array<i32>} : memref<16xf32, #tpu.memory_space<vmem>>, vector<16xf32>,
      tpu.vector_store %arg7[%swap3A], %masked_sort3A_330 {strides = array<i32>} : memref<16xf32, #tpu.memory_space<vmem>>, vector<16xf32>,
      %gather3A = tpu.vector_load_idx %arg7[%max3A_8] : memref<16xf32, #tpu.memory_space<vmem>>[vector<16xi32>], vector<16xf32>,
      %ne3A = arith.cmpf one, %masked_sort3A_330, %gather3A : vector<16xf32>
      %jit3A = arith.constant 0 : i32
      %broadcast_in_dim3A = vector.broadcast %jit3A : i32 to vector<16xi32>
      %select_n3A_333 = arith.select %ne3A, %iota3A, %broadcast_in_dim3A : vector<16xi1>, vector<16xi32>
      %broadcast_in_dim3A_334 = arith.constant true
      %broadcast_in_dim3A_335 = vector.broadcast %broadcast_in_dim3A_334 : i1 to vector<16xi1>
      %masked_cummax3A = arith.constant -2147483648 : i32
      %masked_cummax3A_336 = vector.broadcast %masked_cummax3A : i32 to vector<16xi32>
      %masked_cummax3A_337 = arith.xori %select_n3A_333, %masked_cummax3A_336 : vector<16xi32>
      %masked_cummax3A_338 = tpu.scan <max>, %masked_cummax3A_337 masked %broadcast_in_dim3A_335 : vector<16xi32>, vector<16xi1> -> vector<16xi32>
      %masked_cummax3A_339 = arith.xori %masked_cummax3A_338, %masked_cummax3A_336 : vector<16xi32>
      %mul3A_340 = arith.constant 256 : i32
      %mul3A_341 = vector.broadcast %mul3A_340 : i32 to vector<16xi32>
      %mul3A_342 = arith.muli %masked_cummax3A_339, %mul3A_341 : vector<16xi32>
      %add3A_343 = arith.addi %mul3A_342, %masked_sort3A_331 : vector<16xi32>
      %masked_sort3A_344 = arith.constant dense<true> : vector<16xi1>
      %masked_sort3A_345 = arith.constant -2147483648 : i32
      %masked_sort3A_346 = vector.broadcast %masked_sort3A_345 : i32 to vector<16xi32>
      %masked_sort3A_347 = arith.xori %add3A_343, %masked_sort3A_346 : vector<16xi32>
      %masked_sort3A_348, %masked_sort3A_349, %masked_sort3A_350 = tpu.sort %masked_sort3A_347, %masked_sort3A_331 masked %masked_sort3A_344 : (vector<16xi32>, vector<16xi32>, vector<16xi1>) -> (vector<16xi1>, vector<16xi32>, vector<16xi32>)
      %masked_sort3A_351 = arith.xori %masked_sort3A_349, %masked_sort3A_346 : vector<16xi32>
      %add3A_352 = arith.constant 0 : i32
      %add3A_353 = arith.addi %add3A_352, %scan3A_84 : i32
      %swap3A_354 = arith.index_cast %add3A_353 : i32 to index
      %swap3A_355 = arith.constant 0 : index
      %swap3A_356 = tpu.vector_load %arg6[%swap3A_354, %swap3A_355] {strides = array<i32>} : memref<160x16xi32, #tpu.memory_space<vmem>>, vector<16xi32>,
      tpu.vector_store %arg6[%swap3A_354, %swap3A_355], %masked_sort3A_350 {strides = array<i32>} : memref<160x16xi32, #tpu.memory_space<vmem>>, vector<16xi32>,
      %scan3A_357 = arith.constant 1 : i32
      %scan3A_358 = arith.addi %scan3A_84, %scan3A_357 : i32
      %get3A_359 = arith.index_cast %scan3A_358 : i32 to index
      %get3A_360 = arith.constant 0 : index
      %get3A_361 = tpu.vector_load %arg4[%get3A_359, %get3A_360] {strides = array<i32>} : memref<32x256xf32, #tpu.memory_space<vmem>>, vector<16xf32>,
      %add3A_362 = arith.constant 0 : i32
      %add3A_363 = vector.broadcast %add3A_362 : i32 to vector<16xi32>
      %add3A_364 = arith.addi %iota3A, %add3A_363 : vector<16xi32>
      %masked_sort3A_365 = arith.constant dense<true> : vector<16xi1>
      %masked_sort3A_366, %masked_sort3A_367, %masked_sort3A_368 = tpu.sort %get3A_361, %add3A_364 masked %masked_sort3A_365 {descending = true} : (vector<16xf32>, vector<16xi32>, vector<16xi1>) -> (vector<16xi1>, vector<16xf32>, vector<16xi32>)
      %get3A_369 = arith.index_cast %scan3A_358 : i32 to index
      %get3A_370 = arith.constant 16 : index
      %get3A_371 = tpu.vector_load %arg4[%get3A_369, %get3A_370] {strides = array<i32>} : memref<32x256xf32, #tpu.memory_space<vmem>>, vector<16xf32>,
      %add3A_372 = arith.constant 16 : i32
      %add3A_373 = vector.broadcast %add3A_372 : i32 to vector<16xi32>
      %add3A_374 = arith.addi %iota3A, %add3A_373 : vector<16xi32>
      %masked_sort3A_375 = arith.constant dense<true> : vector<16xi1>
      %masked_sort3A_376, %masked_sort3A_377, %masked_sort3A_378 = tpu.sort %get3A_371, %add3A_374 masked %masked_sort3A_375 : (vector<16xf32>, vector<16xi32>, vector<16xi1>) -> (vector<16xi1>, vector<16xf32>, vector<16xi32>)
      %select_n3A_379 = arith.select %lt3A_4, %masked_sort3A_367, %masked_sort3A_377 : vector<16xi1>, vector<16xf32>
      %select_n3A_380 = arith.select %lt3A_4, %masked_sort3A_368, %masked_sort3A_378 : vector<16xi1>, vector<16xi32>
      %masked_sort3A_381 = arith.constant dense<true> : vector<16xi1>
      %masked_sort3A_382, %masked_sort3A_383, %masked_sort3A_384 = tpu.sort %select_n3A_379, %select_n3A_380 masked %masked_sort3A_381 {descending = true} : (vector<16xf32>, vector<16xi32>, vector<16xi1>) -> (vector<16xi1>, vector<16xf32>, vector<16xi32>)
      %get3A_385 = arith.index_cast %scan3A_358 : i32 to index
      %get3A_386 = arith.constant 32 : index
      %get3A_387 = tpu.vector_load %arg4[%get3A_385, %get3A_386] {strides = array<i32>} : memref<32x256xf32, #tpu.memory_space<vmem>>, vector<16xf32>,
      %add3A_388 = arith.constant 32 : i32
      %add3A_389 = vector.broadcast %add3A_388 : i32 to vector<16xi32>
      %add3A_390 = arith.addi %iota3A, %add3A_389 : vector<16xi32>
      %masked_sort3A_391 = arith.constant dense<true> : vector<16xi1>
      %masked_sort3A_392, %masked_sort3A_393, %masked_sort3A_394 = tpu.sort %get3A_387, %add3A_390 masked %masked_sort3A_391 {descending = true} : (vector<16xf32>, vector<16xi32>, vector<16xi1>) -> (vector<16xi1>, vector<16xf32>, vector<16xi32>)
      %get3A_395 = arith.index_cast %scan3A_358 : i32 to index
      %get3A_396 = arith.constant 48 : index
      %get3A_397 = tpu.vector_load %arg4[%get3A_395, %get3A_396] {strides = array<i32>} : memref<32x256xf32, #tpu.memory_space<vmem>>, vector<16xf32>,
      %add3A_398 = arith.constant 48 : i32
      %add3A_399 = vector.broadcast %add3A_398 : i32 to vector<16xi32>
      %add3A_400 = arith.addi %iota3A, %add3A_399 : vector<16xi32>
      %masked_sort3A_401 = arith.constant dense<true> : vector<16xi1>
      %masked_sort3A_402, %masked_sort3A_403, %masked_sort3A_404 = tpu.sort %get3A_397, %add3A_400 masked %masked_sort3A_401 : (vector<16xf32>, vector<16xi32>, vector<16xi1>) -> (vector<16xi1>, vector<16xf32>, vector<16xi32>)
      %select_n3A_405 = arith.select %lt3A_4, %masked_sort3A_393, %masked_sort3A_403 : vector<16xi1>, vector<16xf32>
      %select_n3A_406 = arith.select %lt3A_4, %masked_sort3A_394, %masked_sort3A_404 : vector<16xi1>, vector<16xi32>
      %masked_sort3A_407 = arith.constant dense<true> : vector<16xi1>
      %masked_sort3A_408, %masked_sort3A_409, %masked_sort3A_410 = tpu.sort %select_n3A_405, %select_n3A_406 masked %masked_sort3A_407 : (vector<16xf32>, vector<16xi32>, vector<16xi1>) -> (vector<16xi1>, vector<16xf32>, vector<16xi32>)
      %select_n3A_411 = arith.select %lt3A_4, %masked_sort3A_383, %masked_sort3A_409 : vector<16xi1>, vector<16xf32>
      %select_n3A_412 = arith.select %lt3A_4, %masked_sort3A_384, %masked_sort3A_410 : vector<16xi1>, vector<16xi32>
      %masked_sort3A_413 = arith.constant dense<true> : vector<16xi1>
      %masked_sort3A_414, %masked_sort3A_415, %masked_sort3A_416 = tpu.sort %select_n3A_411, %select_n3A_412 masked %masked_sort3A_413 {descending = true} : (vector<16xf32>, vector<16xi32>, vector<16xi1>) -> (vector<16xi1>, vector<16xf32>, vector<16xi32>)
      %get3A_417 = arith.index_cast %scan3A_358 : i32 to index
      %get3A_418 = arith.constant 64 : index
      %get3A_419 = tpu.vector_load %arg4[%get3A_417, %get3A_418] {strides = array<i32>} : memref<32x256xf32, #tpu.memory_space<vmem>>, vector<16xf32>,
      %add3A_420 = arith.constant 64 : i32
      %add3A_421 = vector.broadcast %add3A_420 : i32 to vector<16xi32>
      %add3A_422 = arith.addi %iota3A, %add3A_421 : vector<16xi32>
      %masked_sort3A_423 = arith.constant dense<true> : vector<16xi1>
      %masked_sort3A_424, %masked_sort3A_425, %masked_sort3A_426 = tpu.sort %get3A_419, %add3A_422 masked %masked_sort3A_423 {descending = true} : (vector<16xf32>, vector<16xi32>, vector<16xi1>) -> (vector<16xi1>, vector<16xf32>, vector<16xi32>)
      %get3A_427 = arith.index_cast %scan3A_358 : i32 to index
      %get3A_428 = arith.constant 80 : index
      %get3A_429 = tpu.vector_load %arg4[%get3A_427, %get3A_428] {strides = array<i32>} : memref<32x256xf32, #tpu.memory_space<vmem>>, vector<16xf32>,
      %add3A_430 = arith.constant 80 : i32
      %add3A_431 = vector.broadcast %add3A_430 : i32 to vector<16xi32>
      %add3A_432 = arith.addi %iota3A, %add3A_431 : vector<16xi32>
      %masked_sort3A_433 = arith.constant dense<true> : vector<16xi1>
      %masked_sort3A_434, %masked_sort3A_435, %masked_sort3A_436 = tpu.sort %get3A_429, %add3A_432 masked %masked_sort3A_433 : (vector<16xf32>, vector<16xi32>, vector<16xi1>) -> (vector<16xi1>, vector<16xf32>, vector<16xi32>)
      %select_n3A_437 = arith.select %lt3A_4, %masked_sort3A_425, %masked_sort3A_435 : vector<16xi1>, vector<16xf32>
      %select_n3A_438 = arith.select %lt3A_4, %masked_sort3A_426, %masked_sort3A_436 : vector<16xi1>, vector<16xi32>
      %masked_sort3A_439 = arith.constant dense<true> : vector<16xi1>
      %masked_sort3A_440, %masked_sort3A_441, %masked_sort3A_442 = tpu.sort %select_n3A_437, %select_n3A_438 masked %masked_sort3A_439 {descending = true} : (vector<16xf32>, vector<16xi32>, vector<16xi1>) -> (vector<16xi1>, vector<16xf32>, vector<16xi32>)
      %get3A_443 = arith.index_cast %scan3A_358 : i32 to index
      %get3A_444 = arith.constant 96 : index
      %get3A_445 = tpu.vector_load %arg4[%get3A_443, %get3A_444] {strides = array<i32>} : memref<32x256xf32, #tpu.memory_space<vmem>>, vector<16xf32>,
      %add3A_446 = arith.constant 96 : i32
      %add3A_447 = vector.broadcast %add3A_446 : i32 to vector<16xi32>
      %add3A_448 = arith.addi %iota3A, %add3A_447 : vector<16xi32>
      %masked_sort3A_449 = arith.constant dense<true> : vector<16xi1>
      %masked_sort3A_450, %masked_sort3A_451, %masked_sort3A_452 = tpu.sort %get3A_445, %add3A_448 masked %masked_sort3A_449 {descending = true} : (vector<16xf32>, vector<16xi32>, vector<16xi1>) -> (vector<16xi1>, vector<16xf32>, vector<16xi32>)
      %get3A_453 = arith.index_cast %scan3A_358 : i32 to index
      %get3A_454 = arith.constant 112 : index
      %get3A_455 = tpu.vector_load %arg4[%get3A_453, %get3A_454] {strides = array<i32>} : memref<32x256xf32, #tpu.memory_space<vmem>>, vector<16xf32>,
      %add3A_456 = arith.constant 112 : i32
      %add3A_457 = vector.broadcast %add3A_456 : i32 to vector<16xi32>
      %add3A_458 = arith.addi %iota3A, %add3A_457 : vector<16xi32>
      %masked_sort3A_459 = arith.constant dense<true> : vector<16xi1>
      %masked_sort3A_460, %masked_sort3A_461, %masked_sort3A_462 = tpu.sort %get3A_455, %add3A_458 masked %masked_sort3A_459 : (vector<16xf32>, vector<16xi32>, vector<16xi1>) -> (vector<16xi1>, vector<16xf32>, vector<16xi32>)
      %select_n3A_463 = arith.select %lt3A_4, %masked_sort3A_451, %masked_sort3A_461 : vector<16xi1>, vector<16xf32>
      %select_n3A_464 = arith.select %lt3A_4, %masked_sort3A_452, %masked_sort3A_462 : vector<16xi1>, vector<16xi32>
      %masked_sort3A_465 = arith.constant dense<true> : vector<16xi1>
      %masked_sort3A_466, %masked_sort3A_467, %masked_sort3A_468 = tpu.sort %select_n3A_463, %select_n3A_464 masked %masked_sort3A_465 : (vector<16xf32>, vector<16xi32>, vector<16xi1>) -> (vector<16xi1>, vector<16xf32>, vector<16xi32>)
      %select_n3A_469 = arith.select %lt3A_4, %masked_sort3A_441, %masked_sort3A_467 : vector<16xi1>, vector<16xf32>
      %select_n3A_470 = arith.select %lt3A_4, %masked_sort3A_442, %masked_sort3A_468 : vector<16xi1>, vector<16xi32>
      %masked_sort3A_471 = arith.constant dense<true> : vector<16xi1>
      %masked_sort3A_472, %masked_sort3A_473, %masked_sort3A_474 = tpu.sort %select_n3A_469, %select_n3A_470 masked %masked_sort3A_471 : (vector<16xf32>, vector<16xi32>, vector<16xi1>) -> (vector<16xi1>, vector<16xf32>, vector<16xi32>)
      %select_n3A_475 = arith.select %lt3A_4, %masked_sort3A_415, %masked_sort3A_473 : vector<16xi1>, vector<16xf32>
      %select_n3A_476 = arith.select %lt3A_4, %masked_sort3A_416, %masked_sort3A_474 : vector<16xi1>, vector<16xi32>
      %masked_sort3A_477 = arith.constant dense<true> : vector<16xi1>
      %masked_sort3A_478, %masked_sort3A_479, %masked_sort3A_480 = tpu.sort %select_n3A_475, %select_n3A_476 masked %masked_sort3A_477 {descending = true} : (vector<16xf32>, vector<16xi32>, vector<16xi1>) -> (vector<16xi1>, vector<16xf32>, vector<16xi32>)
      %get3A_481 = arith.index_cast %scan3A_358 : i32 to index
      %get3A_482 = arith.constant 128 : index
      %get3A_483 = tpu.vector_load %arg4[%get3A_481, %get3A_482] {strides = array<i32>} : memref<32x256xf32, #tpu.memory_space<vmem>>, vector<16xf32>,
      %add3A_484 = arith.constant 128 : i32
      %add3A_485 = vector.broadcast %add3A_484 : i32 to vector<16xi32>
      %add3A_486 = arith.addi %iota3A, %add3A_485 : vector<16xi32>
      %masked_sort3A_487 = arith.constant dense<true> : vector<16xi1>
      %masked_sort3A_488, %masked_sort3A_489, %masked_sort3A_490 = tpu.sort %get3A_483, %add3A_486 masked %masked_sort3A_487 {descending = true} : (vector<16xf32>, vector<16xi32>, vector<16xi1>) -> (vector<16xi1>, vector<16xf32>, vector<16xi32>)
      %get3A_491 = arith.index_cast %scan3A_358 : i32 to index
      %get3A_492 = arith.constant 144 : index
      %get3A_493 = tpu.vector_load %arg4[%get3A_491, %get3A_492] {strides = array<i32>} : memref<32x256xf32, #tpu.memory_space<vmem>>, vector<16xf32>,
      %add3A_494 = arith.constant 144 : i32
      %add3A_495 = vector.broadcast %add3A_494 : i32 to vector<16xi32>
      %add3A_496 = arith.addi %iota3A, %add3A_495 : vector<16xi32>
      %masked_sort3A_497 = arith.constant dense<true> : vector<16xi1>
      %masked_sort3A_498, %masked_sort3A_499, %masked_sort3A_500 = tpu.sort %get3A_493, %add3A_496 masked %masked_sort3A_497 : (vector<16xf32>, vector<16xi32>, vector<16xi1>) -> (vector<16xi1>, vector<16xf32>, vector<16xi32>)
      %select_n3A_501 = arith.select %lt3A_4, %masked_sort3A_489, %masked_sort3A_499 : vector<16xi1>, vector<16xf32>
      %select_n3A_502 = arith.select %lt3A_4, %masked_sort3A_490, %masked_sort3A_500 : vector<16xi1>, vector<16xi32>
      %masked_sort3A_503 = arith.constant dense<true> : vector<16xi1>
      %masked_sort3A_504, %masked_sort3A_505, %masked_sort3A_506 = tpu.sort %select_n3A_501, %select_n3A_502 masked %masked_sort3A_503 {descending = true} : (vector<16xf32>, vector<16xi32>, vector<16xi1>) -> (vector<16xi1>, vector<16xf32>, vector<16xi32>)
      %get3A_507 = arith.index_cast %scan3A_358 : i32 to index
      %get3A_508 = arith.constant 160 : index
      %get3A_509 = tpu.vector_load %arg4[%get3A_507, %get3A_508] {strides = array<i32>} : memref<32x256xf32, #tpu.memory_space<vmem>>, vector<16xf32>,
      %add3A_510 = arith.constant 160 : i32
      %add3A_511 = vector.broadcast %add3A_510 : i32 to vector<16xi32>
      %add3A_512 = arith.addi %iota3A, %add3A_511 : vector<16xi32>
      %masked_sort3A_513 = arith.constant dense<true> : vector<16xi1>
      %masked_sort3A_514, %masked_sort3A_515, %masked_sort3A_516 = tpu.sort %get3A_509, %add3A_512 masked %masked_sort3A_513 {descending = true} : (vector<16xf32>, vector<16xi32>, vector<16xi1>) -> (vector<16xi1>, vector<16xf32>, vector<16xi32>)
      %get3A_517 = arith.index_cast %scan3A_358 : i32 to index
      %get3A_518 = arith.constant 176 : index
      %get3A_519 = tpu.vector_load %arg4[%get3A_517, %get3A_518] {strides = array<i32>} : memref<32x256xf32, #tpu.memory_space<vmem>>, vector<16xf32>,
      %add3A_520 = arith.constant 176 : i32
      %add3A_521 = vector.broadcast %add3A_520 : i32 to vector<16xi32>
      %add3A_522 = arith.addi %iota3A, %add3A_521 : vector<16xi32>
      %masked_sort3A_523 = arith.constant dense<true> : vector<16xi1>
      %masked_sort3A_524, %masked_sort3A_525, %masked_sort3A_526 = tpu.sort %get3A_519, %add3A_522 masked %masked_sort3A_523 : (vector<16xf32>, vector<16xi32>, vector<16xi1>) -> (vector<16xi1>, vector<16xf32>, vector<16xi32>)
      %select_n3A_527 = arith.select %lt3A_4, %masked_sort3A_515, %masked_sort3A_525 : vector<16xi1>, vector<16xf32>
      %select_n3A_528 = arith.select %lt3A_4, %masked_sort3A_516, %masked_sort3A_526 : vector<16xi1>, vector<16xi32>
      %masked_sort3A_529 = arith.constant dense<true> : vector<16xi1>
      %masked_sort3A_530, %masked_sort3A_531, %masked_sort3A_532 = tpu.sort %select_n3A_527, %select_n3A_528 masked %masked_sort3A_529 : (vector<16xf32>, vector<16xi32>, vector<16xi1>) -> (vector<16xi1>, vector<16xf32>, vector<16xi32>)
      %select_n3A_533 = arith.select %lt3A_4, %masked_sort3A_505, %masked_sort3A_531 : vector<16xi1>, vector<16xf32>
      %select_n3A_534 = arith.select %lt3A_4, %masked_sort3A_506, %masked_sort3A_532 : vector<16xi1>, vector<16xi32>
      %masked_sort3A_535 = arith.constant dense<true> : vector<16xi1>
      %masked_sort3A_536, %masked_sort3A_537, %masked_sort3A_538 = tpu.sort %select_n3A_533, %select_n3A_534 masked %masked_sort3A_535 {descending = true} : (vector<16xf32>, vector<16xi32>, vector<16xi1>) -> (vector<16xi1>, vector<16xf32>, vector<16xi32>)
      %get3A_539 = arith.index_cast %scan3A_358 : i32 to index
      %get3A_540 = arith.constant 192 : index
      %get3A_541 = tpu.vector_load %arg4[%get3A_539, %get3A_540] {strides = array<i32>} : memref<32x256xf32, #tpu.memory_space<vmem>>, vector<16xf32>,
      %add3A_542 = arith.constant 192 : i32
      %add3A_543 = vector.broadcast %add3A_542 : i32 to vector<16xi32>
      %add3A_544 = arith.addi %iota3A, %add3A_543 : vector<16xi32>
      %masked_sort3A_545 = arith.constant dense<true> : vector<16xi1>
      %masked_sort3A_546, %masked_sort3A_547, %masked_sort3A_548 = tpu.sort %get3A_541, %add3A_544 masked %masked_sort3A_545 {descending = true} : (vector<16xf32>, vector<16xi32>, vector<16xi1>) -> (vector<16xi1>, vector<16xf32>, vector<16xi32>)
      %get3A_549 = arith.index_cast %scan3A_358 : i32 to index
      %get3A_550 = arith.constant 208 : index
      %get3A_551 = tpu.vector_load %arg4[%get3A_549, %get3A_550] {strides = array<i32>} : memref<32x256xf32, #tpu.memory_space<vmem>>, vector<16xf32>,
      %add3A_552 = arith.constant 208 : i32
      %add3A_553 = vector.broadcast %add3A_552 : i32 to vector<16xi32>
      %add3A_554 = arith.addi %iota3A, %add3A_553 : vector<16xi32>
      %masked_sort3A_555 = arith.constant dense<true> : vector<16xi1>
      %masked_sort3A_556, %masked_sort3A_557, %masked_sort3A_558 = tpu.sort %get3A_551, %add3A_554 masked %masked_sort3A_555 : (vector<16xf32>, vector<16xi32>, vector<16xi1>) -> (vector<16xi1>, vector<16xf32>, vector<16xi32>)
      %select_n3A_559 = arith.select %lt3A_4, %masked_sort3A_547, %masked_sort3A_557 : vector<16xi1>, vector<16xf32>
      %select_n3A_560 = arith.select %lt3A_4, %masked_sort3A_548, %masked_sort3A_558 : vector<16xi1>, vector<16xi32>
      %masked_sort3A_561 = arith.constant dense<true> : vector<16xi1>
      %masked_sort3A_562, %masked_sort3A_563, %masked_sort3A_564 = tpu.sort %select_n3A_559, %select_n3A_560 masked %masked_sort3A_561 {descending = true} : (vector<16xf32>, vector<16xi32>, vector<16xi1>) -> (vector<16xi1>, vector<16xf32>, vector<16xi32>)
      %get3A_565 = arith.index_cast %scan3A_358 : i32 to index
      %get3A_566 = arith.constant 224 : index
      %get3A_567 = tpu.vector_load %arg4[%get3A_565, %get3A_566] {strides = array<i32>} : memref<32x256xf32, #tpu.memory_space<vmem>>, vector<16xf32>,
      %add3A_568 = arith.constant 224 : i32
      %add3A_569 = vector.broadcast %add3A_568 : i32 to vector<16xi32>
      %add3A_570 = arith.addi %iota3A, %add3A_569 : vector<16xi32>
      %masked_sort3A_571 = arith.constant dense<true> : vector<16xi1>
      %masked_sort3A_572, %masked_sort3A_573, %masked_sort3A_574 = tpu.sort %get3A_567, %add3A_570 masked %masked_sort3A_571 {descending = true} : (vector<16xf32>, vector<16xi32>, vector<16xi1>) -> (vector<16xi1>, vector<16xf32>, vector<16xi32>)
      %get3A_575 = arith.index_cast %scan3A_358 : i32 to index
      %get3A_576 = arith.constant 240 : index
      %get3A_577 = tpu.vector_load %arg4[%get3A_575, %get3A_576] {strides = array<i32>} : memref<32x256xf32, #tpu.memory_space<vmem>>, vector<16xf32>,
      %add3A_578 = arith.constant 240 : i32
      %add3A_579 = vector.broadcast %add3A_578 : i32 to vector<16xi32>
      %add3A_580 = arith.addi %iota3A, %add3A_579 : vector<16xi32>
      %masked_sort3A_581 = arith.constant dense<true> : vector<16xi1>
      %masked_sort3A_582, %masked_sort3A_583, %masked_sort3A_584 = tpu.sort %get3A_577, %add3A_580 masked %masked_sort3A_581 : (vector<16xf32>, vector<16xi32>, vector<16xi1>) -> (vector<16xi1>, vector<16xf32>, vector<16xi32>)
      %select_n3A_585 = arith.select %lt3A_4, %masked_sort3A_573, %masked_sort3A_583 : vector<16xi1>, vector<16xf32>
      %select_n3A_586 = arith.select %lt3A_4, %masked_sort3A_574, %masked_sort3A_584 : vector<16xi1>, vector<16xi32>
      %masked_sort3A_587 = arith.constant dense<true> : vector<16xi1>
      %masked_sort3A_588, %masked_sort3A_589, %masked_sort3A_590 = tpu.sort %select_n3A_585, %select_n3A_586 masked %masked_sort3A_587 : (vector<16xf32>, vector<16xi32>, vector<16xi1>) -> (vector<16xi1>, vector<16xf32>, vector<16xi32>)
      %select_n3A_591 = arith.select %lt3A_4, %masked_sort3A_563, %masked_sort3A_589 : vector<16xi1>, vector<16xf32>
      %select_n3A_592 = arith.select %lt3A_4, %masked_sort3A_564, %masked_sort3A_590 : vector<16xi1>, vector<16xi32>
      %masked_sort3A_593 = arith.constant dense<true> : vector<16xi1>
      %masked_sort3A_594, %masked_sort3A_595, %masked_sort3A_596 = tpu.sort %select_n3A_591, %select_n3A_592 masked %masked_sort3A_593 : (vector<16xf32>, vector<16xi32>, vector<16xi1>) -> (vector<16xi1>, vector<16xf32>, vector<16xi32>)
      %select_n3A_597 = arith.select %lt3A_4, %masked_sort3A_537, %masked_sort3A_595 : vector<16xi1>, vector<16xf32>
      %select_n3A_598 = arith.select %lt3A_4, %masked_sort3A_538, %masked_sort3A_596 : vector<16xi1>, vector<16xi32>
      %masked_sort3A_599 = arith.constant dense<true> : vector<16xi1>
      %masked_sort3A_600, %masked_sort3A_601, %masked_sort3A_602 = tpu.sort %select_n3A_597, %select_n3A_598 masked %masked_sort3A_599 : (vector<16xf32>, vector<16xi32>, vector<16xi1>) -> (vector<16xi1>, vector<16xf32>, vector<16xi32>)
      %select_n3A_603 = arith.select %lt3A_4, %masked_sort3A_479, %masked_sort3A_601 : vector<16xi1>, vector<16xf32>
      %select_n3A_604 = arith.select %lt3A_4, %masked_sort3A_480, %masked_sort3A_602 : vector<16xi1>, vector<16xi32>
      %masked_sort3A_605 = arith.constant dense<true> : vector<16xi1>
      %masked_sort3A_606, %masked_sort3A_607, %masked_sort3A_608 = tpu.sort %select_n3A_603, %select_n3A_604 masked %masked_sort3A_605 {descending = true} : (vector<16xf32>, vector<16xi32>, vector<16xi1>) -> (vector<16xi1>, vector<16xf32>, vector<16xi32>)
      %swap3A_609 = arith.constant 0 : index
      %swap3A_610 = tpu.vector_load %arg7[%swap3A_609] {strides = array<i32>} : memref<16xf32, #tpu.memory_space<vmem>>, vector<16xf32>,
      tpu.vector_store %arg7[%swap3A_609], %masked_sort3A_607 {strides = array<i32>} : memref<16xf32, #tpu.memory_space<vmem>>, vector<16xf32>,
      %gather3A_611 = tpu.vector_load_idx %arg7[%max3A_8] : memref<16xf32, #tpu.memory_space<vmem>>[vector<16xi32>], vector<16xf32>,
      %ne3A_612 = arith.cmpf one, %masked_sort3A_607, %gather3A_611 : vector<16xf32>
      %jit3A_613 = arith.constant 0 : i32
      %broadcast_in_dim3A_614 = vector.broadcast %jit3A_613 : i32 to vector<16xi32>
      %select_n3A_615 = arith.select %ne3A_612, %iota3A, %broadcast_in_dim3A_614 : vector<16xi1>, vector<16xi32>
      %broadcast_in_dim3A_616 = arith.constant true
      %broadcast_in_dim3A_617 = vector.broadcast %broadcast_in_dim3A_616 : i1 to vector<16xi1>
      %masked_cummax3A_618 = arith.constant -2147483648 : i32
      %masked_cummax3A_619 = vector.broadcast %masked_cummax3A_618 : i32 to vector<16xi32>
      %masked_cummax3A_620 = arith.xori %select_n3A_615, %masked_cummax3A_619 : vector<16xi32>
      %masked_cummax3A_621 = tpu.scan <max>, %masked_cummax3A_620 masked %broadcast_in_dim3A_617 : vector<16xi32>, vector<16xi1> -> vector<16xi32>
      %masked_cummax3A_622 = arith.xori %masked_cummax3A_621, %masked_cummax3A_619 : vector<16xi32>
      %mul3A_623 = arith.constant 256 : i32
      %mul3A_624 = vector.broadcast %mul3A_623 : i32 to vector<16xi32>
      %mul3A_625 = arith.muli %masked_cummax3A_622, %mul3A_624 : vector<16xi32>
      %add3A_626 = arith.addi %mul3A_625, %masked_sort3A_608 : vector<16xi32>
      %masked_sort3A_627 = arith.constant dense<true> : vector<16xi1>
      %masked_sort3A_628 = arith.constant -2147483648 : i32
      %masked_sort3A_629 = vector.broadcast %masked_sort3A_628 : i32 to vector<16xi32>
      %masked_sort3A_630 = arith.xori %add3A_626, %masked_sort3A_629 : vector<16xi32>
      %masked_sort3A_631, %masked_sort3A_632, %masked_sort3A_633 = tpu.sort %masked_sort3A_630, %masked_sort3A_608 masked %masked_sort3A_627 : (vector<16xi32>, vector<16xi32>, vector<16xi1>) -> (vector<16xi1>, vector<16xi32>, vector<16xi32>)
      %masked_sort3A_634 = arith.xori %masked_sort3A_632, %masked_sort3A_629 : vector<16xi32>
      %add3A_635 = arith.constant 0 : i32
      %add3A_636 = arith.addi %add3A_635, %scan3A_358 : i32
      %swap3A_637 = arith.index_cast %add3A_636 : i32 to index
      %swap3A_638 = arith.constant 0 : index
      %swap3A_639 = tpu.vector_load %arg6[%swap3A_637, %swap3A_638] {strides = array<i32>} : memref<160x16xi32, #tpu.memory_space<vmem>>, vector<16xi32>,
      tpu.vector_store %arg6[%swap3A_637, %swap3A_638], %masked_sort3A_633 {strides = array<i32>} : memref<160x16xi32, #tpu.memory_space<vmem>>, vector<16xi32>,
    }
    %scan3A_25 = arith.constant 32 : i32
    %add3A_26 = arith.constant 64 : i32
    %add3A_27 = arith.addi %mul3A_2, %add3A_26 : i32
    %dma_start3A_28 = arith.constant 0 : i32
    %dma_start3A_29 = tpu.memref_slice %arg2[%add3A_27, %dma_start3A_28] : memref<5120x256xf32, #tpu.memory_space<hbm>> -> memref<32x256xf32, #tpu.memory_space<hbm>>
    %dma_start3A_30 = arith.constant 0 : i32
    %dma_start3A_31 = tpu.memref_slice %arg2[%add3A_27, %dma_start3A_30] : memref<5120x256xf32, #tpu.memory_space<hbm>> -> memref<32x256xf32, #tpu.memory_space<hbm>>
    tpu.enqueue_dma source(%dma_start3A_31 : memref<32x256xf32, #tpu.memory_space<hbm>>) target(%arg4 : memref<32x256xf32, #tpu.memory_space<vmem>>) target_semaphore(%arg8 : memref<!tpu.dma_semaphore, #tpu.memory_space<semaphore_mem>>)
    %dma_wait3A_32 = arith.constant 0 : i32
    %dma_wait3A_33 = tpu.memref_slice %arg2[%add3A_13, %dma_wait3A_32] : memref<5120x256xf32, #tpu.memory_space<hbm>> -> memref<32x256xf32, #tpu.memory_space<hbm>>
    %dma_wait3A_34 = arith.constant 0 : i32
    %dma_wait3A_35 = tpu.memref_slice %arg2[%add3A_13, %dma_wait3A_34] : memref<5120x256xf32, #tpu.memory_space<hbm>> -> memref<32x256xf32, #tpu.memory_space<hbm>>
    tpu.wait_dma2 semaphore(%arg9 : memref<!tpu.dma_semaphore, #tpu.memory_space<semaphore_mem>>) src(%dma_wait3A_35 : memref<32x256xf32, #tpu.memory_space<hbm>>) dst(%arg5 : memref<32x256xf32, #tpu.memory_space<vmem>>)
    %scan3A_36 = arith.constant 0 : i32
    %scan3A_37 = arith.constant 0 : i32
    %scan3A_38 = arith.constant 32 : i32
    %scan3A_39 = arith.addi %scan3A_37, %scan3A_38 : i32
    %scan3A_40 = arith.constant 2 : i32
    scf.for %scan3A_84 = %scan3A_37 to %scan3A_39 step %scan3A_40  : i32 {
      %get3A = arith.index_cast %scan3A_84 : i32 to index
      %get3A_85 = arith.constant 0 : index
      %get3A_86 = tpu.vector_load %arg5[%get3A, %get3A_85] {strides = array<i32>} : memref<32x256xf32, #tpu.memory_space<vmem>>, vector<16xf32>,
      %add3A_87 = arith.constant 0 : i32
      %add3A_88 = vector.broadcast %add3A_87 : i32 to vector<16xi32>
      %add3A_89 = arith.addi %iota3A, %add3A_88 : vector<16xi32>
      %masked_sort3A = arith.constant dense<true> : vector<16xi1>
      %masked_sort3A_90, %masked_sort3A_91, %masked_sort3A_92 = tpu.sort %get3A_86, %add3A_89 masked %masked_sort3A {descending = true} : (vector<16xf32>, vector<16xi32>, vector<16xi1>) -> (vector<16xi1>, vector<16xf32>, vector<16xi32>)
      %get3A_93 = arith.index_cast %scan3A_84 : i32 to index
      %get3A_94 = arith.constant 16 : index
      %get3A_95 = tpu.vector_load %arg5[%get3A_93, %get3A_94] {strides = array<i32>} : memref<32x256xf32, #tpu.memory_space<vmem>>, vector<16xf32>,
      %add3A_96 = arith.constant 16 : i32
      %add3A_97 = vector.broadcast %add3A_96 : i32 to vector<16xi32>
      %add3A_98 = arith.addi %iota3A, %add3A_97 : vector<16xi32>
      %masked_sort3A_99 = arith.constant dense<true> : vector<16xi1>
      %masked_sort3A_100, %masked_sort3A_101, %masked_sort3A_102 = tpu.sort %get3A_95, %add3A_98 masked %masked_sort3A_99 : (vector<16xf32>, vector<16xi32>, vector<16xi1>) -> (vector<16xi1>, vector<16xf32>, vector<16xi32>)
      %select_n3A = arith.select %lt3A_4, %masked_sort3A_91, %masked_sort3A_101 : vector<16xi1>, vector<16xf32>
      %select_n3A_103 = arith.select %lt3A_4, %masked_sort3A_92, %masked_sort3A_102 : vector<16xi1>, vector<16xi32>
      %masked_sort3A_104 = arith.constant dense<true> : vector<16xi1>
      %masked_sort3A_105, %masked_sort3A_106, %masked_sort3A_107 = tpu.sort %select_n3A, %select_n3A_103 masked %masked_sort3A_104 {descending = true} : (vector<16xf32>, vector<16xi32>, vector<16xi1>) -> (vector<16xi1>, vector<16xf32>, vector<16xi32>)
      %get3A_108 = arith.index_cast %scan3A_84 : i32 to index
      %get3A_109 = arith.constant 32 : index
      %get3A_110 = tpu.vector_load %arg5[%get3A_108, %get3A_109] {strides = array<i32>} : memref<32x256xf32, #tpu.memory_space<vmem>>, vector<16xf32>,
      %add3A_111 = arith.constant 32 : i32
      %add3A_112 = vector.broadcast %add3A_111 : i32 to vector<16xi32>
      %add3A_113 = arith.addi %iota3A, %add3A_112 : vector<16xi32>
      %masked_sort3A_114 = arith.constant dense<true> : vector<16xi1>
      %masked_sort3A_115, %masked_sort3A_116, %masked_sort3A_117 = tpu.sort %get3A_110, %add3A_113 masked %masked_sort3A_114 {descending = true} : (vector<16xf32>, vector<16xi32>, vector<16xi1>) -> (vector<16xi1>, vector<16xf32>, vector<16xi32>)
      %get3A_118 = arith.index_cast %scan3A_84 : i32 to index
      %get3A_119 = arith.constant 48 : index
      %get3A_120 = tpu.vector_load %arg5[%get3A_118, %get3A_119] {strides = array<i32>} : memref<32x256xf32, #tpu.memory_space<vmem>>, vector<16xf32>,
      %add3A_121 = arith.constant 48 : i32
      %add3A_122 = vector.broadcast %add3A_121 : i32 to vector<16xi32>
      %add3A_123 = arith.addi %iota3A, %add3A_122 : vector<16xi32>
      %masked_sort3A_124 = arith.constant dense<true> : vector<16xi1>
      %masked_sort3A_125, %masked_sort3A_126, %masked_sort3A_127 = tpu.sort %get3A_120, %add3A_123 masked %masked_sort3A_124 : (vector<16xf32>, vector<16xi32>, vector<16xi1>) -> (vector<16xi1>, vector<16xf32>, vector<16xi32>)
      %select_n3A_128 = arith.select %lt3A_4, %masked_sort3A_116, %masked_sort3A_126 : vector<16xi1>, vector<16xf32>
      %select_n3A_129 = arith.select %lt3A_4, %masked_sort3A_117, %masked_sort3A_127 : vector<16xi1>, vector<16xi32>
      %masked_sort3A_130 = arith.constant dense<true> : vector<16xi1>
      %masked_sort3A_131, %masked_sort3A_132, %masked_sort3A_133 = tpu.sort %select_n3A_128, %select_n3A_129 masked %masked_sort3A_130 : (vector<16xf32>, vector<16xi32>, vector<16xi1>) -> (vector<16xi1>, vector<16xf32>, vector<16xi32>)
      %select_n3A_134 = arith.select %lt3A_4, %masked_sort3A_106, %masked_sort3A_132 : vector<16xi1>, vector<16xf32>
      %select_n3A_135 = arith.select %lt3A_4, %masked_sort3A_107, %masked_sort3A_133 : vector<16xi1>, vector<16xi32>
      %masked_sort3A_136 = arith.constant dense<true> : vector<16xi1>
      %masked_sort3A_137, %masked_sort3A_138, %masked_sort3A_139 = tpu.sort %select_n3A_134, %select_n3A_135 masked %masked_sort3A_136 {descending = true} : (vector<16xf32>, vector<16xi32>, vector<16xi1>) -> (vector<16xi1>, vector<16xf32>, vector<16xi32>)
      %get3A_140 = arith.index_cast %scan3A_84 : i32 to index
      %get3A_141 = arith.constant 64 : index
      %get3A_142 = tpu.vector_load %arg5[%get3A_140, %get3A_141] {strides = array<i32>} : memref<32x256xf32, #tpu.memory_space<vmem>>, vector<16xf32>,
      %add3A_143 = arith.constant 64 : i32
      %add3A_144 = vector.broadcast %add3A_143 : i32 to vector<16xi32>
      %add3A_145 = arith.addi %iota3A, %add3A_144 : vector<16xi32>
      %masked_sort3A_146 = arith.constant dense<true> : vector<16xi1>
      %masked_sort3A_147, %masked_sort3A_148, %masked_sort3A_149 = tpu.sort %get3A_142, %add3A_145 masked %masked_sort3A_146 {descending = true} : (vector<16xf32>, vector<16xi32>, vector<16xi1>) -> (vector<16xi1>, vector<16xf32>, vector<16xi32>)
      %get3A_150 = arith.index_cast %scan3A_84 : i32 to index
      %get3A_151 = arith.constant 80 : index
      %get3A_152 = tpu.vector_load %arg5[%get3A_150, %get3A_151] {strides = array<i32>} : memref<32x256xf32, #tpu.memory_space<vmem>>, vector<16xf32>,
      %add3A_153 = arith.constant 80 : i32
      %add3A_154 = vector.broadcast %add3A_153 : i32 to vector<16xi32>
      %add3A_155 = arith.addi %iota3A, %add3A_154 : vector<16xi32>
      %masked_sort3A_156 = arith.constant dense<true> : vector<16xi1>
      %masked_sort3A_157, %masked_sort3A_158, %masked_sort3A_159 = tpu.sort %get3A_152, %add3A_155 masked %masked_sort3A_156 : (vector<16xf32>, vector<16xi32>, vector<16xi1>) -> (vector<16xi1>, vector<16xf32>, vector<16xi32>)
      %select_n3A_160 = arith.select %lt3A_4, %masked_sort3A_148, %masked_sort3A_158 : vector<16xi1>, vector<16xf32>
      %select_n3A_161 = arith.select %lt3A_4, %masked_sort3A_149, %masked_sort3A_159 : vector<16xi1>, vector<16xi32>
      %masked_sort3A_162 = arith.constant dense<true> : vector<16xi1>
      %masked_sort3A_163, %masked_sort3A_164, %masked_sort3A_165 = tpu.sort %select_n3A_160, %select_n3A_161 masked %masked_sort3A_162 {descending = true} : (vector<16xf32>, vector<16xi32>, vector<16xi1>) -> (vector<16xi1>, vector<16xf32>, vector<16xi32>)
      %get3A_166 = arith.index_cast %scan3A_84 : i32 to index
      %get3A_167 = arith.constant 96 : index
      %get3A_168 = tpu.vector_load %arg5[%get3A_166, %get3A_167] {strides = array<i32>} : memref<32x256xf32, #tpu.memory_space<vmem>>, vector<16xf32>,
      %add3A_169 = arith.constant 96 : i32
      %add3A_170 = vector.broadcast %add3A_169 : i32 to vector<16xi32>
      %add3A_171 = arith.addi %iota3A, %add3A_170 : vector<16xi32>
      %masked_sort3A_172 = arith.constant dense<true> : vector<16xi1>
      %masked_sort3A_173, %masked_sort3A_174, %masked_sort3A_175 = tpu.sort %get3A_168, %add3A_171 masked %masked_sort3A_172 {descending = true} : (vector<16xf32>, vector<16xi32>, vector<16xi1>) -> (vector<16xi1>, vector<16xf32>, vector<16xi32>)
      %get3A_176 = arith.index_cast %scan3A_84 : i32 to index
      %get3A_177 = arith.constant 112 : index
      %get3A_178 = tpu.vector_load %arg5[%get3A_176, %get3A_177] {strides = array<i32>} : memref<32x256xf32, #tpu.memory_space<vmem>>, vector<16xf32>,
      %add3A_179 = arith.constant 112 : i32
      %add3A_180 = vector.broadcast %add3A_179 : i32 to vector<16xi32>
      %add3A_181 = arith.addi %iota3A, %add3A_180 : vector<16xi32>
      %masked_sort3A_182 = arith.constant dense<true> : vector<16xi1>
      %masked_sort3A_183, %masked_sort3A_184, %masked_sort3A_185 = tpu.sort %get3A_178, %add3A_181 masked %masked_sort3A_182 : (vector<16xf32>, vector<16xi32>, vector<16xi1>) -> (vector<16xi1>, vector<16xf32>, vector<16xi32>)
      %select_n3A_186 = arith.select %lt3A_4, %masked_sort3A_174, %masked_sort3A_184 : vector<16xi1>, vector<16xf32>
      %select_n3A_187 = arith.select %lt3A_4, %masked_sort3A_175, %masked_sort3A_185 : vector<16xi1>, vector<16xi32>
      %masked_sort3A_188 = arith.constant dense<true> : vector<16xi1>
      %masked_sort3A_189, %masked_sort3A_190, %masked_sort3A_191 = tpu.sort %select_n3A_186, %select_n3A_187 masked %masked_sort3A_188 : (vector<16xf32>, vector<16xi32>, vector<16xi1>) -> (vector<16xi1>, vector<16xf32>, vector<16xi32>)
      %select_n3A_192 = arith.select %lt3A_4, %masked_sort3A_164, %masked_sort3A_190 : vector<16xi1>, vector<16xf32>
      %select_n3A_193 = arith.select %lt3A_4, %masked_sort3A_165, %masked_sort3A_191 : vector<16xi1>, vector<16xi32>
      %masked_sort3A_194 = arith.constant dense<true> : vector<16xi1>
      %masked_sort3A_195, %masked_sort3A_196, %masked_sort3A_197 = tpu.sort %select_n3A_192, %select_n3A_193 masked %masked_sort3A_194 : (vector<16xf32>, vector<16xi32>, vector<16xi1>) -> (vector<16xi1>, vector<16xf32>, vector<16xi32>)
      %select_n3A_198 = arith.select %lt3A_4, %masked_sort3A_138, %masked_sort3A_196 : vector<16xi1>, vector<16xf32>
      %select_n3A_199 = arith.select %lt3A_4, %masked_sort3A_139, %masked_sort3A_197 : vector<16xi1>, vector<16xi32>
      %masked_sort3A_200 = arith.constant dense<true> : vector<16xi1>
      %masked_sort3A_201, %masked_sort3A_202, %masked_sort3A_203 = tpu.sort %select_n3A_198, %select_n3A_199 masked %masked_sort3A_200 {descending = true} : (vector<16xf32>, vector<16xi32>, vector<16xi1>) -> (vector<16xi1>, vector<16xf32>, vector<16xi32>)
      %get3A_204 = arith.index_cast %scan3A_84 : i32 to index
      %get3A_205 = arith.constant 128 : index
      %get3A_206 = tpu.vector_load %arg5[%get3A_204, %get3A_205] {strides = array<i32>} : memref<32x256xf32, #tpu.memory_space<vmem>>, vector<16xf32>,
      %add3A_207 = arith.constant 128 : i32
      %add3A_208 = vector.broadcast %add3A_207 : i32 to vector<16xi32>
      %add3A_209 = arith.addi %iota3A, %add3A_208 : vector<16xi32>
      %masked_sort3A_210 = arith.constant dense<true> : vector<16xi1>
      %masked_sort3A_211, %masked_sort3A_212, %masked_sort3A_213 = tpu.sort %get3A_206, %add3A_209 masked %masked_sort3A_210 {descending = true} : (vector<16xf32>, vector<16xi32>, vector<16xi1>) -> (vector<16xi1>, vector<16xf32>, vector<16xi32>)
      %get3A_214 = arith.index_cast %scan3A_84 : i32 to index
      %get3A_215 = arith.constant 144 : index
      %get3A_216 = tpu.vector_load %arg5[%get3A_214, %get3A_215] {strides = array<i32>} : memref<32x256xf32, #tpu.memory_space<vmem>>, vector<16xf32>,
      %add3A_217 = arith.constant 144 : i32
      %add3A_218 = vector.broadcast %add3A_217 : i32 to vector<16xi32>
      %add3A_219 = arith.addi %iota3A, %add3A_218 : vector<16xi32>
      %masked_sort3A_220 = arith.constant dense<true> : vector<16xi1>
      %masked_sort3A_221, %masked_sort3A_222, %masked_sort3A_223 = tpu.sort %get3A_216, %add3A_219 masked %masked_sort3A_220 : (vector<16xf32>, vector<16xi32>, vector<16xi1>) -> (vector<16xi1>, vector<16xf32>, vector<16xi32>)
      %select_n3A_224 = arith.select %lt3A_4, %masked_sort3A_212, %masked_sort3A_222 : vector<16xi1>, vector<16xf32>
      %select_n3A_225 = arith.select %lt3A_4, %masked_sort3A_213, %masked_sort3A_223 : vector<16xi1>, vector<16xi32>
      %masked_sort3A_226 = arith.constant dense<true> : vector<16xi1>
      %masked_sort3A_227, %masked_sort3A_228, %masked_sort3A_229 = tpu.sort %select_n3A_224, %select_n3A_225 masked %masked_sort3A_226 {descending = true} : (vector<16xf32>, vector<16xi32>, vector<16xi1>) -> (vector<16xi1>, vector<16xf32>, vector<16xi32>)
      %get3A_230 = arith.index_cast %scan3A_84 : i32 to index
      %get3A_231 = arith.constant 160 : index
      %get3A_232 = tpu.vector_load %arg5[%get3A_230, %get3A_231] {strides = array<i32>} : memref<32x256xf32, #tpu.memory_space<vmem>>, vector<16xf32>,
      %add3A_233 = arith.constant 160 : i32
      %add3A_234 = vector.broadcast %add3A_233 : i32 to vector<16xi32>
      %add3A_235 = arith.addi %iota3A, %add3A_234 : vector<16xi32>
      %masked_sort3A_236 = arith.constant dense<true> : vector<16xi1>
      %masked_sort3A_237, %masked_sort3A_238, %masked_sort3A_239 = tpu.sort %get3A_232, %add3A_235 masked %masked_sort3A_236 {descending = true} : (vector<16xf32>, vector<16xi32>, vector<16xi1>) -> (vector<16xi1>, vector<16xf32>, vector<16xi32>)
      %get3A_240 = arith.index_cast %scan3A_84 : i32 to index
      %get3A_241 = arith.constant 176 : index
      %get3A_242 = tpu.vector_load %arg5[%get3A_240, %get3A_241] {strides = array<i32>} : memref<32x256xf32, #tpu.memory_space<vmem>>, vector<16xf32>,
      %add3A_243 = arith.constant 176 : i32
      %add3A_244 = vector.broadcast %add3A_243 : i32 to vector<16xi32>
      %add3A_245 = arith.addi %iota3A, %add3A_244 : vector<16xi32>
      %masked_sort3A_246 = arith.constant dense<true> : vector<16xi1>
      %masked_sort3A_247, %masked_sort3A_248, %masked_sort3A_249 = tpu.sort %get3A_242, %add3A_245 masked %masked_sort3A_246 : (vector<16xf32>, vector<16xi32>, vector<16xi1>) -> (vector<16xi1>, vector<16xf32>, vector<16xi32>)
      %select_n3A_250 = arith.select %lt3A_4, %masked_sort3A_238, %masked_sort3A_248 : vector<16xi1>, vector<16xf32>
      %select_n3A_251 = arith.select %lt3A_4, %masked_sort3A_239, %masked_sort3A_249 : vector<16xi1>, vector<16xi32>
      %masked_sort3A_252 = arith.constant dense<true> : vector<16xi1>
      %masked_sort3A_253, %masked_sort3A_254, %masked_sort3A_255 = tpu.sort %select_n3A_250, %select_n3A_251 masked %masked_sort3A_252 : (vector<16xf32>, vector<16xi32>, vector<16xi1>) -> (vector<16xi1>, vector<16xf32>, vector<16xi32>)
      %select_n3A_256 = arith.select %lt3A_4, %masked_sort3A_228, %masked_sort3A_254 : vector<16xi1>, vector<16xf32>
      %select_n3A_257 = arith.select %lt3A_4, %masked_sort3A_229, %masked_sort3A_255 : vector<16xi1>, vector<16xi32>
      %masked_sort3A_258 = arith.constant dense<true> : vector<16xi1>
      %masked_sort3A_259, %masked_sort3A_260, %masked_sort3A_261 = tpu.sort %select_n3A_256, %select_n3A_257 masked %masked_sort3A_258 {descending = true} : (vector<16xf32>, vector<16xi32>, vector<16xi1>) -> (vector<16xi1>, vector<16xf32>, vector<16xi32>)
      %get3A_262 = arith.index_cast %scan3A_84 : i32 to index
      %get3A_263 = arith.constant 192 : index
      %get3A_264 = tpu.vector_load %arg5[%get3A_262, %get3A_263] {strides = array<i32>} : memref<32x256xf32, #tpu.memory_space<vmem>>, vector<16xf32>,
      %add3A_265 = arith.constant 192 : i32
      %add3A_266 = vector.broadcast %add3A_265 : i32 to vector<16xi32>
      %add3A_267 = arith.addi %iota3A, %add3A_266 : vector<16xi32>
      %masked_sort3A_268 = arith.constant dense<true> : vector<16xi1>
      %masked_sort3A_269, %masked_sort3A_270, %masked_sort3A_271 = tpu.sort %get3A_264, %add3A_267 masked %masked_sort3A_268 {descending = true} : (vector<16xf32>, vector<16xi32>, vector<16xi1>) -> (vector<16xi1>, vector<16xf32>, vector<16xi32>)
      %get3A_272 = arith.index_cast %scan3A_84 : i32 to index
      %get3A_273 = arith.constant 208 : index
      %get3A_274 = tpu.vector_load %arg5[%get3A_272, %get3A_273] {strides = array<i32>} : memref<32x256xf32, #tpu.memory_space<vmem>>, vector<16xf32>,
      %add3A_275 = arith.constant 208 : i32
      %add3A_276 = vector.broadcast %add3A_275 : i32 to vector<16xi32>
      %add3A_277 = arith.addi %iota3A, %add3A_276 : vector<16xi32>
      %masked_sort3A_278 = arith.constant dense<true> : vector<16xi1>
      %masked_sort3A_279, %masked_sort3A_280, %masked_sort3A_281 = tpu.sort %get3A_274, %add3A_277 masked %masked_sort3A_278 : (vector<16xf32>, vector<16xi32>, vector<16xi1>) -> (vector<16xi1>, vector<16xf32>, vector<16xi32>)
      %select_n3A_282 = arith.select %lt3A_4, %masked_sort3A_270, %masked_sort3A_280 : vector<16xi1>, vector<16xf32>
      %select_n3A_283 = arith.select %lt3A_4, %masked_sort3A_271, %masked_sort3A_281 : vector<16xi1>, vector<16xi32>
      %masked_sort3A_284 = arith.constant dense<true> : vector<16xi1>
      %masked_sort3A_285, %masked_sort3A_286, %masked_sort3A_287 = tpu.sort %select_n3A_282, %select_n3A_283 masked %masked_sort3A_284 {descending = true} : (vector<16xf32>, vector<16xi32>, vector<16xi1>) -> (vector<16xi1>, vector<16xf32>, vector<16xi32>)
      %get3A_288 = arith.index_cast %scan3A_84 : i32 to index
      %get3A_289 = arith.constant 224 : index
      %get3A_290 = tpu.vector_load %arg5[%get3A_288, %get3A_289] {strides = array<i32>} : memref<32x256xf32, #tpu.memory_space<vmem>>, vector<16xf32>,
      %add3A_291 = arith.constant 224 : i32
      %add3A_292 = vector.broadcast %add3A_291 : i32 to vector<16xi32>
      %add3A_293 = arith.addi %iota3A, %add3A_292 : vector<16xi32>
      %masked_sort3A_294 = arith.constant dense<true> : vector<16xi1>
      %masked_sort3A_295, %masked_sort3A_296, %masked_sort3A_297 = tpu.sort %get3A_290, %add3A_293 masked %masked_sort3A_294 {descending = true} : (vector<16xf32>, vector<16xi32>, vector<16xi1>) -> (vector<16xi1>, vector<16xf32>, vector<16xi32>)
      %get3A_298 = arith.index_cast %scan3A_84 : i32 to index
      %get3A_299 = arith.constant 240 : index
      %get3A_300 = tpu.vector_load %arg5[%get3A_298, %get3A_299] {strides = array<i32>} : memref<32x256xf32, #tpu.memory_space<vmem>>, vector<16xf32>,
      %add3A_301 = arith.constant 240 : i32
      %add3A_302 = vector.broadcast %add3A_301 : i32 to vector<16xi32>
      %add3A_303 = arith.addi %iota3A, %add3A_302 : vector<16xi32>
      %masked_sort3A_304 = arith.constant dense<true> : vector<16xi1>
      %masked_sort3A_305, %masked_sort3A_306, %masked_sort3A_307 = tpu.sort %get3A_300, %add3A_303 masked %masked_sort3A_304 : (vector<16xf32>, vector<16xi32>, vector<16xi1>) -> (vector<16xi1>, vector<16xf32>, vector<16xi32>)
      %select_n3A_308 = arith.select %lt3A_4, %masked_sort3A_296, %masked_sort3A_306 : vector<16xi1>, vector<16xf32>
      %select_n3A_309 = arith.select %lt3A_4, %masked_sort3A_297, %masked_sort3A_307 : vector<16xi1>, vector<16xi32>
      %masked_sort3A_310 = arith.constant dense<true> : vector<16xi1>
      %masked_sort3A_311, %masked_sort3A_312, %masked_sort3A_313 = tpu.sort %select_n3A_308, %select_n3A_309 masked %masked_sort3A_310 : (vector<16xf32>, vector<16xi32>, vector<16xi1>) -> (vector<16xi1>, vector<16xf32>, vector<16xi32>)
      %select_n3A_314 = arith.select %lt3A_4, %masked_sort3A_286, %masked_sort3A_312 : vector<16xi1>, vector<16xf32>
      %select_n3A_315 = arith.select %lt3A_4, %masked_sort3A_287, %masked_sort3A_313 : vector<16xi1>, vector<16xi32>
      %masked_sort3A_316 = arith.constant dense<true> : vector<16xi1>
      %masked_sort3A_317, %masked_sort3A_318, %masked_sort3A_319 = tpu.sort %select_n3A_314, %select_n3A_315 masked %masked_sort3A_316 : (vector<16xf32>, vector<16xi32>, vector<16xi1>) -> (vector<16xi1>, vector<16xf32>, vector<16xi32>)
      %select_n3A_320 = arith.select %lt3A_4, %masked_sort3A_260, %masked_sort3A_318 : vector<16xi1>, vector<16xf32>
      %select_n3A_321 = arith.select %lt3A_4, %masked_sort3A_261, %masked_sort3A_319 : vector<16xi1>, vector<16xi32>
      %masked_sort3A_322 = arith.constant dense<true> : vector<16xi1>
      %masked_sort3A_323, %masked_sort3A_324, %masked_sort3A_325 = tpu.sort %select_n3A_320, %select_n3A_321 masked %masked_sort3A_322 : (vector<16xf32>, vector<16xi32>, vector<16xi1>) -> (vector<16xi1>, vector<16xf32>, vector<16xi32>)
      %select_n3A_326 = arith.select %lt3A_4, %masked_sort3A_202, %masked_sort3A_324 : vector<16xi1>, vector<16xf32>
      %select_n3A_327 = arith.select %lt3A_4, %masked_sort3A_203, %masked_sort3A_325 : vector<16xi1>, vector<16xi32>
      %masked_sort3A_328 = arith.constant dense<true> : vector<16xi1>
      %masked_sort3A_329, %masked_sort3A_330, %masked_sort3A_331 = tpu.sort %select_n3A_326, %select_n3A_327 masked %masked_sort3A_328 {descending = true} : (vector<16xf32>, vector<16xi32>, vector<16xi1>) -> (vector<16xi1>, vector<16xf32>, vector<16xi32>)
      %swap3A = arith.constant 0 : index
      %swap3A_332 = tpu.vector_load %arg7[%swap3A] {strides = array<i32>} : memref<16xf32, #tpu.memory_space<vmem>>, vector<16xf32>,
      tpu.vector_store %arg7[%swap3A], %masked_sort3A_330 {strides = array<i32>} : memref<16xf32, #tpu.memory_space<vmem>>, vector<16xf32>,
      %gather3A = tpu.vector_load_idx %arg7[%max3A_8] : memref<16xf32, #tpu.memory_space<vmem>>[vector<16xi32>], vector<16xf32>,
      %ne3A = arith.cmpf one, %masked_sort3A_330, %gather3A : vector<16xf32>
      %jit3A = arith.constant 0 : i32
      %broadcast_in_dim3A = vector.broadcast %jit3A : i32 to vector<16xi32>
      %select_n3A_333 = arith.select %ne3A, %iota3A, %broadcast_in_dim3A : vector<16xi1>, vector<16xi32>
      %broadcast_in_dim3A_334 = arith.constant true
      %broadcast_in_dim3A_335 = vector.broadcast %broadcast_in_dim3A_334 : i1 to vector<16xi1>
      %masked_cummax3A = arith.constant -2147483648 : i32
      %masked_cummax3A_336 = vector.broadcast %masked_cummax3A : i32 to vector<16xi32>
      %masked_cummax3A_337 = arith.xori %select_n3A_333, %masked_cummax3A_336 : vector<16xi32>
      %masked_cummax3A_338 = tpu.scan <max>, %masked_cummax3A_337 masked %broadcast_in_dim3A_335 : vector<16xi32>, vector<16xi1> -> vector<16xi32>
      %masked_cummax3A_339 = arith.xori %masked_cummax3A_338, %masked_cummax3A_336 : vector<16xi32>
      %mul3A_340 = arith.constant 256 : i32
      %mul3A_341 = vector.broadcast %mul3A_340 : i32 to vector<16xi32>
      %mul3A_342 = arith.muli %masked_cummax3A_339, %mul3A_341 : vector<16xi32>
      %add3A_343 = arith.addi %mul3A_342, %masked_sort3A_331 : vector<16xi32>
      %masked_sort3A_344 = arith.constant dense<true> : vector<16xi1>
      %masked_sort3A_345 = arith.constant -2147483648 : i32
      %masked_sort3A_346 = vector.broadcast %masked_sort3A_345 : i32 to vector<16xi32>
      %masked_sort3A_347 = arith.xori %add3A_343, %masked_sort3A_346 : vector<16xi32>
      %masked_sort3A_348, %masked_sort3A_349, %masked_sort3A_350 = tpu.sort %masked_sort3A_347, %masked_sort3A_331 masked %masked_sort3A_344 : (vector<16xi32>, vector<16xi32>, vector<16xi1>) -> (vector<16xi1>, vector<16xi32>, vector<16xi32>)
      %masked_sort3A_351 = arith.xori %masked_sort3A_349, %masked_sort3A_346 : vector<16xi32>
      %add3A_352 = arith.constant 32 : i32
      %add3A_353 = arith.addi %add3A_352, %scan3A_84 : i32
      %swap3A_354 = arith.index_cast %add3A_353 : i32 to index
      %swap3A_355 = arith.constant 0 : index
      %swap3A_356 = tpu.vector_load %arg6[%swap3A_354, %swap3A_355] {strides = array<i32>} : memref<160x16xi32, #tpu.memory_space<vmem>>, vector<16xi32>,
      tpu.vector_store %arg6[%swap3A_354, %swap3A_355], %masked_sort3A_350 {strides = array<i32>} : memref<160x16xi32, #tpu.memory_space<vmem>>, vector<16xi32>,
      %scan3A_357 = arith.constant 1 : i32
      %scan3A_358 = arith.addi %scan3A_84, %scan3A_357 : i32
      %get3A_359 = arith.index_cast %scan3A_358 : i32 to index
      %get3A_360 = arith.constant 0 : index
      %get3A_361 = tpu.vector_load %arg5[%get3A_359, %get3A_360] {strides = array<i32>} : memref<32x256xf32, #tpu.memory_space<vmem>>, vector<16xf32>,
      %add3A_362 = arith.constant 0 : i32
      %add3A_363 = vector.broadcast %add3A_362 : i32 to vector<16xi32>
      %add3A_364 = arith.addi %iota3A, %add3A_363 : vector<16xi32>
      %masked_sort3A_365 = arith.constant dense<true> : vector<16xi1>
      %masked_sort3A_366, %masked_sort3A_367, %masked_sort3A_368 = tpu.sort %get3A_361, %add3A_364 masked %masked_sort3A_365 {descending = true} : (vector<16xf32>, vector<16xi32>, vector<16xi1>) -> (vector<16xi1>, vector<16xf32>, vector<16xi32>)
      %get3A_369 = arith.index_cast %scan3A_358 : i32 to index
      %get3A_370 = arith.constant 16 : index
      %get3A_371 = tpu.vector_load %arg5[%get3A_369, %get3A_370] {strides = array<i32>} : memref<32x256xf32, #tpu.memory_space<vmem>>, vector<16xf32>,
      %add3A_372 = arith.constant 16 : i32
      %add3A_373 = vector.broadcast %add3A_372 : i32 to vector<16xi32>
      %add3A_374 = arith.addi %iota3A, %add3A_373 : vector<16xi32>
      %masked_sort3A_375 = arith.constant dense<true> : vector<16xi1>
      %masked_sort3A_376, %masked_sort3A_377, %masked_sort3A_378 = tpu.sort %get3A_371, %add3A_374 masked %masked_sort3A_375 : (vector<16xf32>, vector<16xi32>, vector<16xi1>) -> (vector<16xi1>, vector<16xf32>, vector<16xi32>)
      %select_n3A_379 = arith.select %lt3A_4, %masked_sort3A_367, %masked_sort3A_377 : vector<16xi1>, vector<16xf32>
      %select_n3A_380 = arith.select %lt3A_4, %masked_sort3A_368, %masked_sort3A_378 : vector<16xi1>, vector<16xi32>
      %masked_sort3A_381 = arith.constant dense<true> : vector<16xi1>
      %masked_sort3A_382, %masked_sort3A_383, %masked_sort3A_384 = tpu.sort %select_n3A_379, %select_n3A_380 masked %masked_sort3A_381 {descending = true} : (vector<16xf32>, vector<16xi32>, vector<16xi1>) -> (vector<16xi1>, vector<16xf32>, vector<16xi32>)
      %get3A_385 = arith.index_cast %scan3A_358 : i32 to index
      %get3A_386 = arith.constant 32 : index
      %get3A_387 = tpu.vector_load %arg5[%get3A_385, %get3A_386] {strides = array<i32>} : memref<32x256xf32, #tpu.memory_space<vmem>>, vector<16xf32>,
      %add3A_388 = arith.constant 32 : i32
      %add3A_389 = vector.broadcast %add3A_388 : i32 to vector<16xi32>
      %add3A_390 = arith.addi %iota3A, %add3A_389 : vector<16xi32>
      %masked_sort3A_391 = arith.constant dense<true> : vector<16xi1>
      %masked_sort3A_392, %masked_sort3A_393, %masked_sort3A_394 = tpu.sort %get3A_387, %add3A_390 masked %masked_sort3A_391 {descending = true} : (vector<16xf32>, vector<16xi32>, vector<16xi1>) -> (vector<16xi1>, vector<16xf32>, vector<16xi32>)
      %get3A_395 = arith.index_cast %scan3A_358 : i32 to index
      %get3A_396 = arith.constant 48 : index
      %get3A_397 = tpu.vector_load %arg5[%get3A_395, %get3A_396] {strides = array<i32>} : memref<32x256xf32, #tpu.memory_space<vmem>>, vector<16xf32>,
      %add3A_398 = arith.constant 48 : i32
      %add3A_399 = vector.broadcast %add3A_398 : i32 to vector<16xi32>
      %add3A_400 = arith.addi %iota3A, %add3A_399 : vector<16xi32>
      %masked_sort3A_401 = arith.constant dense<true> : vector<16xi1>
      %masked_sort3A_402, %masked_sort3A_403, %masked_sort3A_404 = tpu.sort %get3A_397, %add3A_400 masked %masked_sort3A_401 : (vector<16xf32>, vector<16xi32>, vector<16xi1>) -> (vector<16xi1>, vector<16xf32>, vector<16xi32>)
      %select_n3A_405 = arith.select %lt3A_4, %masked_sort3A_393, %masked_sort3A_403 : vector<16xi1>, vector<16xf32>
      %select_n3A_406 = arith.select %lt3A_4, %masked_sort3A_394, %masked_sort3A_404 : vector<16xi1>, vector<16xi32>
      %masked_sort3A_407 = arith.constant dense<true> : vector<16xi1>
      %masked_sort3A_408, %masked_sort3A_409, %masked_sort3A_410 = tpu.sort %select_n3A_405, %select_n3A_406 masked %masked_sort3A_407 : (vector<16xf32>, vector<16xi32>, vector<16xi1>) -> (vector<16xi1>, vector<16xf32>, vector<16xi32>)
      %select_n3A_411 = arith.select %lt3A_4, %masked_sort3A_383, %masked_sort3A_409 : vector<16xi1>, vector<16xf32>
      %select_n3A_412 = arith.select %lt3A_4, %masked_sort3A_384, %masked_sort3A_410 : vector<16xi1>, vector<16xi32>
      %masked_sort3A_413 = arith.constant dense<true> : vector<16xi1>
      %masked_sort3A_414, %masked_sort3A_415, %masked_sort3A_416 = tpu.sort %select_n3A_411, %select_n3A_412 masked %masked_sort3A_413 {descending = true} : (vector<16xf32>, vector<16xi32>, vector<16xi1>) -> (vector<16xi1>, vector<16xf32>, vector<16xi32>)
      %get3A_417 = arith.index_cast %scan3A_358 : i32 to index
      %get3A_418 = arith.constant 64 : index
      %get3A_419 = tpu.vector_load %arg5[%get3A_417, %get3A_418] {strides = array<i32>} : memref<32x256xf32, #tpu.memory_space<vmem>>, vector<16xf32>,
      %add3A_420 = arith.constant 64 : i32
      %add3A_421 = vector.broadcast %add3A_420 : i32 to vector<16xi32>
      %add3A_422 = arith.addi %iota3A, %add3A_421 : vector<16xi32>
      %masked_sort3A_423 = arith.constant dense<true> : vector<16xi1>
      %masked_sort3A_424, %masked_sort3A_425, %masked_sort3A_426 = tpu.sort %get3A_419, %add3A_422 masked %masked_sort3A_423 {descending = true} : (vector<16xf32>, vector<16xi32>, vector<16xi1>) -> (vector<16xi1>, vector<16xf32>, vector<16xi32>)
      %get3A_427 = arith.index_cast %scan3A_358 : i32 to index
      %get3A_428 = arith.constant 80 : index
      %get3A_429 = tpu.vector_load %arg5[%get3A_427, %get3A_428] {strides = array<i32>} : memref<32x256xf32, #tpu.memory_space<vmem>>, vector<16xf32>,
      %add3A_430 = arith.constant 80 : i32
      %add3A_431 = vector.broadcast %add3A_430 : i32 to vector<16xi32>
      %add3A_432 = arith.addi %iota3A, %add3A_431 : vector<16xi32>
      %masked_sort3A_433 = arith.constant dense<true> : vector<16xi1>
      %masked_sort3A_434, %masked_sort3A_435, %masked_sort3A_436 = tpu.sort %get3A_429, %add3A_432 masked %masked_sort3A_433 : (vector<16xf32>, vector<16xi32>, vector<16xi1>) -> (vector<16xi1>, vector<16xf32>, vector<16xi32>)
      %select_n3A_437 = arith.select %lt3A_4, %masked_sort3A_425, %masked_sort3A_435 : vector<16xi1>, vector<16xf32>
      %select_n3A_438 = arith.select %lt3A_4, %masked_sort3A_426, %masked_sort3A_436 : vector<16xi1>, vector<16xi32>
      %masked_sort3A_439 = arith.constant dense<true> : vector<16xi1>
      %masked_sort3A_440, %masked_sort3A_441, %masked_sort3A_442 = tpu.sort %select_n3A_437, %select_n3A_438 masked %masked_sort3A_439 {descending = true} : (vector<16xf32>, vector<16xi32>, vector<16xi1>) -> (vector<16xi1>, vector<16xf32>, vector<16xi32>)
      %get3A_443 = arith.index_cast %scan3A_358 : i32 to index
      %get3A_444 = arith.constant 96 : index
      %get3A_445 = tpu.vector_load %arg5[%get3A_443, %get3A_444] {strides = array<i32>} : memref<32x256xf32, #tpu.memory_space<vmem>>, vector<16xf32>,
      %add3A_446 = arith.constant 96 : i32
      %add3A_447 = vector.broadcast %add3A_446 : i32 to vector<16xi32>
      %add3A_448 = arith.addi %iota3A, %add3A_447 : vector<16xi32>
      %masked_sort3A_449 = arith.constant dense<true> : vector<16xi1>
      %masked_sort3A_450, %masked_sort3A_451, %masked_sort3A_452 = tpu.sort %get3A_445, %add3A_448 masked %masked_sort3A_449 {descending = true} : (vector<16xf32>, vector<16xi32>, vector<16xi1>) -> (vector<16xi1>, vector<16xf32>, vector<16xi32>)
      %get3A_453 = arith.index_cast %scan3A_358 : i32 to index
      %get3A_454 = arith.constant 112 : index
      %get3A_455 = tpu.vector_load %arg5[%get3A_453, %get3A_454] {strides = array<i32>} : memref<32x256xf32, #tpu.memory_space<vmem>>, vector<16xf32>,
      %add3A_456 = arith.constant 112 : i32
      %add3A_457 = vector.broadcast %add3A_456 : i32 to vector<16xi32>
      %add3A_458 = arith.addi %iota3A, %add3A_457 : vector<16xi32>
      %masked_sort3A_459 = arith.constant dense<true> : vector<16xi1>
      %masked_sort3A_460, %masked_sort3A_461, %masked_sort3A_462 = tpu.sort %get3A_455, %add3A_458 masked %masked_sort3A_459 : (vector<16xf32>, vector<16xi32>, vector<16xi1>) -> (vector<16xi1>, vector<16xf32>, vector<16xi32>)
      %select_n3A_463 = arith.select %lt3A_4, %masked_sort3A_451, %masked_sort3A_461 : vector<16xi1>, vector<16xf32>
      %select_n3A_464 = arith.select %lt3A_4, %masked_sort3A_452, %masked_sort3A_462 : vector<16xi1>, vector<16xi32>
      %masked_sort3A_465 = arith.constant dense<true> : vector<16xi1>
      %masked_sort3A_466, %masked_sort3A_467, %masked_sort3A_468 = tpu.sort %select_n3A_463, %select_n3A_464 masked %masked_sort3A_465 : (vector<16xf32>, vector<16xi32>, vector<16xi1>) -> (vector<16xi1>, vector<16xf32>, vector<16xi32>)
      %select_n3A_469 = arith.select %lt3A_4, %masked_sort3A_441, %masked_sort3A_467 : vector<16xi1>, vector<16xf32>
      %select_n3A_470 = arith.select %lt3A_4, %masked_sort3A_442, %masked_sort3A_468 : vector<16xi1>, vector<16xi32>
      %masked_sort3A_471 = arith.constant dense<true> : vector<16xi1>
      %masked_sort3A_472, %masked_sort3A_473, %masked_sort3A_474 = tpu.sort %select_n3A_469, %select_n3A_470 masked %masked_sort3A_471 : (vector<16xf32>, vector<16xi32>, vector<16xi1>) -> (vector<16xi1>, vector<16xf32>, vector<16xi32>)
      %select_n3A_475 = arith.select %lt3A_4, %masked_sort3A_415, %masked_sort3A_473 : vector<16xi1>, vector<16xf32>
      %select_n3A_476 = arith.select %lt3A_4, %masked_sort3A_416, %masked_sort3A_474 : vector<16xi1>, vector<16xi32>
      %masked_sort3A_477 = arith.constant dense<true> : vector<16xi1>
      %masked_sort3A_478, %masked_sort3A_479, %masked_sort3A_480 = tpu.sort %select_n3A_475, %select_n3A_476 masked %masked_sort3A_477 {descending = true} : (vector<16xf32>, vector<16xi32>, vector<16xi1>) -> (vector<16xi1>, vector<16xf32>, vector<16xi32>)
      %get3A_481 = arith.index_cast %scan3A_358 : i32 to index
      %get3A_482 = arith.constant 128 : index
      %get3A_483 = tpu.vector_load %arg5[%get3A_481, %get3A_482] {strides = array<i32>} : memref<32x256xf32, #tpu.memory_space<vmem>>, vector<16xf32>,
      %add3A_484 = arith.constant 128 : i32
      %add3A_485 = vector.broadcast %add3A_484 : i32 to vector<16xi32>
      %add3A_486 = arith.addi %iota3A, %add3A_485 : vector<16xi32>
      %masked_sort3A_487 = arith.constant dense<true> : vector<16xi1>
      %masked_sort3A_488, %masked_sort3A_489, %masked_sort3A_490 = tpu.sort %get3A_483, %add3A_486 masked %masked_sort3A_487 {descending = true} : (vector<16xf32>, vector<16xi32>, vector<16xi1>) -> (vector<16xi1>, vector<16xf32>, vector<16xi32>)
      %get3A_491 = arith.index_cast %scan3A_358 : i32 to index
      %get3A_492 = arith.constant 144 : index
      %get3A_493 = tpu.vector_load %arg5[%get3A_491, %get3A_492] {strides = array<i32>} : memref<32x256xf32, #tpu.memory_space<vmem>>, vector<16xf32>,
      %add3A_494 = arith.constant 144 : i32
      %add3A_495 = vector.broadcast %add3A_494 : i32 to vector<16xi32>
      %add3A_496 = arith.addi %iota3A, %add3A_495 : vector<16xi32>
      %masked_sort3A_497 = arith.constant dense<true> : vector<16xi1>
      %masked_sort3A_498, %masked_sort3A_499, %masked_sort3A_500 = tpu.sort %get3A_493, %add3A_496 masked %masked_sort3A_497 : (vector<16xf32>, vector<16xi32>, vector<16xi1>) -> (vector<16xi1>, vector<16xf32>, vector<16xi32>)
      %select_n3A_501 = arith.select %lt3A_4, %masked_sort3A_489, %masked_sort3A_499 : vector<16xi1>, vector<16xf32>
      %select_n3A_502 = arith.select %lt3A_4, %masked_sort3A_490, %masked_sort3A_500 : vector<16xi1>, vector<16xi32>
      %masked_sort3A_503 = arith.constant dense<true> : vector<16xi1>
      %masked_sort3A_504, %masked_sort3A_505, %masked_sort3A_506 = tpu.sort %select_n3A_501, %select_n3A_502 masked %masked_sort3A_503 {descending = true} : (vector<16xf32>, vector<16xi32>, vector<16xi1>) -> (vector<16xi1>, vector<16xf32>, vector<16xi32>)
      %get3A_507 = arith.index_cast %scan3A_358 : i32 to index
      %get3A_508 = arith.constant 160 : index
      %get3A_509 = tpu.vector_load %arg5[%get3A_507, %get3A_508] {strides = array<i32>} : memref<32x256xf32, #tpu.memory_space<vmem>>, vector<16xf32>,
      %add3A_510 = arith.constant 160 : i32
      %add3A_511 = vector.broadcast %add3A_510 : i32 to vector<16xi32>
      %add3A_512 = arith.addi %iota3A, %add3A_511 : vector<16xi32>
      %masked_sort3A_513 = arith.constant dense<true> : vector<16xi1>
      %masked_sort3A_514, %masked_sort3A_515, %masked_sort3A_516 = tpu.sort %get3A_509, %add3A_512 masked %masked_sort3A_513 {descending = true} : (vector<16xf32>, vector<16xi32>, vector<16xi1>) -> (vector<16xi1>, vector<16xf32>, vector<16xi32>)
      %get3A_517 = arith.index_cast %scan3A_358 : i32 to index
      %get3A_518 = arith.constant 176 : index
      %get3A_519 = tpu.vector_load %arg5[%get3A_517, %get3A_518] {strides = array<i32>} : memref<32x256xf32, #tpu.memory_space<vmem>>, vector<16xf32>,
      %add3A_520 = arith.constant 176 : i32
      %add3A_521 = vector.broadcast %add3A_520 : i32 to vector<16xi32>
      %add3A_522 = arith.addi %iota3A, %add3A_521 : vector<16xi32>
      %masked_sort3A_523 = arith.constant dense<true> : vector<16xi1>
      %masked_sort3A_524, %masked_sort3A_525, %masked_sort3A_526 = tpu.sort %get3A_519, %add3A_522 masked %masked_sort3A_523 : (vector<16xf32>, vector<16xi32>, vector<16xi1>) -> (vector<16xi1>, vector<16xf32>, vector<16xi32>)
      %select_n3A_527 = arith.select %lt3A_4, %masked_sort3A_515, %masked_sort3A_525 : vector<16xi1>, vector<16xf32>
      %select_n3A_528 = arith.select %lt3A_4, %masked_sort3A_516, %masked_sort3A_526 : vector<16xi1>, vector<16xi32>
      %masked_sort3A_529 = arith.constant dense<true> : vector<16xi1>
      %masked_sort3A_530, %masked_sort3A_531, %masked_sort3A_532 = tpu.sort %select_n3A_527, %select_n3A_528 masked %masked_sort3A_529 : (vector<16xf32>, vector<16xi32>, vector<16xi1>) -> (vector<16xi1>, vector<16xf32>, vector<16xi32>)
      %select_n3A_533 = arith.select %lt3A_4, %masked_sort3A_505, %masked_sort3A_531 : vector<16xi1>, vector<16xf32>
      %select_n3A_534 = arith.select %lt3A_4, %masked_sort3A_506, %masked_sort3A_532 : vector<16xi1>, vector<16xi32>
      %masked_sort3A_535 = arith.constant dense<true> : vector<16xi1>
      %masked_sort3A_536, %masked_sort3A_537, %masked_sort3A_538 = tpu.sort %select_n3A_533, %select_n3A_534 masked %masked_sort3A_535 {descending = true} : (vector<16xf32>, vector<16xi32>, vector<16xi1>) -> (vector<16xi1>, vector<16xf32>, vector<16xi32>)
      %get3A_539 = arith.index_cast %scan3A_358 : i32 to index
      %get3A_540 = arith.constant 192 : index
      %get3A_541 = tpu.vector_load %arg5[%get3A_539, %get3A_540] {strides = array<i32>} : memref<32x256xf32, #tpu.memory_space<vmem>>, vector<16xf32>,
      %add3A_542 = arith.constant 192 : i32
      %add3A_543 = vector.broadcast %add3A_542 : i32 to vector<16xi32>
      %add3A_544 = arith.addi %iota3A, %add3A_543 : vector<16xi32>
      %masked_sort3A_545 = arith.constant dense<true> : vector<16xi1>
      %masked_sort3A_546, %masked_sort3A_547, %masked_sort3A_548 = tpu.sort %get3A_541, %add3A_544 masked %masked_sort3A_545 {descending = true} : (vector<16xf32>, vector<16xi32>, vector<16xi1>) -> (vector<16xi1>, vector<16xf32>, vector<16xi32>)
      %get3A_549 = arith.index_cast %scan3A_358 : i32 to index
      %get3A_550 = arith.constant 208 : index
      %get3A_551 = tpu.vector_load %arg5[%get3A_549, %get3A_550] {strides = array<i32>} : memref<32x256xf32, #tpu.memory_space<vmem>>, vector<16xf32>,
      %add3A_552 = arith.constant 208 : i32
      %add3A_553 = vector.broadcast %add3A_552 : i32 to vector<16xi32>
      %add3A_554 = arith.addi %iota3A, %add3A_553 : vector<16xi32>
      %masked_sort3A_555 = arith.constant dense<true> : vector<16xi1>
      %masked_sort3A_556, %masked_sort3A_557, %masked_sort3A_558 = tpu.sort %get3A_551, %add3A_554 masked %masked_sort3A_555 : (vector<16xf32>, vector<16xi32>, vector<16xi1>) -> (vector<16xi1>, vector<16xf32>, vector<16xi32>)
      %select_n3A_559 = arith.select %lt3A_4, %masked_sort3A_547, %masked_sort3A_557 : vector<16xi1>, vector<16xf32>
      %select_n3A_560 = arith.select %lt3A_4, %masked_sort3A_548, %masked_sort3A_558 : vector<16xi1>, vector<16xi32>
      %masked_sort3A_561 = arith.constant dense<true> : vector<16xi1>
      %masked_sort3A_562, %masked_sort3A_563, %masked_sort3A_564 = tpu.sort %select_n3A_559, %select_n3A_560 masked %masked_sort3A_561 {descending = true} : (vector<16xf32>, vector<16xi32>, vector<16xi1>) -> (vector<16xi1>, vector<16xf32>, vector<16xi32>)
      %get3A_565 = arith.index_cast %scan3A_358 : i32 to index
      %get3A_566 = arith.constant 224 : index
      %get3A_567 = tpu.vector_load %arg5[%get3A_565, %get3A_566] {strides = array<i32>} : memref<32x256xf32, #tpu.memory_space<vmem>>, vector<16xf32>,
      %add3A_568 = arith.constant 224 : i32
      %add3A_569 = vector.broadcast %add3A_568 : i32 to vector<16xi32>
      %add3A_570 = arith.addi %iota3A, %add3A_569 : vector<16xi32>
      %masked_sort3A_571 = arith.constant dense<true> : vector<16xi1>
      %masked_sort3A_572, %masked_sort3A_573, %masked_sort3A_574 = tpu.sort %get3A_567, %add3A_570 masked %masked_sort3A_571 {descending = true} : (vector<16xf32>, vector<16xi32>, vector<16xi1>) -> (vector<16xi1>, vector<16xf32>, vector<16xi32>)
      %get3A_575 = arith.index_cast %scan3A_358 : i32 to index
      %get3A_576 = arith.constant 240 : index
      %get3A_577 = tpu.vector_load %arg5[%get3A_575, %get3A_576] {strides = array<i32>} : memref<32x256xf32, #tpu.memory_space<vmem>>, vector<16xf32>,
      %add3A_578 = arith.constant 240 : i32
      %add3A_579 = vector.broadcast %add3A_578 : i32 to vector<16xi32>
      %add3A_580 = arith.addi %iota3A, %add3A_579 : vector<16xi32>
      %masked_sort3A_581 = arith.constant dense<true> : vector<16xi1>
      %masked_sort3A_582, %masked_sort3A_583, %masked_sort3A_584 = tpu.sort %get3A_577, %add3A_580 masked %masked_sort3A_581 : (vector<16xf32>, vector<16xi32>, vector<16xi1>) -> (vector<16xi1>, vector<16xf32>, vector<16xi32>)
      %select_n3A_585 = arith.select %lt3A_4, %masked_sort3A_573, %masked_sort3A_583 : vector<16xi1>, vector<16xf32>
      %select_n3A_586 = arith.select %lt3A_4, %masked_sort3A_574, %masked_sort3A_584 : vector<16xi1>, vector<16xi32>
      %masked_sort3A_587 = arith.constant dense<true> : vector<16xi1>
      %masked_sort3A_588, %masked_sort3A_589, %masked_sort3A_590 = tpu.sort %select_n3A_585, %select_n3A_586 masked %masked_sort3A_587 : (vector<16xf32>, vector<16xi32>, vector<16xi1>) -> (vector<16xi1>, vector<16xf32>, vector<16xi32>)
      %select_n3A_591 = arith.select %lt3A_4, %masked_sort3A_563, %masked_sort3A_589 : vector<16xi1>, vector<16xf32>
      %select_n3A_592 = arith.select %lt3A_4, %masked_sort3A_564, %masked_sort3A_590 : vector<16xi1>, vector<16xi32>
      %masked_sort3A_593 = arith.constant dense<true> : vector<16xi1>
      %masked_sort3A_594, %masked_sort3A_595, %masked_sort3A_596 = tpu.sort %select_n3A_591, %select_n3A_592 masked %masked_sort3A_593 : (vector<16xf32>, vector<16xi32>, vector<16xi1>) -> (vector<16xi1>, vector<16xf32>, vector<16xi32>)
      %select_n3A_597 = arith.select %lt3A_4, %masked_sort3A_537, %masked_sort3A_595 : vector<16xi1>, vector<16xf32>
      %select_n3A_598 = arith.select %lt3A_4, %masked_sort3A_538, %masked_sort3A_596 : vector<16xi1>, vector<16xi32>
      %masked_sort3A_599 = arith.constant dense<true> : vector<16xi1>
      %masked_sort3A_600, %masked_sort3A_601, %masked_sort3A_602 = tpu.sort %select_n3A_597, %select_n3A_598 masked %masked_sort3A_599 : (vector<16xf32>, vector<16xi32>, vector<16xi1>) -> (vector<16xi1>, vector<16xf32>, vector<16xi32>)
      %select_n3A_603 = arith.select %lt3A_4, %masked_sort3A_479, %masked_sort3A_601 : vector<16xi1>, vector<16xf32>
      %select_n3A_604 = arith.select %lt3A_4, %masked_sort3A_480, %masked_sort3A_602 : vector<16xi1>, vector<16xi32>
      %masked_sort3A_605 = arith.constant dense<true> : vector<16xi1>
      %masked_sort3A_606, %masked_sort3A_607, %masked_sort3A_608 = tpu.sort %select_n3A_603, %select_n3A_604 masked %masked_sort3A_605 {descending = true} : (vector<16xf32>, vector<16xi32>, vector<16xi1>) -> (vector<16xi1>, vector<16xf32>, vector<16xi32>)
      %swap3A_609 = arith.constant 0 : index
      %swap3A_610 = tpu.vector_load %arg7[%swap3A_609] {strides = array<i32>} : memref<16xf32, #tpu.memory_space<vmem>>, vector<16xf32>,
      tpu.vector_store %arg7[%swap3A_609], %masked_sort3A_607 {strides = array<i32>} : memref<16xf32, #tpu.memory_space<vmem>>, vector<16xf32>,
      %gather3A_611 = tpu.vector_load_idx %arg7[%max3A_8] : memref<16xf32, #tpu.memory_space<vmem>>[vector<16xi32>], vector<16xf32>,
      %ne3A_612 = arith.cmpf one, %masked_sort3A_607, %gather3A_611 : vector<16xf32>
      %jit3A_613 = arith.constant 0 : i32
      %broadcast_in_dim3A_614 = vector.broadcast %jit3A_613 : i32 to vector<16xi32>
      %select_n3A_615 = arith.select %ne3A_612, %iota3A, %broadcast_in_dim3A_614 : vector<16xi1>, vector<16xi32>
      %broadcast_in_dim3A_616 = arith.constant true
      %broadcast_in_dim3A_617 = vector.broadcast %broadcast_in_dim3A_616 : i1 to vector<16xi1>
      %masked_cummax3A_618 = arith.constant -2147483648 : i32
      %masked_cummax3A_619 = vector.broadcast %masked_cummax3A_618 : i32 to vector<16xi32>
      %masked_cummax3A_620 = arith.xori %select_n3A_615, %masked_cummax3A_619 : vector<16xi32>
      %masked_cummax3A_621 = tpu.scan <max>, %masked_cummax3A_620 masked %broadcast_in_dim3A_617 : vector<16xi32>, vector<16xi1> -> vector<16xi32>
      %masked_cummax3A_622 = arith.xori %masked_cummax3A_621, %masked_cummax3A_619 : vector<16xi32>
      %mul3A_623 = arith.constant 256 : i32
      %mul3A_624 = vector.broadcast %mul3A_623 : i32 to vector<16xi32>
      %mul3A_625 = arith.muli %masked_cummax3A_622, %mul3A_624 : vector<16xi32>
      %add3A_626 = arith.addi %mul3A_625, %masked_sort3A_608 : vector<16xi32>
      %masked_sort3A_627 = arith.constant dense<true> : vector<16xi1>
      %masked_sort3A_628 = arith.constant -2147483648 : i32
      %masked_sort3A_629 = vector.broadcast %masked_sort3A_628 : i32 to vector<16xi32>
      %masked_sort3A_630 = arith.xori %add3A_626, %masked_sort3A_629 : vector<16xi32>
      %masked_sort3A_631, %masked_sort3A_632, %masked_sort3A_633 = tpu.sort %masked_sort3A_630, %masked_sort3A_608 masked %masked_sort3A_627 : (vector<16xi32>, vector<16xi32>, vector<16xi1>) -> (vector<16xi1>, vector<16xi32>, vector<16xi32>)
      %masked_sort3A_634 = arith.xori %masked_sort3A_632, %masked_sort3A_629 : vector<16xi32>
      %add3A_635 = arith.constant 32 : i32
      %add3A_636 = arith.addi %add3A_635, %scan3A_358 : i32
      %swap3A_637 = arith.index_cast %add3A_636 : i32 to index
      %swap3A_638 = arith.constant 0 : index
      %swap3A_639 = tpu.vector_load %arg6[%swap3A_637, %swap3A_638] {strides = array<i32>} : memref<160x16xi32, #tpu.memory_space<vmem>>, vector<16xi32>,
      tpu.vector_store %arg6[%swap3A_637, %swap3A_638], %masked_sort3A_633 {strides = array<i32>} : memref<160x16xi32, #tpu.memory_space<vmem>>, vector<16xi32>,
    }
    %scan3A_41 = arith.constant 32 : i32
    %add3A_42 = arith.constant 96 : i32
    %add3A_43 = arith.addi %mul3A_2, %add3A_42 : i32
    %dma_start3A_44 = arith.constant 0 : i32
    %dma_start3A_45 = tpu.memref_slice %arg2[%add3A_43, %dma_start3A_44] : memref<5120x256xf32, #tpu.memory_space<hbm>> -> memref<32x256xf32, #tpu.memory_space<hbm>>
    %dma_start3A_46 = arith.constant 0 : i32
    %dma_start3A_47 = tpu.memref_slice %arg2[%add3A_43, %dma_start3A_46] : memref<5120x256xf32, #tpu.memory_space<hbm>> -> memref<32x256xf32, #tpu.memory_space<hbm>>
    tpu.enqueue_dma source(%dma_start3A_47 : memref<32x256xf32, #tpu.memory_space<hbm>>) target(%arg5 : memref<32x256xf32, #tpu.memory_space<vmem>>) target_semaphore(%arg9 : memref<!tpu.dma_semaphore, #tpu.memory_space<semaphore_mem>>)
    %dma_wait3A_48 = arith.constant 0 : i32
    %dma_wait3A_49 = tpu.memref_slice %arg2[%add3A_27, %dma_wait3A_48] : memref<5120x256xf32, #tpu.memory_space<hbm>> -> memref<32x256xf32, #tpu.memory_space<hbm>>
    %dma_wait3A_50 = arith.constant 0 : i32
    %dma_wait3A_51 = tpu.memref_slice %arg2[%add3A_27, %dma_wait3A_50] : memref<5120x256xf32, #tpu.memory_space<hbm>> -> memref<32x256xf32, #tpu.memory_space<hbm>>
    tpu.wait_dma2 semaphore(%arg8 : memref<!tpu.dma_semaphore, #tpu.memory_space<semaphore_mem>>) src(%dma_wait3A_51 : memref<32x256xf32, #tpu.memory_space<hbm>>) dst(%arg4 : memref<32x256xf32, #tpu.memory_space<vmem>>)
    %scan3A_52 = arith.constant 0 : i32
    %scan3A_53 = arith.constant 0 : i32
    %scan3A_54 = arith.constant 32 : i32
    %scan3A_55 = arith.addi %scan3A_53, %scan3A_54 : i32
    %scan3A_56 = arith.constant 2 : i32
    scf.for %scan3A_84 = %scan3A_53 to %scan3A_55 step %scan3A_56  : i32 {
      %get3A = arith.index_cast %scan3A_84 : i32 to index
      %get3A_85 = arith.constant 0 : index
      %get3A_86 = tpu.vector_load %arg4[%get3A, %get3A_85] {strides = array<i32>} : memref<32x256xf32, #tpu.memory_space<vmem>>, vector<16xf32>,
      %add3A_87 = arith.constant 0 : i32
      %add3A_88 = vector.broadcast %add3A_87 : i32 to vector<16xi32>
      %add3A_89 = arith.addi %iota3A, %add3A_88 : vector<16xi32>
      %masked_sort3A = arith.constant dense<true> : vector<16xi1>
      %masked_sort3A_90, %masked_sort3A_91, %masked_sort3A_92 = tpu.sort %get3A_86, %add3A_89 masked %masked_sort3A {descending = true} : (vector<16xf32>, vector<16xi32>, vector<16xi1>) -> (vector<16xi1>, vector<16xf32>, vector<16xi32>)
      %get3A_93 = arith.index_cast %scan3A_84 : i32 to index
      %get3A_94 = arith.constant 16 : index
      %get3A_95 = tpu.vector_load %arg4[%get3A_93, %get3A_94] {strides = array<i32>} : memref<32x256xf32, #tpu.memory_space<vmem>>, vector<16xf32>,
      %add3A_96 = arith.constant 16 : i32
      %add3A_97 = vector.broadcast %add3A_96 : i32 to vector<16xi32>
      %add3A_98 = arith.addi %iota3A, %add3A_97 : vector<16xi32>
      %masked_sort3A_99 = arith.constant dense<true> : vector<16xi1>
      %masked_sort3A_100, %masked_sort3A_101, %masked_sort3A_102 = tpu.sort %get3A_95, %add3A_98 masked %masked_sort3A_99 : (vector<16xf32>, vector<16xi32>, vector<16xi1>) -> (vector<16xi1>, vector<16xf32>, vector<16xi32>)
      %select_n3A = arith.select %lt3A_4, %masked_sort3A_91, %masked_sort3A_101 : vector<16xi1>, vector<16xf32>
      %select_n3A_103 = arith.select %lt3A_4, %masked_sort3A_92, %masked_sort3A_102 : vector<16xi1>, vector<16xi32>
      %masked_sort3A_104 = arith.constant dense<true> : vector<16xi1>
      %masked_sort3A_105, %masked_sort3A_106, %masked_sort3A_107 = tpu.sort %select_n3A, %select_n3A_103 masked %masked_sort3A_104 {descending = true} : (vector<16xf32>, vector<16xi32>, vector<16xi1>) -> (vector<16xi1>, vector<16xf32>, vector<16xi32>)
      %get3A_108 = arith.index_cast %scan3A_84 : i32 to index
      %get3A_109 = arith.constant 32 : index
      %get3A_110 = tpu.vector_load %arg4[%get3A_108, %get3A_109] {strides = array<i32>} : memref<32x256xf32, #tpu.memory_space<vmem>>, vector<16xf32>,
      %add3A_111 = arith.constant 32 : i32
      %add3A_112 = vector.broadcast %add3A_111 : i32 to vector<16xi32>
      %add3A_113 = arith.addi %iota3A, %add3A_112 : vector<16xi32>
      %masked_sort3A_114 = arith.constant dense<true> : vector<16xi1>
      %masked_sort3A_115, %masked_sort3A_116, %masked_sort3A_117 = tpu.sort %get3A_110, %add3A_113 masked %masked_sort3A_114 {descending = true} : (vector<16xf32>, vector<16xi32>, vector<16xi1>) -> (vector<16xi1>, vector<16xf32>, vector<16xi32>)
      %get3A_118 = arith.index_cast %scan3A_84 : i32 to index
      %get3A_119 = arith.constant 48 : index
      %get3A_120 = tpu.vector_load %arg4[%get3A_118, %get3A_119] {strides = array<i32>} : memref<32x256xf32, #tpu.memory_space<vmem>>, vector<16xf32>,
      %add3A_121 = arith.constant 48 : i32
      %add3A_122 = vector.broadcast %add3A_121 : i32 to vector<16xi32>
      %add3A_123 = arith.addi %iota3A, %add3A_122 : vector<16xi32>
      %masked_sort3A_124 = arith.constant dense<true> : vector<16xi1>
      %masked_sort3A_125, %masked_sort3A_126, %masked_sort3A_127 = tpu.sort %get3A_120, %add3A_123 masked %masked_sort3A_124 : (vector<16xf32>, vector<16xi32>, vector<16xi1>) -> (vector<16xi1>, vector<16xf32>, vector<16xi32>)
      %select_n3A_128 = arith.select %lt3A_4, %masked_sort3A_116, %masked_sort3A_126 : vector<16xi1>, vector<16xf32>
      %select_n3A_129 = arith.select %lt3A_4, %masked_sort3A_117, %masked_sort3A_127 : vector<16xi1>, vector<16xi32>
      %masked_sort3A_130 = arith.constant dense<true> : vector<16xi1>
      %masked_sort3A_131, %masked_sort3A_132, %masked_sort3A_133 = tpu.sort %select_n3A_128, %select_n3A_129 masked %masked_sort3A_130 : (vector<16xf32>, vector<16xi32>, vector<16xi1>) -> (vector<16xi1>, vector<16xf32>, vector<16xi32>)
      %select_n3A_134 = arith.select %lt3A_4, %masked_sort3A_106, %masked_sort3A_132 : vector<16xi1>, vector<16xf32>
      %select_n3A_135 = arith.select %lt3A_4, %masked_sort3A_107, %masked_sort3A_133 : vector<16xi1>, vector<16xi32>
      %masked_sort3A_136 = arith.constant dense<true> : vector<16xi1>
      %masked_sort3A_137, %masked_sort3A_138, %masked_sort3A_139 = tpu.sort %select_n3A_134, %select_n3A_135 masked %masked_sort3A_136 {descending = true} : (vector<16xf32>, vector<16xi32>, vector<16xi1>) -> (vector<16xi1>, vector<16xf32>, vector<16xi32>)
      %get3A_140 = arith.index_cast %scan3A_84 : i32 to index
      %get3A_141 = arith.constant 64 : index
      %get3A_142 = tpu.vector_load %arg4[%get3A_140, %get3A_141] {strides = array<i32>} : memref<32x256xf32, #tpu.memory_space<vmem>>, vector<16xf32>,
      %add3A_143 = arith.constant 64 : i32
      %add3A_144 = vector.broadcast %add3A_143 : i32 to vector<16xi32>
      %add3A_145 = arith.addi %iota3A, %add3A_144 : vector<16xi32>
      %masked_sort3A_146 = arith.constant dense<true> : vector<16xi1>
      %masked_sort3A_147, %masked_sort3A_148, %masked_sort3A_149 = tpu.sort %get3A_142, %add3A_145 masked %masked_sort3A_146 {descending = true} : (vector<16xf32>, vector<16xi32>, vector<16xi1>) -> (vector<16xi1>, vector<16xf32>, vector<16xi32>)
      %get3A_150 = arith.index_cast %scan3A_84 : i32 to index
      %get3A_151 = arith.constant 80 : index
      %get3A_152 = tpu.vector_load %arg4[%get3A_150, %get3A_151] {strides = array<i32>} : memref<32x256xf32, #tpu.memory_space<vmem>>, vector<16xf32>,
      %add3A_153 = arith.constant 80 : i32
      %add3A_154 = vector.broadcast %add3A_153 : i32 to vector<16xi32>
      %add3A_155 = arith.addi %iota3A, %add3A_154 : vector<16xi32>
      %masked_sort3A_156 = arith.constant dense<true> : vector<16xi1>
      %masked_sort3A_157, %masked_sort3A_158, %masked_sort3A_159 = tpu.sort %get3A_152, %add3A_155 masked %masked_sort3A_156 : (vector<16xf32>, vector<16xi32>, vector<16xi1>) -> (vector<16xi1>, vector<16xf32>, vector<16xi32>)
      %select_n3A_160 = arith.select %lt3A_4, %masked_sort3A_148, %masked_sort3A_158 : vector<16xi1>, vector<16xf32>
      %select_n3A_161 = arith.select %lt3A_4, %masked_sort3A_149, %masked_sort3A_159 : vector<16xi1>, vector<16xi32>
      %masked_sort3A_162 = arith.constant dense<true> : vector<16xi1>
      %masked_sort3A_163, %masked_sort3A_164, %masked_sort3A_165 = tpu.sort %select_n3A_160, %select_n3A_161 masked %masked_sort3A_162 {descending = true} : (vector<16xf32>, vector<16xi32>, vector<16xi1>) -> (vector<16xi1>, vector<16xf32>, vector<16xi32>)
      %get3A_166 = arith.index_cast %scan3A_84 : i32 to index
      %get3A_167 = arith.constant 96 : index
      %get3A_168 = tpu.vector_load %arg4[%get3A_166, %get3A_167] {strides = array<i32>} : memref<32x256xf32, #tpu.memory_space<vmem>>, vector<16xf32>,
      %add3A_169 = arith.constant 96 : i32
      %add3A_170 = vector.broadcast %add3A_169 : i32 to vector<16xi32>
      %add3A_171 = arith.addi %iota3A, %add3A_170 : vector<16xi32>
      %masked_sort3A_172 = arith.constant dense<true> : vector<16xi1>
      %masked_sort3A_173, %masked_sort3A_174, %masked_sort3A_175 = tpu.sort %get3A_168, %add3A_171 masked %masked_sort3A_172 {descending = true} : (vector<16xf32>, vector<16xi32>, vector<16xi1>) -> (vector<16xi1>, vector<16xf32>, vector<16xi32>)
      %get3A_176 = arith.index_cast %scan3A_84 : i32 to index
      %get3A_177 = arith.constant 112 : index
      %get3A_178 = tpu.vector_load %arg4[%get3A_176, %get3A_177] {strides = array<i32>} : memref<32x256xf32, #tpu.memory_space<vmem>>, vector<16xf32>,
      %add3A_179 = arith.constant 112 : i32
      %add3A_180 = vector.broadcast %add3A_179 : i32 to vector<16xi32>
      %add3A_181 = arith.addi %iota3A, %add3A_180 : vector<16xi32>
      %masked_sort3A_182 = arith.constant dense<true> : vector<16xi1>
      %masked_sort3A_183, %masked_sort3A_184, %masked_sort3A_185 = tpu.sort %get3A_178, %add3A_181 masked %masked_sort3A_182 : (vector<16xf32>, vector<16xi32>, vector<16xi1>) -> (vector<16xi1>, vector<16xf32>, vector<16xi32>)
      %select_n3A_186 = arith.select %lt3A_4, %masked_sort3A_174, %masked_sort3A_184 : vector<16xi1>, vector<16xf32>
      %select_n3A_187 = arith.select %lt3A_4, %masked_sort3A_175, %masked_sort3A_185 : vector<16xi1>, vector<16xi32>
      %masked_sort3A_188 = arith.constant dense<true> : vector<16xi1>
      %masked_sort3A_189, %masked_sort3A_190, %masked_sort3A_191 = tpu.sort %select_n3A_186, %select_n3A_187 masked %masked_sort3A_188 : (vector<16xf32>, vector<16xi32>, vector<16xi1>) -> (vector<16xi1>, vector<16xf32>, vector<16xi32>)
      %select_n3A_192 = arith.select %lt3A_4, %masked_sort3A_164, %masked_sort3A_190 : vector<16xi1>, vector<16xf32>
      %select_n3A_193 = arith.select %lt3A_4, %masked_sort3A_165, %masked_sort3A_191 : vector<16xi1>, vector<16xi32>
      %masked_sort3A_194 = arith.constant dense<true> : vector<16xi1>
      %masked_sort3A_195, %masked_sort3A_196, %masked_sort3A_197 = tpu.sort %select_n3A_192, %select_n3A_193 masked %masked_sort3A_194 : (vector<16xf32>, vector<16xi32>, vector<16xi1>) -> (vector<16xi1>, vector<16xf32>, vector<16xi32>)
      %select_n3A_198 = arith.select %lt3A_4, %masked_sort3A_138, %masked_sort3A_196 : vector<16xi1>, vector<16xf32>
      %select_n3A_199 = arith.select %lt3A_4, %masked_sort3A_139, %masked_sort3A_197 : vector<16xi1>, vector<16xi32>
      %masked_sort3A_200 = arith.constant dense<true> : vector<16xi1>
      %masked_sort3A_201, %masked_sort3A_202, %masked_sort3A_203 = tpu.sort %select_n3A_198, %select_n3A_199 masked %masked_sort3A_200 {descending = true} : (vector<16xf32>, vector<16xi32>, vector<16xi1>) -> (vector<16xi1>, vector<16xf32>, vector<16xi32>)
      %get3A_204 = arith.index_cast %scan3A_84 : i32 to index
      %get3A_205 = arith.constant 128 : index
      %get3A_206 = tpu.vector_load %arg4[%get3A_204, %get3A_205] {strides = array<i32>} : memref<32x256xf32, #tpu.memory_space<vmem>>, vector<16xf32>,
      %add3A_207 = arith.constant 128 : i32
      %add3A_208 = vector.broadcast %add3A_207 : i32 to vector<16xi32>
      %add3A_209 = arith.addi %iota3A, %add3A_208 : vector<16xi32>
      %masked_sort3A_210 = arith.constant dense<true> : vector<16xi1>
      %masked_sort3A_211, %masked_sort3A_212, %masked_sort3A_213 = tpu.sort %get3A_206, %add3A_209 masked %masked_sort3A_210 {descending = true} : (vector<16xf32>, vector<16xi32>, vector<16xi1>) -> (vector<16xi1>, vector<16xf32>, vector<16xi32>)
      %get3A_214 = arith.index_cast %scan3A_84 : i32 to index
      %get3A_215 = arith.constant 144 : index
      %get3A_216 = tpu.vector_load %arg4[%get3A_214, %get3A_215] {strides = array<i32>} : memref<32x256xf32, #tpu.memory_space<vmem>>, vector<16xf32>,
      %add3A_217 = arith.constant 144 : i32
      %add3A_218 = vector.broadcast %add3A_217 : i32 to vector<16xi32>
      %add3A_219 = arith.addi %iota3A, %add3A_218 : vector<16xi32>
      %masked_sort3A_220 = arith.constant dense<true> : vector<16xi1>
      %masked_sort3A_221, %masked_sort3A_222, %masked_sort3A_223 = tpu.sort %get3A_216, %add3A_219 masked %masked_sort3A_220 : (vector<16xf32>, vector<16xi32>, vector<16xi1>) -> (vector<16xi1>, vector<16xf32>, vector<16xi32>)
      %select_n3A_224 = arith.select %lt3A_4, %masked_sort3A_212, %masked_sort3A_222 : vector<16xi1>, vector<16xf32>
      %select_n3A_225 = arith.select %lt3A_4, %masked_sort3A_213, %masked_sort3A_223 : vector<16xi1>, vector<16xi32>
      %masked_sort3A_226 = arith.constant dense<true> : vector<16xi1>
      %masked_sort3A_227, %masked_sort3A_228, %masked_sort3A_229 = tpu.sort %select_n3A_224, %select_n3A_225 masked %masked_sort3A_226 {descending = true} : (vector<16xf32>, vector<16xi32>, vector<16xi1>) -> (vector<16xi1>, vector<16xf32>, vector<16xi32>)
      %get3A_230 = arith.index_cast %scan3A_84 : i32 to index
      %get3A_231 = arith.constant 160 : index
      %get3A_232 = tpu.vector_load %arg4[%get3A_230, %get3A_231] {strides = array<i32>} : memref<32x256xf32, #tpu.memory_space<vmem>>, vector<16xf32>,
      %add3A_233 = arith.constant 160 : i32
      %add3A_234 = vector.broadcast %add3A_233 : i32 to vector<16xi32>
      %add3A_235 = arith.addi %iota3A, %add3A_234 : vector<16xi32>
      %masked_sort3A_236 = arith.constant dense<true> : vector<16xi1>
      %masked_sort3A_237, %masked_sort3A_238, %masked_sort3A_239 = tpu.sort %get3A_232, %add3A_235 masked %masked_sort3A_236 {descending = true} : (vector<16xf32>, vector<16xi32>, vector<16xi1>) -> (vector<16xi1>, vector<16xf32>, vector<16xi32>)
      %get3A_240 = arith.index_cast %scan3A_84 : i32 to index
      %get3A_241 = arith.constant 176 : index
      %get3A_242 = tpu.vector_load %arg4[%get3A_240, %get3A_241] {strides = array<i32>} : memref<32x256xf32, #tpu.memory_space<vmem>>, vector<16xf32>,
      %add3A_243 = arith.constant 176 : i32
      %add3A_244 = vector.broadcast %add3A_243 : i32 to vector<16xi32>
      %add3A_245 = arith.addi %iota3A, %add3A_244 : vector<16xi32>
      %masked_sort3A_246 = arith.constant dense<true> : vector<16xi1>
      %masked_sort3A_247, %masked_sort3A_248, %masked_sort3A_249 = tpu.sort %get3A_242, %add3A_245 masked %masked_sort3A_246 : (vector<16xf32>, vector<16xi32>, vector<16xi1>) -> (vector<16xi1>, vector<16xf32>, vector<16xi32>)
      %select_n3A_250 = arith.select %lt3A_4, %masked_sort3A_238, %masked_sort3A_248 : vector<16xi1>, vector<16xf32>
      %select_n3A_251 = arith.select %lt3A_4, %masked_sort3A_239, %masked_sort3A_249 : vector<16xi1>, vector<16xi32>
      %masked_sort3A_252 = arith.constant dense<true> : vector<16xi1>
      %masked_sort3A_253, %masked_sort3A_254, %masked_sort3A_255 = tpu.sort %select_n3A_250, %select_n3A_251 masked %masked_sort3A_252 : (vector<16xf32>, vector<16xi32>, vector<16xi1>) -> (vector<16xi1>, vector<16xf32>, vector<16xi32>)
      %select_n3A_256 = arith.select %lt3A_4, %masked_sort3A_228, %masked_sort3A_254 : vector<16xi1>, vector<16xf32>
      %select_n3A_257 = arith.select %lt3A_4, %masked_sort3A_229, %masked_sort3A_255 : vector<16xi1>, vector<16xi32>
      %masked_sort3A_258 = arith.constant dense<true> : vector<16xi1>
      %masked_sort3A_259, %masked_sort3A_260, %masked_sort3A_261 = tpu.sort %select_n3A_256, %select_n3A_257 masked %masked_sort3A_258 {descending = true} : (vector<16xf32>, vector<16xi32>, vector<16xi1>) -> (vector<16xi1>, vector<16xf32>, vector<16xi32>)
      %get3A_262 = arith.index_cast %scan3A_84 : i32 to index
      %get3A_263 = arith.constant 192 : index
      %get3A_264 = tpu.vector_load %arg4[%get3A_262, %get3A_263] {strides = array<i32>} : memref<32x256xf32, #tpu.memory_space<vmem>>, vector<16xf32>,
      %add3A_265 = arith.constant 192 : i32
      %add3A_266 = vector.broadcast %add3A_265 : i32 to vector<16xi32>
      %add3A_267 = arith.addi %iota3A, %add3A_266 : vector<16xi32>
      %masked_sort3A_268 = arith.constant dense<true> : vector<16xi1>
      %masked_sort3A_269, %masked_sort3A_270, %masked_sort3A_271 = tpu.sort %get3A_264, %add3A_267 masked %masked_sort3A_268 {descending = true} : (vector<16xf32>, vector<16xi32>, vector<16xi1>) -> (vector<16xi1>, vector<16xf32>, vector<16xi32>)
      %get3A_272 = arith.index_cast %scan3A_84 : i32 to index
      %get3A_273 = arith.constant 208 : index
      %get3A_274 = tpu.vector_load %arg4[%get3A_272, %get3A_273] {strides = array<i32>} : memref<32x256xf32, #tpu.memory_space<vmem>>, vector<16xf32>,
      %add3A_275 = arith.constant 208 : i32
      %add3A_276 = vector.broadcast %add3A_275 : i32 to vector<16xi32>
      %add3A_277 = arith.addi %iota3A, %add3A_276 : vector<16xi32>
      %masked_sort3A_278 = arith.constant dense<true> : vector<16xi1>
      %masked_sort3A_279, %masked_sort3A_280, %masked_sort3A_281 = tpu.sort %get3A_274, %add3A_277 masked %masked_sort3A_278 : (vector<16xf32>, vector<16xi32>, vector<16xi1>) -> (vector<16xi1>, vector<16xf32>, vector<16xi32>)
      %select_n3A_282 = arith.select %lt3A_4, %masked_sort3A_270, %masked_sort3A_280 : vector<16xi1>, vector<16xf32>
      %select_n3A_283 = arith.select %lt3A_4, %masked_sort3A_271, %masked_sort3A_281 : vector<16xi1>, vector<16xi32>
      %masked_sort3A_284 = arith.constant dense<true> : vector<16xi1>
      %masked_sort3A_285, %masked_sort3A_286, %masked_sort3A_287 = tpu.sort %select_n3A_282, %select_n3A_283 masked %masked_sort3A_284 {descending = true} : (vector<16xf32>, vector<16xi32>, vector<16xi1>) -> (vector<16xi1>, vector<16xf32>, vector<16xi32>)
      %get3A_288 = arith.index_cast %scan3A_84 : i32 to index
      %get3A_289 = arith.constant 224 : index
      %get3A_290 = tpu.vector_load %arg4[%get3A_288, %get3A_289] {strides = array<i32>} : memref<32x256xf32, #tpu.memory_space<vmem>>, vector<16xf32>,
      %add3A_291 = arith.constant 224 : i32
      %add3A_292 = vector.broadcast %add3A_291 : i32 to vector<16xi32>
      %add3A_293 = arith.addi %iota3A, %add3A_292 : vector<16xi32>
      %masked_sort3A_294 = arith.constant dense<true> : vector<16xi1>
      %masked_sort3A_295, %masked_sort3A_296, %masked_sort3A_297 = tpu.sort %get3A_290, %add3A_293 masked %masked_sort3A_294 {descending = true} : (vector<16xf32>, vector<16xi32>, vector<16xi1>) -> (vector<16xi1>, vector<16xf32>, vector<16xi32>)
      %get3A_298 = arith.index_cast %scan3A_84 : i32 to index
      %get3A_299 = arith.constant 240 : index
      %get3A_300 = tpu.vector_load %arg4[%get3A_298, %get3A_299] {strides = array<i32>} : memref<32x256xf32, #tpu.memory_space<vmem>>, vector<16xf32>,
      %add3A_301 = arith.constant 240 : i32
      %add3A_302 = vector.broadcast %add3A_301 : i32 to vector<16xi32>
      %add3A_303 = arith.addi %iota3A, %add3A_302 : vector<16xi32>
      %masked_sort3A_304 = arith.constant dense<true> : vector<16xi1>
      %masked_sort3A_305, %masked_sort3A_306, %masked_sort3A_307 = tpu.sort %get3A_300, %add3A_303 masked %masked_sort3A_304 : (vector<16xf32>, vector<16xi32>, vector<16xi1>) -> (vector<16xi1>, vector<16xf32>, vector<16xi32>)
      %select_n3A_308 = arith.select %lt3A_4, %masked_sort3A_296, %masked_sort3A_306 : vector<16xi1>, vector<16xf32>
      %select_n3A_309 = arith.select %lt3A_4, %masked_sort3A_297, %masked_sort3A_307 : vector<16xi1>, vector<16xi32>
      %masked_sort3A_310 = arith.constant dense<true> : vector<16xi1>
      %masked_sort3A_311, %masked_sort3A_312, %masked_sort3A_313 = tpu.sort %select_n3A_308, %select_n3A_309 masked %masked_sort3A_310 : (vector<16xf32>, vector<16xi32>, vector<16xi1>) -> (vector<16xi1>, vector<16xf32>, vector<16xi32>)
      %select_n3A_314 = arith.select %lt3A_4, %masked_sort3A_286, %masked_sort3A_312 : vector<16xi1>, vector<16xf32>
      %select_n3A_315 = arith.select %lt3A_4, %masked_sort3A_287, %masked_sort3A_313 : vector<16xi1>, vector<16xi32>
      %masked_sort3A_316 = arith.constant dense<true> : vector<16xi1>
      %masked_sort3A_317, %masked_sort3A_318, %masked_sort3A_319 = tpu.sort %select_n3A_314, %select_n3A_315 masked %masked_sort3A_316 : (vector<16xf32>, vector<16xi32>, vector<16xi1>) -> (vector<16xi1>, vector<16xf32>, vector<16xi32>)
      %select_n3A_320 = arith.select %lt3A_4, %masked_sort3A_260, %masked_sort3A_318 : vector<16xi1>, vector<16xf32>
      %select_n3A_321 = arith.select %lt3A_4, %masked_sort3A_261, %masked_sort3A_319 : vector<16xi1>, vector<16xi32>
      %masked_sort3A_322 = arith.constant dense<true> : vector<16xi1>
      %masked_sort3A_323, %masked_sort3A_324, %masked_sort3A_325 = tpu.sort %select_n3A_320, %select_n3A_321 masked %masked_sort3A_322 : (vector<16xf32>, vector<16xi32>, vector<16xi1>) -> (vector<16xi1>, vector<16xf32>, vector<16xi32>)
      %select_n3A_326 = arith.select %lt3A_4, %masked_sort3A_202, %masked_sort3A_324 : vector<16xi1>, vector<16xf32>
      %select_n3A_327 = arith.select %lt3A_4, %masked_sort3A_203, %masked_sort3A_325 : vector<16xi1>, vector<16xi32>
      %masked_sort3A_328 = arith.constant dense<true> : vector<16xi1>
      %masked_sort3A_329, %masked_sort3A_330, %masked_sort3A_331 = tpu.sort %select_n3A_326, %select_n3A_327 masked %masked_sort3A_328 {descending = true} : (vector<16xf32>, vector<16xi32>, vector<16xi1>) -> (vector<16xi1>, vector<16xf32>, vector<16xi32>)
      %swap3A = arith.constant 0 : index
      %swap3A_332 = tpu.vector_load %arg7[%swap3A] {strides = array<i32>} : memref<16xf32, #tpu.memory_space<vmem>>, vector<16xf32>,
      tpu.vector_store %arg7[%swap3A], %masked_sort3A_330 {strides = array<i32>} : memref<16xf32, #tpu.memory_space<vmem>>, vector<16xf32>,
      %gather3A = tpu.vector_load_idx %arg7[%max3A_8] : memref<16xf32, #tpu.memory_space<vmem>>[vector<16xi32>], vector<16xf32>,
      %ne3A = arith.cmpf one, %masked_sort3A_330, %gather3A : vector<16xf32>
      %jit3A = arith.constant 0 : i32
      %broadcast_in_dim3A = vector.broadcast %jit3A : i32 to vector<16xi32>
      %select_n3A_333 = arith.select %ne3A, %iota3A, %broadcast_in_dim3A : vector<16xi1>, vector<16xi32>
      %broadcast_in_dim3A_334 = arith.constant true
      %broadcast_in_dim3A_335 = vector.broadcast %broadcast_in_dim3A_334 : i1 to vector<16xi1>
      %masked_cummax3A = arith.constant -2147483648 : i32
      %masked_cummax3A_336 = vector.broadcast %masked_cummax3A : i32 to vector<16xi32>
      %masked_cummax3A_337 = arith.xori %select_n3A_333, %masked_cummax3A_336 : vector<16xi32>
      %masked_cummax3A_338 = tpu.scan <max>, %masked_cummax3A_337 masked %broadcast_in_dim3A_335 : vector<16xi32>, vector<16xi1> -> vector<16xi32>
      %masked_cummax3A_339 = arith.xori %masked_cummax3A_338, %masked_cummax3A_336 : vector<16xi32>
      %mul3A_340 = arith.constant 256 : i32
      %mul3A_341 = vector.broadcast %mul3A_340 : i32 to vector<16xi32>
      %mul3A_342 = arith.muli %masked_cummax3A_339, %mul3A_341 : vector<16xi32>
      %add3A_343 = arith.addi %mul3A_342, %masked_sort3A_331 : vector<16xi32>
      %masked_sort3A_344 = arith.constant dense<true> : vector<16xi1>
      %masked_sort3A_345 = arith.constant -2147483648 : i32
      %masked_sort3A_346 = vector.broadcast %masked_sort3A_345 : i32 to vector<16xi32>
      %masked_sort3A_347 = arith.xori %add3A_343, %masked_sort3A_346 : vector<16xi32>
      %masked_sort3A_348, %masked_sort3A_349, %masked_sort3A_350 = tpu.sort %masked_sort3A_347, %masked_sort3A_331 masked %masked_sort3A_344 : (vector<16xi32>, vector<16xi32>, vector<16xi1>) -> (vector<16xi1>, vector<16xi32>, vector<16xi32>)
      %masked_sort3A_351 = arith.xori %masked_sort3A_349, %masked_sort3A_346 : vector<16xi32>
      %add3A_352 = arith.constant 64 : i32
      %add3A_353 = arith.addi %add3A_352, %scan3A_84 : i32
      %swap3A_354 = arith.index_cast %add3A_353 : i32 to index
      %swap3A_355 = arith.constant 0 : index
      %swap3A_356 = tpu.vector_load %arg6[%swap3A_354, %swap3A_355] {strides = array<i32>} : memref<160x16xi32, #tpu.memory_space<vmem>>, vector<16xi32>,
      tpu.vector_store %arg6[%swap3A_354, %swap3A_355], %masked_sort3A_350 {strides = array<i32>} : memref<160x16xi32, #tpu.memory_space<vmem>>, vector<16xi32>,
      %scan3A_357 = arith.constant 1 : i32
      %scan3A_358 = arith.addi %scan3A_84, %scan3A_357 : i32
      %get3A_359 = arith.index_cast %scan3A_358 : i32 to index
      %get3A_360 = arith.constant 0 : index
      %get3A_361 = tpu.vector_load %arg4[%get3A_359, %get3A_360] {strides = array<i32>} : memref<32x256xf32, #tpu.memory_space<vmem>>, vector<16xf32>,
      %add3A_362 = arith.constant 0 : i32
      %add3A_363 = vector.broadcast %add3A_362 : i32 to vector<16xi32>
      %add3A_364 = arith.addi %iota3A, %add3A_363 : vector<16xi32>
      %masked_sort3A_365 = arith.constant dense<true> : vector<16xi1>
      %masked_sort3A_366, %masked_sort3A_367, %masked_sort3A_368 = tpu.sort %get3A_361, %add3A_364 masked %masked_sort3A_365 {descending = true} : (vector<16xf32>, vector<16xi32>, vector<16xi1>) -> (vector<16xi1>, vector<16xf32>, vector<16xi32>)
      %get3A_369 = arith.index_cast %scan3A_358 : i32 to index
      %get3A_370 = arith.constant 16 : index
      %get3A_371 = tpu.vector_load %arg4[%get3A_369, %get3A_370] {strides = array<i32>} : memref<32x256xf32, #tpu.memory_space<vmem>>, vector<16xf32>,
      %add3A_372 = arith.constant 16 : i32
      %add3A_373 = vector.broadcast %add3A_372 : i32 to vector<16xi32>
      %add3A_374 = arith.addi %iota3A, %add3A_373 : vector<16xi32>
      %masked_sort3A_375 = arith.constant dense<true> : vector<16xi1>
      %masked_sort3A_376, %masked_sort3A_377, %masked_sort3A_378 = tpu.sort %get3A_371, %add3A_374 masked %masked_sort3A_375 : (vector<16xf32>, vector<16xi32>, vector<16xi1>) -> (vector<16xi1>, vector<16xf32>, vector<16xi32>)
      %select_n3A_379 = arith.select %lt3A_4, %masked_sort3A_367, %masked_sort3A_377 : vector<16xi1>, vector<16xf32>
      %select_n3A_380 = arith.select %lt3A_4, %masked_sort3A_368, %masked_sort3A_378 : vector<16xi1>, vector<16xi32>
      %masked_sort3A_381 = arith.constant dense<true> : vector<16xi1>
      %masked_sort3A_382, %masked_sort3A_383, %masked_sort3A_384 = tpu.sort %select_n3A_379, %select_n3A_380 masked %masked_sort3A_381 {descending = true} : (vector<16xf32>, vector<16xi32>, vector<16xi1>) -> (vector<16xi1>, vector<16xf32>, vector<16xi32>)
      %get3A_385 = arith.index_cast %scan3A_358 : i32 to index
      %get3A_386 = arith.constant 32 : index
      %get3A_387 = tpu.vector_load %arg4[%get3A_385, %get3A_386] {strides = array<i32>} : memref<32x256xf32, #tpu.memory_space<vmem>>, vector<16xf32>,
      %add3A_388 = arith.constant 32 : i32
      %add3A_389 = vector.broadcast %add3A_388 : i32 to vector<16xi32>
      %add3A_390 = arith.addi %iota3A, %add3A_389 : vector<16xi32>
      %masked_sort3A_391 = arith.constant dense<true> : vector<16xi1>
      %masked_sort3A_392, %masked_sort3A_393, %masked_sort3A_394 = tpu.sort %get3A_387, %add3A_390 masked %masked_sort3A_391 {descending = true} : (vector<16xf32>, vector<16xi32>, vector<16xi1>) -> (vector<16xi1>, vector<16xf32>, vector<16xi32>)
      %get3A_395 = arith.index_cast %scan3A_358 : i32 to index
      %get3A_396 = arith.constant 48 : index
      %get3A_397 = tpu.vector_load %arg4[%get3A_395, %get3A_396] {strides = array<i32>} : memref<32x256xf32, #tpu.memory_space<vmem>>, vector<16xf32>,
      %add3A_398 = arith.constant 48 : i32
      %add3A_399 = vector.broadcast %add3A_398 : i32 to vector<16xi32>
      %add3A_400 = arith.addi %iota3A, %add3A_399 : vector<16xi32>
      %masked_sort3A_401 = arith.constant dense<true> : vector<16xi1>
      %masked_sort3A_402, %masked_sort3A_403, %masked_sort3A_404 = tpu.sort %get3A_397, %add3A_400 masked %masked_sort3A_401 : (vector<16xf32>, vector<16xi32>, vector<16xi1>) -> (vector<16xi1>, vector<16xf32>, vector<16xi32>)
      %select_n3A_405 = arith.select %lt3A_4, %masked_sort3A_393, %masked_sort3A_403 : vector<16xi1>, vector<16xf32>
      %select_n3A_406 = arith.select %lt3A_4, %masked_sort3A_394, %masked_sort3A_404 : vector<16xi1>, vector<16xi32>
      %masked_sort3A_407 = arith.constant dense<true> : vector<16xi1>
      %masked_sort3A_408, %masked_sort3A_409, %masked_sort3A_410 = tpu.sort %select_n3A_405, %select_n3A_406 masked %masked_sort3A_407 : (vector<16xf32>, vector<16xi32>, vector<16xi1>) -> (vector<16xi1>, vector<16xf32>, vector<16xi32>)
      %select_n3A_411 = arith.select %lt3A_4, %masked_sort3A_383, %masked_sort3A_409 : vector<16xi1>, vector<16xf32>
      %select_n3A_412 = arith.select %lt3A_4, %masked_sort3A_384, %masked_sort3A_410 : vector<16xi1>, vector<16xi32>
      %masked_sort3A_413 = arith.constant dense<true> : vector<16xi1>
      %masked_sort3A_414, %masked_sort3A_415, %masked_sort3A_416 = tpu.sort %select_n3A_411, %select_n3A_412 masked %masked_sort3A_413 {descending = true} : (vector<16xf32>, vector<16xi32>, vector<16xi1>) -> (vector<16xi1>, vector<16xf32>, vector<16xi32>)
      %get3A_417 = arith.index_cast %scan3A_358 : i32 to index
      %get3A_418 = arith.constant 64 : index
      %get3A_419 = tpu.vector_load %arg4[%get3A_417, %get3A_418] {strides = array<i32>} : memref<32x256xf32, #tpu.memory_space<vmem>>, vector<16xf32>,
      %add3A_420 = arith.constant 64 : i32
      %add3A_421 = vector.broadcast %add3A_420 : i32 to vector<16xi32>
      %add3A_422 = arith.addi %iota3A, %add3A_421 : vector<16xi32>
      %masked_sort3A_423 = arith.constant dense<true> : vector<16xi1>
      %masked_sort3A_424, %masked_sort3A_425, %masked_sort3A_426 = tpu.sort %get3A_419, %add3A_422 masked %masked_sort3A_423 {descending = true} : (vector<16xf32>, vector<16xi32>, vector<16xi1>) -> (vector<16xi1>, vector<16xf32>, vector<16xi32>)
      %get3A_427 = arith.index_cast %scan3A_358 : i32 to index
      %get3A_428 = arith.constant 80 : index
      %get3A_429 = tpu.vector_load %arg4[%get3A_427, %get3A_428] {strides = array<i32>} : memref<32x256xf32, #tpu.memory_space<vmem>>, vector<16xf32>,
      %add3A_430 = arith.constant 80 : i32
      %add3A_431 = vector.broadcast %add3A_430 : i32 to vector<16xi32>
      %add3A_432 = arith.addi %iota3A, %add3A_431 : vector<16xi32>
      %masked_sort3A_433 = arith.constant dense<true> : vector<16xi1>
      %masked_sort3A_434, %masked_sort3A_435, %masked_sort3A_436 = tpu.sort %get3A_429, %add3A_432 masked %masked_sort3A_433 : (vector<16xf32>, vector<16xi32>, vector<16xi1>) -> (vector<16xi1>, vector<16xf32>, vector<16xi32>)
      %select_n3A_437 = arith.select %lt3A_4, %masked_sort3A_425, %masked_sort3A_435 : vector<16xi1>, vector<16xf32>
      %select_n3A_438 = arith.select %lt3A_4, %masked_sort3A_426, %masked_sort3A_436 : vector<16xi1>, vector<16xi32>
      %masked_sort3A_439 = arith.constant dense<true> : vector<16xi1>
      %masked_sort3A_440, %masked_sort3A_441, %masked_sort3A_442 = tpu.sort %select_n3A_437, %select_n3A_438 masked %masked_sort3A_439 {descending = true} : (vector<16xf32>, vector<16xi32>, vector<16xi1>) -> (vector<16xi1>, vector<16xf32>, vector<16xi32>)
      %get3A_443 = arith.index_cast %scan3A_358 : i32 to index
      %get3A_444 = arith.constant 96 : index
      %get3A_445 = tpu.vector_load %arg4[%get3A_443, %get3A_444] {strides = array<i32>} : memref<32x256xf32, #tpu.memory_space<vmem>>, vector<16xf32>,
      %add3A_446 = arith.constant 96 : i32
      %add3A_447 = vector.broadcast %add3A_446 : i32 to vector<16xi32>
      %add3A_448 = arith.addi %iota3A, %add3A_447 : vector<16xi32>
      %masked_sort3A_449 = arith.constant dense<true> : vector<16xi1>
      %masked_sort3A_450, %masked_sort3A_451, %masked_sort3A_452 = tpu.sort %get3A_445, %add3A_448 masked %masked_sort3A_449 {descending = true} : (vector<16xf32>, vector<16xi32>, vector<16xi1>) -> (vector<16xi1>, vector<16xf32>, vector<16xi32>)
      %get3A_453 = arith.index_cast %scan3A_358 : i32 to index
      %get3A_454 = arith.constant 112 : index
      %get3A_455 = tpu.vector_load %arg4[%get3A_453, %get3A_454] {strides = array<i32>} : memref<32x256xf32, #tpu.memory_space<vmem>>, vector<16xf32>,
      %add3A_456 = arith.constant 112 : i32
      %add3A_457 = vector.broadcast %add3A_456 : i32 to vector<16xi32>
      %add3A_458 = arith.addi %iota3A, %add3A_457 : vector<16xi32>
      %masked_sort3A_459 = arith.constant dense<true> : vector<16xi1>
      %masked_sort3A_460, %masked_sort3A_461, %masked_sort3A_462 = tpu.sort %get3A_455, %add3A_458 masked %masked_sort3A_459 : (vector<16xf32>, vector<16xi32>, vector<16xi1>) -> (vector<16xi1>, vector<16xf32>, vector<16xi32>)
      %select_n3A_463 = arith.select %lt3A_4, %masked_sort3A_451, %masked_sort3A_461 : vector<16xi1>, vector<16xf32>
      %select_n3A_464 = arith.select %lt3A_4, %masked_sort3A_452, %masked_sort3A_462 : vector<16xi1>, vector<16xi32>
      %masked_sort3A_465 = arith.constant dense<true> : vector<16xi1>
      %masked_sort3A_466, %masked_sort3A_467, %masked_sort3A_468 = tpu.sort %select_n3A_463, %select_n3A_464 masked %masked_sort3A_465 : (vector<16xf32>, vector<16xi32>, vector<16xi1>) -> (vector<16xi1>, vector<16xf32>, vector<16xi32>)
      %select_n3A_469 = arith.select %lt3A_4, %masked_sort3A_441, %masked_sort3A_467 : vector<16xi1>, vector<16xf32>
      %select_n3A_470 = arith.select %lt3A_4, %masked_sort3A_442, %masked_sort3A_468 : vector<16xi1>, vector<16xi32>
      %masked_sort3A_471 = arith.constant dense<true> : vector<16xi1>
      %masked_sort3A_472, %masked_sort3A_473, %masked_sort3A_474 = tpu.sort %select_n3A_469, %select_n3A_470 masked %masked_sort3A_471 : (vector<16xf32>, vector<16xi32>, vector<16xi1>) -> (vector<16xi1>, vector<16xf32>, vector<16xi32>)
      %select_n3A_475 = arith.select %lt3A_4, %masked_sort3A_415, %masked_sort3A_473 : vector<16xi1>, vector<16xf32>
      %select_n3A_476 = arith.select %lt3A_4, %masked_sort3A_416, %masked_sort3A_474 : vector<16xi1>, vector<16xi32>
      %masked_sort3A_477 = arith.constant dense<true> : vector<16xi1>
      %masked_sort3A_478, %masked_sort3A_479, %masked_sort3A_480 = tpu.sort %select_n3A_475, %select_n3A_476 masked %masked_sort3A_477 {descending = true} : (vector<16xf32>, vector<16xi32>, vector<16xi1>) -> (vector<16xi1>, vector<16xf32>, vector<16xi32>)
      %get3A_481 = arith.index_cast %scan3A_358 : i32 to index
      %get3A_482 = arith.constant 128 : index
      %get3A_483 = tpu.vector_load %arg4[%get3A_481, %get3A_482] {strides = array<i32>} : memref<32x256xf32, #tpu.memory_space<vmem>>, vector<16xf32>,
      %add3A_484 = arith.constant 128 : i32
      %add3A_485 = vector.broadcast %add3A_484 : i32 to vector<16xi32>
      %add3A_486 = arith.addi %iota3A, %add3A_485 : vector<16xi32>
      %masked_sort3A_487 = arith.constant dense<true> : vector<16xi1>
      %masked_sort3A_488, %masked_sort3A_489, %masked_sort3A_490 = tpu.sort %get3A_483, %add3A_486 masked %masked_sort3A_487 {descending = true} : (vector<16xf32>, vector<16xi32>, vector<16xi1>) -> (vector<16xi1>, vector<16xf32>, vector<16xi32>)
      %get3A_491 = arith.index_cast %scan3A_358 : i32 to index
      %get3A_492 = arith.constant 144 : index
      %get3A_493 = tpu.vector_load %arg4[%get3A_491, %get3A_492] {strides = array<i32>} : memref<32x256xf32, #tpu.memory_space<vmem>>, vector<16xf32>,
      %add3A_494 = arith.constant 144 : i32
      %add3A_495 = vector.broadcast %add3A_494 : i32 to vector<16xi32>
      %add3A_496 = arith.addi %iota3A, %add3A_495 : vector<16xi32>
      %masked_sort3A_497 = arith.constant dense<true> : vector<16xi1>
      %masked_sort3A_498, %masked_sort3A_499, %masked_sort3A_500 = tpu.sort %get3A_493, %add3A_496 masked %masked_sort3A_497 : (vector<16xf32>, vector<16xi32>, vector<16xi1>) -> (vector<16xi1>, vector<16xf32>, vector<16xi32>)
      %select_n3A_501 = arith.select %lt3A_4, %masked_sort3A_489, %masked_sort3A_499 : vector<16xi1>, vector<16xf32>
      %select_n3A_502 = arith.select %lt3A_4, %masked_sort3A_490, %masked_sort3A_500 : vector<16xi1>, vector<16xi32>
      %masked_sort3A_503 = arith.constant dense<true> : vector<16xi1>
      %masked_sort3A_504, %masked_sort3A_505, %masked_sort3A_506 = tpu.sort %select_n3A_501, %select_n3A_502 masked %masked_sort3A_503 {descending = true} : (vector<16xf32>, vector<16xi32>, vector<16xi1>) -> (vector<16xi1>, vector<16xf32>, vector<16xi32>)
      %get3A_507 = arith.index_cast %scan3A_358 : i32 to index
      %get3A_508 = arith.constant 160 : index
      %get3A_509 = tpu.vector_load %arg4[%get3A_507, %get3A_508] {strides = array<i32>} : memref<32x256xf32, #tpu.memory_space<vmem>>, vector<16xf32>,
      %add3A_510 = arith.constant 160 : i32
      %add3A_511 = vector.broadcast %add3A_510 : i32 to vector<16xi32>
      %add3A_512 = arith.addi %iota3A, %add3A_511 : vector<16xi32>
      %masked_sort3A_513 = arith.constant dense<true> : vector<16xi1>
      %masked_sort3A_514, %masked_sort3A_515, %masked_sort3A_516 = tpu.sort %get3A_509, %add3A_512 masked %masked_sort3A_513 {descending = true} : (vector<16xf32>, vector<16xi32>, vector<16xi1>) -> (vector<16xi1>, vector<16xf32>, vector<16xi32>)
      %get3A_517 = arith.index_cast %scan3A_358 : i32 to index
      %get3A_518 = arith.constant 176 : index
      %get3A_519 = tpu.vector_load %arg4[%get3A_517, %get3A_518] {strides = array<i32>} : memref<32x256xf32, #tpu.memory_space<vmem>>, vector<16xf32>,
      %add3A_520 = arith.constant 176 : i32
      %add3A_521 = vector.broadcast %add3A_520 : i32 to vector<16xi32>
      %add3A_522 = arith.addi %iota3A, %add3A_521 : vector<16xi32>
      %masked_sort3A_523 = arith.constant dense<true> : vector<16xi1>
      %masked_sort3A_524, %masked_sort3A_525, %masked_sort3A_526 = tpu.sort %get3A_519, %add3A_522 masked %masked_sort3A_523 : (vector<16xf32>, vector<16xi32>, vector<16xi1>) -> (vector<16xi1>, vector<16xf32>, vector<16xi32>)
      %select_n3A_527 = arith.select %lt3A_4, %masked_sort3A_515, %masked_sort3A_525 : vector<16xi1>, vector<16xf32>
      %select_n3A_528 = arith.select %lt3A_4, %masked_sort3A_516, %masked_sort3A_526 : vector<16xi1>, vector<16xi32>
      %masked_sort3A_529 = arith.constant dense<true> : vector<16xi1>
      %masked_sort3A_530, %masked_sort3A_531, %masked_sort3A_532 = tpu.sort %select_n3A_527, %select_n3A_528 masked %masked_sort3A_529 : (vector<16xf32>, vector<16xi32>, vector<16xi1>) -> (vector<16xi1>, vector<16xf32>, vector<16xi32>)
      %select_n3A_533 = arith.select %lt3A_4, %masked_sort3A_505, %masked_sort3A_531 : vector<16xi1>, vector<16xf32>
      %select_n3A_534 = arith.select %lt3A_4, %masked_sort3A_506, %masked_sort3A_532 : vector<16xi1>, vector<16xi32>
      %masked_sort3A_535 = arith.constant dense<true> : vector<16xi1>
      %masked_sort3A_536, %masked_sort3A_537, %masked_sort3A_538 = tpu.sort %select_n3A_533, %select_n3A_534 masked %masked_sort3A_535 {descending = true} : (vector<16xf32>, vector<16xi32>, vector<16xi1>) -> (vector<16xi1>, vector<16xf32>, vector<16xi32>)
      %get3A_539 = arith.index_cast %scan3A_358 : i32 to index
      %get3A_540 = arith.constant 192 : index
      %get3A_541 = tpu.vector_load %arg4[%get3A_539, %get3A_540] {strides = array<i32>} : memref<32x256xf32, #tpu.memory_space<vmem>>, vector<16xf32>,
      %add3A_542 = arith.constant 192 : i32
      %add3A_543 = vector.broadcast %add3A_542 : i32 to vector<16xi32>
      %add3A_544 = arith.addi %iota3A, %add3A_543 : vector<16xi32>
      %masked_sort3A_545 = arith.constant dense<true> : vector<16xi1>
      %masked_sort3A_546, %masked_sort3A_547, %masked_sort3A_548 = tpu.sort %get3A_541, %add3A_544 masked %masked_sort3A_545 {descending = true} : (vector<16xf32>, vector<16xi32>, vector<16xi1>) -> (vector<16xi1>, vector<16xf32>, vector<16xi32>)
      %get3A_549 = arith.index_cast %scan3A_358 : i32 to index
      %get3A_550 = arith.constant 208 : index
      %get3A_551 = tpu.vector_load %arg4[%get3A_549, %get3A_550] {strides = array<i32>} : memref<32x256xf32, #tpu.memory_space<vmem>>, vector<16xf32>,
      %add3A_552 = arith.constant 208 : i32
      %add3A_553 = vector.broadcast %add3A_552 : i32 to vector<16xi32>
      %add3A_554 = arith.addi %iota3A, %add3A_553 : vector<16xi32>
      %masked_sort3A_555 = arith.constant dense<true> : vector<16xi1>
      %masked_sort3A_556, %masked_sort3A_557, %masked_sort3A_558 = tpu.sort %get3A_551, %add3A_554 masked %masked_sort3A_555 : (vector<16xf32>, vector<16xi32>, vector<16xi1>) -> (vector<16xi1>, vector<16xf32>, vector<16xi32>)
      %select_n3A_559 = arith.select %lt3A_4, %masked_sort3A_547, %masked_sort3A_557 : vector<16xi1>, vector<16xf32>
      %select_n3A_560 = arith.select %lt3A_4, %masked_sort3A_548, %masked_sort3A_558 : vector<16xi1>, vector<16xi32>
      %masked_sort3A_561 = arith.constant dense<true> : vector<16xi1>
      %masked_sort3A_562, %masked_sort3A_563, %masked_sort3A_564 = tpu.sort %select_n3A_559, %select_n3A_560 masked %masked_sort3A_561 {descending = true} : (vector<16xf32>, vector<16xi32>, vector<16xi1>) -> (vector<16xi1>, vector<16xf32>, vector<16xi32>)
      %get3A_565 = arith.index_cast %scan3A_358 : i32 to index
      %get3A_566 = arith.constant 224 : index
      %get3A_567 = tpu.vector_load %arg4[%get3A_565, %get3A_566] {strides = array<i32>} : memref<32x256xf32, #tpu.memory_space<vmem>>, vector<16xf32>,
      %add3A_568 = arith.constant 224 : i32
      %add3A_569 = vector.broadcast %add3A_568 : i32 to vector<16xi32>
      %add3A_570 = arith.addi %iota3A, %add3A_569 : vector<16xi32>
      %masked_sort3A_571 = arith.constant dense<true> : vector<16xi1>
      %masked_sort3A_572, %masked_sort3A_573, %masked_sort3A_574 = tpu.sort %get3A_567, %add3A_570 masked %masked_sort3A_571 {descending = true} : (vector<16xf32>, vector<16xi32>, vector<16xi1>) -> (vector<16xi1>, vector<16xf32>, vector<16xi32>)
      %get3A_575 = arith.index_cast %scan3A_358 : i32 to index
      %get3A_576 = arith.constant 240 : index
      %get3A_577 = tpu.vector_load %arg4[%get3A_575, %get3A_576] {strides = array<i32>} : memref<32x256xf32, #tpu.memory_space<vmem>>, vector<16xf32>,
      %add3A_578 = arith.constant 240 : i32
      %add3A_579 = vector.broadcast %add3A_578 : i32 to vector<16xi32>
      %add3A_580 = arith.addi %iota3A, %add3A_579 : vector<16xi32>
      %masked_sort3A_581 = arith.constant dense<true> : vector<16xi1>
      %masked_sort3A_582, %masked_sort3A_583, %masked_sort3A_584 = tpu.sort %get3A_577, %add3A_580 masked %masked_sort3A_581 : (vector<16xf32>, vector<16xi32>, vector<16xi1>) -> (vector<16xi1>, vector<16xf32>, vector<16xi32>)
      %select_n3A_585 = arith.select %lt3A_4, %masked_sort3A_573, %masked_sort3A_583 : vector<16xi1>, vector<16xf32>
      %select_n3A_586 = arith.select %lt3A_4, %masked_sort3A_574, %masked_sort3A_584 : vector<16xi1>, vector<16xi32>
      %masked_sort3A_587 = arith.constant dense<true> : vector<16xi1>
      %masked_sort3A_588, %masked_sort3A_589, %masked_sort3A_590 = tpu.sort %select_n3A_585, %select_n3A_586 masked %masked_sort3A_587 : (vector<16xf32>, vector<16xi32>, vector<16xi1>) -> (vector<16xi1>, vector<16xf32>, vector<16xi32>)
      %select_n3A_591 = arith.select %lt3A_4, %masked_sort3A_563, %masked_sort3A_589 : vector<16xi1>, vector<16xf32>
      %select_n3A_592 = arith.select %lt3A_4, %masked_sort3A_564, %masked_sort3A_590 : vector<16xi1>, vector<16xi32>
      %masked_sort3A_593 = arith.constant dense<true> : vector<16xi1>
      %masked_sort3A_594, %masked_sort3A_595, %masked_sort3A_596 = tpu.sort %select_n3A_591, %select_n3A_592 masked %masked_sort3A_593 : (vector<16xf32>, vector<16xi32>, vector<16xi1>) -> (vector<16xi1>, vector<16xf32>, vector<16xi32>)
      %select_n3A_597 = arith.select %lt3A_4, %masked_sort3A_537, %masked_sort3A_595 : vector<16xi1>, vector<16xf32>
      %select_n3A_598 = arith.select %lt3A_4, %masked_sort3A_538, %masked_sort3A_596 : vector<16xi1>, vector<16xi32>
      %masked_sort3A_599 = arith.constant dense<true> : vector<16xi1>
      %masked_sort3A_600, %masked_sort3A_601, %masked_sort3A_602 = tpu.sort %select_n3A_597, %select_n3A_598 masked %masked_sort3A_599 : (vector<16xf32>, vector<16xi32>, vector<16xi1>) -> (vector<16xi1>, vector<16xf32>, vector<16xi32>)
      %select_n3A_603 = arith.select %lt3A_4, %masked_sort3A_479, %masked_sort3A_601 : vector<16xi1>, vector<16xf32>
      %select_n3A_604 = arith.select %lt3A_4, %masked_sort3A_480, %masked_sort3A_602 : vector<16xi1>, vector<16xi32>
      %masked_sort3A_605 = arith.constant dense<true> : vector<16xi1>
      %masked_sort3A_606, %masked_sort3A_607, %masked_sort3A_608 = tpu.sort %select_n3A_603, %select_n3A_604 masked %masked_sort3A_605 {descending = true} : (vector<16xf32>, vector<16xi32>, vector<16xi1>) -> (vector<16xi1>, vector<16xf32>, vector<16xi32>)
      %swap3A_609 = arith.constant 0 : index
      %swap3A_610 = tpu.vector_load %arg7[%swap3A_609] {strides = array<i32>} : memref<16xf32, #tpu.memory_space<vmem>>, vector<16xf32>,
      tpu.vector_store %arg7[%swap3A_609], %masked_sort3A_607 {strides = array<i32>} : memref<16xf32, #tpu.memory_space<vmem>>, vector<16xf32>,
      %gather3A_611 = tpu.vector_load_idx %arg7[%max3A_8] : memref<16xf32, #tpu.memory_space<vmem>>[vector<16xi32>], vector<16xf32>,
      %ne3A_612 = arith.cmpf one, %masked_sort3A_607, %gather3A_611 : vector<16xf32>
      %jit3A_613 = arith.constant 0 : i32
      %broadcast_in_dim3A_614 = vector.broadcast %jit3A_613 : i32 to vector<16xi32>
      %select_n3A_615 = arith.select %ne3A_612, %iota3A, %broadcast_in_dim3A_614 : vector<16xi1>, vector<16xi32>
      %broadcast_in_dim3A_616 = arith.constant true
      %broadcast_in_dim3A_617 = vector.broadcast %broadcast_in_dim3A_616 : i1 to vector<16xi1>
      %masked_cummax3A_618 = arith.constant -2147483648 : i32
      %masked_cummax3A_619 = vector.broadcast %masked_cummax3A_618 : i32 to vector<16xi32>
      %masked_cummax3A_620 = arith.xori %select_n3A_615, %masked_cummax3A_619 : vector<16xi32>
      %masked_cummax3A_621 = tpu.scan <max>, %masked_cummax3A_620 masked %broadcast_in_dim3A_617 : vector<16xi32>, vector<16xi1> -> vector<16xi32>
      %masked_cummax3A_622 = arith.xori %masked_cummax3A_621, %masked_cummax3A_619 : vector<16xi32>
      %mul3A_623 = arith.constant 256 : i32
      %mul3A_624 = vector.broadcast %mul3A_623 : i32 to vector<16xi32>
      %mul3A_625 = arith.muli %masked_cummax3A_622, %mul3A_624 : vector<16xi32>
      %add3A_626 = arith.addi %mul3A_625, %masked_sort3A_608 : vector<16xi32>
      %masked_sort3A_627 = arith.constant dense<true> : vector<16xi1>
      %masked_sort3A_628 = arith.constant -2147483648 : i32
      %masked_sort3A_629 = vector.broadcast %masked_sort3A_628 : i32 to vector<16xi32>
      %masked_sort3A_630 = arith.xori %add3A_626, %masked_sort3A_629 : vector<16xi32>
      %masked_sort3A_631, %masked_sort3A_632, %masked_sort3A_633 = tpu.sort %masked_sort3A_630, %masked_sort3A_608 masked %masked_sort3A_627 : (vector<16xi32>, vector<16xi32>, vector<16xi1>) -> (vector<16xi1>, vector<16xi32>, vector<16xi32>)
      %masked_sort3A_634 = arith.xori %masked_sort3A_632, %masked_sort3A_629 : vector<16xi32>
      %add3A_635 = arith.constant 64 : i32
      %add3A_636 = arith.addi %add3A_635, %scan3A_358 : i32
      %swap3A_637 = arith.index_cast %add3A_636 : i32 to index
      %swap3A_638 = arith.constant 0 : index
      %swap3A_639 = tpu.vector_load %arg6[%swap3A_637, %swap3A_638] {strides = array<i32>} : memref<160x16xi32, #tpu.memory_space<vmem>>, vector<16xi32>,
      tpu.vector_store %arg6[%swap3A_637, %swap3A_638], %masked_sort3A_633 {strides = array<i32>} : memref<160x16xi32, #tpu.memory_space<vmem>>, vector<16xi32>,
    }
    %scan3A_57 = arith.constant 32 : i32
    %add3A_58 = arith.constant 128 : i32
    %add3A_59 = arith.addi %mul3A_2, %add3A_58 : i32
    %dma_start3A_60 = arith.constant 0 : i32
    %dma_start3A_61 = tpu.memref_slice %arg2[%add3A_59, %dma_start3A_60] : memref<5120x256xf32, #tpu.memory_space<hbm>> -> memref<32x256xf32, #tpu.memory_space<hbm>>
    %dma_start3A_62 = arith.constant 0 : i32
    %dma_start3A_63 = tpu.memref_slice %arg2[%add3A_59, %dma_start3A_62] : memref<5120x256xf32, #tpu.memory_space<hbm>> -> memref<32x256xf32, #tpu.memory_space<hbm>>
    tpu.enqueue_dma source(%dma_start3A_63 : memref<32x256xf32, #tpu.memory_space<hbm>>) target(%arg4 : memref<32x256xf32, #tpu.memory_space<vmem>>) target_semaphore(%arg8 : memref<!tpu.dma_semaphore, #tpu.memory_space<semaphore_mem>>)
    %dma_wait3A_64 = arith.constant 0 : i32
    %dma_wait3A_65 = tpu.memref_slice %arg2[%add3A_43, %dma_wait3A_64] : memref<5120x256xf32, #tpu.memory_space<hbm>> -> memref<32x256xf32, #tpu.memory_space<hbm>>
    %dma_wait3A_66 = arith.constant 0 : i32
    %dma_wait3A_67 = tpu.memref_slice %arg2[%add3A_43, %dma_wait3A_66] : memref<5120x256xf32, #tpu.memory_space<hbm>> -> memref<32x256xf32, #tpu.memory_space<hbm>>
    tpu.wait_dma2 semaphore(%arg9 : memref<!tpu.dma_semaphore, #tpu.memory_space<semaphore_mem>>) src(%dma_wait3A_67 : memref<32x256xf32, #tpu.memory_space<hbm>>) dst(%arg5 : memref<32x256xf32, #tpu.memory_space<vmem>>)
    %scan3A_68 = arith.constant 0 : i32
    %scan3A_69 = arith.constant 0 : i32
    %scan3A_70 = arith.constant 32 : i32
    %scan3A_71 = arith.addi %scan3A_69, %scan3A_70 : i32
    %scan3A_72 = arith.constant 2 : i32
    scf.for %scan3A_84 = %scan3A_69 to %scan3A_71 step %scan3A_72  : i32 {
      %get3A = arith.index_cast %scan3A_84 : i32 to index
      %get3A_85 = arith.constant 0 : index
      %get3A_86 = tpu.vector_load %arg5[%get3A, %get3A_85] {strides = array<i32>} : memref<32x256xf32, #tpu.memory_space<vmem>>, vector<16xf32>,
      %add3A_87 = arith.constant 0 : i32
      %add3A_88 = vector.broadcast %add3A_87 : i32 to vector<16xi32>
      %add3A_89 = arith.addi %iota3A, %add3A_88 : vector<16xi32>
      %masked_sort3A = arith.constant dense<true> : vector<16xi1>
      %masked_sort3A_90, %masked_sort3A_91, %masked_sort3A_92 = tpu.sort %get3A_86, %add3A_89 masked %masked_sort3A {descending = true} : (vector<16xf32>, vector<16xi32>, vector<16xi1>) -> (vector<16xi1>, vector<16xf32>, vector<16xi32>)
      %get3A_93 = arith.index_cast %scan3A_84 : i32 to index
      %get3A_94 = arith.constant 16 : index
      %get3A_95 = tpu.vector_load %arg5[%get3A_93, %get3A_94] {strides = array<i32>} : memref<32x256xf32, #tpu.memory_space<vmem>>, vector<16xf32>,
      %add3A_96 = arith.constant 16 : i32
      %add3A_97 = vector.broadcast %add3A_96 : i32 to vector<16xi32>
      %add3A_98 = arith.addi %iota3A, %add3A_97 : vector<16xi32>
      %masked_sort3A_99 = arith.constant dense<true> : vector<16xi1>
      %masked_sort3A_100, %masked_sort3A_101, %masked_sort3A_102 = tpu.sort %get3A_95, %add3A_98 masked %masked_sort3A_99 : (vector<16xf32>, vector<16xi32>, vector<16xi1>) -> (vector<16xi1>, vector<16xf32>, vector<16xi32>)
      %select_n3A = arith.select %lt3A_4, %masked_sort3A_91, %masked_sort3A_101 : vector<16xi1>, vector<16xf32>
      %select_n3A_103 = arith.select %lt3A_4, %masked_sort3A_92, %masked_sort3A_102 : vector<16xi1>, vector<16xi32>
      %masked_sort3A_104 = arith.constant dense<true> : vector<16xi1>
      %masked_sort3A_105, %masked_sort3A_106, %masked_sort3A_107 = tpu.sort %select_n3A, %select_n3A_103 masked %masked_sort3A_104 {descending = true} : (vector<16xf32>, vector<16xi32>, vector<16xi1>) -> (vector<16xi1>, vector<16xf32>, vector<16xi32>)
      %get3A_108 = arith.index_cast %scan3A_84 : i32 to index
      %get3A_109 = arith.constant 32 : index
      %get3A_110 = tpu.vector_load %arg5[%get3A_108, %get3A_109] {strides = array<i32>} : memref<32x256xf32, #tpu.memory_space<vmem>>, vector<16xf32>,
      %add3A_111 = arith.constant 32 : i32
      %add3A_112 = vector.broadcast %add3A_111 : i32 to vector<16xi32>
      %add3A_113 = arith.addi %iota3A, %add3A_112 : vector<16xi32>
      %masked_sort3A_114 = arith.constant dense<true> : vector<16xi1>
      %masked_sort3A_115, %masked_sort3A_116, %masked_sort3A_117 = tpu.sort %get3A_110, %add3A_113 masked %masked_sort3A_114 {descending = true} : (vector<16xf32>, vector<16xi32>, vector<16xi1>) -> (vector<16xi1>, vector<16xf32>, vector<16xi32>)
      %get3A_118 = arith.index_cast %scan3A_84 : i32 to index
      %get3A_119 = arith.constant 48 : index
      %get3A_120 = tpu.vector_load %arg5[%get3A_118, %get3A_119] {strides = array<i32>} : memref<32x256xf32, #tpu.memory_space<vmem>>, vector<16xf32>,
      %add3A_121 = arith.constant 48 : i32
      %add3A_122 = vector.broadcast %add3A_121 : i32 to vector<16xi32>
      %add3A_123 = arith.addi %iota3A, %add3A_122 : vector<16xi32>
      %masked_sort3A_124 = arith.constant dense<true> : vector<16xi1>
      %masked_sort3A_125, %masked_sort3A_126, %masked_sort3A_127 = tpu.sort %get3A_120, %add3A_123 masked %masked_sort3A_124 : (vector<16xf32>, vector<16xi32>, vector<16xi1>) -> (vector<16xi1>, vector<16xf32>, vector<16xi32>)
      %select_n3A_128 = arith.select %lt3A_4, %masked_sort3A_116, %masked_sort3A_126 : vector<16xi1>, vector<16xf32>
      %select_n3A_129 = arith.select %lt3A_4, %masked_sort3A_117, %masked_sort3A_127 : vector<16xi1>, vector<16xi32>
      %masked_sort3A_130 = arith.constant dense<true> : vector<16xi1>
      %masked_sort3A_131, %masked_sort3A_132, %masked_sort3A_133 = tpu.sort %select_n3A_128, %select_n3A_129 masked %masked_sort3A_130 : (vector<16xf32>, vector<16xi32>, vector<16xi1>) -> (vector<16xi1>, vector<16xf32>, vector<16xi32>)
      %select_n3A_134 = arith.select %lt3A_4, %masked_sort3A_106, %masked_sort3A_132 : vector<16xi1>, vector<16xf32>
      %select_n3A_135 = arith.select %lt3A_4, %masked_sort3A_107, %masked_sort3A_133 : vector<16xi1>, vector<16xi32>
      %masked_sort3A_136 = arith.constant dense<true> : vector<16xi1>
      %masked_sort3A_137, %masked_sort3A_138, %masked_sort3A_139 = tpu.sort %select_n3A_134, %select_n3A_135 masked %masked_sort3A_136 {descending = true} : (vector<16xf32>, vector<16xi32>, vector<16xi1>) -> (vector<16xi1>, vector<16xf32>, vector<16xi32>)
      %get3A_140 = arith.index_cast %scan3A_84 : i32 to index
      %get3A_141 = arith.constant 64 : index
      %get3A_142 = tpu.vector_load %arg5[%get3A_140, %get3A_141] {strides = array<i32>} : memref<32x256xf32, #tpu.memory_space<vmem>>, vector<16xf32>,
      %add3A_143 = arith.constant 64 : i32
      %add3A_144 = vector.broadcast %add3A_143 : i32 to vector<16xi32>
      %add3A_145 = arith.addi %iota3A, %add3A_144 : vector<16xi32>
      %masked_sort3A_146 = arith.constant dense<true> : vector<16xi1>
      %masked_sort3A_147, %masked_sort3A_148, %masked_sort3A_149 = tpu.sort %get3A_142, %add3A_145 masked %masked_sort3A_146 {descending = true} : (vector<16xf32>, vector<16xi32>, vector<16xi1>) -> (vector<16xi1>, vector<16xf32>, vector<16xi32>)
      %get3A_150 = arith.index_cast %scan3A_84 : i32 to index
      %get3A_151 = arith.constant 80 : index
      %get3A_152 = tpu.vector_load %arg5[%get3A_150, %get3A_151] {strides = array<i32>} : memref<32x256xf32, #tpu.memory_space<vmem>>, vector<16xf32>,
      %add3A_153 = arith.constant 80 : i32
      %add3A_154 = vector.broadcast %add3A_153 : i32 to vector<16xi32>
      %add3A_155 = arith.addi %iota3A, %add3A_154 : vector<16xi32>
      %masked_sort3A_156 = arith.constant dense<true> : vector<16xi1>
      %masked_sort3A_157, %masked_sort3A_158, %masked_sort3A_159 = tpu.sort %get3A_152, %add3A_155 masked %masked_sort3A_156 : (vector<16xf32>, vector<16xi32>, vector<16xi1>) -> (vector<16xi1>, vector<16xf32>, vector<16xi32>)
      %select_n3A_160 = arith.select %lt3A_4, %masked_sort3A_148, %masked_sort3A_158 : vector<16xi1>, vector<16xf32>
      %select_n3A_161 = arith.select %lt3A_4, %masked_sort3A_149, %masked_sort3A_159 : vector<16xi1>, vector<16xi32>
      %masked_sort3A_162 = arith.constant dense<true> : vector<16xi1>
      %masked_sort3A_163, %masked_sort3A_164, %masked_sort3A_165 = tpu.sort %select_n3A_160, %select_n3A_161 masked %masked_sort3A_162 {descending = true} : (vector<16xf32>, vector<16xi32>, vector<16xi1>) -> (vector<16xi1>, vector<16xf32>, vector<16xi32>)
      %get3A_166 = arith.index_cast %scan3A_84 : i32 to index
      %get3A_167 = arith.constant 96 : index
      %get3A_168 = tpu.vector_load %arg5[%get3A_166, %get3A_167] {strides = array<i32>} : memref<32x256xf32, #tpu.memory_space<vmem>>, vector<16xf32>,
      %add3A_169 = arith.constant 96 : i32
      %add3A_170 = vector.broadcast %add3A_169 : i32 to vector<16xi32>
      %add3A_171 = arith.addi %iota3A, %add3A_170 : vector<16xi32>
      %masked_sort3A_172 = arith.constant dense<true> : vector<16xi1>
      %masked_sort3A_173, %masked_sort3A_174, %masked_sort3A_175 = tpu.sort %get3A_168, %add3A_171 masked %masked_sort3A_172 {descending = true} : (vector<16xf32>, vector<16xi32>, vector<16xi1>) -> (vector<16xi1>, vector<16xf32>, vector<16xi32>)
      %get3A_176 = arith.index_cast %scan3A_84 : i32 to index
      %get3A_177 = arith.constant 112 : index
      %get3A_178 = tpu.vector_load %arg5[%get3A_176, %get3A_177] {strides = array<i32>} : memref<32x256xf32, #tpu.memory_space<vmem>>, vector<16xf32>,
      %add3A_179 = arith.constant 112 : i32
      %add3A_180 = vector.broadcast %add3A_179 : i32 to vector<16xi32>
      %add3A_181 = arith.addi %iota3A, %add3A_180 : vector<16xi32>
      %masked_sort3A_182 = arith.constant dense<true> : vector<16xi1>
      %masked_sort3A_183, %masked_sort3A_184, %masked_sort3A_185 = tpu.sort %get3A_178, %add3A_181 masked %masked_sort3A_182 : (vector<16xf32>, vector<16xi32>, vector<16xi1>) -> (vector<16xi1>, vector<16xf32>, vector<16xi32>)
      %select_n3A_186 = arith.select %lt3A_4, %masked_sort3A_174, %masked_sort3A_184 : vector<16xi1>, vector<16xf32>
      %select_n3A_187 = arith.select %lt3A_4, %masked_sort3A_175, %masked_sort3A_185 : vector<16xi1>, vector<16xi32>
      %masked_sort3A_188 = arith.constant dense<true> : vector<16xi1>
      %masked_sort3A_189, %masked_sort3A_190, %masked_sort3A_191 = tpu.sort %select_n3A_186, %select_n3A_187 masked %masked_sort3A_188 : (vector<16xf32>, vector<16xi32>, vector<16xi1>) -> (vector<16xi1>, vector<16xf32>, vector<16xi32>)
      %select_n3A_192 = arith.select %lt3A_4, %masked_sort3A_164, %masked_sort3A_190 : vector<16xi1>, vector<16xf32>
      %select_n3A_193 = arith.select %lt3A_4, %masked_sort3A_165, %masked_sort3A_191 : vector<16xi1>, vector<16xi32>
      %masked_sort3A_194 = arith.constant dense<true> : vector<16xi1>
      %masked_sort3A_195, %masked_sort3A_196, %masked_sort3A_197 = tpu.sort %select_n3A_192, %select_n3A_193 masked %masked_sort3A_194 : (vector<16xf32>, vector<16xi32>, vector<16xi1>) -> (vector<16xi1>, vector<16xf32>, vector<16xi32>)
      %select_n3A_198 = arith.select %lt3A_4, %masked_sort3A_138, %masked_sort3A_196 : vector<16xi1>, vector<16xf32>
      %select_n3A_199 = arith.select %lt3A_4, %masked_sort3A_139, %masked_sort3A_197 : vector<16xi1>, vector<16xi32>
      %masked_sort3A_200 = arith.constant dense<true> : vector<16xi1>
      %masked_sort3A_201, %masked_sort3A_202, %masked_sort3A_203 = tpu.sort %select_n3A_198, %select_n3A_199 masked %masked_sort3A_200 {descending = true} : (vector<16xf32>, vector<16xi32>, vector<16xi1>) -> (vector<16xi1>, vector<16xf32>, vector<16xi32>)
      %get3A_204 = arith.index_cast %scan3A_84 : i32 to index
      %get3A_205 = arith.constant 128 : index
      %get3A_206 = tpu.vector_load %arg5[%get3A_204, %get3A_205] {strides = array<i32>} : memref<32x256xf32, #tpu.memory_space<vmem>>, vector<16xf32>,
      %add3A_207 = arith.constant 128 : i32
      %add3A_208 = vector.broadcast %add3A_207 : i32 to vector<16xi32>
      %add3A_209 = arith.addi %iota3A, %add3A_208 : vector<16xi32>
      %masked_sort3A_210 = arith.constant dense<true> : vector<16xi1>
      %masked_sort3A_211, %masked_sort3A_212, %masked_sort3A_213 = tpu.sort %get3A_206, %add3A_209 masked %masked_sort3A_210 {descending = true} : (vector<16xf32>, vector<16xi32>, vector<16xi1>) -> (vector<16xi1>, vector<16xf32>, vector<16xi32>)
      %get3A_214 = arith.index_cast %scan3A_84 : i32 to index
      %get3A_215 = arith.constant 144 : index
      %get3A_216 = tpu.vector_load %arg5[%get3A_214, %get3A_215] {strides = array<i32>} : memref<32x256xf32, #tpu.memory_space<vmem>>, vector<16xf32>,
      %add3A_217 = arith.constant 144 : i32
      %add3A_218 = vector.broadcast %add3A_217 : i32 to vector<16xi32>
      %add3A_219 = arith.addi %iota3A, %add3A_218 : vector<16xi32>
      %masked_sort3A_220 = arith.constant dense<true> : vector<16xi1>
      %masked_sort3A_221, %masked_sort3A_222, %masked_sort3A_223 = tpu.sort %get3A_216, %add3A_219 masked %masked_sort3A_220 : (vector<16xf32>, vector<16xi32>, vector<16xi1>) -> (vector<16xi1>, vector<16xf32>, vector<16xi32>)
      %select_n3A_224 = arith.select %lt3A_4, %masked_sort3A_212, %masked_sort3A_222 : vector<16xi1>, vector<16xf32>
      %select_n3A_225 = arith.select %lt3A_4, %masked_sort3A_213, %masked_sort3A_223 : vector<16xi1>, vector<16xi32>
      %masked_sort3A_226 = arith.constant dense<true> : vector<16xi1>
      %masked_sort3A_227, %masked_sort3A_228, %masked_sort3A_229 = tpu.sort %select_n3A_224, %select_n3A_225 masked %masked_sort3A_226 {descending = true} : (vector<16xf32>, vector<16xi32>, vector<16xi1>) -> (vector<16xi1>, vector<16xf32>, vector<16xi32>)
      %get3A_230 = arith.index_cast %scan3A_84 : i32 to index
      %get3A_231 = arith.constant 160 : index
      %get3A_232 = tpu.vector_load %arg5[%get3A_230, %get3A_231] {strides = array<i32>} : memref<32x256xf32, #tpu.memory_space<vmem>>, vector<16xf32>,
      %add3A_233 = arith.constant 160 : i32
      %add3A_234 = vector.broadcast %add3A_233 : i32 to vector<16xi32>
      %add3A_235 = arith.addi %iota3A, %add3A_234 : vector<16xi32>
      %masked_sort3A_236 = arith.constant dense<true> : vector<16xi1>
      %masked_sort3A_237, %masked_sort3A_238, %masked_sort3A_239 = tpu.sort %get3A_232, %add3A_235 masked %masked_sort3A_236 {descending = true} : (vector<16xf32>, vector<16xi32>, vector<16xi1>) -> (vector<16xi1>, vector<16xf32>, vector<16xi32>)
      %get3A_240 = arith.index_cast %scan3A_84 : i32 to index
      %get3A_241 = arith.constant 176 : index
      %get3A_242 = tpu.vector_load %arg5[%get3A_240, %get3A_241] {strides = array<i32>} : memref<32x256xf32, #tpu.memory_space<vmem>>, vector<16xf32>,
      %add3A_243 = arith.constant 176 : i32
      %add3A_244 = vector.broadcast %add3A_243 : i32 to vector<16xi32>
      %add3A_245 = arith.addi %iota3A, %add3A_244 : vector<16xi32>
      %masked_sort3A_246 = arith.constant dense<true> : vector<16xi1>
      %masked_sort3A_247, %masked_sort3A_248, %masked_sort3A_249 = tpu.sort %get3A_242, %add3A_245 masked %masked_sort3A_246 : (vector<16xf32>, vector<16xi32>, vector<16xi1>) -> (vector<16xi1>, vector<16xf32>, vector<16xi32>)
      %select_n3A_250 = arith.select %lt3A_4, %masked_sort3A_238, %masked_sort3A_248 : vector<16xi1>, vector<16xf32>
      %select_n3A_251 = arith.select %lt3A_4, %masked_sort3A_239, %masked_sort3A_249 : vector<16xi1>, vector<16xi32>
      %masked_sort3A_252 = arith.constant dense<true> : vector<16xi1>
      %masked_sort3A_253, %masked_sort3A_254, %masked_sort3A_255 = tpu.sort %select_n3A_250, %select_n3A_251 masked %masked_sort3A_252 : (vector<16xf32>, vector<16xi32>, vector<16xi1>) -> (vector<16xi1>, vector<16xf32>, vector<16xi32>)
      %select_n3A_256 = arith.select %lt3A_4, %masked_sort3A_228, %masked_sort3A_254 : vector<16xi1>, vector<16xf32>
      %select_n3A_257 = arith.select %lt3A_4, %masked_sort3A_229, %masked_sort3A_255 : vector<16xi1>, vector<16xi32>
      %masked_sort3A_258 = arith.constant dense<true> : vector<16xi1>
      %masked_sort3A_259, %masked_sort3A_260, %masked_sort3A_261 = tpu.sort %select_n3A_256, %select_n3A_257 masked %masked_sort3A_258 {descending = true} : (vector<16xf32>, vector<16xi32>, vector<16xi1>) -> (vector<16xi1>, vector<16xf32>, vector<16xi32>)
      %get3A_262 = arith.index_cast %scan3A_84 : i32 to index
      %get3A_263 = arith.constant 192 : index
      %get3A_264 = tpu.vector_load %arg5[%get3A_262, %get3A_263] {strides = array<i32>} : memref<32x256xf32, #tpu.memory_space<vmem>>, vector<16xf32>,
      %add3A_265 = arith.constant 192 : i32
      %add3A_266 = vector.broadcast %add3A_265 : i32 to vector<16xi32>
      %add3A_267 = arith.addi %iota3A, %add3A_266 : vector<16xi32>
      %masked_sort3A_268 = arith.constant dense<true> : vector<16xi1>
      %masked_sort3A_269, %masked_sort3A_270, %masked_sort3A_271 = tpu.sort %get3A_264, %add3A_267 masked %masked_sort3A_268 {descending = true} : (vector<16xf32>, vector<16xi32>, vector<16xi1>) -> (vector<16xi1>, vector<16xf32>, vector<16xi32>)
      %get3A_272 = arith.index_cast %scan3A_84 : i32 to index
      %get3A_273 = arith.constant 208 : index
      %get3A_274 = tpu.vector_load %arg5[%get3A_272, %get3A_273] {strides = array<i32>} : memref<32x256xf32, #tpu.memory_space<vmem>>, vector<16xf32>,
      %add3A_275 = arith.constant 208 : i32
      %add3A_276 = vector.broadcast %add3A_275 : i32 to vector<16xi32>
      %add3A_277 = arith.addi %iota3A, %add3A_276 : vector<16xi32>
      %masked_sort3A_278 = arith.constant dense<true> : vector<16xi1>
      %masked_sort3A_279, %masked_sort3A_280, %masked_sort3A_281 = tpu.sort %get3A_274, %add3A_277 masked %masked_sort3A_278 : (vector<16xf32>, vector<16xi32>, vector<16xi1>) -> (vector<16xi1>, vector<16xf32>, vector<16xi32>)
      %select_n3A_282 = arith.select %lt3A_4, %masked_sort3A_270, %masked_sort3A_280 : vector<16xi1>, vector<16xf32>
      %select_n3A_283 = arith.select %lt3A_4, %masked_sort3A_271, %masked_sort3A_281 : vector<16xi1>, vector<16xi32>
      %masked_sort3A_284 = arith.constant dense<true> : vector<16xi1>
      %masked_sort3A_285, %masked_sort3A_286, %masked_sort3A_287 = tpu.sort %select_n3A_282, %select_n3A_283 masked %masked_sort3A_284 {descending = true} : (vector<16xf32>, vector<16xi32>, vector<16xi1>) -> (vector<16xi1>, vector<16xf32>, vector<16xi32>)
      %get3A_288 = arith.index_cast %scan3A_84 : i32 to index
      %get3A_289 = arith.constant 224 : index
      %get3A_290 = tpu.vector_load %arg5[%get3A_288, %get3A_289] {strides = array<i32>} : memref<32x256xf32, #tpu.memory_space<vmem>>, vector<16xf32>,
      %add3A_291 = arith.constant 224 : i32
      %add3A_292 = vector.broadcast %add3A_291 : i32 to vector<16xi32>
      %add3A_293 = arith.addi %iota3A, %add3A_292 : vector<16xi32>
      %masked_sort3A_294 = arith.constant dense<true> : vector<16xi1>
      %masked_sort3A_295, %masked_sort3A_296, %masked_sort3A_297 = tpu.sort %get3A_290, %add3A_293 masked %masked_sort3A_294 {descending = true} : (vector<16xf32>, vector<16xi32>, vector<16xi1>) -> (vector<16xi1>, vector<16xf32>, vector<16xi32>)
      %get3A_298 = arith.index_cast %scan3A_84 : i32 to index
      %get3A_299 = arith.constant 240 : index
      %get3A_300 = tpu.vector_load %arg5[%get3A_298, %get3A_299] {strides = array<i32>} : memref<32x256xf32, #tpu.memory_space<vmem>>, vector<16xf32>,
      %add3A_301 = arith.constant 240 : i32
      %add3A_302 = vector.broadcast %add3A_301 : i32 to vector<16xi32>
      %add3A_303 = arith.addi %iota3A, %add3A_302 : vector<16xi32>
      %masked_sort3A_304 = arith.constant dense<true> : vector<16xi1>
      %masked_sort3A_305, %masked_sort3A_306, %masked_sort3A_307 = tpu.sort %get3A_300, %add3A_303 masked %masked_sort3A_304 : (vector<16xf32>, vector<16xi32>, vector<16xi1>) -> (vector<16xi1>, vector<16xf32>, vector<16xi32>)
      %select_n3A_308 = arith.select %lt3A_4, %masked_sort3A_296, %masked_sort3A_306 : vector<16xi1>, vector<16xf32>
      %select_n3A_309 = arith.select %lt3A_4, %masked_sort3A_297, %masked_sort3A_307 : vector<16xi1>, vector<16xi32>
      %masked_sort3A_310 = arith.constant dense<true> : vector<16xi1>
      %masked_sort3A_311, %masked_sort3A_312, %masked_sort3A_313 = tpu.sort %select_n3A_308, %select_n3A_309 masked %masked_sort3A_310 : (vector<16xf32>, vector<16xi32>, vector<16xi1>) -> (vector<16xi1>, vector<16xf32>, vector<16xi32>)
      %select_n3A_314 = arith.select %lt3A_4, %masked_sort3A_286, %masked_sort3A_312 : vector<16xi1>, vector<16xf32>
      %select_n3A_315 = arith.select %lt3A_4, %masked_sort3A_287, %masked_sort3A_313 : vector<16xi1>, vector<16xi32>
      %masked_sort3A_316 = arith.constant dense<true> : vector<16xi1>
      %masked_sort3A_317, %masked_sort3A_318, %masked_sort3A_319 = tpu.sort %select_n3A_314, %select_n3A_315 masked %masked_sort3A_316 : (vector<16xf32>, vector<16xi32>, vector<16xi1>) -> (vector<16xi1>, vector<16xf32>, vector<16xi32>)
      %select_n3A_320 = arith.select %lt3A_4, %masked_sort3A_260, %masked_sort3A_318 : vector<16xi1>, vector<16xf32>
      %select_n3A_321 = arith.select %lt3A_4, %masked_sort3A_261, %masked_sort3A_319 : vector<16xi1>, vector<16xi32>
      %masked_sort3A_322 = arith.constant dense<true> : vector<16xi1>
      %masked_sort3A_323, %masked_sort3A_324, %masked_sort3A_325 = tpu.sort %select_n3A_320, %select_n3A_321 masked %masked_sort3A_322 : (vector<16xf32>, vector<16xi32>, vector<16xi1>) -> (vector<16xi1>, vector<16xf32>, vector<16xi32>)
      %select_n3A_326 = arith.select %lt3A_4, %masked_sort3A_202, %masked_sort3A_324 : vector<16xi1>, vector<16xf32>
      %select_n3A_327 = arith.select %lt3A_4, %masked_sort3A_203, %masked_sort3A_325 : vector<16xi1>, vector<16xi32>
      %masked_sort3A_328 = arith.constant dense<true> : vector<16xi1>
      %masked_sort3A_329, %masked_sort3A_330, %masked_sort3A_331 = tpu.sort %select_n3A_326, %select_n3A_327 masked %masked_sort3A_328 {descending = true} : (vector<16xf32>, vector<16xi32>, vector<16xi1>) -> (vector<16xi1>, vector<16xf32>, vector<16xi32>)
      %swap3A = arith.constant 0 : index
      %swap3A_332 = tpu.vector_load %arg7[%swap3A] {strides = array<i32>} : memref<16xf32, #tpu.memory_space<vmem>>, vector<16xf32>,
      tpu.vector_store %arg7[%swap3A], %masked_sort3A_330 {strides = array<i32>} : memref<16xf32, #tpu.memory_space<vmem>>, vector<16xf32>,
      %gather3A = tpu.vector_load_idx %arg7[%max3A_8] : memref<16xf32, #tpu.memory_space<vmem>>[vector<16xi32>], vector<16xf32>,
      %ne3A = arith.cmpf one, %masked_sort3A_330, %gather3A : vector<16xf32>
      %jit3A = arith.constant 0 : i32
      %broadcast_in_dim3A = vector.broadcast %jit3A : i32 to vector<16xi32>
      %select_n3A_333 = arith.select %ne3A, %iota3A, %broadcast_in_dim3A : vector<16xi1>, vector<16xi32>
      %broadcast_in_dim3A_334 = arith.constant true
      %broadcast_in_dim3A_335 = vector.broadcast %broadcast_in_dim3A_334 : i1 to vector<16xi1>
      %masked_cummax3A = arith.constant -2147483648 : i32
      %masked_cummax3A_336 = vector.broadcast %masked_cummax3A : i32 to vector<16xi32>
      %masked_cummax3A_337 = arith.xori %select_n3A_333, %masked_cummax3A_336 : vector<16xi32>
      %masked_cummax3A_338 = tpu.scan <max>, %masked_cummax3A_337 masked %broadcast_in_dim3A_335 : vector<16xi32>, vector<16xi1> -> vector<16xi32>
      %masked_cummax3A_339 = arith.xori %masked_cummax3A_338, %masked_cummax3A_336 : vector<16xi32>
      %mul3A_340 = arith.constant 256 : i32
      %mul3A_341 = vector.broadcast %mul3A_340 : i32 to vector<16xi32>
      %mul3A_342 = arith.muli %masked_cummax3A_339, %mul3A_341 : vector<16xi32>
      %add3A_343 = arith.addi %mul3A_342, %masked_sort3A_331 : vector<16xi32>
      %masked_sort3A_344 = arith.constant dense<true> : vector<16xi1>
      %masked_sort3A_345 = arith.constant -2147483648 : i32
      %masked_sort3A_346 = vector.broadcast %masked_sort3A_345 : i32 to vector<16xi32>
      %masked_sort3A_347 = arith.xori %add3A_343, %masked_sort3A_346 : vector<16xi32>
      %masked_sort3A_348, %masked_sort3A_349, %masked_sort3A_350 = tpu.sort %masked_sort3A_347, %masked_sort3A_331 masked %masked_sort3A_344 : (vector<16xi32>, vector<16xi32>, vector<16xi1>) -> (vector<16xi1>, vector<16xi32>, vector<16xi32>)
      %masked_sort3A_351 = arith.xori %masked_sort3A_349, %masked_sort3A_346 : vector<16xi32>
      %add3A_352 = arith.constant 96 : i32
      %add3A_353 = arith.addi %add3A_352, %scan3A_84 : i32
      %swap3A_354 = arith.index_cast %add3A_353 : i32 to index
      %swap3A_355 = arith.constant 0 : index
      %swap3A_356 = tpu.vector_load %arg6[%swap3A_354, %swap3A_355] {strides = array<i32>} : memref<160x16xi32, #tpu.memory_space<vmem>>, vector<16xi32>,
      tpu.vector_store %arg6[%swap3A_354, %swap3A_355], %masked_sort3A_350 {strides = array<i32>} : memref<160x16xi32, #tpu.memory_space<vmem>>, vector<16xi32>,
      %scan3A_357 = arith.constant 1 : i32
      %scan3A_358 = arith.addi %scan3A_84, %scan3A_357 : i32
      %get3A_359 = arith.index_cast %scan3A_358 : i32 to index
      %get3A_360 = arith.constant 0 : index
      %get3A_361 = tpu.vector_load %arg5[%get3A_359, %get3A_360] {strides = array<i32>} : memref<32x256xf32, #tpu.memory_space<vmem>>, vector<16xf32>,
      %add3A_362 = arith.constant 0 : i32
      %add3A_363 = vector.broadcast %add3A_362 : i32 to vector<16xi32>
      %add3A_364 = arith.addi %iota3A, %add3A_363 : vector<16xi32>
      %masked_sort3A_365 = arith.constant dense<true> : vector<16xi1>
      %masked_sort3A_366, %masked_sort3A_367, %masked_sort3A_368 = tpu.sort %get3A_361, %add3A_364 masked %masked_sort3A_365 {descending = true} : (vector<16xf32>, vector<16xi32>, vector<16xi1>) -> (vector<16xi1>, vector<16xf32>, vector<16xi32>)
      %get3A_369 = arith.index_cast %scan3A_358 : i32 to index
      %get3A_370 = arith.constant 16 : index
      %get3A_371 = tpu.vector_load %arg5[%get3A_369, %get3A_370] {strides = array<i32>} : memref<32x256xf32, #tpu.memory_space<vmem>>, vector<16xf32>,
      %add3A_372 = arith.constant 16 : i32
      %add3A_373 = vector.broadcast %add3A_372 : i32 to vector<16xi32>
      %add3A_374 = arith.addi %iota3A, %add3A_373 : vector<16xi32>
      %masked_sort3A_375 = arith.constant dense<true> : vector<16xi1>
      %masked_sort3A_376, %masked_sort3A_377, %masked_sort3A_378 = tpu.sort %get3A_371, %add3A_374 masked %masked_sort3A_375 : (vector<16xf32>, vector<16xi32>, vector<16xi1>) -> (vector<16xi1>, vector<16xf32>, vector<16xi32>)
      %select_n3A_379 = arith.select %lt3A_4, %masked_sort3A_367, %masked_sort3A_377 : vector<16xi1>, vector<16xf32>
      %select_n3A_380 = arith.select %lt3A_4, %masked_sort3A_368, %masked_sort3A_378 : vector<16xi1>, vector<16xi32>
      %masked_sort3A_381 = arith.constant dense<true> : vector<16xi1>
      %masked_sort3A_382, %masked_sort3A_383, %masked_sort3A_384 = tpu.sort %select_n3A_379, %select_n3A_380 masked %masked_sort3A_381 {descending = true} : (vector<16xf32>, vector<16xi32>, vector<16xi1>) -> (vector<16xi1>, vector<16xf32>, vector<16xi32>)
      %get3A_385 = arith.index_cast %scan3A_358 : i32 to index
      %get3A_386 = arith.constant 32 : index
      %get3A_387 = tpu.vector_load %arg5[%get3A_385, %get3A_386] {strides = array<i32>} : memref<32x256xf32, #tpu.memory_space<vmem>>, vector<16xf32>,
      %add3A_388 = arith.constant 32 : i32
      %add3A_389 = vector.broadcast %add3A_388 : i32 to vector<16xi32>
      %add3A_390 = arith.addi %iota3A, %add3A_389 : vector<16xi32>
      %masked_sort3A_391 = arith.constant dense<true> : vector<16xi1>
      %masked_sort3A_392, %masked_sort3A_393, %masked_sort3A_394 = tpu.sort %get3A_387, %add3A_390 masked %masked_sort3A_391 {descending = true} : (vector<16xf32>, vector<16xi32>, vector<16xi1>) -> (vector<16xi1>, vector<16xf32>, vector<16xi32>)
      %get3A_395 = arith.index_cast %scan3A_358 : i32 to index
      %get3A_396 = arith.constant 48 : index
      %get3A_397 = tpu.vector_load %arg5[%get3A_395, %get3A_396] {strides = array<i32>} : memref<32x256xf32, #tpu.memory_space<vmem>>, vector<16xf32>,
      %add3A_398 = arith.constant 48 : i32
      %add3A_399 = vector.broadcast %add3A_398 : i32 to vector<16xi32>
      %add3A_400 = arith.addi %iota3A, %add3A_399 : vector<16xi32>
      %masked_sort3A_401 = arith.constant dense<true> : vector<16xi1>
      %masked_sort3A_402, %masked_sort3A_403, %masked_sort3A_404 = tpu.sort %get3A_397, %add3A_400 masked %masked_sort3A_401 : (vector<16xf32>, vector<16xi32>, vector<16xi1>) -> (vector<16xi1>, vector<16xf32>, vector<16xi32>)
      %select_n3A_405 = arith.select %lt3A_4, %masked_sort3A_393, %masked_sort3A_403 : vector<16xi1>, vector<16xf32>
      %select_n3A_406 = arith.select %lt3A_4, %masked_sort3A_394, %masked_sort3A_404 : vector<16xi1>, vector<16xi32>
      %masked_sort3A_407 = arith.constant dense<true> : vector<16xi1>
      %masked_sort3A_408, %masked_sort3A_409, %masked_sort3A_410 = tpu.sort %select_n3A_405, %select_n3A_406 masked %masked_sort3A_407 : (vector<16xf32>, vector<16xi32>, vector<16xi1>) -> (vector<16xi1>, vector<16xf32>, vector<16xi32>)
      %select_n3A_411 = arith.select %lt3A_4, %masked_sort3A_383, %masked_sort3A_409 : vector<16xi1>, vector<16xf32>
      %select_n3A_412 = arith.select %lt3A_4, %masked_sort3A_384, %masked_sort3A_410 : vector<16xi1>, vector<16xi32>
      %masked_sort3A_413 = arith.constant dense<true> : vector<16xi1>
      %masked_sort3A_414, %masked_sort3A_415, %masked_sort3A_416 = tpu.sort %select_n3A_411, %select_n3A_412 masked %masked_sort3A_413 {descending = true} : (vector<16xf32>, vector<16xi32>, vector<16xi1>) -> (vector<16xi1>, vector<16xf32>, vector<16xi32>)
      %get3A_417 = arith.index_cast %scan3A_358 : i32 to index
      %get3A_418 = arith.constant 64 : index
      %get3A_419 = tpu.vector_load %arg5[%get3A_417, %get3A_418] {strides = array<i32>} : memref<32x256xf32, #tpu.memory_space<vmem>>, vector<16xf32>,
      %add3A_420 = arith.constant 64 : i32
      %add3A_421 = vector.broadcast %add3A_420 : i32 to vector<16xi32>
      %add3A_422 = arith.addi %iota3A, %add3A_421 : vector<16xi32>
      %masked_sort3A_423 = arith.constant dense<true> : vector<16xi1>
      %masked_sort3A_424, %masked_sort3A_425, %masked_sort3A_426 = tpu.sort %get3A_419, %add3A_422 masked %masked_sort3A_423 {descending = true} : (vector<16xf32>, vector<16xi32>, vector<16xi1>) -> (vector<16xi1>, vector<16xf32>, vector<16xi32>)
      %get3A_427 = arith.index_cast %scan3A_358 : i32 to index
      %get3A_428 = arith.constant 80 : index
      %get3A_429 = tpu.vector_load %arg5[%get3A_427, %get3A_428] {strides = array<i32>} : memref<32x256xf32, #tpu.memory_space<vmem>>, vector<16xf32>,
      %add3A_430 = arith.constant 80 : i32
      %add3A_431 = vector.broadcast %add3A_430 : i32 to vector<16xi32>
      %add3A_432 = arith.addi %iota3A, %add3A_431 : vector<16xi32>
      %masked_sort3A_433 = arith.constant dense<true> : vector<16xi1>
      %masked_sort3A_434, %masked_sort3A_435, %masked_sort3A_436 = tpu.sort %get3A_429, %add3A_432 masked %masked_sort3A_433 : (vector<16xf32>, vector<16xi32>, vector<16xi1>) -> (vector<16xi1>, vector<16xf32>, vector<16xi32>)
      %select_n3A_437 = arith.select %lt3A_4, %masked_sort3A_425, %masked_sort3A_435 : vector<16xi1>, vector<16xf32>
      %select_n3A_438 = arith.select %lt3A_4, %masked_sort3A_426, %masked_sort3A_436 : vector<16xi1>, vector<16xi32>
      %masked_sort3A_439 = arith.constant dense<true> : vector<16xi1>
      %masked_sort3A_440, %masked_sort3A_441, %masked_sort3A_442 = tpu.sort %select_n3A_437, %select_n3A_438 masked %masked_sort3A_439 {descending = true} : (vector<16xf32>, vector<16xi32>, vector<16xi1>) -> (vector<16xi1>, vector<16xf32>, vector<16xi32>)
      %get3A_443 = arith.index_cast %scan3A_358 : i32 to index
      %get3A_444 = arith.constant 96 : index
      %get3A_445 = tpu.vector_load %arg5[%get3A_443, %get3A_444] {strides = array<i32>} : memref<32x256xf32, #tpu.memory_space<vmem>>, vector<16xf32>,
      %add3A_446 = arith.constant 96 : i32
      %add3A_447 = vector.broadcast %add3A_446 : i32 to vector<16xi32>
      %add3A_448 = arith.addi %iota3A, %add3A_447 : vector<16xi32>
      %masked_sort3A_449 = arith.constant dense<true> : vector<16xi1>
      %masked_sort3A_450, %masked_sort3A_451, %masked_sort3A_452 = tpu.sort %get3A_445, %add3A_448 masked %masked_sort3A_449 {descending = true} : (vector<16xf32>, vector<16xi32>, vector<16xi1>) -> (vector<16xi1>, vector<16xf32>, vector<16xi32>)
      %get3A_453 = arith.index_cast %scan3A_358 : i32 to index
      %get3A_454 = arith.constant 112 : index
      %get3A_455 = tpu.vector_load %arg5[%get3A_453, %get3A_454] {strides = array<i32>} : memref<32x256xf32, #tpu.memory_space<vmem>>, vector<16xf32>,
      %add3A_456 = arith.constant 112 : i32
      %add3A_457 = vector.broadcast %add3A_456 : i32 to vector<16xi32>
      %add3A_458 = arith.addi %iota3A, %add3A_457 : vector<16xi32>
      %masked_sort3A_459 = arith.constant dense<true> : vector<16xi1>
      %masked_sort3A_460, %masked_sort3A_461, %masked_sort3A_462 = tpu.sort %get3A_455, %add3A_458 masked %masked_sort3A_459 : (vector<16xf32>, vector<16xi32>, vector<16xi1>) -> (vector<16xi1>, vector<16xf32>, vector<16xi32>)
      %select_n3A_463 = arith.select %lt3A_4, %masked_sort3A_451, %masked_sort3A_461 : vector<16xi1>, vector<16xf32>
      %select_n3A_464 = arith.select %lt3A_4, %masked_sort3A_452, %masked_sort3A_462 : vector<16xi1>, vector<16xi32>
      %masked_sort3A_465 = arith.constant dense<true> : vector<16xi1>
      %masked_sort3A_466, %masked_sort3A_467, %masked_sort3A_468 = tpu.sort %select_n3A_463, %select_n3A_464 masked %masked_sort3A_465 : (vector<16xf32>, vector<16xi32>, vector<16xi1>) -> (vector<16xi1>, vector<16xf32>, vector<16xi32>)
      %select_n3A_469 = arith.select %lt3A_4, %masked_sort3A_441, %masked_sort3A_467 : vector<16xi1>, vector<16xf32>
      %select_n3A_470 = arith.select %lt3A_4, %masked_sort3A_442, %masked_sort3A_468 : vector<16xi1>, vector<16xi32>
      %masked_sort3A_471 = arith.constant dense<true> : vector<16xi1>
      %masked_sort3A_472, %masked_sort3A_473, %masked_sort3A_474 = tpu.sort %select_n3A_469, %select_n3A_470 masked %masked_sort3A_471 : (vector<16xf32>, vector<16xi32>, vector<16xi1>) -> (vector<16xi1>, vector<16xf32>, vector<16xi32>)
      %select_n3A_475 = arith.select %lt3A_4, %masked_sort3A_415, %masked_sort3A_473 : vector<16xi1>, vector<16xf32>
      %select_n3A_476 = arith.select %lt3A_4, %masked_sort3A_416, %masked_sort3A_474 : vector<16xi1>, vector<16xi32>
      %masked_sort3A_477 = arith.constant dense<true> : vector<16xi1>
      %masked_sort3A_478, %masked_sort3A_479, %masked_sort3A_480 = tpu.sort %select_n3A_475, %select_n3A_476 masked %masked_sort3A_477 {descending = true} : (vector<16xf32>, vector<16xi32>, vector<16xi1>) -> (vector<16xi1>, vector<16xf32>, vector<16xi32>)
      %get3A_481 = arith.index_cast %scan3A_358 : i32 to index
      %get3A_482 = arith.constant 128 : index
      %get3A_483 = tpu.vector_load %arg5[%get3A_481, %get3A_482] {strides = array<i32>} : memref<32x256xf32, #tpu.memory_space<vmem>>, vector<16xf32>,
      %add3A_484 = arith.constant 128 : i32
      %add3A_485 = vector.broadcast %add3A_484 : i32 to vector<16xi32>
      %add3A_486 = arith.addi %iota3A, %add3A_485 : vector<16xi32>
      %masked_sort3A_487 = arith.constant dense<true> : vector<16xi1>
      %masked_sort3A_488, %masked_sort3A_489, %masked_sort3A_490 = tpu.sort %get3A_483, %add3A_486 masked %masked_sort3A_487 {descending = true} : (vector<16xf32>, vector<16xi32>, vector<16xi1>) -> (vector<16xi1>, vector<16xf32>, vector<16xi32>)
      %get3A_491 = arith.index_cast %scan3A_358 : i32 to index
      %get3A_492 = arith.constant 144 : index
      %get3A_493 = tpu.vector_load %arg5[%get3A_491, %get3A_492] {strides = array<i32>} : memref<32x256xf32, #tpu.memory_space<vmem>>, vector<16xf32>,
      %add3A_494 = arith.constant 144 : i32
      %add3A_495 = vector.broadcast %add3A_494 : i32 to vector<16xi32>
      %add3A_496 = arith.addi %iota3A, %add3A_495 : vector<16xi32>
      %masked_sort3A_497 = arith.constant dense<true> : vector<16xi1>
      %masked_sort3A_498, %masked_sort3A_499, %masked_sort3A_500 = tpu.sort %get3A_493, %add3A_496 masked %masked_sort3A_497 : (vector<16xf32>, vector<16xi32>, vector<16xi1>) -> (vector<16xi1>, vector<16xf32>, vector<16xi32>)
      %select_n3A_501 = arith.select %lt3A_4, %masked_sort3A_489, %masked_sort3A_499 : vector<16xi1>, vector<16xf32>
      %select_n3A_502 = arith.select %lt3A_4, %masked_sort3A_490, %masked_sort3A_500 : vector<16xi1>, vector<16xi32>
      %masked_sort3A_503 = arith.constant dense<true> : vector<16xi1>
      %masked_sort3A_504, %masked_sort3A_505, %masked_sort3A_506 = tpu.sort %select_n3A_501, %select_n3A_502 masked %masked_sort3A_503 {descending = true} : (vector<16xf32>, vector<16xi32>, vector<16xi1>) -> (vector<16xi1>, vector<16xf32>, vector<16xi32>)
      %get3A_507 = arith.index_cast %scan3A_358 : i32 to index
      %get3A_508 = arith.constant 160 : index
      %get3A_509 = tpu.vector_load %arg5[%get3A_507, %get3A_508] {strides = array<i32>} : memref<32x256xf32, #tpu.memory_space<vmem>>, vector<16xf32>,
      %add3A_510 = arith.constant 160 : i32
      %add3A_511 = vector.broadcast %add3A_510 : i32 to vector<16xi32>
      %add3A_512 = arith.addi %iota3A, %add3A_511 : vector<16xi32>
      %masked_sort3A_513 = arith.constant dense<true> : vector<16xi1>
      %masked_sort3A_514, %masked_sort3A_515, %masked_sort3A_516 = tpu.sort %get3A_509, %add3A_512 masked %masked_sort3A_513 {descending = true} : (vector<16xf32>, vector<16xi32>, vector<16xi1>) -> (vector<16xi1>, vector<16xf32>, vector<16xi32>)
      %get3A_517 = arith.index_cast %scan3A_358 : i32 to index
      %get3A_518 = arith.constant 176 : index
      %get3A_519 = tpu.vector_load %arg5[%get3A_517, %get3A_518] {strides = array<i32>} : memref<32x256xf32, #tpu.memory_space<vmem>>, vector<16xf32>,
      %add3A_520 = arith.constant 176 : i32
      %add3A_521 = vector.broadcast %add3A_520 : i32 to vector<16xi32>
      %add3A_522 = arith.addi %iota3A, %add3A_521 : vector<16xi32>
      %masked_sort3A_523 = arith.constant dense<true> : vector<16xi1>
      %masked_sort3A_524, %masked_sort3A_525, %masked_sort3A_526 = tpu.sort %get3A_519, %add3A_522 masked %masked_sort3A_523 : (vector<16xf32>, vector<16xi32>, vector<16xi1>) -> (vector<16xi1>, vector<16xf32>, vector<16xi32>)
      %select_n3A_527 = arith.select %lt3A_4, %masked_sort3A_515, %masked_sort3A_525 : vector<16xi1>, vector<16xf32>
      %select_n3A_528 = arith.select %lt3A_4, %masked_sort3A_516, %masked_sort3A_526 : vector<16xi1>, vector<16xi32>
      %masked_sort3A_529 = arith.constant dense<true> : vector<16xi1>
      %masked_sort3A_530, %masked_sort3A_531, %masked_sort3A_532 = tpu.sort %select_n3A_527, %select_n3A_528 masked %masked_sort3A_529 : (vector<16xf32>, vector<16xi32>, vector<16xi1>) -> (vector<16xi1>, vector<16xf32>, vector<16xi32>)
      %select_n3A_533 = arith.select %lt3A_4, %masked_sort3A_505, %masked_sort3A_531 : vector<16xi1>, vector<16xf32>
      %select_n3A_534 = arith.select %lt3A_4, %masked_sort3A_506, %masked_sort3A_532 : vector<16xi1>, vector<16xi32>
      %masked_sort3A_535 = arith.constant dense<true> : vector<16xi1>
      %masked_sort3A_536, %masked_sort3A_537, %masked_sort3A_538 = tpu.sort %select_n3A_533, %select_n3A_534 masked %masked_sort3A_535 {descending = true} : (vector<16xf32>, vector<16xi32>, vector<16xi1>) -> (vector<16xi1>, vector<16xf32>, vector<16xi32>)
      %get3A_539 = arith.index_cast %scan3A_358 : i32 to index
      %get3A_540 = arith.constant 192 : index
      %get3A_541 = tpu.vector_load %arg5[%get3A_539, %get3A_540] {strides = array<i32>} : memref<32x256xf32, #tpu.memory_space<vmem>>, vector<16xf32>,
      %add3A_542 = arith.constant 192 : i32
      %add3A_543 = vector.broadcast %add3A_542 : i32 to vector<16xi32>
      %add3A_544 = arith.addi %iota3A, %add3A_543 : vector<16xi32>
      %masked_sort3A_545 = arith.constant dense<true> : vector<16xi1>
      %masked_sort3A_546, %masked_sort3A_547, %masked_sort3A_548 = tpu.sort %get3A_541, %add3A_544 masked %masked_sort3A_545 {descending = true} : (vector<16xf32>, vector<16xi32>, vector<16xi1>) -> (vector<16xi1>, vector<16xf32>, vector<16xi32>)
      %get3A_549 = arith.index_cast %scan3A_358 : i32 to index
      %get3A_550 = arith.constant 208 : index
      %get3A_551 = tpu.vector_load %arg5[%get3A_549, %get3A_550] {strides = array<i32>} : memref<32x256xf32, #tpu.memory_space<vmem>>, vector<16xf32>,
      %add3A_552 = arith.constant 208 : i32
      %add3A_553 = vector.broadcast %add3A_552 : i32 to vector<16xi32>
      %add3A_554 = arith.addi %iota3A, %add3A_553 : vector<16xi32>
      %masked_sort3A_555 = arith.constant dense<true> : vector<16xi1>
      %masked_sort3A_556, %masked_sort3A_557, %masked_sort3A_558 = tpu.sort %get3A_551, %add3A_554 masked %masked_sort3A_555 : (vector<16xf32>, vector<16xi32>, vector<16xi1>) -> (vector<16xi1>, vector<16xf32>, vector<16xi32>)
      %select_n3A_559 = arith.select %lt3A_4, %masked_sort3A_547, %masked_sort3A_557 : vector<16xi1>, vector<16xf32>
      %select_n3A_560 = arith.select %lt3A_4, %masked_sort3A_548, %masked_sort3A_558 : vector<16xi1>, vector<16xi32>
      %masked_sort3A_561 = arith.constant dense<true> : vector<16xi1>
      %masked_sort3A_562, %masked_sort3A_563, %masked_sort3A_564 = tpu.sort %select_n3A_559, %select_n3A_560 masked %masked_sort3A_561 {descending = true} : (vector<16xf32>, vector<16xi32>, vector<16xi1>) -> (vector<16xi1>, vector<16xf32>, vector<16xi32>)
      %get3A_565 = arith.index_cast %scan3A_358 : i32 to index
      %get3A_566 = arith.constant 224 : index
      %get3A_567 = tpu.vector_load %arg5[%get3A_565, %get3A_566] {strides = array<i32>} : memref<32x256xf32, #tpu.memory_space<vmem>>, vector<16xf32>,
      %add3A_568 = arith.constant 224 : i32
      %add3A_569 = vector.broadcast %add3A_568 : i32 to vector<16xi32>
      %add3A_570 = arith.addi %iota3A, %add3A_569 : vector<16xi32>
      %masked_sort3A_571 = arith.constant dense<true> : vector<16xi1>
      %masked_sort3A_572, %masked_sort3A_573, %masked_sort3A_574 = tpu.sort %get3A_567, %add3A_570 masked %masked_sort3A_571 {descending = true} : (vector<16xf32>, vector<16xi32>, vector<16xi1>) -> (vector<16xi1>, vector<16xf32>, vector<16xi32>)
      %get3A_575 = arith.index_cast %scan3A_358 : i32 to index
      %get3A_576 = arith.constant 240 : index
      %get3A_577 = tpu.vector_load %arg5[%get3A_575, %get3A_576] {strides = array<i32>} : memref<32x256xf32, #tpu.memory_space<vmem>>, vector<16xf32>,
      %add3A_578 = arith.constant 240 : i32
      %add3A_579 = vector.broadcast %add3A_578 : i32 to vector<16xi32>
      %add3A_580 = arith.addi %iota3A, %add3A_579 : vector<16xi32>
      %masked_sort3A_581 = arith.constant dense<true> : vector<16xi1>
      %masked_sort3A_582, %masked_sort3A_583, %masked_sort3A_584 = tpu.sort %get3A_577, %add3A_580 masked %masked_sort3A_581 : (vector<16xf32>, vector<16xi32>, vector<16xi1>) -> (vector<16xi1>, vector<16xf32>, vector<16xi32>)
      %select_n3A_585 = arith.select %lt3A_4, %masked_sort3A_573, %masked_sort3A_583 : vector<16xi1>, vector<16xf32>
      %select_n3A_586 = arith.select %lt3A_4, %masked_sort3A_574, %masked_sort3A_584 : vector<16xi1>, vector<16xi32>
      %masked_sort3A_587 = arith.constant dense<true> : vector<16xi1>
      %masked_sort3A_588, %masked_sort3A_589, %masked_sort3A_590 = tpu.sort %select_n3A_585, %select_n3A_586 masked %masked_sort3A_587 : (vector<16xf32>, vector<16xi32>, vector<16xi1>) -> (vector<16xi1>, vector<16xf32>, vector<16xi32>)
      %select_n3A_591 = arith.select %lt3A_4, %masked_sort3A_563, %masked_sort3A_589 : vector<16xi1>, vector<16xf32>
      %select_n3A_592 = arith.select %lt3A_4, %masked_sort3A_564, %masked_sort3A_590 : vector<16xi1>, vector<16xi32>
      %masked_sort3A_593 = arith.constant dense<true> : vector<16xi1>
      %masked_sort3A_594, %masked_sort3A_595, %masked_sort3A_596 = tpu.sort %select_n3A_591, %select_n3A_592 masked %masked_sort3A_593 : (vector<16xf32>, vector<16xi32>, vector<16xi1>) -> (vector<16xi1>, vector<16xf32>, vector<16xi32>)
      %select_n3A_597 = arith.select %lt3A_4, %masked_sort3A_537, %masked_sort3A_595 : vector<16xi1>, vector<16xf32>
      %select_n3A_598 = arith.select %lt3A_4, %masked_sort3A_538, %masked_sort3A_596 : vector<16xi1>, vector<16xi32>
      %masked_sort3A_599 = arith.constant dense<true> : vector<16xi1>
      %masked_sort3A_600, %masked_sort3A_601, %masked_sort3A_602 = tpu.sort %select_n3A_597, %select_n3A_598 masked %masked_sort3A_599 : (vector<16xf32>, vector<16xi32>, vector<16xi1>) -> (vector<16xi1>, vector<16xf32>, vector<16xi32>)
      %select_n3A_603 = arith.select %lt3A_4, %masked_sort3A_479, %masked_sort3A_601 : vector<16xi1>, vector<16xf32>
      %select_n3A_604 = arith.select %lt3A_4, %masked_sort3A_480, %masked_sort3A_602 : vector<16xi1>, vector<16xi32>
      %masked_sort3A_605 = arith.constant dense<true> : vector<16xi1>
      %masked_sort3A_606, %masked_sort3A_607, %masked_sort3A_608 = tpu.sort %select_n3A_603, %select_n3A_604 masked %masked_sort3A_605 {descending = true} : (vector<16xf32>, vector<16xi32>, vector<16xi1>) -> (vector<16xi1>, vector<16xf32>, vector<16xi32>)
      %swap3A_609 = arith.constant 0 : index
      %swap3A_610 = tpu.vector_load %arg7[%swap3A_609] {strides = array<i32>} : memref<16xf32, #tpu.memory_space<vmem>>, vector<16xf32>,
      tpu.vector_store %arg7[%swap3A_609], %masked_sort3A_607 {strides = array<i32>} : memref<16xf32, #tpu.memory_space<vmem>>, vector<16xf32>,
      %gather3A_611 = tpu.vector_load_idx %arg7[%max3A_8] : memref<16xf32, #tpu.memory_space<vmem>>[vector<16xi32>], vector<16xf32>,
      %ne3A_612 = arith.cmpf one, %masked_sort3A_607, %gather3A_611 : vector<16xf32>
      %jit3A_613 = arith.constant 0 : i32
      %broadcast_in_dim3A_614 = vector.broadcast %jit3A_613 : i32 to vector<16xi32>
      %select_n3A_615 = arith.select %ne3A_612, %iota3A, %broadcast_in_dim3A_614 : vector<16xi1>, vector<16xi32>
      %broadcast_in_dim3A_616 = arith.constant true
      %broadcast_in_dim3A_617 = vector.broadcast %broadcast_in_dim3A_616 : i1 to vector<16xi1>
      %masked_cummax3A_618 = arith.constant -2147483648 : i32
      %masked_cummax3A_619 = vector.broadcast %masked_cummax3A_618 : i32 to vector<16xi32>
      %masked_cummax3A_620 = arith.xori %select_n3A_615, %masked_cummax3A_619 : vector<16xi32>
      %masked_cummax3A_621 = tpu.scan <max>, %masked_cummax3A_620 masked %broadcast_in_dim3A_617 : vector<16xi32>, vector<16xi1> -> vector<16xi32>
      %masked_cummax3A_622 = arith.xori %masked_cummax3A_621, %masked_cummax3A_619 : vector<16xi32>
      %mul3A_623 = arith.constant 256 : i32
      %mul3A_624 = vector.broadcast %mul3A_623 : i32 to vector<16xi32>
      %mul3A_625 = arith.muli %masked_cummax3A_622, %mul3A_624 : vector<16xi32>
      %add3A_626 = arith.addi %mul3A_625, %masked_sort3A_608 : vector<16xi32>
      %masked_sort3A_627 = arith.constant dense<true> : vector<16xi1>
      %masked_sort3A_628 = arith.constant -2147483648 : i32
      %masked_sort3A_629 = vector.broadcast %masked_sort3A_628 : i32 to vector<16xi32>
      %masked_sort3A_630 = arith.xori %add3A_626, %masked_sort3A_629 : vector<16xi32>
      %masked_sort3A_631, %masked_sort3A_632, %masked_sort3A_633 = tpu.sort %masked_sort3A_630, %masked_sort3A_608 masked %masked_sort3A_627 : (vector<16xi32>, vector<16xi32>, vector<16xi1>) -> (vector<16xi1>, vector<16xi32>, vector<16xi32>)
      %masked_sort3A_634 = arith.xori %masked_sort3A_632, %masked_sort3A_629 : vector<16xi32>
      %add3A_635 = arith.constant 96 : i32
      %add3A_636 = arith.addi %add3A_635, %scan3A_358 : i32
      %swap3A_637 = arith.index_cast %add3A_636 : i32 to index
      %swap3A_638 = arith.constant 0 : index
      %swap3A_639 = tpu.vector_load %arg6[%swap3A_637, %swap3A_638] {strides = array<i32>} : memref<160x16xi32, #tpu.memory_space<vmem>>, vector<16xi32>,
      tpu.vector_store %arg6[%swap3A_637, %swap3A_638], %masked_sort3A_633 {strides = array<i32>} : memref<160x16xi32, #tpu.memory_space<vmem>>, vector<16xi32>,
    }
    %scan3A_73 = arith.constant 32 : i32
    %dma_wait3A_74 = arith.constant 0 : i32
    %dma_wait3A_75 = tpu.memref_slice %arg2[%add3A_59, %dma_wait3A_74] : memref<5120x256xf32, #tpu.memory_space<hbm>> -> memref<32x256xf32, #tpu.memory_space<hbm>>
    %dma_wait3A_76 = arith.constant 0 : i32
    %dma_wait3A_77 = tpu.memref_slice %arg2[%add3A_59, %dma_wait3A_76] : memref<5120x256xf32, #tpu.memory_space<hbm>> -> memref<32x256xf32, #tpu.memory_space<hbm>>
    tpu.wait_dma2 semaphore(%arg8 : memref<!tpu.dma_semaphore, #tpu.memory_space<semaphore_mem>>) src(%dma_wait3A_77 : memref<32x256xf32, #tpu.memory_space<hbm>>) dst(%arg4 : memref<32x256xf32, #tpu.memory_space<vmem>>)
    %scan3A_78 = arith.constant 0 : i32
    %scan3A_79 = arith.constant 0 : i32
    %scan3A_80 = arith.constant 32 : i32
    %scan3A_81 = arith.addi %scan3A_79, %scan3A_80 : i32
    %scan3A_82 = arith.constant 2 : i32
    scf.for %scan3A_84 = %scan3A_79 to %scan3A_81 step %scan3A_82  : i32 {
      %get3A = arith.index_cast %scan3A_84 : i32 to index
      %get3A_85 = arith.constant 0 : index
      %get3A_86 = tpu.vector_load %arg4[%get3A, %get3A_85] {strides = array<i32>} : memref<32x256xf32, #tpu.memory_space<vmem>>, vector<16xf32>,
      %add3A_87 = arith.constant 0 : i32
      %add3A_88 = vector.broadcast %add3A_87 : i32 to vector<16xi32>
      %add3A_89 = arith.addi %iota3A, %add3A_88 : vector<16xi32>
      %masked_sort3A = arith.constant dense<true> : vector<16xi1>
      %masked_sort3A_90, %masked_sort3A_91, %masked_sort3A_92 = tpu.sort %get3A_86, %add3A_89 masked %masked_sort3A {descending = true} : (vector<16xf32>, vector<16xi32>, vector<16xi1>) -> (vector<16xi1>, vector<16xf32>, vector<16xi32>)
      %get3A_93 = arith.index_cast %scan3A_84 : i32 to index
      %get3A_94 = arith.constant 16 : index
      %get3A_95 = tpu.vector_load %arg4[%get3A_93, %get3A_94] {strides = array<i32>} : memref<32x256xf32, #tpu.memory_space<vmem>>, vector<16xf32>,
      %add3A_96 = arith.constant 16 : i32
      %add3A_97 = vector.broadcast %add3A_96 : i32 to vector<16xi32>
      %add3A_98 = arith.addi %iota3A, %add3A_97 : vector<16xi32>
      %masked_sort3A_99 = arith.constant dense<true> : vector<16xi1>
      %masked_sort3A_100, %masked_sort3A_101, %masked_sort3A_102 = tpu.sort %get3A_95, %add3A_98 masked %masked_sort3A_99 : (vector<16xf32>, vector<16xi32>, vector<16xi1>) -> (vector<16xi1>, vector<16xf32>, vector<16xi32>)
      %select_n3A = arith.select %lt3A_4, %masked_sort3A_91, %masked_sort3A_101 : vector<16xi1>, vector<16xf32>
      %select_n3A_103 = arith.select %lt3A_4, %masked_sort3A_92, %masked_sort3A_102 : vector<16xi1>, vector<16xi32>
      %masked_sort3A_104 = arith.constant dense<true> : vector<16xi1>
      %masked_sort3A_105, %masked_sort3A_106, %masked_sort3A_107 = tpu.sort %select_n3A, %select_n3A_103 masked %masked_sort3A_104 {descending = true} : (vector<16xf32>, vector<16xi32>, vector<16xi1>) -> (vector<16xi1>, vector<16xf32>, vector<16xi32>)
      %get3A_108 = arith.index_cast %scan3A_84 : i32 to index
      %get3A_109 = arith.constant 32 : index
      %get3A_110 = tpu.vector_load %arg4[%get3A_108, %get3A_109] {strides = array<i32>} : memref<32x256xf32, #tpu.memory_space<vmem>>, vector<16xf32>,
      %add3A_111 = arith.constant 32 : i32
      %add3A_112 = vector.broadcast %add3A_111 : i32 to vector<16xi32>
      %add3A_113 = arith.addi %iota3A, %add3A_112 : vector<16xi32>
      %masked_sort3A_114 = arith.constant dense<true> : vector<16xi1>
      %masked_sort3A_115, %masked_sort3A_116, %masked_sort3A_117 = tpu.sort %get3A_110, %add3A_113 masked %masked_sort3A_114 {descending = true} : (vector<16xf32>, vector<16xi32>, vector<16xi1>) -> (vector<16xi1>, vector<16xf32>, vector<16xi32>)
      %get3A_118 = arith.index_cast %scan3A_84 : i32 to index
      %get3A_119 = arith.constant 48 : index
      %get3A_120 = tpu.vector_load %arg4[%get3A_118, %get3A_119] {strides = array<i32>} : memref<32x256xf32, #tpu.memory_space<vmem>>, vector<16xf32>,
      %add3A_121 = arith.constant 48 : i32
      %add3A_122 = vector.broadcast %add3A_121 : i32 to vector<16xi32>
      %add3A_123 = arith.addi %iota3A, %add3A_122 : vector<16xi32>
      %masked_sort3A_124 = arith.constant dense<true> : vector<16xi1>
      %masked_sort3A_125, %masked_sort3A_126, %masked_sort3A_127 = tpu.sort %get3A_120, %add3A_123 masked %masked_sort3A_124 : (vector<16xf32>, vector<16xi32>, vector<16xi1>) -> (vector<16xi1>, vector<16xf32>, vector<16xi32>)
      %select_n3A_128 = arith.select %lt3A_4, %masked_sort3A_116, %masked_sort3A_126 : vector<16xi1>, vector<16xf32>
      %select_n3A_129 = arith.select %lt3A_4, %masked_sort3A_117, %masked_sort3A_127 : vector<16xi1>, vector<16xi32>
      %masked_sort3A_130 = arith.constant dense<true> : vector<16xi1>
      %masked_sort3A_131, %masked_sort3A_132, %masked_sort3A_133 = tpu.sort %select_n3A_128, %select_n3A_129 masked %masked_sort3A_130 : (vector<16xf32>, vector<16xi32>, vector<16xi1>) -> (vector<16xi1>, vector<16xf32>, vector<16xi32>)
      %select_n3A_134 = arith.select %lt3A_4, %masked_sort3A_106, %masked_sort3A_132 : vector<16xi1>, vector<16xf32>
      %select_n3A_135 = arith.select %lt3A_4, %masked_sort3A_107, %masked_sort3A_133 : vector<16xi1>, vector<16xi32>
      %masked_sort3A_136 = arith.constant dense<true> : vector<16xi1>
      %masked_sort3A_137, %masked_sort3A_138, %masked_sort3A_139 = tpu.sort %select_n3A_134, %select_n3A_135 masked %masked_sort3A_136 {descending = true} : (vector<16xf32>, vector<16xi32>, vector<16xi1>) -> (vector<16xi1>, vector<16xf32>, vector<16xi32>)
      %get3A_140 = arith.index_cast %scan3A_84 : i32 to index
      %get3A_141 = arith.constant 64 : index
      %get3A_142 = tpu.vector_load %arg4[%get3A_140, %get3A_141] {strides = array<i32>} : memref<32x256xf32, #tpu.memory_space<vmem>>, vector<16xf32>,
      %add3A_143 = arith.constant 64 : i32
      %add3A_144 = vector.broadcast %add3A_143 : i32 to vector<16xi32>
      %add3A_145 = arith.addi %iota3A, %add3A_144 : vector<16xi32>
      %masked_sort3A_146 = arith.constant dense<true> : vector<16xi1>
      %masked_sort3A_147, %masked_sort3A_148, %masked_sort3A_149 = tpu.sort %get3A_142, %add3A_145 masked %masked_sort3A_146 {descending = true} : (vector<16xf32>, vector<16xi32>, vector<16xi1>) -> (vector<16xi1>, vector<16xf32>, vector<16xi32>)
      %get3A_150 = arith.index_cast %scan3A_84 : i32 to index
      %get3A_151 = arith.constant 80 : index
      %get3A_152 = tpu.vector_load %arg4[%get3A_150, %get3A_151] {strides = array<i32>} : memref<32x256xf32, #tpu.memory_space<vmem>>, vector<16xf32>,
      %add3A_153 = arith.constant 80 : i32
      %add3A_154 = vector.broadcast %add3A_153 : i32 to vector<16xi32>
      %add3A_155 = arith.addi %iota3A, %add3A_154 : vector<16xi32>
      %masked_sort3A_156 = arith.constant dense<true> : vector<16xi1>
      %masked_sort3A_157, %masked_sort3A_158, %masked_sort3A_159 = tpu.sort %get3A_152, %add3A_155 masked %masked_sort3A_156 : (vector<16xf32>, vector<16xi32>, vector<16xi1>) -> (vector<16xi1>, vector<16xf32>, vector<16xi32>)
      %select_n3A_160 = arith.select %lt3A_4, %masked_sort3A_148, %masked_sort3A_158 : vector<16xi1>, vector<16xf32>
      %select_n3A_161 = arith.select %lt3A_4, %masked_sort3A_149, %masked_sort3A_159 : vector<16xi1>, vector<16xi32>
      %masked_sort3A_162 = arith.constant dense<true> : vector<16xi1>
      %masked_sort3A_163, %masked_sort3A_164, %masked_sort3A_165 = tpu.sort %select_n3A_160, %select_n3A_161 masked %masked_sort3A_162 {descending = true} : (vector<16xf32>, vector<16xi32>, vector<16xi1>) -> (vector<16xi1>, vector<16xf32>, vector<16xi32>)
      %get3A_166 = arith.index_cast %scan3A_84 : i32 to index
      %get3A_167 = arith.constant 96 : index
      %get3A_168 = tpu.vector_load %arg4[%get3A_166, %get3A_167] {strides = array<i32>} : memref<32x256xf32, #tpu.memory_space<vmem>>, vector<16xf32>,
      %add3A_169 = arith.constant 96 : i32
      %add3A_170 = vector.broadcast %add3A_169 : i32 to vector<16xi32>
      %add3A_171 = arith.addi %iota3A, %add3A_170 : vector<16xi32>
      %masked_sort3A_172 = arith.constant dense<true> : vector<16xi1>
      %masked_sort3A_173, %masked_sort3A_174, %masked_sort3A_175 = tpu.sort %get3A_168, %add3A_171 masked %masked_sort3A_172 {descending = true} : (vector<16xf32>, vector<16xi32>, vector<16xi1>) -> (vector<16xi1>, vector<16xf32>, vector<16xi32>)
      %get3A_176 = arith.index_cast %scan3A_84 : i32 to index
      %get3A_177 = arith.constant 112 : index
      %get3A_178 = tpu.vector_load %arg4[%get3A_176, %get3A_177] {strides = array<i32>} : memref<32x256xf32, #tpu.memory_space<vmem>>, vector<16xf32>,
      %add3A_179 = arith.constant 112 : i32
      %add3A_180 = vector.broadcast %add3A_179 : i32 to vector<16xi32>
      %add3A_181 = arith.addi %iota3A, %add3A_180 : vector<16xi32>
      %masked_sort3A_182 = arith.constant dense<true> : vector<16xi1>
      %masked_sort3A_183, %masked_sort3A_184, %masked_sort3A_185 = tpu.sort %get3A_178, %add3A_181 masked %masked_sort3A_182 : (vector<16xf32>, vector<16xi32>, vector<16xi1>) -> (vector<16xi1>, vector<16xf32>, vector<16xi32>)
      %select_n3A_186 = arith.select %lt3A_4, %masked_sort3A_174, %masked_sort3A_184 : vector<16xi1>, vector<16xf32>
      %select_n3A_187 = arith.select %lt3A_4, %masked_sort3A_175, %masked_sort3A_185 : vector<16xi1>, vector<16xi32>
      %masked_sort3A_188 = arith.constant dense<true> : vector<16xi1>
      %masked_sort3A_189, %masked_sort3A_190, %masked_sort3A_191 = tpu.sort %select_n3A_186, %select_n3A_187 masked %masked_sort3A_188 : (vector<16xf32>, vector<16xi32>, vector<16xi1>) -> (vector<16xi1>, vector<16xf32>, vector<16xi32>)
      %select_n3A_192 = arith.select %lt3A_4, %masked_sort3A_164, %masked_sort3A_190 : vector<16xi1>, vector<16xf32>
      %select_n3A_193 = arith.select %lt3A_4, %masked_sort3A_165, %masked_sort3A_191 : vector<16xi1>, vector<16xi32>
      %masked_sort3A_194 = arith.constant dense<true> : vector<16xi1>
      %masked_sort3A_195, %masked_sort3A_196, %masked_sort3A_197 = tpu.sort %select_n3A_192, %select_n3A_193 masked %masked_sort3A_194 : (vector<16xf32>, vector<16xi32>, vector<16xi1>) -> (vector<16xi1>, vector<16xf32>, vector<16xi32>)
      %select_n3A_198 = arith.select %lt3A_4, %masked_sort3A_138, %masked_sort3A_196 : vector<16xi1>, vector<16xf32>
      %select_n3A_199 = arith.select %lt3A_4, %masked_sort3A_139, %masked_sort3A_197 : vector<16xi1>, vector<16xi32>
      %masked_sort3A_200 = arith.constant dense<true> : vector<16xi1>
      %masked_sort3A_201, %masked_sort3A_202, %masked_sort3A_203 = tpu.sort %select_n3A_198, %select_n3A_199 masked %masked_sort3A_200 {descending = true} : (vector<16xf32>, vector<16xi32>, vector<16xi1>) -> (vector<16xi1>, vector<16xf32>, vector<16xi32>)
      %get3A_204 = arith.index_cast %scan3A_84 : i32 to index
      %get3A_205 = arith.constant 128 : index
      %get3A_206 = tpu.vector_load %arg4[%get3A_204, %get3A_205] {strides = array<i32>} : memref<32x256xf32, #tpu.memory_space<vmem>>, vector<16xf32>,
      %add3A_207 = arith.constant 128 : i32
      %add3A_208 = vector.broadcast %add3A_207 : i32 to vector<16xi32>
      %add3A_209 = arith.addi %iota3A, %add3A_208 : vector<16xi32>
      %masked_sort3A_210 = arith.constant dense<true> : vector<16xi1>
      %masked_sort3A_211, %masked_sort3A_212, %masked_sort3A_213 = tpu.sort %get3A_206, %add3A_209 masked %masked_sort3A_210 {descending = true} : (vector<16xf32>, vector<16xi32>, vector<16xi1>) -> (vector<16xi1>, vector<16xf32>, vector<16xi32>)
      %get3A_214 = arith.index_cast %scan3A_84 : i32 to index
      %get3A_215 = arith.constant 144 : index
      %get3A_216 = tpu.vector_load %arg4[%get3A_214, %get3A_215] {strides = array<i32>} : memref<32x256xf32, #tpu.memory_space<vmem>>, vector<16xf32>,
      %add3A_217 = arith.constant 144 : i32
      %add3A_218 = vector.broadcast %add3A_217 : i32 to vector<16xi32>
      %add3A_219 = arith.addi %iota3A, %add3A_218 : vector<16xi32>
      %masked_sort3A_220 = arith.constant dense<true> : vector<16xi1>
      %masked_sort3A_221, %masked_sort3A_222, %masked_sort3A_223 = tpu.sort %get3A_216, %add3A_219 masked %masked_sort3A_220 : (vector<16xf32>, vector<16xi32>, vector<16xi1>) -> (vector<16xi1>, vector<16xf32>, vector<16xi32>)
      %select_n3A_224 = arith.select %lt3A_4, %masked_sort3A_212, %masked_sort3A_222 : vector<16xi1>, vector<16xf32>
      %select_n3A_225 = arith.select %lt3A_4, %masked_sort3A_213, %masked_sort3A_223 : vector<16xi1>, vector<16xi32>
      %masked_sort3A_226 = arith.constant dense<true> : vector<16xi1>
      %masked_sort3A_227, %masked_sort3A_228, %masked_sort3A_229 = tpu.sort %select_n3A_224, %select_n3A_225 masked %masked_sort3A_226 {descending = true} : (vector<16xf32>, vector<16xi32>, vector<16xi1>) -> (vector<16xi1>, vector<16xf32>, vector<16xi32>)
      %get3A_230 = arith.index_cast %scan3A_84 : i32 to index
      %get3A_231 = arith.constant 160 : index
      %get3A_232 = tpu.vector_load %arg4[%get3A_230, %get3A_231] {strides = array<i32>} : memref<32x256xf32, #tpu.memory_space<vmem>>, vector<16xf32>,
      %add3A_233 = arith.constant 160 : i32
      %add3A_234 = vector.broadcast %add3A_233 : i32 to vector<16xi32>
      %add3A_235 = arith.addi %iota3A, %add3A_234 : vector<16xi32>
      %masked_sort3A_236 = arith.constant dense<true> : vector<16xi1>
      %masked_sort3A_237, %masked_sort3A_238, %masked_sort3A_239 = tpu.sort %get3A_232, %add3A_235 masked %masked_sort3A_236 {descending = true} : (vector<16xf32>, vector<16xi32>, vector<16xi1>) -> (vector<16xi1>, vector<16xf32>, vector<16xi32>)
      %get3A_240 = arith.index_cast %scan3A_84 : i32 to index
      %get3A_241 = arith.constant 176 : index
      %get3A_242 = tpu.vector_load %arg4[%get3A_240, %get3A_241] {strides = array<i32>} : memref<32x256xf32, #tpu.memory_space<vmem>>, vector<16xf32>,
      %add3A_243 = arith.constant 176 : i32
      %add3A_244 = vector.broadcast %add3A_243 : i32 to vector<16xi32>
      %add3A_245 = arith.addi %iota3A, %add3A_244 : vector<16xi32>
      %masked_sort3A_246 = arith.constant dense<true> : vector<16xi1>
      %masked_sort3A_247, %masked_sort3A_248, %masked_sort3A_249 = tpu.sort %get3A_242, %add3A_245 masked %masked_sort3A_246 : (vector<16xf32>, vector<16xi32>, vector<16xi1>) -> (vector<16xi1>, vector<16xf32>, vector<16xi32>)
      %select_n3A_250 = arith.select %lt3A_4, %masked_sort3A_238, %masked_sort3A_248 : vector<16xi1>, vector<16xf32>
      %select_n3A_251 = arith.select %lt3A_4, %masked_sort3A_239, %masked_sort3A_249 : vector<16xi1>, vector<16xi32>
      %masked_sort3A_252 = arith.constant dense<true> : vector<16xi1>
      %masked_sort3A_253, %masked_sort3A_254, %masked_sort3A_255 = tpu.sort %select_n3A_250, %select_n3A_251 masked %masked_sort3A_252 : (vector<16xf32>, vector<16xi32>, vector<16xi1>) -> (vector<16xi1>, vector<16xf32>, vector<16xi32>)
      %select_n3A_256 = arith.select %lt3A_4, %masked_sort3A_228, %masked_sort3A_254 : vector<16xi1>, vector<16xf32>
      %select_n3A_257 = arith.select %lt3A_4, %masked_sort3A_229, %masked_sort3A_255 : vector<16xi1>, vector<16xi32>
      %masked_sort3A_258 = arith.constant dense<true> : vector<16xi1>
      %masked_sort3A_259, %masked_sort3A_260, %masked_sort3A_261 = tpu.sort %select_n3A_256, %select_n3A_257 masked %masked_sort3A_258 {descending = true} : (vector<16xf32>, vector<16xi32>, vector<16xi1>) -> (vector<16xi1>, vector<16xf32>, vector<16xi32>)
      %get3A_262 = arith.index_cast %scan3A_84 : i32 to index
      %get3A_263 = arith.constant 192 : index
      %get3A_264 = tpu.vector_load %arg4[%get3A_262, %get3A_263] {strides = array<i32>} : memref<32x256xf32, #tpu.memory_space<vmem>>, vector<16xf32>,
      %add3A_265 = arith.constant 192 : i32
      %add3A_266 = vector.broadcast %add3A_265 : i32 to vector<16xi32>
      %add3A_267 = arith.addi %iota3A, %add3A_266 : vector<16xi32>
      %masked_sort3A_268 = arith.constant dense<true> : vector<16xi1>
      %masked_sort3A_269, %masked_sort3A_270, %masked_sort3A_271 = tpu.sort %get3A_264, %add3A_267 masked %masked_sort3A_268 {descending = true} : (vector<16xf32>, vector<16xi32>, vector<16xi1>) -> (vector<16xi1>, vector<16xf32>, vector<16xi32>)
      %get3A_272 = arith.index_cast %scan3A_84 : i32 to index
      %get3A_273 = arith.constant 208 : index
      %get3A_274 = tpu.vector_load %arg4[%get3A_272, %get3A_273] {strides = array<i32>} : memref<32x256xf32, #tpu.memory_space<vmem>>, vector<16xf32>,
      %add3A_275 = arith.constant 208 : i32
      %add3A_276 = vector.broadcast %add3A_275 : i32 to vector<16xi32>
      %add3A_277 = arith.addi %iota3A, %add3A_276 : vector<16xi32>
      %masked_sort3A_278 = arith.constant dense<true> : vector<16xi1>
      %masked_sort3A_279, %masked_sort3A_280, %masked_sort3A_281 = tpu.sort %get3A_274, %add3A_277 masked %masked_sort3A_278 : (vector<16xf32>, vector<16xi32>, vector<16xi1>) -> (vector<16xi1>, vector<16xf32>, vector<16xi32>)
      %select_n3A_282 = arith.select %lt3A_4, %masked_sort3A_270, %masked_sort3A_280 : vector<16xi1>, vector<16xf32>
      %select_n3A_283 = arith.select %lt3A_4, %masked_sort3A_271, %masked_sort3A_281 : vector<16xi1>, vector<16xi32>
      %masked_sort3A_284 = arith.constant dense<true> : vector<16xi1>
      %masked_sort3A_285, %masked_sort3A_286, %masked_sort3A_287 = tpu.sort %select_n3A_282, %select_n3A_283 masked %masked_sort3A_284 {descending = true} : (vector<16xf32>, vector<16xi32>, vector<16xi1>) -> (vector<16xi1>, vector<16xf32>, vector<16xi32>)
      %get3A_288 = arith.index_cast %scan3A_84 : i32 to index
      %get3A_289 = arith.constant 224 : index
      %get3A_290 = tpu.vector_load %arg4[%get3A_288, %get3A_289] {strides = array<i32>} : memref<32x256xf32, #tpu.memory_space<vmem>>, vector<16xf32>,
      %add3A_291 = arith.constant 224 : i32
      %add3A_292 = vector.broadcast %add3A_291 : i32 to vector<16xi32>
      %add3A_293 = arith.addi %iota3A, %add3A_292 : vector<16xi32>
      %masked_sort3A_294 = arith.constant dense<true> : vector<16xi1>
      %masked_sort3A_295, %masked_sort3A_296, %masked_sort3A_297 = tpu.sort %get3A_290, %add3A_293 masked %masked_sort3A_294 {descending = true} : (vector<16xf32>, vector<16xi32>, vector<16xi1>) -> (vector<16xi1>, vector<16xf32>, vector<16xi32>)
      %get3A_298 = arith.index_cast %scan3A_84 : i32 to index
      %get3A_299 = arith.constant 240 : index
      %get3A_300 = tpu.vector_load %arg4[%get3A_298, %get3A_299] {strides = array<i32>} : memref<32x256xf32, #tpu.memory_space<vmem>>, vector<16xf32>,
      %add3A_301 = arith.constant 240 : i32
      %add3A_302 = vector.broadcast %add3A_301 : i32 to vector<16xi32>
      %add3A_303 = arith.addi %iota3A, %add3A_302 : vector<16xi32>
      %masked_sort3A_304 = arith.constant dense<true> : vector<16xi1>
      %masked_sort3A_305, %masked_sort3A_306, %masked_sort3A_307 = tpu.sort %get3A_300, %add3A_303 masked %masked_sort3A_304 : (vector<16xf32>, vector<16xi32>, vector<16xi1>) -> (vector<16xi1>, vector<16xf32>, vector<16xi32>)
      %select_n3A_308 = arith.select %lt3A_4, %masked_sort3A_296, %masked_sort3A_306 : vector<16xi1>, vector<16xf32>
      %select_n3A_309 = arith.select %lt3A_4, %masked_sort3A_297, %masked_sort3A_307 : vector<16xi1>, vector<16xi32>
      %masked_sort3A_310 = arith.constant dense<true> : vector<16xi1>
      %masked_sort3A_311, %masked_sort3A_312, %masked_sort3A_313 = tpu.sort %select_n3A_308, %select_n3A_309 masked %masked_sort3A_310 : (vector<16xf32>, vector<16xi32>, vector<16xi1>) -> (vector<16xi1>, vector<16xf32>, vector<16xi32>)
      %select_n3A_314 = arith.select %lt3A_4, %masked_sort3A_286, %masked_sort3A_312 : vector<16xi1>, vector<16xf32>
      %select_n3A_315 = arith.select %lt3A_4, %masked_sort3A_287, %masked_sort3A_313 : vector<16xi1>, vector<16xi32>
      %masked_sort3A_316 = arith.constant dense<true> : vector<16xi1>
      %masked_sort3A_317, %masked_sort3A_318, %masked_sort3A_319 = tpu.sort %select_n3A_314, %select_n3A_315 masked %masked_sort3A_316 : (vector<16xf32>, vector<16xi32>, vector<16xi1>) -> (vector<16xi1>, vector<16xf32>, vector<16xi32>)
      %select_n3A_320 = arith.select %lt3A_4, %masked_sort3A_260, %masked_sort3A_318 : vector<16xi1>, vector<16xf32>
      %select_n3A_321 = arith.select %lt3A_4, %masked_sort3A_261, %masked_sort3A_319 : vector<16xi1>, vector<16xi32>
      %masked_sort3A_322 = arith.constant dense<true> : vector<16xi1>
      %masked_sort3A_323, %masked_sort3A_324, %masked_sort3A_325 = tpu.sort %select_n3A_320, %select_n3A_321 masked %masked_sort3A_322 : (vector<16xf32>, vector<16xi32>, vector<16xi1>) -> (vector<16xi1>, vector<16xf32>, vector<16xi32>)
      %select_n3A_326 = arith.select %lt3A_4, %masked_sort3A_202, %masked_sort3A_324 : vector<16xi1>, vector<16xf32>
      %select_n3A_327 = arith.select %lt3A_4, %masked_sort3A_203, %masked_sort3A_325 : vector<16xi1>, vector<16xi32>
      %masked_sort3A_328 = arith.constant dense<true> : vector<16xi1>
      %masked_sort3A_329, %masked_sort3A_330, %masked_sort3A_331 = tpu.sort %select_n3A_326, %select_n3A_327 masked %masked_sort3A_328 {descending = true} : (vector<16xf32>, vector<16xi32>, vector<16xi1>) -> (vector<16xi1>, vector<16xf32>, vector<16xi32>)
      %swap3A = arith.constant 0 : index
      %swap3A_332 = tpu.vector_load %arg7[%swap3A] {strides = array<i32>} : memref<16xf32, #tpu.memory_space<vmem>>, vector<16xf32>,
      tpu.vector_store %arg7[%swap3A], %masked_sort3A_330 {strides = array<i32>} : memref<16xf32, #tpu.memory_space<vmem>>, vector<16xf32>,
      %gather3A = tpu.vector_load_idx %arg7[%max3A_8] : memref<16xf32, #tpu.memory_space<vmem>>[vector<16xi32>], vector<16xf32>,
      %ne3A = arith.cmpf one, %masked_sort3A_330, %gather3A : vector<16xf32>
      %jit3A = arith.constant 0 : i32
      %broadcast_in_dim3A = vector.broadcast %jit3A : i32 to vector<16xi32>
      %select_n3A_333 = arith.select %ne3A, %iota3A, %broadcast_in_dim3A : vector<16xi1>, vector<16xi32>
      %broadcast_in_dim3A_334 = arith.constant true
      %broadcast_in_dim3A_335 = vector.broadcast %broadcast_in_dim3A_334 : i1 to vector<16xi1>
      %masked_cummax3A = arith.constant -2147483648 : i32
      %masked_cummax3A_336 = vector.broadcast %masked_cummax3A : i32 to vector<16xi32>
      %masked_cummax3A_337 = arith.xori %select_n3A_333, %masked_cummax3A_336 : vector<16xi32>
      %masked_cummax3A_338 = tpu.scan <max>, %masked_cummax3A_337 masked %broadcast_in_dim3A_335 : vector<16xi32>, vector<16xi1> -> vector<16xi32>
      %masked_cummax3A_339 = arith.xori %masked_cummax3A_338, %masked_cummax3A_336 : vector<16xi32>
      %mul3A_340 = arith.constant 256 : i32
      %mul3A_341 = vector.broadcast %mul3A_340 : i32 to vector<16xi32>
      %mul3A_342 = arith.muli %masked_cummax3A_339, %mul3A_341 : vector<16xi32>
      %add3A_343 = arith.addi %mul3A_342, %masked_sort3A_331 : vector<16xi32>
      %masked_sort3A_344 = arith.constant dense<true> : vector<16xi1>
      %masked_sort3A_345 = arith.constant -2147483648 : i32
      %masked_sort3A_346 = vector.broadcast %masked_sort3A_345 : i32 to vector<16xi32>
      %masked_sort3A_347 = arith.xori %add3A_343, %masked_sort3A_346 : vector<16xi32>
      %masked_sort3A_348, %masked_sort3A_349, %masked_sort3A_350 = tpu.sort %masked_sort3A_347, %masked_sort3A_331 masked %masked_sort3A_344 : (vector<16xi32>, vector<16xi32>, vector<16xi1>) -> (vector<16xi1>, vector<16xi32>, vector<16xi32>)
      %masked_sort3A_351 = arith.xori %masked_sort3A_349, %masked_sort3A_346 : vector<16xi32>
      %add3A_352 = arith.constant 128 : i32
      %add3A_353 = arith.addi %add3A_352, %scan3A_84 : i32
      %swap3A_354 = arith.index_cast %add3A_353 : i32 to index
      %swap3A_355 = arith.constant 0 : index
      %swap3A_356 = tpu.vector_load %arg6[%swap3A_354, %swap3A_355] {strides = array<i32>} : memref<160x16xi32, #tpu.memory_space<vmem>>, vector<16xi32>,
      tpu.vector_store %arg6[%swap3A_354, %swap3A_355], %masked_sort3A_350 {strides = array<i32>} : memref<160x16xi32, #tpu.memory_space<vmem>>, vector<16xi32>,
      %scan3A_357 = arith.constant 1 : i32
      %scan3A_358 = arith.addi %scan3A_84, %scan3A_357 : i32
      %get3A_359 = arith.index_cast %scan3A_358 : i32 to index
      %get3A_360 = arith.constant 0 : index
      %get3A_361 = tpu.vector_load %arg4[%get3A_359, %get3A_360] {strides = array<i32>} : memref<32x256xf32, #tpu.memory_space<vmem>>, vector<16xf32>,
      %add3A_362 = arith.constant 0 : i32
      %add3A_363 = vector.broadcast %add3A_362 : i32 to vector<16xi32>
      %add3A_364 = arith.addi %iota3A, %add3A_363 : vector<16xi32>
      %masked_sort3A_365 = arith.constant dense<true> : vector<16xi1>
      %masked_sort3A_366, %masked_sort3A_367, %masked_sort3A_368 = tpu.sort %get3A_361, %add3A_364 masked %masked_sort3A_365 {descending = true} : (vector<16xf32>, vector<16xi32>, vector<16xi1>) -> (vector<16xi1>, vector<16xf32>, vector<16xi32>)
      %get3A_369 = arith.index_cast %scan3A_358 : i32 to index
      %get3A_370 = arith.constant 16 : index
      %get3A_371 = tpu.vector_load %arg4[%get3A_369, %get3A_370] {strides = array<i32>} : memref<32x256xf32, #tpu.memory_space<vmem>>, vector<16xf32>,
      %add3A_372 = arith.constant 16 : i32
      %add3A_373 = vector.broadcast %add3A_372 : i32 to vector<16xi32>
      %add3A_374 = arith.addi %iota3A, %add3A_373 : vector<16xi32>
      %masked_sort3A_375 = arith.constant dense<true> : vector<16xi1>
      %masked_sort3A_376, %masked_sort3A_377, %masked_sort3A_378 = tpu.sort %get3A_371, %add3A_374 masked %masked_sort3A_375 : (vector<16xf32>, vector<16xi32>, vector<16xi1>) -> (vector<16xi1>, vector<16xf32>, vector<16xi32>)
      %select_n3A_379 = arith.select %lt3A_4, %masked_sort3A_367, %masked_sort3A_377 : vector<16xi1>, vector<16xf32>
      %select_n3A_380 = arith.select %lt3A_4, %masked_sort3A_368, %masked_sort3A_378 : vector<16xi1>, vector<16xi32>
      %masked_sort3A_381 = arith.constant dense<true> : vector<16xi1>
      %masked_sort3A_382, %masked_sort3A_383, %masked_sort3A_384 = tpu.sort %select_n3A_379, %select_n3A_380 masked %masked_sort3A_381 {descending = true} : (vector<16xf32>, vector<16xi32>, vector<16xi1>) -> (vector<16xi1>, vector<16xf32>, vector<16xi32>)
      %get3A_385 = arith.index_cast %scan3A_358 : i32 to index
      %get3A_386 = arith.constant 32 : index
      %get3A_387 = tpu.vector_load %arg4[%get3A_385, %get3A_386] {strides = array<i32>} : memref<32x256xf32, #tpu.memory_space<vmem>>, vector<16xf32>,
      %add3A_388 = arith.constant 32 : i32
      %add3A_389 = vector.broadcast %add3A_388 : i32 to vector<16xi32>
      %add3A_390 = arith.addi %iota3A, %add3A_389 : vector<16xi32>
      %masked_sort3A_391 = arith.constant dense<true> : vector<16xi1>
      %masked_sort3A_392, %masked_sort3A_393, %masked_sort3A_394 = tpu.sort %get3A_387, %add3A_390 masked %masked_sort3A_391 {descending = true} : (vector<16xf32>, vector<16xi32>, vector<16xi1>) -> (vector<16xi1>, vector<16xf32>, vector<16xi32>)
      %get3A_395 = arith.index_cast %scan3A_358 : i32 to index
      %get3A_396 = arith.constant 48 : index
      %get3A_397 = tpu.vector_load %arg4[%get3A_395, %get3A_396] {strides = array<i32>} : memref<32x256xf32, #tpu.memory_space<vmem>>, vector<16xf32>,
      %add3A_398 = arith.constant 48 : i32
      %add3A_399 = vector.broadcast %add3A_398 : i32 to vector<16xi32>
      %add3A_400 = arith.addi %iota3A, %add3A_399 : vector<16xi32>
      %masked_sort3A_401 = arith.constant dense<true> : vector<16xi1>
      %masked_sort3A_402, %masked_sort3A_403, %masked_sort3A_404 = tpu.sort %get3A_397, %add3A_400 masked %masked_sort3A_401 : (vector<16xf32>, vector<16xi32>, vector<16xi1>) -> (vector<16xi1>, vector<16xf32>, vector<16xi32>)
      %select_n3A_405 = arith.select %lt3A_4, %masked_sort3A_393, %masked_sort3A_403 : vector<16xi1>, vector<16xf32>
      %select_n3A_406 = arith.select %lt3A_4, %masked_sort3A_394, %masked_sort3A_404 : vector<16xi1>, vector<16xi32>
      %masked_sort3A_407 = arith.constant dense<true> : vector<16xi1>
      %masked_sort3A_408, %masked_sort3A_409, %masked_sort3A_410 = tpu.sort %select_n3A_405, %select_n3A_406 masked %masked_sort3A_407 : (vector<16xf32>, vector<16xi32>, vector<16xi1>) -> (vector<16xi1>, vector<16xf32>, vector<16xi32>)
      %select_n3A_411 = arith.select %lt3A_4, %masked_sort3A_383, %masked_sort3A_409 : vector<16xi1>, vector<16xf32>
      %select_n3A_412 = arith.select %lt3A_4, %masked_sort3A_384, %masked_sort3A_410 : vector<16xi1>, vector<16xi32>
      %masked_sort3A_413 = arith.constant dense<true> : vector<16xi1>
      %masked_sort3A_414, %masked_sort3A_415, %masked_sort3A_416 = tpu.sort %select_n3A_411, %select_n3A_412 masked %masked_sort3A_413 {descending = true} : (vector<16xf32>, vector<16xi32>, vector<16xi1>) -> (vector<16xi1>, vector<16xf32>, vector<16xi32>)
      %get3A_417 = arith.index_cast %scan3A_358 : i32 to index
      %get3A_418 = arith.constant 64 : index
      %get3A_419 = tpu.vector_load %arg4[%get3A_417, %get3A_418] {strides = array<i32>} : memref<32x256xf32, #tpu.memory_space<vmem>>, vector<16xf32>,
      %add3A_420 = arith.constant 64 : i32
      %add3A_421 = vector.broadcast %add3A_420 : i32 to vector<16xi32>
      %add3A_422 = arith.addi %iota3A, %add3A_421 : vector<16xi32>
      %masked_sort3A_423 = arith.constant dense<true> : vector<16xi1>
      %masked_sort3A_424, %masked_sort3A_425, %masked_sort3A_426 = tpu.sort %get3A_419, %add3A_422 masked %masked_sort3A_423 {descending = true} : (vector<16xf32>, vector<16xi32>, vector<16xi1>) -> (vector<16xi1>, vector<16xf32>, vector<16xi32>)
      %get3A_427 = arith.index_cast %scan3A_358 : i32 to index
      %get3A_428 = arith.constant 80 : index
      %get3A_429 = tpu.vector_load %arg4[%get3A_427, %get3A_428] {strides = array<i32>} : memref<32x256xf32, #tpu.memory_space<vmem>>, vector<16xf32>,
      %add3A_430 = arith.constant 80 : i32
      %add3A_431 = vector.broadcast %add3A_430 : i32 to vector<16xi32>
      %add3A_432 = arith.addi %iota3A, %add3A_431 : vector<16xi32>
      %masked_sort3A_433 = arith.constant dense<true> : vector<16xi1>
      %masked_sort3A_434, %masked_sort3A_435, %masked_sort3A_436 = tpu.sort %get3A_429, %add3A_432 masked %masked_sort3A_433 : (vector<16xf32>, vector<16xi32>, vector<16xi1>) -> (vector<16xi1>, vector<16xf32>, vector<16xi32>)
      %select_n3A_437 = arith.select %lt3A_4, %masked_sort3A_425, %masked_sort3A_435 : vector<16xi1>, vector<16xf32>
      %select_n3A_438 = arith.select %lt3A_4, %masked_sort3A_426, %masked_sort3A_436 : vector<16xi1>, vector<16xi32>
      %masked_sort3A_439 = arith.constant dense<true> : vector<16xi1>
      %masked_sort3A_440, %masked_sort3A_441, %masked_sort3A_442 = tpu.sort %select_n3A_437, %select_n3A_438 masked %masked_sort3A_439 {descending = true} : (vector<16xf32>, vector<16xi32>, vector<16xi1>) -> (vector<16xi1>, vector<16xf32>, vector<16xi32>)
      %get3A_443 = arith.index_cast %scan3A_358 : i32 to index
      %get3A_444 = arith.constant 96 : index
      %get3A_445 = tpu.vector_load %arg4[%get3A_443, %get3A_444] {strides = array<i32>} : memref<32x256xf32, #tpu.memory_space<vmem>>, vector<16xf32>,
      %add3A_446 = arith.constant 96 : i32
      %add3A_447 = vector.broadcast %add3A_446 : i32 to vector<16xi32>
      %add3A_448 = arith.addi %iota3A, %add3A_447 : vector<16xi32>
      %masked_sort3A_449 = arith.constant dense<true> : vector<16xi1>
      %masked_sort3A_450, %masked_sort3A_451, %masked_sort3A_452 = tpu.sort %get3A_445, %add3A_448 masked %masked_sort3A_449 {descending = true} : (vector<16xf32>, vector<16xi32>, vector<16xi1>) -> (vector<16xi1>, vector<16xf32>, vector<16xi32>)
      %get3A_453 = arith.index_cast %scan3A_358 : i32 to index
      %get3A_454 = arith.constant 112 : index
      %get3A_455 = tpu.vector_load %arg4[%get3A_453, %get3A_454] {strides = array<i32>} : memref<32x256xf32, #tpu.memory_space<vmem>>, vector<16xf32>,
      %add3A_456 = arith.constant 112 : i32
      %add3A_457 = vector.broadcast %add3A_456 : i32 to vector<16xi32>
      %add3A_458 = arith.addi %iota3A, %add3A_457 : vector<16xi32>
      %masked_sort3A_459 = arith.constant dense<true> : vector<16xi1>
      %masked_sort3A_460, %masked_sort3A_461, %masked_sort3A_462 = tpu.sort %get3A_455, %add3A_458 masked %masked_sort3A_459 : (vector<16xf32>, vector<16xi32>, vector<16xi1>) -> (vector<16xi1>, vector<16xf32>, vector<16xi32>)
      %select_n3A_463 = arith.select %lt3A_4, %masked_sort3A_451, %masked_sort3A_461 : vector<16xi1>, vector<16xf32>
      %select_n3A_464 = arith.select %lt3A_4, %masked_sort3A_452, %masked_sort3A_462 : vector<16xi1>, vector<16xi32>
      %masked_sort3A_465 = arith.constant dense<true> : vector<16xi1>
      %masked_sort3A_466, %masked_sort3A_467, %masked_sort3A_468 = tpu.sort %select_n3A_463, %select_n3A_464 masked %masked_sort3A_465 : (vector<16xf32>, vector<16xi32>, vector<16xi1>) -> (vector<16xi1>, vector<16xf32>, vector<16xi32>)
      %select_n3A_469 = arith.select %lt3A_4, %masked_sort3A_441, %masked_sort3A_467 : vector<16xi1>, vector<16xf32>
      %select_n3A_470 = arith.select %lt3A_4, %masked_sort3A_442, %masked_sort3A_468 : vector<16xi1>, vector<16xi32>
      %masked_sort3A_471 = arith.constant dense<true> : vector<16xi1>
      %masked_sort3A_472, %masked_sort3A_473, %masked_sort3A_474 = tpu.sort %select_n3A_469, %select_n3A_470 masked %masked_sort3A_471 : (vector<16xf32>, vector<16xi32>, vector<16xi1>) -> (vector<16xi1>, vector<16xf32>, vector<16xi32>)
      %select_n3A_475 = arith.select %lt3A_4, %masked_sort3A_415, %masked_sort3A_473 : vector<16xi1>, vector<16xf32>
      %select_n3A_476 = arith.select %lt3A_4, %masked_sort3A_416, %masked_sort3A_474 : vector<16xi1>, vector<16xi32>
      %masked_sort3A_477 = arith.constant dense<true> : vector<16xi1>
      %masked_sort3A_478, %masked_sort3A_479, %masked_sort3A_480 = tpu.sort %select_n3A_475, %select_n3A_476 masked %masked_sort3A_477 {descending = true} : (vector<16xf32>, vector<16xi32>, vector<16xi1>) -> (vector<16xi1>, vector<16xf32>, vector<16xi32>)
      %get3A_481 = arith.index_cast %scan3A_358 : i32 to index
      %get3A_482 = arith.constant 128 : index
      %get3A_483 = tpu.vector_load %arg4[%get3A_481, %get3A_482] {strides = array<i32>} : memref<32x256xf32, #tpu.memory_space<vmem>>, vector<16xf32>,
      %add3A_484 = arith.constant 128 : i32
      %add3A_485 = vector.broadcast %add3A_484 : i32 to vector<16xi32>
      %add3A_486 = arith.addi %iota3A, %add3A_485 : vector<16xi32>
      %masked_sort3A_487 = arith.constant dense<true> : vector<16xi1>
      %masked_sort3A_488, %masked_sort3A_489, %masked_sort3A_490 = tpu.sort %get3A_483, %add3A_486 masked %masked_sort3A_487 {descending = true} : (vector<16xf32>, vector<16xi32>, vector<16xi1>) -> (vector<16xi1>, vector<16xf32>, vector<16xi32>)
      %get3A_491 = arith.index_cast %scan3A_358 : i32 to index
      %get3A_492 = arith.constant 144 : index
      %get3A_493 = tpu.vector_load %arg4[%get3A_491, %get3A_492] {strides = array<i32>} : memref<32x256xf32, #tpu.memory_space<vmem>>, vector<16xf32>,
      %add3A_494 = arith.constant 144 : i32
      %add3A_495 = vector.broadcast %add3A_494 : i32 to vector<16xi32>
      %add3A_496 = arith.addi %iota3A, %add3A_495 : vector<16xi32>
      %masked_sort3A_497 = arith.constant dense<true> : vector<16xi1>
      %masked_sort3A_498, %masked_sort3A_499, %masked_sort3A_500 = tpu.sort %get3A_493, %add3A_496 masked %masked_sort3A_497 : (vector<16xf32>, vector<16xi32>, vector<16xi1>) -> (vector<16xi1>, vector<16xf32>, vector<16xi32>)
      %select_n3A_501 = arith.select %lt3A_4, %masked_sort3A_489, %masked_sort3A_499 : vector<16xi1>, vector<16xf32>
      %select_n3A_502 = arith.select %lt3A_4, %masked_sort3A_490, %masked_sort3A_500 : vector<16xi1>, vector<16xi32>
      %masked_sort3A_503 = arith.constant dense<true> : vector<16xi1>
      %masked_sort3A_504, %masked_sort3A_505, %masked_sort3A_506 = tpu.sort %select_n3A_501, %select_n3A_502 masked %masked_sort3A_503 {descending = true} : (vector<16xf32>, vector<16xi32>, vector<16xi1>) -> (vector<16xi1>, vector<16xf32>, vector<16xi32>)
      %get3A_507 = arith.index_cast %scan3A_358 : i32 to index
      %get3A_508 = arith.constant 160 : index
      %get3A_509 = tpu.vector_load %arg4[%get3A_507, %get3A_508] {strides = array<i32>} : memref<32x256xf32, #tpu.memory_space<vmem>>, vector<16xf32>,
      %add3A_510 = arith.constant 160 : i32
      %add3A_511 = vector.broadcast %add3A_510 : i32 to vector<16xi32>
      %add3A_512 = arith.addi %iota3A, %add3A_511 : vector<16xi32>
      %masked_sort3A_513 = arith.constant dense<true> : vector<16xi1>
      %masked_sort3A_514, %masked_sort3A_515, %masked_sort3A_516 = tpu.sort %get3A_509, %add3A_512 masked %masked_sort3A_513 {descending = true} : (vector<16xf32>, vector<16xi32>, vector<16xi1>) -> (vector<16xi1>, vector<16xf32>, vector<16xi32>)
      %get3A_517 = arith.index_cast %scan3A_358 : i32 to index
      %get3A_518 = arith.constant 176 : index
      %get3A_519 = tpu.vector_load %arg4[%get3A_517, %get3A_518] {strides = array<i32>} : memref<32x256xf32, #tpu.memory_space<vmem>>, vector<16xf32>,
      %add3A_520 = arith.constant 176 : i32
      %add3A_521 = vector.broadcast %add3A_520 : i32 to vector<16xi32>
      %add3A_522 = arith.addi %iota3A, %add3A_521 : vector<16xi32>
      %masked_sort3A_523 = arith.constant dense<true> : vector<16xi1>
      %masked_sort3A_524, %masked_sort3A_525, %masked_sort3A_526 = tpu.sort %get3A_519, %add3A_522 masked %masked_sort3A_523 : (vector<16xf32>, vector<16xi32>, vector<16xi1>) -> (vector<16xi1>, vector<16xf32>, vector<16xi32>)
      %select_n3A_527 = arith.select %lt3A_4, %masked_sort3A_515, %masked_sort3A_525 : vector<16xi1>, vector<16xf32>
      %select_n3A_528 = arith.select %lt3A_4, %masked_sort3A_516, %masked_sort3A_526 : vector<16xi1>, vector<16xi32>
      %masked_sort3A_529 = arith.constant dense<true> : vector<16xi1>
      %masked_sort3A_530, %masked_sort3A_531, %masked_sort3A_532 = tpu.sort %select_n3A_527, %select_n3A_528 masked %masked_sort3A_529 : (vector<16xf32>, vector<16xi32>, vector<16xi1>) -> (vector<16xi1>, vector<16xf32>, vector<16xi32>)
      %select_n3A_533 = arith.select %lt3A_4, %masked_sort3A_505, %masked_sort3A_531 : vector<16xi1>, vector<16xf32>
      %select_n3A_534 = arith.select %lt3A_4, %masked_sort3A_506, %masked_sort3A_532 : vector<16xi1>, vector<16xi32>
      %masked_sort3A_535 = arith.constant dense<true> : vector<16xi1>
      %masked_sort3A_536, %masked_sort3A_537, %masked_sort3A_538 = tpu.sort %select_n3A_533, %select_n3A_534 masked %masked_sort3A_535 {descending = true} : (vector<16xf32>, vector<16xi32>, vector<16xi1>) -> (vector<16xi1>, vector<16xf32>, vector<16xi32>)
      %get3A_539 = arith.index_cast %scan3A_358 : i32 to index
      %get3A_540 = arith.constant 192 : index
      %get3A_541 = tpu.vector_load %arg4[%get3A_539, %get3A_540] {strides = array<i32>} : memref<32x256xf32, #tpu.memory_space<vmem>>, vector<16xf32>,
      %add3A_542 = arith.constant 192 : i32
      %add3A_543 = vector.broadcast %add3A_542 : i32 to vector<16xi32>
      %add3A_544 = arith.addi %iota3A, %add3A_543 : vector<16xi32>
      %masked_sort3A_545 = arith.constant dense<true> : vector<16xi1>
      %masked_sort3A_546, %masked_sort3A_547, %masked_sort3A_548 = tpu.sort %get3A_541, %add3A_544 masked %masked_sort3A_545 {descending = true} : (vector<16xf32>, vector<16xi32>, vector<16xi1>) -> (vector<16xi1>, vector<16xf32>, vector<16xi32>)
      %get3A_549 = arith.index_cast %scan3A_358 : i32 to index
      %get3A_550 = arith.constant 208 : index
      %get3A_551 = tpu.vector_load %arg4[%get3A_549, %get3A_550] {strides = array<i32>} : memref<32x256xf32, #tpu.memory_space<vmem>>, vector<16xf32>,
      %add3A_552 = arith.constant 208 : i32
      %add3A_553 = vector.broadcast %add3A_552 : i32 to vector<16xi32>
      %add3A_554 = arith.addi %iota3A, %add3A_553 : vector<16xi32>
      %masked_sort3A_555 = arith.constant dense<true> : vector<16xi1>
      %masked_sort3A_556, %masked_sort3A_557, %masked_sort3A_558 = tpu.sort %get3A_551, %add3A_554 masked %masked_sort3A_555 : (vector<16xf32>, vector<16xi32>, vector<16xi1>) -> (vector<16xi1>, vector<16xf32>, vector<16xi32>)
      %select_n3A_559 = arith.select %lt3A_4, %masked_sort3A_547, %masked_sort3A_557 : vector<16xi1>, vector<16xf32>
      %select_n3A_560 = arith.select %lt3A_4, %masked_sort3A_548, %masked_sort3A_558 : vector<16xi1>, vector<16xi32>
      %masked_sort3A_561 = arith.constant dense<true> : vector<16xi1>
      %masked_sort3A_562, %masked_sort3A_563, %masked_sort3A_564 = tpu.sort %select_n3A_559, %select_n3A_560 masked %masked_sort3A_561 {descending = true} : (vector<16xf32>, vector<16xi32>, vector<16xi1>) -> (vector<16xi1>, vector<16xf32>, vector<16xi32>)
      %get3A_565 = arith.index_cast %scan3A_358 : i32 to index
      %get3A_566 = arith.constant 224 : index
      %get3A_567 = tpu.vector_load %arg4[%get3A_565, %get3A_566] {strides = array<i32>} : memref<32x256xf32, #tpu.memory_space<vmem>>, vector<16xf32>,
      %add3A_568 = arith.constant 224 : i32
      %add3A_569 = vector.broadcast %add3A_568 : i32 to vector<16xi32>
      %add3A_570 = arith.addi %iota3A, %add3A_569 : vector<16xi32>
      %masked_sort3A_571 = arith.constant dense<true> : vector<16xi1>
      %masked_sort3A_572, %masked_sort3A_573, %masked_sort3A_574 = tpu.sort %get3A_567, %add3A_570 masked %masked_sort3A_571 {descending = true} : (vector<16xf32>, vector<16xi32>, vector<16xi1>) -> (vector<16xi1>, vector<16xf32>, vector<16xi32>)
      %get3A_575 = arith.index_cast %scan3A_358 : i32 to index
      %get3A_576 = arith.constant 240 : index
      %get3A_577 = tpu.vector_load %arg4[%get3A_575, %get3A_576] {strides = array<i32>} : memref<32x256xf32, #tpu.memory_space<vmem>>, vector<16xf32>,
      %add3A_578 = arith.constant 240 : i32
      %add3A_579 = vector.broadcast %add3A_578 : i32 to vector<16xi32>
      %add3A_580 = arith.addi %iota3A, %add3A_579 : vector<16xi32>
      %masked_sort3A_581 = arith.constant dense<true> : vector<16xi1>
      %masked_sort3A_582, %masked_sort3A_583, %masked_sort3A_584 = tpu.sort %get3A_577, %add3A_580 masked %masked_sort3A_581 : (vector<16xf32>, vector<16xi32>, vector<16xi1>) -> (vector<16xi1>, vector<16xf32>, vector<16xi32>)
      %select_n3A_585 = arith.select %lt3A_4, %masked_sort3A_573, %masked_sort3A_583 : vector<16xi1>, vector<16xf32>
      %select_n3A_586 = arith.select %lt3A_4, %masked_sort3A_574, %masked_sort3A_584 : vector<16xi1>, vector<16xi32>
      %masked_sort3A_587 = arith.constant dense<true> : vector<16xi1>
      %masked_sort3A_588, %masked_sort3A_589, %masked_sort3A_590 = tpu.sort %select_n3A_585, %select_n3A_586 masked %masked_sort3A_587 : (vector<16xf32>, vector<16xi32>, vector<16xi1>) -> (vector<16xi1>, vector<16xf32>, vector<16xi32>)
      %select_n3A_591 = arith.select %lt3A_4, %masked_sort3A_563, %masked_sort3A_589 : vector<16xi1>, vector<16xf32>
      %select_n3A_592 = arith.select %lt3A_4, %masked_sort3A_564, %masked_sort3A_590 : vector<16xi1>, vector<16xi32>
      %masked_sort3A_593 = arith.constant dense<true> : vector<16xi1>
      %masked_sort3A_594, %masked_sort3A_595, %masked_sort3A_596 = tpu.sort %select_n3A_591, %select_n3A_592 masked %masked_sort3A_593 : (vector<16xf32>, vector<16xi32>, vector<16xi1>) -> (vector<16xi1>, vector<16xf32>, vector<16xi32>)
      %select_n3A_597 = arith.select %lt3A_4, %masked_sort3A_537, %masked_sort3A_595 : vector<16xi1>, vector<16xf32>
      %select_n3A_598 = arith.select %lt3A_4, %masked_sort3A_538, %masked_sort3A_596 : vector<16xi1>, vector<16xi32>
      %masked_sort3A_599 = arith.constant dense<true> : vector<16xi1>
      %masked_sort3A_600, %masked_sort3A_601, %masked_sort3A_602 = tpu.sort %select_n3A_597, %select_n3A_598 masked %masked_sort3A_599 : (vector<16xf32>, vector<16xi32>, vector<16xi1>) -> (vector<16xi1>, vector<16xf32>, vector<16xi32>)
      %select_n3A_603 = arith.select %lt3A_4, %masked_sort3A_479, %masked_sort3A_601 : vector<16xi1>, vector<16xf32>
      %select_n3A_604 = arith.select %lt3A_4, %masked_sort3A_480, %masked_sort3A_602 : vector<16xi1>, vector<16xi32>
      %masked_sort3A_605 = arith.constant dense<true> : vector<16xi1>
      %masked_sort3A_606, %masked_sort3A_607, %masked_sort3A_608 = tpu.sort %select_n3A_603, %select_n3A_604 masked %masked_sort3A_605 {descending = true} : (vector<16xf32>, vector<16xi32>, vector<16xi1>) -> (vector<16xi1>, vector<16xf32>, vector<16xi32>)
      %swap3A_609 = arith.constant 0 : index
      %swap3A_610 = tpu.vector_load %arg7[%swap3A_609] {strides = array<i32>} : memref<16xf32, #tpu.memory_space<vmem>>, vector<16xf32>,
      tpu.vector_store %arg7[%swap3A_609], %masked_sort3A_607 {strides = array<i32>} : memref<16xf32, #tpu.memory_space<vmem>>, vector<16xf32>,
      %gather3A_611 = tpu.vector_load_idx %arg7[%max3A_8] : memref<16xf32, #tpu.memory_space<vmem>>[vector<16xi32>], vector<16xf32>,
      %ne3A_612 = arith.cmpf one, %masked_sort3A_607, %gather3A_611 : vector<16xf32>
      %jit3A_613 = arith.constant 0 : i32
      %broadcast_in_dim3A_614 = vector.broadcast %jit3A_613 : i32 to vector<16xi32>
      %select_n3A_615 = arith.select %ne3A_612, %iota3A, %broadcast_in_dim3A_614 : vector<16xi1>, vector<16xi32>
      %broadcast_in_dim3A_616 = arith.constant true
      %broadcast_in_dim3A_617 = vector.broadcast %broadcast_in_dim3A_616 : i1 to vector<16xi1>
      %masked_cummax3A_618 = arith.constant -2147483648 : i32
      %masked_cummax3A_619 = vector.broadcast %masked_cummax3A_618 : i32 to vector<16xi32>
      %masked_cummax3A_620 = arith.xori %select_n3A_615, %masked_cummax3A_619 : vector<16xi32>
      %masked_cummax3A_621 = tpu.scan <max>, %masked_cummax3A_620 masked %broadcast_in_dim3A_617 : vector<16xi32>, vector<16xi1> -> vector<16xi32>
      %masked_cummax3A_622 = arith.xori %masked_cummax3A_621, %masked_cummax3A_619 : vector<16xi32>
      %mul3A_623 = arith.constant 256 : i32
      %mul3A_624 = vector.broadcast %mul3A_623 : i32 to vector<16xi32>
      %mul3A_625 = arith.muli %masked_cummax3A_622, %mul3A_624 : vector<16xi32>
      %add3A_626 = arith.addi %mul3A_625, %masked_sort3A_608 : vector<16xi32>
      %masked_sort3A_627 = arith.constant dense<true> : vector<16xi1>
      %masked_sort3A_628 = arith.constant -2147483648 : i32
      %masked_sort3A_629 = vector.broadcast %masked_sort3A_628 : i32 to vector<16xi32>
      %masked_sort3A_630 = arith.xori %add3A_626, %masked_sort3A_629 : vector<16xi32>
      %masked_sort3A_631, %masked_sort3A_632, %masked_sort3A_633 = tpu.sort %masked_sort3A_630, %masked_sort3A_608 masked %masked_sort3A_627 : (vector<16xi32>, vector<16xi32>, vector<16xi1>) -> (vector<16xi1>, vector<16xi32>, vector<16xi32>)
      %masked_sort3A_634 = arith.xori %masked_sort3A_632, %masked_sort3A_629 : vector<16xi32>
      %add3A_635 = arith.constant 128 : i32
      %add3A_636 = arith.addi %add3A_635, %scan3A_358 : i32
      %swap3A_637 = arith.index_cast %add3A_636 : i32 to index
      %swap3A_638 = arith.constant 0 : index
      %swap3A_639 = tpu.vector_load %arg6[%swap3A_637, %swap3A_638] {strides = array<i32>} : memref<160x16xi32, #tpu.memory_space<vmem>>, vector<16xi32>,
      tpu.vector_store %arg6[%swap3A_637, %swap3A_638], %masked_sort3A_633 {strides = array<i32>} : memref<160x16xi32, #tpu.memory_space<vmem>>, vector<16xi32>,
    }
    %scan3A_83 = arith.constant 32 : i32
    "tpu.region"() ({
      %run_scoped3A = tpu.sem_alloc : memref<!tpu.dma_semaphore, #tpu.memory_space<semaphore_mem>>
      %dma_start3A_84 = arith.constant 0 : i32
      %dma_start3A_85 = tpu.memref_slice %arg3[%mul3A_2, %dma_start3A_84] : memref<5120x16xi32, #tpu.memory_space<hbm>> -> memref<160x16xi32, #tpu.memory_space<hbm>>
      %dma_start3A_86 = arith.constant 0 : i32
      %dma_start3A_87 = tpu.memref_slice %arg3[%mul3A_2, %dma_start3A_86] : memref<5120x16xi32, #tpu.memory_space<hbm>> -> memref<160x16xi32, #tpu.memory_space<hbm>>
      tpu.enqueue_dma source(%arg6 : memref<160x16xi32, #tpu.memory_space<vmem>>) target(%dma_start3A_87 : memref<160x16xi32, #tpu.memory_space<hbm>>) target_semaphore(%run_scoped3A : memref<!tpu.dma_semaphore, #tpu.memory_space<semaphore_mem>>)
      %dma_wait3A_88 = arith.constant 0 : i32
      %dma_wait3A_89 = tpu.memref_slice %arg3[%mul3A_2, %dma_wait3A_88] : memref<5120x16xi32, #tpu.memory_space<hbm>> -> memref<160x16xi32, #tpu.memory_space<hbm>>
      %dma_wait3A_90 = arith.constant 0 : i32
      %dma_wait3A_91 = tpu.memref_slice %arg3[%mul3A_2, %dma_wait3A_90] : memref<5120x16xi32, #tpu.memory_space<hbm>> -> memref<160x16xi32, #tpu.memory_space<hbm>>
      tpu.wait_dma2 semaphore(%run_scoped3A : memref<!tpu.dma_semaphore, #tpu.memory_space<semaphore_mem>>) src(%arg6 : memref<160x16xi32, #tpu.memory_space<vmem>>) dst(%dma_wait3A_91 : memref<160x16xi32, #tpu.memory_space<hbm>>)
      tpu.yield
    }) : () -> ()
    return
  }
}

module attributes {stable_mosaic.version = 14 : i64} {
  func.func @_tc_body(%arg0: i32, %arg1: memref<256x2048xf32, #tpu.memory_space<vmem>>, %arg2: memref<512x2048xf32, #tpu.memory_space<vmem>>, %arg3: memref<2048x512xf32, #tpu.memory_space<vmem>>, %arg4: memref<1x64x2048xf32, #tpu.memory_space<vmem>>, %arg5: memref<1x2048x64xf32, #tpu.memory_space<vmem>>, %arg6: memref<1x256x2048xf32, #tpu.memory_space<vmem>>, %arg7: memref<1x256x256xf32, #tpu.memory_space<vmem>>, %arg8: memref<256x2048xf32, #tpu.memory_space<vmem>>) attributes {dimension_semantics = [#tpu.dimension_semantics<arbitrary>], iteration_bounds = array<i64: 20>, scalar_prefetch = 0 : i64, scratch_operands = 1 : i64, tpu.core_type = #tpu.core_type<tc>, window_params = [{pipeline_mode = #tpu.pipeline_mode<synchronous>, transform_indices = @transform_0, window_bounds = array<i64: 256, 2048>}, {pipeline_mode = #tpu.pipeline_mode<synchronous>, transform_indices = @transform_1, window_bounds = array<i64: 512, 2048>}, {pipeline_mode = #tpu.pipeline_mode<synchronous>, transform_indices = @transform_2, window_bounds = array<i64: 2048, 512>}, {transform_indices = @transform_3, window_bounds = array<i64: 1, 64, 2048>}, {transform_indices = @transform_4, window_bounds = array<i64: 1, 2048, 64>}, {transform_indices = @transform_5, window_bounds = array<i64: 1, 256, 2048>}, {transform_indices = @transform_6, window_bounds = array<i64: 1, 256, 256>}]} {
    %eq3A = arith.constant 0 : i32
    %eq3A_0 = arith.cmpi eq, %arg0, %eq3A : i32
    %convert_element_type3A = arith.extui %eq3A_0 : i1 to i32
    %cond3A = arith.constant 0 : i32
    %cond3A_1 = arith.cmpi ne, %convert_element_type3A, %cond3A : i32
    scf.if %cond3A_1 {
      %get3A_41 = arith.constant 0 : index
      %get3A_42 = arith.constant 0 : index
      %get3A_43 = vector.load %arg1[%get3A_41, %get3A_42] : memref<256x2048xf32, #tpu.memory_space<vmem>>, vector<256x2048xf32>
      %get3A_44 = arith.constant 0 : index
      %get3A_45 = arith.constant 0 : index
      %get3A_46 = vector.load %arg2[%get3A_44, %get3A_45] : memref<512x2048xf32, #tpu.memory_space<vmem>>, vector<512x2048xf32>
      %dot_general3A_47 = arith.constant dense<0.000000e+00> : vector<256x512xf32>
      %dot_general3A_48 = tpu.matmul %get3A_43, %get3A_46, %dot_general3A_47 {dimension_numbers = #tpu.dot_dimension_numbers<[1], [1], [0], [0], [0, 0, 1, 0], [], []>, transpose_lhs_hint = false} : vector<256x2048xf32>, vector<512x2048xf32>, vector<256x512xf32> -> vector<256x512xf32>
      %mul3A_49 = arith.constant 0.707106769 : f32
      %mul3A_50 = vector.broadcast %mul3A_49 : f32 to vector<256x512xf32>
      %mul3A_51 = arith.mulf %dot_general3A_48, %mul3A_50 : vector<256x512xf32>
      %erf3A_52 = math.erf %mul3A_51 : vector<256x512xf32>
      %add3A_53 = arith.constant 1.000000e+00 : f32
      %add3A_54 = vector.broadcast %add3A_53 : f32 to vector<256x512xf32>
      %add3A_55 = arith.addf %add3A_54, %erf3A_52 : vector<256x512xf32>
      %mul3A_56 = arith.constant 5.000000e-01 : f32
      %mul3A_57 = vector.broadcast %mul3A_56 : f32 to vector<256x512xf32>
      %mul3A_58 = arith.mulf %mul3A_57, %add3A_55 : vector<256x512xf32>
      %mul3A_59 = arith.mulf %dot_general3A_48, %mul3A_58 : vector<256x512xf32>
      %get3A_60 = arith.constant 0 : index
      %get3A_61 = arith.constant 0 : index
      %get3A_62 = vector.load %arg3[%get3A_60, %get3A_61] : memref<2048x512xf32, #tpu.memory_space<vmem>>, vector<2048x512xf32>
      %dot_general3A_63 = arith.constant dense<0.000000e+00> : vector<256x2048xf32>
      %dot_general3A_64 = tpu.matmul %mul3A_59, %get3A_62, %dot_general3A_63 {dimension_numbers = #tpu.dot_dimension_numbers<[1], [1], [0], [0], [0, 0, 1, 0], [], []>, transpose_lhs_hint = false} : vector<256x512xf32>, vector<2048x512xf32>, vector<256x2048xf32> -> vector<256x2048xf32>
      %swap3A_65 = arith.constant 0 : index
      %swap3A_66 = arith.constant 0 : index
      %swap3A_67 = vector.load %arg8[%swap3A_65, %swap3A_66] : memref<256x2048xf32, #tpu.memory_space<vmem>>, vector<256x2048xf32>
      tpu.vector_store %arg8[%swap3A_65, %swap3A_66], %dot_general3A_64 {strides = array<i32>} : memref<256x2048xf32, #tpu.memory_space<vmem>>, vector<256x2048xf32>,
    } else {
    }
    %get3A = arith.constant 0 : index
    %get3A_2 = arith.constant 0 : index
    %get3A_3 = vector.load %arg1[%get3A, %get3A_2] : memref<256x2048xf32, #tpu.memory_space<vmem>>, vector<256x2048xf32>
    %get3A_4 = arith.constant 0 : index
    %get3A_5 = arith.constant 0 : index
    %get3A_6 = arith.constant 0 : index
    %get3A_7 = vector.load %arg4[%get3A_4, %get3A_5, %get3A_6] : memref<1x64x2048xf32, #tpu.memory_space<vmem>>, vector<1x64x2048xf32>
    %get3A_8 = vector.shape_cast %get3A_7 : vector<1x64x2048xf32> to vector<64x2048xf32>
    %dot_general3A = arith.constant dense<0.000000e+00> : vector<256x64xf32>
    %dot_general3A_9 = tpu.matmul %get3A_3, %get3A_8, %dot_general3A {dimension_numbers = #tpu.dot_dimension_numbers<[1], [1], [0], [0], [0, 0, 1, 0], [], []>, transpose_lhs_hint = false} : vector<256x2048xf32>, vector<64x2048xf32>, vector<256x64xf32> -> vector<256x64xf32>
    %mul3A = arith.constant 0.707106769 : f32
    %mul3A_10 = vector.broadcast %mul3A : f32 to vector<256x64xf32>
    %mul3A_11 = arith.mulf %dot_general3A_9, %mul3A_10 : vector<256x64xf32>
    %erf3A = math.erf %mul3A_11 : vector<256x64xf32>
    %add3A = arith.constant 1.000000e+00 : f32
    %add3A_12 = vector.broadcast %add3A : f32 to vector<256x64xf32>
    %add3A_13 = arith.addf %add3A_12, %erf3A : vector<256x64xf32>
    %mul3A_14 = arith.constant 5.000000e-01 : f32
    %mul3A_15 = vector.broadcast %mul3A_14 : f32 to vector<256x64xf32>
    %mul3A_16 = arith.mulf %mul3A_15, %add3A_13 : vector<256x64xf32>
    %mul3A_17 = arith.mulf %dot_general3A_9, %mul3A_16 : vector<256x64xf32>
    %get3A_18 = arith.constant 0 : index
    %get3A_19 = arith.constant 0 : index
    %get3A_20 = arith.constant 0 : index
    %get3A_21 = vector.load %arg5[%get3A_18, %get3A_19, %get3A_20] : memref<1x2048x64xf32, #tpu.memory_space<vmem>>, vector<1x2048x64xf32>
    %get3A_22 = vector.shape_cast %get3A_21 : vector<1x2048x64xf32> to vector<2048x64xf32>
    %dot_general3A_23 = arith.constant dense<0.000000e+00> : vector<256x2048xf32>
    %dot_general3A_24 = tpu.matmul %mul3A_17, %get3A_22, %dot_general3A_23 {dimension_numbers = #tpu.dot_dimension_numbers<[1], [1], [0], [0], [0, 0, 1, 0], [], []>, transpose_lhs_hint = false} : vector<256x64xf32>, vector<2048x64xf32>, vector<256x2048xf32> -> vector<256x2048xf32>
    %get3A_25 = arith.constant 0 : index
    %get3A_26 = arith.constant 0 : index
    %get3A_27 = vector.load %arg8[%get3A_25, %get3A_26] : memref<256x2048xf32, #tpu.memory_space<vmem>>, vector<256x2048xf32>
    %add3A_28 = arith.addf %get3A_27, %dot_general3A_24 : vector<256x2048xf32>
    %get3A_29 = arith.constant 0 : index
    %get3A_30 = arith.constant 0 : index
    %get3A_31 = arith.constant 0 : index
    %get3A_32 = vector.load %arg6[%get3A_29, %get3A_30, %get3A_31] : memref<1x256x2048xf32, #tpu.memory_space<vmem>>, vector<1x256x2048xf32>
    %get3A_33 = vector.shape_cast %get3A_32 : vector<1x256x2048xf32> to vector<256x2048xf32>
    %dot_general3A_34 = arith.constant dense<0.000000e+00> : vector<256x256xf32>
    %dot_general3A_35 = tpu.matmul %add3A_28, %get3A_33, %dot_general3A_34 {dimension_numbers = #tpu.dot_dimension_numbers<[1], [1], [0], [0], [0, 0, 1, 0], [], []>, transpose_lhs_hint = false} : vector<256x2048xf32>, vector<256x2048xf32>, vector<256x256xf32> -> vector<256x256xf32>
    %swap3A = arith.constant 0 : index
    %swap3A_36 = arith.constant 0 : index
    %swap3A_37 = arith.constant 0 : index
    %swap3A_38 = vector.load %arg7[%swap3A, %swap3A_36, %swap3A_37] : memref<1x256x256xf32, #tpu.memory_space<vmem>>, vector<1x256x256xf32>
    %swap3A_39 = vector.shape_cast %swap3A_38 : vector<1x256x256xf32> to vector<256x256xf32>
    %swap3A_40 = vector.shape_cast %dot_general3A_35 : vector<256x256xf32> to vector<1x256x256xf32>
    tpu.vector_store %arg7[%swap3A, %swap3A_36, %swap3A_37], %swap3A_40 {strides = array<i32>} : memref<1x256x256xf32, #tpu.memory_space<vmem>>, vector<1x256x256xf32>,
    return
  }
  func.func @transform_0(%arg0: i32) -> (i32, i32) {
    %c0_i32 = arith.constant 0 : i32
    %c0_i32_0 = arith.constant 0 : i32
    %c0_i32_1 = arith.constant 0 : i32
    return %c0_i32, %c0_i32_0 : i32, i32
  }
  func.func @transform_1(%arg0: i32) -> (i32, i32) {
    %c0_i32 = arith.constant 0 : i32
    %c0_i32_0 = arith.constant 0 : i32
    %c0_i32_1 = arith.constant 0 : i32
    return %c0_i32, %c0_i32_0 : i32, i32
  }
  func.func @transform_2(%arg0: i32) -> (i32, i32) {
    %c0_i32 = arith.constant 0 : i32
    %c0_i32_0 = arith.constant 0 : i32
    %c0_i32_1 = arith.constant 0 : i32
    return %c0_i32, %c0_i32_0 : i32, i32
  }
  func.func @transform_3(%arg0: i32) -> (i32, i32, i32) {
    %c0_i32 = arith.constant 0 : i32
    %c0_i32_0 = arith.constant 0 : i32
    %c0_i32_1 = arith.constant 0 : i32
    return %arg0, %c0_i32, %c0_i32_0 : i32, i32, i32
  }
  func.func @transform_4(%arg0: i32) -> (i32, i32, i32) {
    %c0_i32 = arith.constant 0 : i32
    %c0_i32_0 = arith.constant 0 : i32
    %c0_i32_1 = arith.constant 0 : i32
    return %arg0, %c0_i32, %c0_i32_0 : i32, i32, i32
  }
  func.func @transform_5(%arg0: i32) -> (i32, i32, i32) {
    %c0_i32 = arith.constant 0 : i32
    %c0_i32_0 = arith.constant 0 : i32
    %c0_i32_1 = arith.constant 0 : i32
    return %arg0, %c0_i32, %c0_i32_0 : i32, i32, i32
  }
  func.func @transform_6(%arg0: i32) -> (i32, i32, i32) {
    %c0_i32 = arith.constant 0 : i32
    %c0_i32_0 = arith.constant 0 : i32
    %c0_i32_1 = arith.constant 0 : i32
    return %arg0, %c0_i32, %c0_i32_0 : i32, i32, i32
  }
}

</mosaic_0001>

<sc_bundles>
// kernel: kernel.4.cloned.1.call-start
scs
__scs_entry_jumppad:
0x0: {  	(pc) =	sbr.rel $0x88, $3  }
0x1: {  	(tag) =	ssettag $0x0;
	lr =	simm.s32 $0x1  }
0x2: {  	[smem:$0x3F9B] =	sst lr;
	_ =	strace $0xD0000000  }
0x3: {  	_ = 	snop  }
0x4: {  	_ = 	snop  }
0x5: {  	_ = 	snop  }
0x6: {  	_ = 	snop  }
0x7: {  	_ = 	snop  }
__scs_overlays_trampoline_lowered:
0x8: {  	[smem:$0x3FAA] =	sst s0  }
0x9: {  	[smem:$0x3FAB] =	sst s1  }
0xa: {  	[smem:$0x3FAC] =	sst s2  }
0xb: {  	[smem:$0x3FAD] =	sst s3  }
0xc: {  	[smem:$0x3FAE] =	sst s4  }
0xd: {  	[smem:$0x3FAF] =	sst s5  }
0xe: {  	[smem:$0x3FB0] =	sst s6  }
0xf: {  	[smem:$0x3FB1] =	sst s7  }
0x10: {  	[smem:$0x3FB2] =	sst s8  }
0x11: {  	[smem:$0x3FB3] =	sst s9;
	s0 =	simm.s32 @!p0 $0x0  }
0x12: {  	s1 =	sld [smem:$0x3F99];
	s0 =	simm.s32 @p0 $0x1  }
0x13: {  	[smem:$0x3FB4] =	sst s0;
	s0 =	simm.s32 @!p1 $0x0  }
0x14: {  	s2 =	sld [smem:$0x3F98];
	s0 =	simm.s32 @p1 $0x1  }
0x15: {  	[smem:$0x3FB5] =	sst s0;
	s0 =	simm.s32 @!p2 $0x0  }
0x16: {  	s3 =	sld [smem:$0x3FDB];
	s0 =	simm.s32 @p2 $0x1  }
0x17: {  	s4 =	simm.s32 $0x1BF5;
	[smem:$0x3FB7] =	sst s0  }
0x18: {  	s0 =	sld [smem:$0x3F9A];
	_ =	swait.ge [sflag:s4], $0x0  }
0x19: {  	s7 =	sld [smem:$0x3F9B]  }
0x1a: {  	s8 =	sadd.s32 $0xFFFFE003, lr  }
0x1b: {  	s9 =	sadd.s32 $0xFFFFFEF7, lr;
	s5 =	simm.s32 $0xFFFFFFFF;
	p2 =	slt.u32 s8, $0xFFFFF086  }
0x1c: {  	p1 =	slt.u32 s9, $0xF7A;
	s5 =	simm.s32 @!p2 $0x0  }
0x1d: {  	s5 =	simm.s32 @p1 $0x1;
	p0 =	seq.s32 s7, s2  }
0x1e: {  	s7 =	smul.u32 @!p0 $0xF7A, s2;
	p2 =	seq.s32 @!p0 s5, $0x0  }
0x1f: {  	s9 =	smul.u32 $0xF7A, s1;
	s8 =	simm.s32 @!p0 $0x1BF5;
	p2 =	por !p2, p0  }
0x20: {  	[sflag:s8] =	ssyncset.s32 @!p0 $0xFFFFF086;
	s6 =	sadd.s32 @!p0 s3, s7;
	s7 =	simm.s32 @!p0 $0x108  }
0x21: {  	s3 =	sadd.s32 s3, s9;
	s6 =	sadd.s32 @!p0 $0x88, s6;
	s7 =	simm.s32 @p2 $0x1082  }
0x22: {  	[simem:s7], [sflag:s8] =	dma.local @!p0 [hbm:s6], $0xF7A  }
0x23: {  	s9 =	sor.u32 $0xD0000000, s2;
	s6 =	simm.s32 $0x108;
	_ =	swait.ge @!p0 [sflag:s8], $0x0  }
0x24: {  	s3 =	sadd.s32 $0x88, s3;
	s6 =	simm.s32 @!p1 $0x1082;
	[sflag:s4] =	ssyncset.s32 $0xFFFFF086  }
0x25: {  	[simem:s6], [sflag:s4] =	dma.local [hbm:s3], $0xF7A  }
0x26: {  	[smem:$0x3F9B] =	sst s1;
	(tag) =	ssettag s2;
	_ =	strace s9  }
0x27: {  	s1 =	sld [smem:$0x3FAB]  }
0x28: {  	s2 =	sld [smem:$0x3FAC]  }
0x29: {  	s4 =	sld [smem:$0x3FAE]  }
0x2a: {  	p0 =	seq.s32 s5, $0x0;
	s5 =	sld [smem:$0x3FAF]  }
0x2b: {  	s6 =	sld [smem:$0x3FB0]  }
0x2c: {  	s7 =	sld [smem:$0x3FB1]  }
0x2d: {  	s3 =	simm.s32 $0x108;
	s8 =	sld [smem:$0x3FB2]  }
0x2e: {  	s3 =	simm.s32 @!p0 $0x1082;
	s9 =	sld [smem:$0x3FB3]  }
0x2f: {  	lr =	sadd.s32 s0, s3;
	s0 =	sld [smem:$0x3FAA]  }
0x30: {  	s3 =	sld [smem:$0x3FAD]  }
0x31: {  	[smem:$0x3FB6] =	sst s10  }
0x32: {  	s10 =	sld [smem:$0x3FB4];
	_ =	sdelay $0x3  }
0x33: {  	p0 =	seq.s32 s10, $0x1;
	s10 =	sld [smem:$0x3FB6];
	_ =	sdelay $0x3  }
0x34: {  	[smem:$0x3FB6] =	sst s10  }
0x35: {  	s10 =	sld [smem:$0x3FB5];
	_ =	sdelay $0x3  }
0x36: {  	p1 =	seq.s32 s10, $0x1;
	s10 =	sld [smem:$0x3FB6];
	_ =	sdelay $0x3  }
0x37: {  	[smem:$0x3FB6] =	sst s10  }
0x38: {  	s10 =	sld [smem:$0x3FB7]  }
0x39: {  	_ = 	snop;
	(pc) =	sbr.ind lr, $3  }
0x3a: {  	_ = 	snop  }
0x3b: {  	_ = 	snop  }
0x3c: {  	p2 =	seq.s32 s10, $0x1;
	s10 =	sld [smem:$0x3FB6]  }
0x3d: {  	_ =	shalt  }
0x3e: {  	_ =	shalt  }
0x3f: {  	_ =	shalt  }
0x40: {  	_ =	shalt  }
0x41: {  	_ =	shalt  }
0x42: {  	_ =	shalt  }
0x43: {  	_ =	shalt  }
0x44: {  	_ =	shalt  }
0x45: {  	_ =	shalt  }
0x46: {  	_ =	shalt  }
0x47: {  	_ =	shalt  }
0x48: {  	_ =	shalt  }
0x49: {  	_ =	shalt  }
0x4a: {  	_ =	shalt  }
0x4b: {  	_ =	shalt  }
0x4c: {  	_ =	shalt  }
0x4d: {  	_ =	shalt  }
0x4e: {  	_ =	shalt  }
0x4f: {  	_ =	shalt  }
0x50: {  	_ =	shalt  }
0x51: {  	_ =	shalt  }
0x52: {  	_ =	shalt  }
0x53: {  	_ =	shalt  }
0x54: {  	_ =	shalt  }
0x55: {  	_ =	shalt  }
0x56: {  	_ =	shalt  }
0x57: {  	_ =	shalt  }
0x58: {  	_ =	shalt  }
0x59: {  	_ =	shalt  }
0x5a: {  	_ =	shalt  }
0x5b: {  	_ =	shalt  }
0x5c: {  	_ =	shalt  }
0x5d: {  	_ =	shalt  }
0x5e: {  	_ =	shalt  }
0x5f: {  	_ =	shalt  }
0x60: {  	_ =	shalt  }
0x61: {  	_ =	shalt  }
0x62: {  	_ =	shalt  }
0x63: {  	_ =	shalt  }
0x64: {  	_ =	shalt  }
0x65: {  	_ =	shalt  }
0x66: {  	_ =	shalt  }
0x67: {  	_ =	shalt  }
0x68: {  	_ =	shalt  }
0x69: {  	_ =	shalt  }
0x6a: {  	_ =	shalt  }
0x6b: {  	_ =	shalt  }
0x6c: {  	_ =	shalt  }
0x6d: {  	_ =	shalt  }
0x6e: {  	_ =	shalt  }
0x6f: {  	_ =	shalt  }
0x70: {  	_ =	shalt  }
0x71: {  	_ =	shalt  }
0x72: {  	_ =	shalt  }
0x73: {  	_ =	shalt  }
0x74: {  	_ =	shalt  }
0x75: {  	_ =	shalt  }
0x76: {  	_ =	shalt  }
0x77: {  	_ =	shalt  }
0x78: {  	_ =	shalt  }
0x79: {  	_ =	shalt  }
0x7a: {  	_ =	shalt  }
0x7b: {  	_ =	shalt  }
0x7c: {  	_ =	shalt  }
0x7d: {  	_ =	shalt  }
0x7e: {  	_ =	shalt  }
0x7f: {  	_ =	shalt  }
0x80: {  	_ =	shalt  }
0x81: {  	_ =	shalt  }
0x82: {  	_ =	shalt  }
0x83: {  	_ =	shalt  }
0x84: {  	_ =	shalt  }
0x85: {  	_ =	shalt  }
0x86: {  	_ =	shalt  }
0x87: {  	_ =	shalt  }
.Lfunc_end0:
.L_simem_size_0:
called_computation_lowered:
.L_overlay_start_0:
0x88: {  	s2 =	sld [smem:$0x3FD9]  }
0x89: {  	s3 =	sld [smem:$0x3FFE];
	_ =	sdelay $0x1  }
0x8a: {  	s1 =	srdreg.scid  }
0x8b: {  	s0 =	sand.u32 $0x1, s1  }
0x8c: {  	s14 =	sshll.u32 s0, $0xA;
	s2 =	sadd.s32 s3, s2  }
0x8d: {  	s2 =	sadd.s32 s2, s14  }
0x8e: {  	[smem:$0x3FC2] =	sst s2  }
0x8f: {  	_ = 	snop  }
0x90: {  	s2 =	sld [smem:$0x3FD0];
	_ =	sdelay $0x2  }
0x91: {  	s15 =	simm.s32 $0xA;
	s4 =	simm.s32 $0x10  }
0x92: {  	[smem:s4], [sflag:s15] =	dma.local [hbm:s2], $0x1  }
0x93: {  	_ =	swait.eq [sflag:s15], $0x1  }
0x94: {  	[sflag:s15] =	ssyncset.done $0x0  }
0x95: {  	[sflag:s15] =	ssyncadd.s32 $0xFFFFFFFF  }
0x96: {  	s16 =	sld [smem:$0x11];
	(tm) =	ssettm $0x1  }
0x97: {  	s17 =	sld [smem:$0x3FFB];
	_ =	sdelay $0x3  }
0x98: {  	_ =	strace s17  }
0x99: {  	s3 =	sld [smem:$0x3FFC];
	_ =	sdelay $0x3  }
0x9a: {  	_ =	strace s3  }
0x9b: {  	s3 =	sld [smem:$0x3FFD];
	_ =	sdelay $0x3  }
0x9c: {  	_ =	strace s3  }
0x9d: {  	_ =	strace $0x8FFFFFFF  }
0x9e: {  	s18 =	sld [smem:$0x3FDB];
	_ =	sdelay $0x1  }
0x9f: {  	s19 =	simm.s32 $_scs_section_size  }
0xa0: {  	s5 =	simm.s32 $_size__tile_overlayer_lowered;
	s6 =	simm.s32 $_tile_overlayer_lowered  }
0xa1: {  	s22 =	simm.s32 $0x1BFF;
	s21 =	sshll.u32 s6, $0x1;
	s3 =	sadd.s32 s19, s18  }
0xa2: {  	s7 =	simm.s32 $0x0;
	s20 =	sshll.u32 s5, $0x1;
	s5 =	sadd.s32 s21, s3  }
0xa3: {  	[timem:s7], [sflag:s22] =	dma.local [hbm:s5], s20  }
0xa4: {  	_ =	swait.ge [sflag:s22], s20  }
0xa5: {  	s4 =	ssub.s32 $0x0, s20;
	[sflag:s22] =	ssyncset.done $0x0  }
0xa6: {  	[sflag:s22] =	ssyncadd.s32 s4;
	_ =	sdelay $0x1  }
0xa7: {  	s23 =	simm.s32 $0x1B8B  }
0xa8: {  	_ =	swait.ge [sflag:s23], $0x1  }
0xa9: {  	[sflag:s23] =	ssyncset.done $0x0  }
0xaa: {  	s25 =	simm.s32 $0x1B8E;
	s24 =	sld [smem:$0x3FFE];
	[sflag:s23] =	ssyncadd.s32 $0xFFFFFFFF  }
0xab: {  	s26 =	simm.s32 $execute0_lowered;
	[smem:$0x3FD2] =	sst s25  }
0xac: {  	s5 =	sshll.u32 s26, $0x1;
	_ =	strace $0x80000046;
	[dreg:$0x1] =	wrdreg $0xFFFFFFFF  }
0xad: {  	s28 =	simm.s32 $_size_execute0_lowered;
	s3 =	sadd.s32 s3, s5;
	[dreg:$0x0] =	wrdreg $0x0  }
0xae: {  	s5 =	sshll.u32 s28, $0x1;
	[dreg:$0x2] =	wrdreg s3  }
0xaf: {  	[dreg:$0x3] =	wrdreg s5  }
0xb0: {  	[dreg:$0x4] =	wrdreg $0xC0  }
0xb1: {  	_ =	task [dreg:s7], $0x5FFFF  }
0xb2: {  	[dreg:$0x1] =	wrdreg $0xFFFFFFFF  }
0xb3: {  	[dreg:$0x0] =	wrdreg $0x60  }
0xb4: {  	[dreg:$0x2] =	wrdreg s16  }
0xb5: {  	[dreg:$0x3] =	wrdreg s24  }
0xb6: {  	[dreg:$0x4] =	wrdreg $0x9  }
0xb7: {  	_ =	task.clear_ibuf [dreg:s7], $0x5FFFF;
	_ =	strace $0x90000046  }
0xb8: {  	s29 =	simm.s32 $0x9;
	_ =	strace $0x80000048  }
0xb9: {  	_ =	swait.ge [sflag:s29], $0x1  }
0xba: {  	[sflag:s29] =	ssyncadd.s32 $0xFFFFFFFF  }
0xbb: {  	_ =	strace $0x90000048  }
0xbc: {  	_ =	sfence  }
0xbd: {  	s30 =	sld [smem:$0x0];
	_ =	sdelay $0x2  }
0xbe: {  	s31 =	sshll.u32 s1, $0xD;
	s1 =	sshrl.u32 s1, $0x2  }
0xbf: {  	s3 =	sand.u32 $0x4000, s31;
	s1 =	sadd.s32 s1, s30  }
0xc0: {  	s0 =	sor.u32 s3, s0;
	s1 =	sshll.u32 s1, $0x11  }
0xc1: {  	s0 =	sor.u32 s1, s0  }
0xc2: {  	s0 =	sadd.s32 $0x8F2B, s0  }
0xc3: {  	[sflag:s0] =	ssyncadd.remote.s32 $0x1  }
0xc4: {  	_ =	sfence.sel $0xFFFF  }
0xc5: {  	[dreg:$0x0] =	wrdreg $0xFFFFFFFF;
	(pc) =	sbr.abs _section_cstart, $3  }
0xc6: {  	[dreg:$0x1] =	wrdreg $0xFFFFFFFF  }
0xc7: {  	_ =	task.clear_ibuf [dreg:s7], $0x2FFFF;
	_ =	strace $0x9FFFFFFF  }
0xc8: {  	(tm) =	ssettm $0x7FFFFFFF  }
0xc9: {  	_ =	shalt  }
tec
execute0_lowered:
.L_overlay_start_1:
0x0: {  	(tag) =	ssettag $0x1  }
0x1: {  	s3 =	rddreg [dreg:$0x0];
	s1 =	srdreg.scid  }
0x2: {  	s0 =	stileid.u32;
	s4 =	rddreg [dreg:$0x1]  }
0x3: {  	s2 =	simm.s32 $0x0;
	s10 =	simm.s32 $0x2000;
	s11 =	simm.s32 $0x1  }
0x4: {  	v0 =	vlaneseq.u32;
	vm0 =	vmmov $0xff;
	s12 =	simm.s32 $0x9000;
	s13 =	simm.s32 $0x2;
	s14 =	simm.s32 $0x4000  }
0x5: {  	v7 =	vimm.s32 $0xEDCBA987;
	v9 =	vimm.s32 $0x65432100;
	s15 =	simm.s32 $0x3;
	s5 =	sand.u32 $0x1, s1;
	s6 =	sshll.u32 s0, $0x1;
	v1 =	vor.u32 $0x10, v0  }
0x6: {  	s16 =	simm.s32 $0x0;
	s1 =	rddreg [dreg:$0x2];
	v2 =	vor.u32 $0x20, v0;
	v3 =	vor.u32 $0x30, v0;
	v4 =	vor.u32 $0x40, v0;
	s6 =	sor.u32 s5, s6  }
0x7: {  	[smem:$0x7FF] =	sst s2;
	v5 =	vor.u32 $0x50, v0;
	v6 =	vor.u32 $0x60, v0;
	v11 =	vunpack.c.l.s4.s8 v7;
	s5 =	ssub.s32 $0x2, s5;
	s7 =	smul.u32 $0xA000, s6  }
0x8: {  	v7 =	vor.u32 $0x70, v0;
	v8 =	vor.u32 $0x80, v0;
	v13 =	vunpack.c.l.s4.s8 v9;
	_ =	strace $0x80000047;
	s8 =	smul.u32 $0xA00, s6;
	s31 =	sshrl.u32 s5, $0x1  }
0x9: {  	v9 =	vor.u32 $0x90, v0;
	v10 =	vor.u32 $0xA0, v0;
	s6 =	smul.u32 $0x1400, s6;
	v15 =	vunpack.c.0.s8.s32 v11;
	s9 =	ssub.s32 s5, s31;
	s7 =	sshrl.u32 s7, $0x3  }
0xa: {  	v12 =	vor.u32 $0xC0, v0;
	v14 =	vor.u32 $0xE0, v0;
	v16 =	vunpack.c.0.s8.s32 v13;
	s8 =	sadd.s32 s8, s4;
	s9 =	smax.u32 s9, $0x1;
	s7 =	sadd.s32 s3, s7  }
0xb: {  	v11 =	vor.u32 $0xB0, v0;
	v13 =	vor.u32 $0xD0, v0;
	v17 =	vand.u32 $0xF, v15;
	s3 =	sadd.s32 s3, s6;
	s8 =	sadd.s32 $0xC00, s8;
	s4 =	sadd.s32 $0x400, s7  }
0xc: {  	v15 =	vor.u32 $0xF0, v0;
	v16 =	vcombine.low v16, v17;
	v17 =	vor.u32 $0x80000000, v0;
	s5 =	sadd.s32 $0x800, s7;
	s6 =	sadd.s32 $0xC00, s7;
	s7 =	sadd.s32 $0x1000, s7  }
.LBB2_1:
0xd: {  	[tilespmem:s2], [sflag:$0x1] =	stream.linear.gather [hbm4b:s3+s2], $0x2000, $0x38;
	[tilespmem:$0x9080] =	vst v63  }
0xe: {  	_ = 	snop  }
0xf: {  	[tilespmem:s10], [sflag:$0x2] =	stream.linear.gather [hbm4b:s4+s2], $0x2000, $0x38;
	[tilespmem:$0x9080] =	vst v63  }
0x10: {  	s17 =	simm.s32 $0x0;
	_ =	swait.ge [sflag:s11], $0x2000  }
0x11: {  	s19 =	sand.u32 $0x1800, s2;
	s17 =	sand.u32 $0x300, s17;
	[sflag:s11] =	ssyncset.done $0x0  }
0x12: {  	s17 =	sor.u32 s17, s19;
	[sflag:s11] =	ssyncadd.s32 $0xFFFFE000  }
0x13: {  	v18 =	vld [tilespmem:s17+$0x430]  }
0x14: {  	v19 =	vld [tilespmem:s17+$0x470]  }
0x15: {  	v20 =	vld [tilespmem:s17+$0x70]  }
0x16: {  	v21 =	vld [tilespmem:s17+$0x30]  }
0x17: {  	v22 =	vld [tilespmem:s17+$0x60]  }
0x18: {  	v23 =	vld [tilespmem:s17+$0x50];
	(xrf1) =	vsort.ascd.msk.f32 $0xffff, v18, v11  }
0x19: {  	v18 =	vld [tilespmem:s17+$0x420];
	(xrf1) =	vsort.ascd.msk.f32 $0xffff, v19, v15  }
0x1a: {  	v19 =	vld [tilespmem:s17+$0x20];
	(xrf1) =	vsort.ascd.msk.f32 $0xffff, v20, v7  }
0x1b: {  	v20 =	vld [tilespmem:s17+$0x40];
	(xrf1) =	vsort.ascd.msk.f32 $0xffff, v21, v3  }
0x1c: {  	v21 =	vld [tilespmem:s17+$0x460];
	(xrf1) =	vsort.dscd.msk.f32 $0xffff, v22, v6  }
0x1d: {  	v22 =	vld [tilespmem:s17+$0x450];
	(xrf1) =	vsort.ascd.msk.f32 $0xffff, v23, v5  }
0x1e: {  	v23 =	vld [tilespmem:s17+$0x410];
	(xrf1) =	vsort.dscd.msk.f32 $0xffff, v18, v10  }
0x1f: {  	v18 =	vld [tilespmem:s17+$0x440];
	(xrf1) =	vsort.dscd.msk.f32 $0xffff, v19, v2  }
0x20: {  	v19 =	vld [tilespmem:s17+$0x10];
	(xrf1) =	vsort.dscd.msk.f32 $0xffff, v20, v4  }
0x21: {  	v20 =	vld [tilespmem:s17+$0x0];
	(xrf1) =	vsort.dscd.msk.f32 $0xffff, v21, v14  }
0x22: {  	v21 =	vld [tilespmem:s17+$0x400];
	(xrf1) =	vsort.ascd.msk.f32 $0xffff, v22, v13  }
0x23: {  	(xrf1) =	vsort.ascd.msk.f32 $0xffff, v23, v9  }
0x24: {  	(xrf1) =	vsort.dscd.msk.f32 $0xffff, v18, v12  }
0x25: {  	(xrf1) =	vsort.ascd.msk.f32 $0xffff, v19, v1  }
0x26: {  	(xrf1) =	vsort.dscd.msk.f32 $0xffff, v20, v0;
	v18, v19, _ =	vpop (xrf1)  }
0x27: {  	(xrf1) =	vsort.dscd.msk.f32 $0xffff, v21, v8;
	v20, v21, _ =	vpop (xrf1)  }
0x28: {  	v22, v23, _ =	vpop (xrf1)  }
0x29: {  	v24, v25, _ =	vpop (xrf1)  }
0x2a: {  	v26, v27, _ =	vpop (xrf1)  }
0x2b: {  	v28, v29, _ =	vpop (xrf1)  }
0x2c: {  	v30, v31, _ =	vpop (xrf1)  }
0x2d: {  	v32, v33, _ =	vpop (xrf1)  }
0x2e: {  	v23 =	vsel vm0, v27, v23;
	v34, v35, _ =	vpop (xrf1)  }
0x2f: {  	v22 =	vsel vm0, v26, v22;
	v29 =	vsel vm0, v35, v29  }
0x30: {  	v19 =	vsel vm0, v31, v19;
	v28 =	vsel vm0, v34, v28  }
0x31: {  	v18 =	vsel vm0, v30, v18;
	v61, v60, _ =	vpop (xrf1)  }
0x32: {  	(xrf1) =	vsort.ascd.msk.f32 $0xffff, v22, v23;
	v22, v23, _ =	vpop (xrf1)  }
0x33: {  	(xrf1) =	vsort.dscd.msk.f32 $0xffff, v28, v29;
	v28, v29, _ =	vpop (xrf1)  }
0x34: {  	v20 =	vsel vm0, v61, v20;
	v21 =	vsel vm0, v60, v21;
	(xrf1) =	vsort.ascd.msk.f32 $0xffff, v18, v19;
	v18, v19, _ =	vpop (xrf1)  }
0x35: {  	(xrf1) =	vsort.ascd.msk.f32 $0xffff, v20, v21;
	v20 =	vsel vm0, v32, v24;
	v21 =	vsel vm0, v33, v25;
	v62, v63, _ =	vpop (xrf1)  }
0x36: {  	(xrf1) =	vsort.ascd.msk.f32 $0xffff, v20, v21;
	v18 =	vsel vm0, v18, v22;
	v19 =	vsel vm0, v19, v23;
	v22, v23, _ =	vpop (xrf1)  }
0x37: {  	(xrf1) =	vsort.dscd.msk.f32 $0xffff, v18, v19;
	v20 =	vsel vm0, v22, v62;
	v21 =	vsel vm0, v23, v63;
	v22, v23, _ =	vpop (xrf1)  }
0x38: {  	v18 =	vsel vm0, v22, v28;
	v19 =	vsel vm0, v23, v29;
	(xrf1) =	vsort.dscd.msk.f32 $0xffff, v20, v21  }
0x39: {  	(xrf1) =	vsort.dscd.msk.f32 $0xffff, v18, v19;
	_ =	sdelay $0x6  }
0x3a: {  	v18, v19, _ =	vpop (xrf1)  }
0x3b: {  	v20, v21, _ =	vpop (xrf1)  }
0x3c: {  	v22, v23, _ =	vpop (xrf1)  }
0x3d: {  	v30, v31, _ =	vpop (xrf1)  }
0x3e: {  	v32, v33, _ =	vpop (xrf1)  }
0x3f: {  	v18 =	vsel vm0, v20, v18;
	v19 =	vsel vm0, v21, v19;
	v20, v21, _ =	vpop (xrf1)  }
0x40: {  	(xrf1) =	vsort.ascd.msk.f32 $0xffff, v18, v19;
	v20 =	vsel vm0, v20, v30;
	v21 =	vsel vm0, v21, v31;
	v34, v35, _ =	vpop (xrf1)  }
0x41: {  	(xrf1) =	vsort.ascd.msk.f32 $0xffff, v20, v21;
	v18 =	vsel vm0, v34, v32;
	v19 =	vsel vm0, v35, v33;
	v36, v37, _ =	vpop (xrf1)  }
0x42: {  	v20 =	vsel vm0, v36, v22;
	v21 =	vsel vm0, v37, v23;
	(xrf1) =	vsort.dscd.msk.f32 $0xffff, v18, v19  }
0x43: {  	(xrf1) =	vsort.dscd.msk.f32 $0xffff, v20, v21;
	_ =	sdelay $0xa  }
0x44: {  	v18, v19, _ =	vpop (xrf1)  }
0x45: {  	v20, v21, _ =	vpop (xrf1)  }
0x46: {  	v22, v23, _ =	vpop (xrf1)  }
0x47: {  	v18 =	vsel vm0, v22, v18;
	v19 =	vsel vm0, v23, v19;
	v22, v23, _ =	vpop (xrf1)  }
0x48: {  	v20 =	vsel vm0, v22, v20;
	v21 =	vsel vm0, v23, v21;
	(xrf1) =	vsort.dscd.msk.f32 $0xffff, v18, v19  }
0x49: {  	(xrf1) =	vsort.ascd.msk.f32 $0xffff, v20, v21;
	_ =	sdelay $0xc  }
0x4a: {  	v18, v19, _ =	vpop (xrf1)  }
0x4b: {  	v20, v21, _ =	vpop (xrf1)  }
0x4c: {  	v18 =	vsel vm0, v18, v20;
	v19 =	vsel vm0, v19, v21  }
0x4d: {  	(xrf1) =	vsort.dscd.msk.f32 $0xffff, v18, v19;
	_ =	sdelay $0xd  }
0x4e: {  	v18, v19, _ =	vpop (xrf1)  }
0x4f: {  	[tilespmem:$0x9000] =	vst v18  }
0x50: {  	v20 =	vld.idx.msk [tilespmem:v16+s12+$0x0], $0xffff;
	_ =	sdelay $0x4  }
0x51: {  	vm1 =	vlt.f32 v18, v20;
	vm2 =	vgt.f32 v18, v20  }
0x52: {  	vm1 =	vmor vm2, vm1  }
0x53: {  	v18 =	vnsel vm1, $0x80000000, v17  }
0x54: {  	(xrf0) =	vmax.scan.msk.u32 $0xffff, v18;
	_ =	sdelay $0x5  }
0x55: {  	v18, _, _ =	vpop (xrf0)  }
0x56: {  	v18 =	vshll.u32 v18, $0x8  }
0x57: {  	v18 =	vadd.s32 v19, v18  }
0x58: {  	v18 =	vxor.u32 $0x80000000, v18  }
0x59: {  	(xrf1) =	vsort.ascd.msk.u32 $0xffff, v18, v19;
	_ =	sdelay $0xc  }
0x5a: {  	s17 =	simm.s32 $0x80  }
0x5b: {  	s18 =	simm.s32 $0x4080;
	s20 =	sand.u32 $0x380, s17;
	_, v18, _ =	vpop (xrf1)  }
0x5c: {  	s19 =	sor.u32 s20, s19;
	[tilespmem:s18+$0xFFFFFF80] =	vst v18  }
0x5d: {  	v18 =	vld [tilespmem:s19+$0x0]  }
0x5e: {  	v19 =	vld [tilespmem:s19+$0x460]  }
0x5f: {  	v20 =	vld [tilespmem:s19+$0x420]  }
0x60: {  	v21 =	vld [tilespmem:s19+$0x470]  }
0x61: {  	v22 =	vld [tilespmem:s19+$0x450]  }
0x62: {  	v23 =	vld [tilespmem:s19+$0x440];
	(xrf1) =	vsort.dscd.msk.f32 $0xffff, v18, v0  }
0x63: {  	v18 =	vld [tilespmem:s19+$0x410];
	(xrf1) =	vsort.dscd.msk.f32 $0xffff, v19, v14  }
0x64: {  	v19 =	vld [tilespmem:s19+$0x430];
	(xrf1) =	vsort.dscd.msk.f32 $0xffff, v20, v10  }
0x65: {  	v20 =	vld [tilespmem:s19+$0x400];
	(xrf1) =	vsort.ascd.msk.f32 $0xffff, v21, v15  }
0x66: {  	v21 =	vld [tilespmem:s19+$0x40];
	(xrf1) =	vsort.ascd.msk.f32 $0xffff, v22, v13  }
0x67: {  	v22 =	vld [tilespmem:s19+$0x70];
	(xrf1) =	vsort.dscd.msk.f32 $0xffff, v23, v12  }
0x68: {  	v23 =	vld [tilespmem:s19+$0x30];
	(xrf1) =	vsort.ascd.msk.f32 $0xffff, v18, v9  }
0x69: {  	v18 =	vld [tilespmem:s19+$0x60];
	(xrf1) =	vsort.ascd.msk.f32 $0xffff, v19, v11  }
0x6a: {  	v19 =	vld [tilespmem:s19+$0x20];
	(xrf1) =	vsort.dscd.msk.f32 $0xffff, v20, v8  }
0x6b: {  	v20 =	vld [tilespmem:s19+$0x50];
	(xrf1) =	vsort.dscd.msk.f32 $0xffff, v21, v4  }
0x6c: {  	v21 =	vld [tilespmem:s19+$0x10];
	(xrf1) =	vsort.ascd.msk.f32 $0xffff, v22, v7  }
0x6d: {  	(xrf1) =	vsort.ascd.msk.f32 $0xffff, v23, v3  }
0x6e: {  	(xrf1) =	vsort.dscd.msk.f32 $0xffff, v18, v6  }
0x6f: {  	(xrf1) =	vsort.dscd.msk.f32 $0xffff, v19, v2  }
0x70: {  	v18, v19, _ =	vpop (xrf1);
	(xrf1) =	vsort.ascd.msk.f32 $0xffff, v20, v5  }
0x71: {  	v20, v22, _ =	vpop (xrf1);
	(xrf1) =	vsort.ascd.msk.f32 $0xffff, v21, v1  }
0x72: {  	v21, v23, _ =	vpop (xrf1)  }
0x73: {  	v38, v39, _ =	vpop (xrf1)  }
0x74: {  	v40, v41, _ =	vpop (xrf1)  }
0x75: {  	v42, v43, _ =	vpop (xrf1)  }
0x76: {  	v22 =	vsel vm0, v22, v39;
	v44, v45, _ =	vpop (xrf1)  }
0x77: {  	v20 =	vsel vm0, v20, v38;
	v27 =	vsel vm0, v43, v41;
	v46, v47, _ =	vpop (xrf1)  }
0x78: {  	v26 =	vsel vm0, v42, v40;
	v48, v49, _ =	vpop (xrf1)  }
0x79: {  	(xrf1) =	vsort.ascd.msk.f32 $0xffff, v20, v22;
	v23 =	vsel vm0, v23, v47;
	v50, v51, _ =	vpop (xrf1)  }
0x7a: {  	(xrf1) =	vsort.dscd.msk.f32 $0xffff, v26, v27;
	v21 =	vsel vm0, v21, v46;
	v20, v22, _ =	vpop (xrf1)  }
0x7b: {  	v52 =	vsel vm0, v48, v44;
	v53 =	vsel vm0, v49, v45;
	(xrf1) =	vsort.ascd.msk.f32 $0xffff, v21, v23;
	v26, v27, _ =	vpop (xrf1)  }
0x7c: {  	(xrf1) =	vsort.dscd.msk.f32 $0xffff, v52, v53;
	v54, v55, _ =	vpop (xrf1)  }
0x7d: {  	v20 =	vsel vm0, v54, v20;
	v21 =	vsel vm0, v55, v22;
	v22, v23, _ =	vpop (xrf1)  }
0x7e: {  	v22 =	vsel vm0, v22, v26;
	v23 =	vsel vm0, v23, v27;
	v56, v57, _ =	vpop (xrf1);
	(xrf1) =	vsort.ascd.msk.f32 $0xffff, v20, v21  }
0x7f: {  	v20 =	vsel vm0, v50, v56;
	v21 =	vsel vm0, v51, v57;
	v58, v59, _ =	vpop (xrf1);
	(xrf1) =	vsort.ascd.msk.f32 $0xffff, v22, v23  }
0x80: {  	v18 =	vsel vm0, v18, v58;
	v19 =	vsel vm0, v19, v59;
	(xrf1) =	vsort.dscd.msk.f32 $0xffff, v20, v21  }
0x81: {  	(xrf1) =	vsort.dscd.msk.f32 $0xffff, v18, v19;
	_ =	sdelay $0x5  }
0x82: {  	v18, v19, _ =	vpop (xrf1)  }
0x83: {  	v20, v21, _ =	vpop (xrf1)  }
0x84: {  	v22, v23, _ =	vpop (xrf1)  }
0x85: {  	v19 =	vsel vm0, v21, v19;
	v60, v61, _ =	vpop (xrf1)  }
0x86: {  	v18 =	vsel vm0, v20, v18;
	v23 =	vsel vm0, v61, v23  }
0x87: {  	v22 =	vsel vm0, v60, v22;
	v62, v63, _ =	vpop (xrf1)  }
0x88: {  	v20, v21, _ =	vpop (xrf1)  }
0x89: {  	(xrf1) =	vsort.ascd.msk.f32 $0xffff, v18, v19;
	v18, v19, _ =	vpop (xrf1)  }
0x8a: {  	(xrf1) =	vsort.dscd.msk.f32 $0xffff, v22, v23;
	v18 =	vsel vm0, v18, v62;
	v19 =	vsel vm0, v19, v63;
	v22, v23, _ =	vpop (xrf1)  }
0x8b: {  	v20 =	vsel vm0, v22, v20;
	v21 =	vsel vm0, v23, v21;
	(xrf1) =	vsort.ascd.msk.f32 $0xffff, v18, v19  }
0x8c: {  	(xrf1) =	vsort.dscd.msk.f32 $0xffff, v20, v21;
	_ =	sdelay $0xa  }
0x8d: {  	v18, v19, _ =	vpop (xrf1)  }
0x8e: {  	v20, v21, _ =	vpop (xrf1)  }
0x8f: {  	v22, v23, _ =	vpop (xrf1)  }
0x90: {  	v18 =	vsel vm0, v20, v18;
	v19 =	vsel vm0, v21, v19;
	v20, v21, _ =	vpop (xrf1)  }
0x91: {  	(xrf1) =	vsort.ascd.msk.f32 $0xffff, v18, v19;
	v20 =	vsel vm0, v20, v22;
	v21 =	vsel vm0, v21, v23  }
0x92: {  	(xrf1) =	vsort.dscd.msk.f32 $0xffff, v20, v21;
	_ =	sdelay $0xc  }
0x93: {  	v18, v19, _ =	vpop (xrf1)  }
0x94: {  	v20, v21, _ =	vpop (xrf1)  }
0x95: {  	v18 =	vsel vm0, v20, v18;
	v19 =	vsel vm0, v21, v19  }
0x96: {  	(xrf1) =	vsort.dscd.msk.f32 $0xffff, v18, v19;
	_ =	sdelay $0xd  }
0x97: {  	v19, v18, _ =	vpop (xrf1)  }
0x98: {  	[tilespmem:$0x9000] =	vst v19  }
0x99: {  	v20 =	vld.idx.msk [tilespmem:v16+s12+$0x0], $0xffff  }
0x9a: {  	s21 =	simm.s32 $0x200;
	s20 =	simm.s32 $0x0;
	s19 =	simm.s32 $0x4080  }
.LBB2_2:
0x9b: {  	s20 =	sadd.s32 $0x2, s20;
	s18 =	sadd.s32 $0x100, s18;
	s17 =	sadd.s32 $0x100, s17  }
0x9c: {  	p0 =	slt.u32 s20, $0x1E;
	_ =	sdelay $0x1  }
0x9d: {  	vm1 =	vlt.f32 v19, v20;
	vm2 =	vgt.f32 v19, v20  }
0x9e: {  	vm1 =	vmor vm2, vm1  }
0x9f: {  	v19 =	vnsel vm1, $0x80000000, v17  }
0xa0: {  	(xrf0) =	vmax.scan.msk.u32 $0xffff, v19;
	_ =	sdelay $0x5  }
0xa1: {  	v19, _, _ =	vpop (xrf0)  }
0xa2: {  	v19 =	vshll.u32 v19, $0x8  }
0xa3: {  	v19 =	vadd.s32 v18, v19  }
0xa4: {  	v19 =	vxor.u32 $0x80000000, v19  }
0xa5: {  	(xrf1) =	vsort.ascd.msk.u32 $0xffff, v19, v18;
	_ =	sdelay $0xc  }
0xa6: {  	s23 =	sadd.s32 $0xFFFFFF80, s17  }
0xa7: {  	s22 =	sand.u32 $0x1800, s21;
	s23 =	sand.u32 $0x300, s23;
	_, v18, _ =	vpop (xrf1)  }
0xa8: {  	s23 =	sor.u32 s23, s22;
	[tilespmem:s19+$0x0] =	vst v18;
	s19 =	smov.u32 s18  }
0xa9: {  	v18 =	vld [tilespmem:s23+$0x430]  }
0xaa: {  	v19 =	vld [tilespmem:s23+$0x470]  }
0xab: {  	v20 =	vld [tilespmem:s23+$0x70]  }
0xac: {  	v21 =	vld [tilespmem:s23+$0x30]  }
0xad: {  	v22 =	vld [tilespmem:s23+$0x60]  }
0xae: {  	v23 =	vld [tilespmem:s23+$0x50];
	(xrf1) =	vsort.ascd.msk.f32 $0xffff, v18, v11  }
0xaf: {  	v18 =	vld [tilespmem:s23+$0x420];
	(xrf1) =	vsort.ascd.msk.f32 $0xffff, v19, v15  }
0xb0: {  	v19 =	vld [tilespmem:s23+$0x20];
	(xrf1) =	vsort.ascd.msk.f32 $0xffff, v20, v7  }
0xb1: {  	v20 =	vld [tilespmem:s23+$0x40];
	(xrf1) =	vsort.ascd.msk.f32 $0xffff, v21, v3  }
0xb2: {  	v21 =	vld [tilespmem:s23+$0x460];
	(xrf1) =	vsort.dscd.msk.f32 $0xffff, v22, v6  }
0xb3: {  	v22 =	vld [tilespmem:s23+$0x450];
	(xrf1) =	vsort.ascd.msk.f32 $0xffff, v23, v5  }
0xb4: {  	v23 =	vld [tilespmem:s23+$0x410];
	(xrf1) =	vsort.dscd.msk.f32 $0xffff, v18, v10  }
0xb5: {  	v18 =	vld [tilespmem:s23+$0x440];
	(xrf1) =	vsort.dscd.msk.f32 $0xffff, v19, v2  }
0xb6: {  	v19 =	vld [tilespmem:s23+$0x10];
	(xrf1) =	vsort.dscd.msk.f32 $0xffff, v20, v4  }
0xb7: {  	v20 =	vld [tilespmem:s23+$0x0];
	(xrf1) =	vsort.dscd.msk.f32 $0xffff, v21, v14  }
0xb8: {  	v21 =	vld [tilespmem:s23+$0x400];
	(xrf1) =	vsort.ascd.msk.f32 $0xffff, v22, v13  }
0xb9: {  	(xrf1) =	vsort.ascd.msk.f32 $0xffff, v23, v9  }
0xba: {  	(xrf1) =	vsort.dscd.msk.f32 $0xffff, v18, v12  }
0xbb: {  	(xrf1) =	vsort.ascd.msk.f32 $0xffff, v19, v1  }
0xbc: {  	(xrf1) =	vsort.dscd.msk.f32 $0xffff, v20, v0;
	v18, v19, _ =	vpop (xrf1)  }
0xbd: {  	(xrf1) =	vsort.dscd.msk.f32 $0xffff, v21, v8;
	v20, v21, _ =	vpop (xrf1)  }
0xbe: {  	v22, v23, _ =	vpop (xrf1)  }
0xbf: {  	v24, v25, _ =	vpop (xrf1)  }
0xc0: {  	v26, v27, _ =	vpop (xrf1)  }
0xc1: {  	v23 =	vsel vm0, v27, v23;
	v27, v28, _ =	vpop (xrf1)  }
0xc2: {  	v29, v30, _ =	vpop (xrf1)  }
0xc3: {  	v18 =	vsel vm0, v29, v18;
	v19 =	vsel vm0, v30, v19;
	v29, v30, _ =	vpop (xrf1)  }
0xc4: {  	v32 =	vsel vm0, v26, v22;
	v26, v31, _ =	vpop (xrf1)  }
0xc5: {  	v33 =	vsel vm0, v26, v27;
	v28 =	vsel vm0, v31, v28;
	(xrf1) =	vsort.ascd.msk.f32 $0xffff, v32, v23;
	v22, v23, _ =	vpop (xrf1)  }
0xc6: {  	(xrf1) =	vsort.dscd.msk.f32 $0xffff, v33, v28;
	v26, v27, _ =	vpop (xrf1)  }
0xc7: {  	v20 =	vsel vm0, v22, v20;
	v21 =	vsel vm0, v23, v21;
	v22, v23, _ =	vpop (xrf1);
	(xrf1) =	vsort.ascd.msk.f32 $0xffff, v18, v19  }
0xc8: {  	v18, v19, _ =	vpop (xrf1);
	(xrf1) =	vsort.ascd.msk.f32 $0xffff, v20, v21  }
0xc9: {  	v20 =	vsel vm0, v29, v24;
	v21 =	vsel vm0, v30, v25;
	v24, v25, _ =	vpop (xrf1)  }
0xca: {  	v18 =	vsel vm0, v18, v26;
	v19 =	vsel vm0, v19, v27;
	v26, v27, _ =	vpop (xrf1);
	(xrf1) =	vsort.ascd.msk.f32 $0xffff, v20, v21  }
0xcb: {  	v20 =	vsel vm0, v26, v24;
	v21 =	vsel vm0, v27, v25;
	v24, v25, _ =	vpop (xrf1);
	(xrf1) =	vsort.dscd.msk.f32 $0xffff, v18, v19  }
0xcc: {  	v18 =	vsel vm0, v24, v22;
	v19 =	vsel vm0, v25, v23;
	(xrf1) =	vsort.dscd.msk.f32 $0xffff, v20, v21  }
0xcd: {  	(xrf1) =	vsort.dscd.msk.f32 $0xffff, v18, v19;
	_ =	sdelay $0x5  }
0xce: {  	v18, v19, _ =	vpop (xrf1)  }
0xcf: {  	v20, v21, _ =	vpop (xrf1)  }
0xd0: {  	v18 =	vsel vm0, v20, v18;
	v19 =	vsel vm0, v21, v19;
	v20, v21, _ =	vpop (xrf1)  }
0xd1: {  	v22, v23, _ =	vpop (xrf1);
	_ =	sdelay $0x1  }
0xd2: {  	v24, v25, _ =	vpop (xrf1)  }
0xd3: {  	v26, v27, _ =	vpop (xrf1)  }
0xd4: {  	v22 =	vsel vm0, v26, v22;
	v23 =	vsel vm0, v27, v23;
	v26, v27, _ =	vpop (xrf1);
	(xrf1) =	vsort.ascd.msk.f32 $0xffff, v18, v19  }
0xd5: {  	v18 =	vsel vm0, v26, v24;
	v19 =	vsel vm0, v27, v25;
	v24, v25, _ =	vpop (xrf1);
	(xrf1) =	vsort.ascd.msk.f32 $0xffff, v22, v23  }
0xd6: {  	v20 =	vsel vm0, v24, v20;
	v21 =	vsel vm0, v25, v21;
	(xrf1) =	vsort.dscd.msk.f32 $0xffff, v18, v19  }
0xd7: {  	(xrf1) =	vsort.dscd.msk.f32 $0xffff, v20, v21;
	_ =	sdelay $0xa  }
0xd8: {  	v18, v19, _ =	vpop (xrf1)  }
0xd9: {  	v20, v21, _ =	vpop (xrf1)  }
0xda: {  	v22, v23, _ =	vpop (xrf1)  }
0xdb: {  	v18 =	vsel vm0, v22, v18;
	v19 =	vsel vm0, v23, v19;
	v22, v23, _ =	vpop (xrf1)  }
0xdc: {  	v20 =	vsel vm0, v22, v20;
	v21 =	vsel vm0, v23, v21;
	(xrf1) =	vsort.dscd.msk.f32 $0xffff, v18, v19  }
0xdd: {  	(xrf1) =	vsort.ascd.msk.f32 $0xffff, v20, v21;
	_ =	sdelay $0xc  }
0xde: {  	v18, v19, _ =	vpop (xrf1)  }
0xdf: {  	v20, v21, _ =	vpop (xrf1)  }
0xe0: {  	v18 =	vsel vm0, v18, v20;
	v19 =	vsel vm0, v19, v21  }
0xe1: {  	(xrf1) =	vsort.dscd.msk.f32 $0xffff, v18, v19;
	_ =	sdelay $0xd  }
0xe2: {  	v18, v19, _ =	vpop (xrf1)  }
0xe3: {  	[tilespmem:$0x9000] =	vst v18  }
0xe4: {  	v20 =	vld.idx.msk [tilespmem:v16+s12+$0x0], $0xffff;
	_ =	sdelay $0x5  }
0xe5: {  	vm1 =	vlt.f32 v18, v20;
	vm2 =	vgt.f32 v18, v20  }
0xe6: {  	vm1 =	vmor vm2, vm1  }
0xe7: {  	v18 =	vnsel vm1, $0x80000000, v17  }
0xe8: {  	(xrf0) =	vmax.scan.msk.u32 $0xffff, v18;
	_ =	sdelay $0x5  }
0xe9: {  	v18, _, _ =	vpop (xrf0)  }
0xea: {  	v18 =	vshll.u32 v18, $0x8  }
0xeb: {  	v18 =	vadd.s32 v19, v18  }
0xec: {  	v18 =	vxor.u32 $0x80000000, v18  }
0xed: {  	(xrf1) =	vsort.ascd.msk.u32 $0xffff, v18, v19;
	_ =	sdelay $0xd  }
0xee: {  	s23 =	sand.u32 $0x380, s17;
	_, v18, _ =	vpop (xrf1)  }
0xef: {  	s22 =	sor.u32 s23, s22;
	[tilespmem:s18+$0xFFFFFF80] =	vst v18  }
0xf0: {  	v18 =	vld [tilespmem:s22+$0x0]  }
0xf1: {  	v19 =	vld [tilespmem:s22+$0x460]  }
0xf2: {  	v20 =	vld [tilespmem:s22+$0x420]  }
0xf3: {  	v21 =	vld [tilespmem:s22+$0x470]  }
0xf4: {  	v22 =	vld [tilespmem:s22+$0x450]  }
0xf5: {  	v23 =	vld [tilespmem:s22+$0x440];
	(xrf1) =	vsort.dscd.msk.f32 $0xffff, v18, v0  }
0xf6: {  	v18 =	vld [tilespmem:s22+$0x410];
	(xrf1) =	vsort.dscd.msk.f32 $0xffff, v19, v14  }
0xf7: {  	v19 =	vld [tilespmem:s22+$0x70];
	(xrf1) =	vsort.dscd.msk.f32 $0xffff, v20, v10  }
0xf8: {  	v20 =	vld [tilespmem:s22+$0x430];
	(xrf1) =	vsort.ascd.msk.f32 $0xffff, v21, v15  }
0xf9: {  	v21 =	vld [tilespmem:s22+$0x400]  }
0xfa: {  	v24 =	vld [tilespmem:s22+$0x40];
	(xrf1) =	vsort.ascd.msk.f32 $0xffff, v22, v13  }
0xfb: {  	v22 =	vld [tilespmem:s22+$0x50];
	(xrf1) =	vsort.dscd.msk.f32 $0xffff, v23, v12  }
0xfc: {  	v23 =	vld [tilespmem:s22+$0x30];
	(xrf1) =	vsort.ascd.msk.f32 $0xffff, v18, v9  }
0xfd: {  	v18 =	vld [tilespmem:s22+$0x60];
	(xrf1) =	vsort.ascd.msk.f32 $0xffff, v20, v11  }
0xfe: {  	v20 =	vld [tilespmem:s22+$0x20];
	(xrf1) =	vsort.dscd.msk.f32 $0xffff, v21, v8  }
0xff: {  	(xrf1) =	vsort.dscd.msk.f32 $0xffff, v24, v4  }
0x100: {  	v21 =	vld [tilespmem:s22+$0x10];
	(xrf1) =	vsort.ascd.msk.f32 $0xffff, v19, v7  }
0x101: {  	(xrf1) =	vsort.ascd.msk.f32 $0xffff, v23, v3  }
0x102: {  	(xrf1) =	vsort.dscd.msk.f32 $0xffff, v18, v6  }
0x103: {  	v18, v19, _ =	vpop (xrf1);
	(xrf1) =	vsort.dscd.msk.f32 $0xffff, v20, v2  }
0x104: {  	(xrf1) =	vsort.ascd.msk.f32 $0xffff, v22, v5;
	v20, v22, _ =	vpop (xrf1)  }
0x105: {  	(xrf1) =	vsort.ascd.msk.f32 $0xffff, v21, v1;
	v21, v23, _ =	vpop (xrf1)  }
0x106: {  	v24, v25, _ =	vpop (xrf1)  }
0x107: {  	v20 =	vsel vm0, v20, v24;
	v22 =	vsel vm0, v22, v25  }
0x108: {  	v24, v25, _ =	vpop (xrf1)  }
0x109: {  	v26, v27, _ =	vpop (xrf1)  }
0x10a: {  	v28, v29, _ =	vpop (xrf1)  }
0x10b: {  	v30, v31, _ =	vpop (xrf1)  }
0x10c: {  	v21 =	vsel vm0, v21, v30;
	v23 =	vsel vm0, v23, v31;
	v30, v31, _ =	vpop (xrf1)  }
0x10d: {  	v28 =	vsel vm0, v30, v28;
	v30, v32, _ =	vpop (xrf1)  }
0x10e: {  	v24 =	vsel vm0, v26, v24;
	v33 =	vsel vm0, v27, v25;
	v26, v27, _ =	vpop (xrf1);
	(xrf1) =	vsort.ascd.msk.f32 $0xffff, v20, v22  }
0x10f: {  	v20, v22, _ =	vpop (xrf1);
	(xrf1) =	vsort.dscd.msk.f32 $0xffff, v24, v33;
	v24 =	vsel vm0, v31, v29  }
0x110: {  	v25, v29, _ =	vpop (xrf1);
	(xrf1) =	vsort.ascd.msk.f32 $0xffff, v21, v23  }
0x111: {  	v21 =	vsel vm0, v25, v26;
	v23 =	vsel vm0, v29, v27;
	v27, v26, _ =	vpop (xrf1);
	(xrf1) =	vsort.dscd.msk.f32 $0xffff, v28, v24  }
0x112: {  	v20 =	vsel vm0, v27, v20;
	v22 =	vsel vm0, v26, v22;
	v24, v25, _ =	vpop (xrf1);
	(xrf1) =	vsort.ascd.msk.f32 $0xffff, v21, v23  }
0x113: {  	v21 =	vsel vm0, v30, v24;
	v23 =	vsel vm0, v32, v25;
	v24, v25, _ =	vpop (xrf1);
	(xrf1) =	vsort.ascd.msk.f32 $0xffff, v20, v22  }
0x114: {  	v18 =	vsel vm0, v18, v24;
	v19 =	vsel vm0, v19, v25;
	(xrf1) =	vsort.dscd.msk.f32 $0xffff, v21, v23  }
0x115: {  	(xrf1) =	vsort.dscd.msk.f32 $0xffff, v18, v19;
	_ =	sdelay $0x6  }
0x116: {  	v18, v19, _ =	vpop (xrf1)  }
0x117: {  	v20, v21, _ =	vpop (xrf1)  }
0x118: {  	v18 =	vsel vm0, v20, v18;
	v24 =	vsel vm0, v21, v19;
	v20, v21, _ =	vpop (xrf1)  }
0x119: {  	v22, v23, _ =	vpop (xrf1)  }
0x11a: {  	v26 =	vsel vm0, v22, v20;
	v25 =	vsel vm0, v23, v21;
	v22, v23, _ =	vpop (xrf1);
	(xrf1) =	vsort.ascd.msk.f32 $0xffff, v18, v24  }
0x11b: {  	v18, v19, _ =	vpop (xrf1);
	(xrf1) =	vsort.dscd.msk.f32 $0xffff, v26, v25  }
0x11c: {  	v20, v21, _ =	vpop (xrf1)  }
0x11d: {  	v20 =	vsel vm0, v20, v22;
	v21 =	vsel vm0, v21, v23;
	v22, v23, _ =	vpop (xrf1)  }
0x11e: {  	v18 =	vsel vm0, v22, v18;
	v19 =	vsel vm0, v23, v19;
	(xrf1) =	vsort.ascd.msk.f32 $0xffff, v20, v21  }
0x11f: {  	(xrf1) =	vsort.dscd.msk.f32 $0xffff, v18, v19;
	_ =	sdelay $0x8  }
0x120: {  	v18, v19, _ =	vpop (xrf1)  }
0x121: {  	v20, v21, _ =	vpop (xrf1)  }
0x122: {  	v18 =	vsel vm0, v20, v18;
	v19 =	vsel vm0, v21, v19;
	_ =	sdelay $0x1  }
0x123: {  	v20, v21, _ =	vpop (xrf1)  }
0x124: {  	v22, v23, _ =	vpop (xrf1)  }
0x125: {  	v20 =	vsel vm0, v22, v20;
	v21 =	vsel vm0, v23, v21;
	(xrf1) =	vsort.ascd.msk.f32 $0xffff, v18, v19  }
0x126: {  	(xrf1) =	vsort.dscd.msk.f32 $0xffff, v20, v21;
	_ =	sdelay $0xc  }
0x127: {  	v18, v19, _ =	vpop (xrf1)  }
0x128: {  	v20, v21, _ =	vpop (xrf1)  }
0x129: {  	v18 =	vsel vm0, v20, v18;
	v19 =	vsel vm0, v21, v19  }
0x12a: {  	(xrf1) =	vsort.dscd.msk.f32 $0xffff, v18, v19;
	_ =	sdelay $0xd  }
.Ltmp0:
0x12b: {  	v19, v18, _ =	vpop (xrf1);
	(pc) =	sbr.rel @p0 .LBB2_2-.Ltmp0, $3  }
0x12c: {  	[tilespmem:$0x9000] =	vst v19  }
0x12d: {  	v20 =	vld.idx.msk [tilespmem:v16+s12+$0x0], $0xffff;
	_ =	sdelay $0x1  }
0x12e: {  	s21 =	sadd.s32 $0x200, s21  }
0x12f: {  	_ =	sdelay $0x1  }
0x130: {  	vm1 =	vlt.f32 v19, v20;
	vm2 =	vgt.f32 v19, v20  }
0x131: {  	vm1 =	vmor vm2, vm1  }
0x132: {  	v19 =	vnsel vm1, $0x80000000, v17  }
0x133: {  	(xrf0) =	vmax.scan.msk.u32 $0xffff, v19;
	_ =	sdelay $0x5  }
0x134: {  	v19, _, _ =	vpop (xrf0)  }
0x135: {  	v19 =	vshll.u32 v19, $0x8  }
0x136: {  	v19 =	vadd.s32 v18, v19  }
0x137: {  	v19 =	vxor.u32 $0x80000000, v19  }
0x138: {  	(xrf1) =	vsort.ascd.msk.u32 $0xffff, v19, v18;
	_ =	sdelay $0xd  }
0x139: {  	_, v18, _ =	vpop (xrf1)  }
0x13a: {  	s17 =	simm.s32 $0x0;
	[tilespmem:s19+$0x0] =	vst v18  }
0x13b: {  	[tilespmem:s17], [sflag:$0x1] =	stream.linear.gather [hbm4b:s5+s17], $0x2000, $0x38;
	[tilespmem:$0x9080] =	vst v63  }
0x13c: {  	_ =	swait.ge [sflag:s13], $0x2000  }
0x13d: {  	s18 =	sand.u32 $0x1800, s17;
	s31 =	sand.u32 $0x300, s17;
	[sflag:s13] =	ssyncset.done $0x0  }
0x13e: {  	s19 =	sor.u32 s31, s18;
	[sflag:s13] =	ssyncadd.s32 $0xFFFFE000  }
0x13f: {  	v18 =	vld [tilespmem:s19+$0x2470]  }
0x140: {  	v19 =	vld [tilespmem:s19+$0x2020]  }
0x141: {  	v20 =	vld [tilespmem:s19+$0x2030]  }
0x142: {  	v21 =	vld [tilespmem:s19+$0x2400]  }
0x143: {  	v22 =	vld [tilespmem:s19+$0x2410]  }
0x144: {  	v23 =	vld [tilespmem:s19+$0x2440];
	(xrf1) =	vsort.ascd.msk.f32 $0xffff, v18, v15  }
0x145: {  	v18 =	vld [tilespmem:s19+$0x2040];
	(xrf1) =	vsort.dscd.msk.f32 $0xffff, v19, v2  }
0x146: {  	v19 =	vld [tilespmem:s19+$0x2460];
	(xrf1) =	vsort.ascd.msk.f32 $0xffff, v20, v3  }
0x147: {  	v20 =	vld [tilespmem:s19+$0x2450];
	(xrf1) =	vsort.dscd.msk.f32 $0xffff, v21, v8  }
0x148: {  	v21 =	vld [tilespmem:s19+$0x2070];
	(xrf1) =	vsort.ascd.msk.f32 $0xffff, v22, v9  }
0x149: {  	v22 =	vld [tilespmem:s19+$0x2050];
	(xrf1) =	vsort.dscd.msk.f32 $0xffff, v23, v12  }
0x14a: {  	v23 =	vld [tilespmem:s19+$0x2430];
	(xrf1) =	vsort.dscd.msk.f32 $0xffff, v18, v4  }
0x14b: {  	v18 =	vld [tilespmem:s19+$0x2000];
	(xrf1) =	vsort.dscd.msk.f32 $0xffff, v19, v14  }
0x14c: {  	v19 =	vld [tilespmem:s19+$0x2420];
	(xrf1) =	vsort.ascd.msk.f32 $0xffff, v20, v13  }
0x14d: {  	v20 =	vld [tilespmem:s19+$0x2060];
	(xrf1) =	vsort.ascd.msk.f32 $0xffff, v21, v7  }
0x14e: {  	v21 =	vld [tilespmem:s19+$0x2010];
	(xrf1) =	vsort.ascd.msk.f32 $0xffff, v22, v5  }
0x14f: {  	(xrf1) =	vsort.ascd.msk.f32 $0xffff, v23, v11  }
0x150: {  	(xrf1) =	vsort.dscd.msk.f32 $0xffff, v18, v0  }
0x151: {  	(xrf1) =	vsort.dscd.msk.f32 $0xffff, v19, v10  }
0x152: {  	(xrf1) =	vsort.dscd.msk.f32 $0xffff, v20, v6;
	v18, v19, _ =	vpop (xrf1)  }
0x153: {  	(xrf1) =	vsort.ascd.msk.f32 $0xffff, v21, v1;
	v20, v21, _ =	vpop (xrf1)  }
0x154: {  	v22, v23, _ =	vpop (xrf1)  }
0x155: {  	v24, v25, _ =	vpop (xrf1)  }
0x156: {  	v26, v27, _ =	vpop (xrf1)  }
0x157: {  	v28, v29, _ =	vpop (xrf1)  }
0x158: {  	v30, v31, _ =	vpop (xrf1)  }
0x159: {  	v32, v33, _ =	vpop (xrf1)  }
0x15a: {  	v19 =	vsel vm0, v33, v19  }
0x15b: {  	v18 =	vsel vm0, v32, v18  }
0x15c: {  	v34, v35, _ =	vpop (xrf1)  }
0x15d: {  	v36, v37, _ =	vpop (xrf1)  }
0x15e: {  	v21 =	vsel vm0, v21, v23;
	v20 =	vsel vm0, v20, v22;
	(xrf1) =	vsort.ascd.msk.f32 $0xffff, v18, v19;
	v18, v19, _ =	vpop (xrf1)  }
0x15f: {  	v28 =	vsel vm0, v28, v34;
	v29 =	vsel vm0, v29, v35;
	v19 =	vsel vm0, v31, v19  }
0x160: {  	(xrf1) =	vsort.dscd.msk.f32 $0xffff, v28, v29;
	v22, v23, _ =	vpop (xrf1);
	v18 =	vsel vm0, v30, v18  }
0x161: {  	v24 =	vsel vm0, v24, v26;
	v25 =	vsel vm0, v25, v27;
	(xrf1) =	vsort.ascd.msk.f32 $0xffff, v20, v21;
	v38, v39, _ =	vpop (xrf1)  }
0x162: {  	(xrf1) =	vsort.dscd.msk.f32 $0xffff, v24, v25;
	v20, v21, _ =	vpop (xrf1)  }
0x163: {  	(xrf1) =	vsort.dscd.msk.f32 $0xffff, v18, v19;
	v20 =	vsel vm0, v20, v22;
	v21 =	vsel vm0, v21, v23;
	v18, v19, _ =	vpop (xrf1)  }
0x164: {  	(xrf1) =	vsort.ascd.msk.f32 $0xffff, v20, v21;
	v18 =	vsel vm0, v18, v36;
	v19 =	vsel vm0, v19, v37;
	v22, v23, _ =	vpop (xrf1)  }
0x165: {  	v20 =	vsel vm0, v38, v22;
	v21 =	vsel vm0, v39, v23;
	(xrf1) =	vsort.ascd.msk.f32 $0xffff, v18, v19  }
0x166: {  	(xrf1) =	vsort.dscd.msk.f32 $0xffff, v20, v21;
	_ =	sdelay $0x6  }
0x167: {  	v18, v19, _ =	vpop (xrf1)  }
0x168: {  	v20, v21, _ =	vpop (xrf1)  }
0x169: {  	v22, v23, _ =	vpop (xrf1)  }
0x16a: {  	v24, v25, _ =	vpop (xrf1)  }
0x16b: {  	v40, v41, _ =	vpop (xrf1)  }
0x16c: {  	v18 =	vsel vm0, v20, v18;
	v19 =	vsel vm0, v21, v19;
	v20, v21, _ =	vpop (xrf1)  }
0x16d: {  	(xrf1) =	vsort.ascd.msk.f32 $0xffff, v18, v19;
	v20 =	vsel vm0, v24, v20;
	v21 =	vsel vm0, v25, v21;
	v42, v43, _ =	vpop (xrf1)  }
0x16e: {  	(xrf1) =	vsort.dscd.msk.f32 $0xffff, v20, v21;
	v18 =	vsel vm0, v40, v42;
	v19 =	vsel vm0, v41, v43;
	v44, v45, _ =	vpop (xrf1)  }
0x16f: {  	v20 =	vsel vm0, v44, v22;
	v21 =	vsel vm0, v45, v23;
	(xrf1) =	vsort.ascd.msk.f32 $0xffff, v18, v19  }
0x170: {  	(xrf1) =	vsort.dscd.msk.f32 $0xffff, v20, v21;
	_ =	sdelay $0xa  }
0x171: {  	v18, v19, _ =	vpop (xrf1)  }
0x172: {  	v20, v21, _ =	vpop (xrf1)  }
0x173: {  	v22, v23, _ =	vpop (xrf1)  }
0x174: {  	v18 =	vsel vm0, v20, v18;
	v19 =	vsel vm0, v21, v19;
	v20, v21, _ =	vpop (xrf1)  }
0x175: {  	(xrf1) =	vsort.ascd.msk.f32 $0xffff, v18, v19;
	v20 =	vsel vm0, v20, v22;
	v21 =	vsel vm0, v21, v23  }
0x176: {  	(xrf1) =	vsort.dscd.msk.f32 $0xffff, v20, v21;
	_ =	sdelay $0xc  }
0x177: {  	v18, v19, _ =	vpop (xrf1)  }
0x178: {  	v20, v21, _ =	vpop (xrf1)  }
0x179: {  	v18 =	vsel vm0, v20, v18;
	v19 =	vsel vm0, v21, v19  }
0x17a: {  	(xrf1) =	vsort.dscd.msk.f32 $0xffff, v18, v19;
	_ =	sdelay $0xd  }
0x17b: {  	v18, v19, _ =	vpop (xrf1)  }
0x17c: {  	[tilespmem:$0x9000] =	vst v18  }
0x17d: {  	v20 =	vld.idx.msk [tilespmem:v16+s12+$0x0], $0xffff;
	_ =	sdelay $0x4  }
0x17e: {  	vm1 =	vlt.f32 v18, v20;
	vm2 =	vgt.f32 v18, v20  }
0x17f: {  	vm1 =	vmor vm2, vm1  }
0x180: {  	v18 =	vnsel vm1, $0x80000000, v17  }
0x181: {  	(xrf0) =	vmax.scan.msk.u32 $0xffff, v18;
	_ =	sdelay $0x5  }
0x182: {  	v18, _, _ =	vpop (xrf0)  }
0x183: {  	v18 =	vshll.u32 v18, $0x8  }
0x184: {  	v18 =	vadd.s32 v19, v18  }
0x185: {  	v18 =	vxor.u32 $0x80000000, v18  }
0x186: {  	(xrf1) =	vsort.ascd.msk.u32 $0xffff, v18, v19;
	_ =	sdelay $0xd  }
0x187: {  	s18 =	simm.s32 $0x5080;
	_, v18, _ =	vpop (xrf1)  }
0x188: {  	[tilespmem:s18+$0xFFFFFF80] =	vst v18  }
0x189: {  	v18 =	vld [tilespmem:s19+$0x2080]  }
0x18a: {  	v19 =	vld [tilespmem:s19+$0x2090]  }
0x18b: {  	v20 =	vld [tilespmem:s19+$0x24D0]  }
0x18c: {  	v21 =	vld [tilespmem:s19+$0x20C0]  }
0x18d: {  	v22 =	vld [tilespmem:s19+$0x24B0]  }
0x18e: {  	v23 =	vld [tilespmem:s19+$0x20F0];
	(xrf1) =	vsort.dscd.msk.f32 $0xffff, v18, v0  }
0x18f: {  	v18 =	vld [tilespmem:s19+$0x2480];
	(xrf1) =	vsort.ascd.msk.f32 $0xffff, v19, v1  }
0x190: {  	v19 =	vld [tilespmem:s19+$0x2490];
	(xrf1) =	vsort.ascd.msk.f32 $0xffff, v20, v13  }
0x191: {  	v20 =	vld [tilespmem:s19+$0x24A0];
	(xrf1) =	vsort.dscd.msk.f32 $0xffff, v21, v4  }
0x192: {  	v21 =	vld [tilespmem:s19+$0x20A0];
	(xrf1) =	vsort.ascd.msk.f32 $0xffff, v22, v11  }
0x193: {  	v22 =	vld [tilespmem:s19+$0x20E0];
	(xrf1) =	vsort.ascd.msk.f32 $0xffff, v23, v7  }
0x194: {  	v23 =	vld [tilespmem:s19+$0x20B0];
	(xrf1) =	vsort.dscd.msk.f32 $0xffff, v18, v8  }
0x195: {  	(xrf1) =	vsort.ascd.msk.f32 $0xffff, v19, v9  }
0x196: {  	v18 =	vld [tilespmem:s19+$0x20D0];
	(xrf1) =	vsort.dscd.msk.f32 $0xffff, v20, v10  }
0x197: {  	v19 =	vld [tilespmem:s19+$0x24E0];
	(xrf1) =	vsort.dscd.msk.f32 $0xffff, v21, v2  }
0x198: {  	v20 =	vld [tilespmem:s19+$0x24F0];
	(xrf1) =	vsort.dscd.msk.f32 $0xffff, v22, v6  }
0x199: {  	v21 =	vld [tilespmem:s19+$0x24C0];
	(xrf1) =	vsort.ascd.msk.f32 $0xffff, v23, v3;
	_ =	sdelay $0x1  }
0x19a: {  	(xrf1) =	vsort.ascd.msk.f32 $0xffff, v18, v5  }
0x19b: {  	(xrf1) =	vsort.dscd.msk.f32 $0xffff, v19, v14;
	v18, v19, _ =	vpop (xrf1)  }
0x19c: {  	(xrf1) =	vsort.ascd.msk.f32 $0xffff, v20, v15;
	v20, v22, _ =	vpop (xrf1)  }
0x19d: {  	(xrf1) =	vsort.dscd.msk.f32 $0xffff, v21, v12;
	v21, v23, _ =	vpop (xrf1)  }
0x19e: {  	v46, v47, _ =	vpop (xrf1)  }
0x19f: {  	v48, v49, _ =	vpop (xrf1)  }
0x1a0: {  	v28, v29, _ =	vpop (xrf1)  }
0x1a1: {  	v51, v50, _ =	vpop (xrf1)  }
0x1a2: {  	v19 =	vsel vm0, v19, v22;
	v52, v53, _ =	vpop (xrf1)  }
0x1a3: {  	v18 =	vsel vm0, v18, v20;
	v54, v55, _ =	vpop (xrf1)  }
0x1a4: {  	v30 =	vsel vm0, v51, v52;
	v31 =	vsel vm0, v50, v53;
	v56, v57, _ =	vpop (xrf1)  }
0x1a5: {  	(xrf1) =	vsort.dscd.msk.f32 $0xffff, v30, v31;
	v20, v22, _ =	vpop (xrf1)  }
0x1a6: {  	(xrf1) =	vsort.dscd.msk.f32 $0xffff, v18, v19;
	v18, v19, _ =	vpop (xrf1)  }
0x1a7: {  	v20 =	vsel vm0, v20, v28;
	v22 =	vsel vm0, v22, v29;
	v19 =	vsel vm0, v57, v19  }
0x1a8: {  	v18 =	vsel vm0, v56, v18;
	(xrf1) =	vsort.ascd.msk.f32 $0xffff, v20, v22;
	v22 =	vsel vm0, v55, v49  }
0x1a9: {  	v20 =	vsel vm0, v54, v48  }
0x1aa: {  	v58, v59, _ =	vpop (xrf1);
	(xrf1) =	vsort.ascd.msk.f32 $0xffff, v18, v19  }
0x1ab: {  	v24 =	vsel vm0, v46, v58;
	v25 =	vsel vm0, v47, v59;
	(xrf1) =	vsort.ascd.msk.f32 $0xffff, v20, v22;
	v18, v19, _ =	vpop (xrf1)  }
0x1ac: {  	v20, v22, _ =	vpop (xrf1);
	(xrf1) =	vsort.dscd.msk.f32 $0xffff, v24, v25;
	_ =	sdelay $0x2  }
0x1ad: {  	v18 =	vsel vm0, v18, v20;
	v19 =	vsel vm0, v19, v22;
	v20, v22, _ =	vpop (xrf1)  }
0x1ae: {  	v20 =	vsel vm0, v20, v21;
	v21 =	vsel vm0, v22, v23;
	(xrf1) =	vsort.ascd.msk.f32 $0xffff, v18, v19  }
0x1af: {  	(xrf1) =	vsort.dscd.msk.f32 $0xffff, v20, v21;
	_ =	sdelay $0x3  }
0x1b0: {  	v18, v19, _ =	vpop (xrf1)  }
0x1b1: {  	v20, v21, _ =	vpop (xrf1)  }
0x1b2: {  	v22, v23, _ =	vpop (xrf1)  }
0x1b3: {  	v24, v25, _ =	vpop (xrf1)  }
0x1b4: {  	v60, v61, _ =	vpop (xrf1)  }
0x1b5: {  	v21 =	vsel vm0, v21, v25;
	v62, v63, _ =	vpop (xrf1)  }
0x1b6: {  	v20 =	vsel vm0, v20, v24;
	v23 =	vsel vm0, v63, v23  }
0x1b7: {  	v22 =	vsel vm0, v62, v22;
	_ =	sdelay $0x1  }
0x1b8: {  	(xrf1) =	vsort.dscd.msk.f32 $0xffff, v20, v21;
	v20, v21, _ =	vpop (xrf1)  }
0x1b9: {  	v18 =	vsel vm0, v18, v60;
	v19 =	vsel vm0, v19, v61;
	(xrf1) =	vsort.ascd.msk.f32 $0xffff, v22, v23;
	v22, v23, _ =	vpop (xrf1)  }
0x1ba: {  	(xrf1) =	vsort.dscd.msk.f32 $0xffff, v18, v19;
	v20 =	vsel vm0, v22, v20;
	v21 =	vsel vm0, v23, v21  }
0x1bb: {  	(xrf1) =	vsort.ascd.msk.f32 $0xffff, v20, v21;
	_ =	sdelay $0xa  }
0x1bc: {  	v18, v19, _ =	vpop (xrf1)  }
0x1bd: {  	v20, v21, _ =	vpop (xrf1)  }
0x1be: {  	v22, v23, _ =	vpop (xrf1)  }
0x1bf: {  	v18 =	vsel vm0, v18, v20;
	v19 =	vsel vm0, v19, v21;
	v20, v21, _ =	vpop (xrf1)  }
0x1c0: {  	(xrf1) =	vsort.dscd.msk.f32 $0xffff, v18, v19;
	v20 =	vsel vm0, v22, v20;
	v21 =	vsel vm0, v23, v21  }
0x1c1: {  	(xrf1) =	vsort.ascd.msk.f32 $0xffff, v20, v21;
	_ =	sdelay $0xc  }
0x1c2: {  	v18, v19, _ =	vpop (xrf1)  }
0x1c3: {  	v20, v21, _ =	vpop (xrf1)  }
0x1c4: {  	v18 =	vsel vm0, v18, v20;
	v19 =	vsel vm0, v19, v21  }
0x1c5: {  	(xrf1) =	vsort.dscd.msk.f32 $0xffff, v18, v19;
	_ =	sdelay $0xd  }
0x1c6: {  	v19, v18, _ =	vpop (xrf1)  }
0x1c7: {  	[tilespmem:$0x9000] =	vst v19  }
0x1c8: {  	v20 =	vld.idx.msk [tilespmem:v16+s12+$0x0], $0xffff  }
0x1c9: {  	s20 =	simm.s32 $0x0;
	s21 =	simm.s32 $0x200;
	s19 =	simm.s32 $0x5080  }
.LBB2_4:
0x1ca: {  	s20 =	sadd.s32 $0x2, s20;
	s18 =	sadd.s32 $0x100, s18;
	s17 =	sadd.s32 $0x100, s17  }
0x1cb: {  	p0 =	slt.u32 s20, $0x1E;
	_ =	sdelay $0x1  }
0x1cc: {  	vm1 =	vlt.f32 v19, v20;
	vm2 =	vgt.f32 v19, v20  }
0x1cd: {  	vm1 =	vmor vm2, vm1  }
0x1ce: {  	v19 =	vnsel vm1, $0x80000000, v17  }
0x1cf: {  	(xrf0) =	vmax.scan.msk.u32 $0xffff, v19;
	_ =	sdelay $0x5  }
0x1d0: {  	v19, _, _ =	vpop (xrf0)  }
0x1d1: {  	v19 =	vshll.u32 v19, $0x8  }
0x1d2: {  	v19 =	vadd.s32 v18, v19  }
0x1d3: {  	v19 =	vxor.u32 $0x80000000, v19  }
0x1d4: {  	(xrf1) =	vsort.ascd.msk.u32 $0xffff, v19, v18;
	_ =	sdelay $0xd  }
0x1d5: {  	s22 =	sand.u32 $0x1800, s21;
	s23 =	sand.u32 $0x300, s17;
	_, v18, _ =	vpop (xrf1)  }
0x1d6: {  	s22 =	sor.u32 s23, s22;
	[tilespmem:s19+$0x0] =	vst v18;
	s19 =	smov.u32 s18  }
0x1d7: {  	v18 =	vld [tilespmem:s22+$0x2020]  }
0x1d8: {  	v19 =	vld [tilespmem:s22+$0x2470]  }
0x1d9: {  	v20 =	vld [tilespmem:s22+$0x2060]  }
0x1da: {  	v21 =	vld [tilespmem:s22+$0x2030]  }
0x1db: {  	v22 =	vld [tilespmem:s22+$0x2400]  }
0x1dc: {  	v23 =	vld [tilespmem:s22+$0x2410]  }
0x1dd: {  	v24 =	vld [tilespmem:s22+$0x2440];
	(xrf1) =	vsort.ascd.msk.f32 $0xffff, v19, v15  }
0x1de: {  	v19 =	vld [tilespmem:s22+$0x2040];
	(xrf1) =	vsort.dscd.msk.f32 $0xffff, v18, v2  }
0x1df: {  	v18 =	vld [tilespmem:s22+$0x2460];
	(xrf1) =	vsort.ascd.msk.f32 $0xffff, v21, v3  }
0x1e0: {  	v21 =	vld [tilespmem:s22+$0x2450];
	(xrf1) =	vsort.dscd.msk.f32 $0xffff, v22, v8  }
0x1e1: {  	v22 =	vld [tilespmem:s22+$0x2070];
	(xrf1) =	vsort.ascd.msk.f32 $0xffff, v23, v9  }
0x1e2: {  	v23 =	vld [tilespmem:s22+$0x2050];
	(xrf1) =	vsort.dscd.msk.f32 $0xffff, v24, v12  }
0x1e3: {  	v24 =	vld [tilespmem:s22+$0x2430];
	(xrf1) =	vsort.dscd.msk.f32 $0xffff, v19, v4  }
0x1e4: {  	v19 =	vld [tilespmem:s22+$0x2000];
	(xrf1) =	vsort.dscd.msk.f32 $0xffff, v18, v14  }
0x1e5: {  	v18 =	vld [tilespmem:s22+$0x2420];
	(xrf1) =	vsort.ascd.msk.f32 $0xffff, v21, v13  }
0x1e6: {  	(xrf1) =	vsort.ascd.msk.f32 $0xffff, v22, v7  }
0x1e7: {  	v21 =	vld [tilespmem:s22+$0x2010];
	(xrf1) =	vsort.ascd.msk.f32 $0xffff, v23, v5  }
0x1e8: {  	(xrf1) =	vsort.ascd.msk.f32 $0xffff, v24, v11  }
0x1e9: {  	(xrf1) =	vsort.dscd.msk.f32 $0xffff, v19, v0  }
0x1ea: {  	(xrf1) =	vsort.dscd.msk.f32 $0xffff, v18, v10  }
0x1eb: {  	(xrf1) =	vsort.dscd.msk.f32 $0xffff, v20, v6;
	v18, v19, _ =	vpop (xrf1)  }
0x1ec: {  	(xrf1) =	vsort.ascd.msk.f32 $0xffff, v21, v1;
	v20, v21, _ =	vpop (xrf1)  }
0x1ed: {  	v22, v23, _ =	vpop (xrf1)  }
0x1ee: {  	v21 =	vsel vm0, v21, v23;
	v23, v24, _ =	vpop (xrf1)  }
0x1ef: {  	v20 =	vsel vm0, v20, v22;
	v22, v25, _ =	vpop (xrf1)  }
0x1f0: {  	v22 =	vsel vm0, v23, v22;
	v23 =	vsel vm0, v24, v25;
	v24, v25, _ =	vpop (xrf1)  }
0x1f1: {  	v26, v27, _ =	vpop (xrf1)  }
0x1f2: {  	v28, v29, _ =	vpop (xrf1)  }
0x1f3: {  	v32 =	vsel vm0, v28, v18;
	v30 =	vsel vm0, v29, v19;
	v28, v29, _ =	vpop (xrf1)  }
0x1f4: {  	v33 =	vsel vm0, v24, v28;
	v31 =	vsel vm0, v25, v29;
	v28, v29, _ =	vpop (xrf1);
	(xrf1) =	vsort.ascd.msk.f32 $0xffff, v32, v30  }
0x1f5: {  	v18, v19, _ =	vpop (xrf1);
	(xrf1) =	vsort.dscd.msk.f32 $0xffff, v33, v31  }
0x1f6: {  	v31 =	vsel vm0, v27, v19;
	v24, v25, _ =	vpop (xrf1)  }
0x1f7: {  	v27, v30, _ =	vpop (xrf1);
	(xrf1) =	vsort.ascd.msk.f32 $0xffff, v20, v21  }
0x1f8: {  	v26 =	vsel vm0, v26, v18;
	(xrf1) =	vsort.dscd.msk.f32 $0xffff, v22, v23;
	v20, v21, _ =	vpop (xrf1)  }
0x1f9: {  	v20 =	vsel vm0, v20, v24;
	v21 =	vsel vm0, v21, v25;
	(xrf1) =	vsort.dscd.msk.f32 $0xffff, v26, v31;
	v18, v19, _ =	vpop (xrf1)  }
0x1fa: {  	v18 =	vsel vm0, v18, v28;
	v19 =	vsel vm0, v19, v29;
	v22, v23, _ =	vpop (xrf1);
	(xrf1) =	vsort.ascd.msk.f32 $0xffff, v20, v21  }
0x1fb: {  	v20 =	vsel vm0, v27, v22;
	v21 =	vsel vm0, v30, v23;
	(xrf1) =	vsort.ascd.msk.f32 $0xffff, v18, v19  }
0x1fc: {  	(xrf1) =	vsort.dscd.msk.f32 $0xffff, v20, v21;
	_ =	sdelay $0x5  }
0x1fd: {  	v18, v19, _ =	vpop (xrf1)  }
0x1fe: {  	v20, v21, _ =	vpop (xrf1)  }
0x1ff: {  	v18 =	vsel vm0, v20, v18;
	v19 =	vsel vm0, v21, v19  }
0x200: {  	v20, v21, _ =	vpop (xrf1)  }
0x201: {  	v22, v23, _ =	vpop (xrf1)  }
0x202: {  	v24, v25, _ =	vpop (xrf1)  }
0x203: {  	v26, v27, _ =	vpop (xrf1)  }
0x204: {  	v22 =	vsel vm0, v22, v26;
	v23 =	vsel vm0, v23, v27;
	v26, v27, _ =	vpop (xrf1);
	(xrf1) =	vsort.ascd.msk.f32 $0xffff, v18, v19  }
0x205: {  	v18 =	vsel vm0, v24, v26;
	v19 =	vsel vm0, v25, v27;
	v24, v25, _ =	vpop (xrf1);
	(xrf1) =	vsort.dscd.msk.f32 $0xffff, v22, v23  }
0x206: {  	v20 =	vsel vm0, v24, v20;
	v21 =	vsel vm0, v25, v21;
	(xrf1) =	vsort.ascd.msk.f32 $0xffff, v18, v19  }
0x207: {  	(xrf1) =	vsort.dscd.msk.f32 $0xffff, v20, v21;
	_ =	sdelay $0xa  }
0x208: {  	v18, v19, _ =	vpop (xrf1)  }
0x209: {  	v20, v21, _ =	vpop (xrf1)  }
0x20a: {  	v18 =	vsel vm0, v20, v18;
	v19 =	vsel vm0, v21, v19;
	v20, v21, _ =	vpop (xrf1)  }
0x20b: {  	v22, v23, _ =	vpop (xrf1)  }
0x20c: {  	v20 =	vsel vm0, v22, v20;
	v21 =	vsel vm0, v23, v21;
	(xrf1) =	vsort.ascd.msk.f32 $0xffff, v18, v19  }
0x20d: {  	(xrf1) =	vsort.dscd.msk.f32 $0xffff, v20, v21;
	_ =	sdelay $0xc  }
0x20e: {  	v18, v19, _ =	vpop (xrf1)  }
0x20f: {  	v20, v21, _ =	vpop (xrf1)  }
0x210: {  	v18 =	vsel vm0, v20, v18;
	v19 =	vsel vm0, v21, v19  }
0x211: {  	(xrf1) =	vsort.dscd.msk.f32 $0xffff, v18, v19;
	_ =	sdelay $0xd  }
0x212: {  	v18, v19, _ =	vpop (xrf1)  }
0x213: {  	[tilespmem:$0x9000] =	vst v18  }
0x214: {  	v20 =	vld.idx.msk [tilespmem:v16+s12+$0x0], $0xffff;
	_ =	sdelay $0x5  }
0x215: {  	vm1 =	vlt.f32 v18, v20;
	vm2 =	vgt.f32 v18, v20  }
0x216: {  	vm1 =	vmor vm2, vm1  }
0x217: {  	v18 =	vnsel vm1, $0x80000000, v17  }
0x218: {  	(xrf0) =	vmax.scan.msk.u32 $0xffff, v18;
	_ =	sdelay $0x5  }
0x219: {  	v18, _, _ =	vpop (xrf0)  }
0x21a: {  	v18 =	vshll.u32 v18, $0x8  }
0x21b: {  	v18 =	vadd.s32 v19, v18  }
0x21c: {  	v18 =	vxor.u32 $0x80000000, v18  }
0x21d: {  	(xrf1) =	vsort.ascd.msk.u32 $0xffff, v18, v19;
	_ =	sdelay $0xd  }
0x21e: {  	_, v18, _ =	vpop (xrf1)  }
0x21f: {  	[tilespmem:s18+$0xFFFFFF80] =	vst v18  }
0x220: {  	v18 =	vld [tilespmem:s22+$0x2080]  }
0x221: {  	v19 =	vld [tilespmem:s22+$0x2090]  }
0x222: {  	v20 =	vld [tilespmem:s22+$0x24D0]  }
0x223: {  	v21 =	vld [tilespmem:s22+$0x20C0]  }
0x224: {  	v22 =	vld [tilespmem:s22+$0x24B0]  }
0x225: {  	v23 =	vld [tilespmem:s22+$0x20F0];
	(xrf1) =	vsort.dscd.msk.f32 $0xffff, v18, v0  }
0x226: {  	v18 =	vld [tilespmem:s22+$0x2480];
	(xrf1) =	vsort.ascd.msk.f32 $0xffff, v19, v1  }
0x227: {  	v19 =	vld [tilespmem:s22+$0x2490];
	(xrf1) =	vsort.ascd.msk.f32 $0xffff, v20, v13  }
0x228: {  	v20 =	vld [tilespmem:s22+$0x24A0];
	(xrf1) =	vsort.dscd.msk.f32 $0xffff, v21, v4  }
0x229: {  	v21 =	vld [tilespmem:s22+$0x20A0];
	(xrf1) =	vsort.ascd.msk.f32 $0xffff, v22, v11  }
0x22a: {  	v22 =	vld [tilespmem:s22+$0x20E0];
	(xrf1) =	vsort.ascd.msk.f32 $0xffff, v23, v7  }
0x22b: {  	v23 =	vld [tilespmem:s22+$0x20B0];
	(xrf1) =	vsort.dscd.msk.f32 $0xffff, v18, v8  }
0x22c: {  	v18 =	vld [tilespmem:s22+$0x20D0];
	(xrf1) =	vsort.ascd.msk.f32 $0xffff, v19, v9  }
0x22d: {  	v19 =	vld [tilespmem:s22+$0x24E0];
	(xrf1) =	vsort.dscd.msk.f32 $0xffff, v20, v10  }
0x22e: {  	v20 =	vld [tilespmem:s22+$0x24F0];
	(xrf1) =	vsort.dscd.msk.f32 $0xffff, v21, v2  }
0x22f: {  	v21 =	vld [tilespmem:s22+$0x24C0];
	(xrf1) =	vsort.dscd.msk.f32 $0xffff, v22, v6  }
0x230: {  	(xrf1) =	vsort.ascd.msk.f32 $0xffff, v23, v3  }
0x231: {  	(xrf1) =	vsort.ascd.msk.f32 $0xffff, v18, v5  }
0x232: {  	(xrf1) =	vsort.dscd.msk.f32 $0xffff, v19, v14  }
0x233: {  	v18, v19, _ =	vpop (xrf1);
	(xrf1) =	vsort.ascd.msk.f32 $0xffff, v20, v15  }
0x234: {  	v20, v22, _ =	vpop (xrf1);
	(xrf1) =	vsort.dscd.msk.f32 $0xffff, v21, v12  }
0x235: {  	v18 =	vsel vm0, v18, v20;
	v19 =	vsel vm0, v19, v22;
	v20, v21, _ =	vpop (xrf1)  }
0x236: {  	v22, v23, _ =	vpop (xrf1)  }
0x237: {  	v24, v25, _ =	vpop (xrf1)  }
0x238: {  	v26, v27, _ =	vpop (xrf1)  }
0x239: {  	v28, v29, _ =	vpop (xrf1)  }
0x23a: {  	v30, v31, _ =	vpop (xrf1)  }
0x23b: {  	v28 =	vsel vm0, v28, v30;
	v29 =	vsel vm0, v29, v31;
	v30, v31, _ =	vpop (xrf1)  }
0x23c: {  	v32, v33, _ =	vpop (xrf1)  }
0x23d: {  	v34, v35, _ =	vpop (xrf1);
	(xrf1) =	vsort.dscd.msk.f32 $0xffff, v28, v29  }
0x23e: {  	v26 =	vsel vm0, v34, v26;
	v27 =	vsel vm0, v35, v27;
	(xrf1) =	vsort.dscd.msk.f32 $0xffff, v18, v19;
	v18, v19, _ =	vpop (xrf1)  }
0x23f: {  	v34 =	vsel vm0, v32, v18;
	v32 =	vsel vm0, v33, v19;
	v28, v29, _ =	vpop (xrf1);
	(xrf1) =	vsort.ascd.msk.f32 $0xffff, v26, v27  }
0x240: {  	v30 =	vsel vm0, v30, v24;
	v26 =	vsel vm0, v31, v25;
	(xrf1) =	vsort.ascd.msk.f32 $0xffff, v34, v32;
	v18, v19, _ =	vpop (xrf1)  }
0x241: {  	v28 =	vsel vm0, v22, v28;
	v27 =	vsel vm0, v23, v29;
	(xrf1) =	vsort.ascd.msk.f32 $0xffff, v30, v26;
	v24, v25, _ =	vpop (xrf1)  }
0x242: {  	v18 =	vsel vm0, v18, v24;
	v19 =	vsel vm0, v19, v25;
	(xrf1) =	vsort.dscd.msk.f32 $0xffff, v28, v27;
	v22, v23, _ =	vpop (xrf1)  }
0x243: {  	v20 =	vsel vm0, v22, v20;
	v21 =	vsel vm0, v23, v21;
	(xrf1) =	vsort.ascd.msk.f32 $0xffff, v18, v19  }
0x244: {  	(xrf1) =	vsort.dscd.msk.f32 $0xffff, v20, v21;
	_ =	sdelay $0x6  }
0x245: {  	v18, v19, _ =	vpop (xrf1)  }
0x246: {  	v20, v21, _ =	vpop (xrf1)  }
0x247: {  	v22, v23, _ =	vpop (xrf1)  }
0x248: {  	v24, v25, _ =	vpop (xrf1)  }
0x249: {  	v27 =	vsel vm0, v20, v24;
	v26 =	vsel vm0, v21, v25;
	v24, v25, _ =	vpop (xrf1)  }
0x24a: {  	v18 =	vsel vm0, v18, v24;
	v19 =	vsel vm0, v19, v25;
	v24, v25, _ =	vpop (xrf1)  }
0x24b: {  	v28 =	vsel vm0, v24, v22;
	v24 =	vsel vm0, v25, v23;
	(xrf1) =	vsort.dscd.msk.f32 $0xffff, v27, v26;
	v20, v21, _ =	vpop (xrf1)  }
0x24c: {  	(xrf1) =	vsort.ascd.msk.f32 $0xffff, v28, v24;
	v22, v23, _ =	vpop (xrf1)  }
0x24d: {  	v20 =	vsel vm0, v22, v20;
	v21 =	vsel vm0, v23, v21;
	(xrf1) =	vsort.dscd.msk.f32 $0xffff, v18, v19  }
0x24e: {  	(xrf1) =	vsort.ascd.msk.f32 $0xffff, v20, v21;
	_ =	sdelay $0xa  }
0x24f: {  	v18, v19, _ =	vpop (xrf1)  }
0x250: {  	v20, v21, _ =	vpop (xrf1)  }
0x251: {  	v18 =	vsel vm0, v18, v20;
	v19 =	vsel vm0, v19, v21;
	v20, v21, _ =	vpop (xrf1)  }
0x252: {  	v22, v23, _ =	vpop (xrf1)  }
0x253: {  	v20 =	vsel vm0, v20, v22;
	v21 =	vsel vm0, v21, v23;
	(xrf1) =	vsort.dscd.msk.f32 $0xffff, v18, v19  }
0x254: {  	(xrf1) =	vsort.ascd.msk.f32 $0xffff, v20, v21;
	_ =	sdelay $0xc  }
0x255: {  	v18, v19, _ =	vpop (xrf1)  }
0x256: {  	v20, v21, _ =	vpop (xrf1)  }
0x257: {  	v18 =	vsel vm0, v18, v20;
	v19 =	vsel vm0, v19, v21  }
0x258: {  	(xrf1) =	vsort.dscd.msk.f32 $0xffff, v18, v19;
	_ =	sdelay $0xd  }
.Ltmp1:
0x259: {  	v19, v18, _ =	vpop (xrf1);
	(pc) =	sbr.rel @p0 .LBB2_4-.Ltmp1, $3  }
0x25a: {  	[tilespmem:$0x9000] =	vst v19  }
0x25b: {  	v20 =	vld.idx.msk [tilespmem:v16+s12+$0x0], $0xffff;
	_ =	sdelay $0x1  }
0x25c: {  	s21 =	sadd.s32 $0x200, s21  }
0x25d: {  	_ =	sdelay $0x1  }
0x25e: {  	vm1 =	vlt.f32 v19, v20;
	vm2 =	vgt.f32 v19, v20  }
0x25f: {  	vm1 =	vmor vm2, vm1  }
0x260: {  	v19 =	vnsel vm1, $0x80000000, v17  }
0x261: {  	(xrf0) =	vmax.scan.msk.u32 $0xffff, v19;
	_ =	sdelay $0x5  }
0x262: {  	v19, _, _ =	vpop (xrf0)  }
0x263: {  	v19 =	vshll.u32 v19, $0x8  }
0x264: {  	v19 =	vadd.s32 v18, v19  }
0x265: {  	v19 =	vxor.u32 $0x80000000, v19  }
0x266: {  	(xrf1) =	vsort.ascd.msk.u32 $0xffff, v19, v18;
	_ =	sdelay $0xd  }
0x267: {  	_, v18, _ =	vpop (xrf1)  }
0x268: {  	s17 =	simm.s32 $0x0;
	[tilespmem:s19+$0x0] =	vst v18  }
0x269: {  	[tilespmem:s10], [sflag:$0x2] =	stream.linear.gather [hbm4b:s6+s17], $0x2000, $0x38;
	[tilespmem:$0x9080] =	vst v63  }
0x26a: {  	_ =	swait.ge [sflag:s11], $0x2000  }
0x26b: {  	s18 =	sand.u32 $0x1800, s17;
	s31 =	sand.u32 $0x300, s17;
	[sflag:s11] =	ssyncset.done $0x0  }
0x26c: {  	s19 =	sor.u32 s31, s18;
	[sflag:s11] =	ssyncadd.s32 $0xFFFFE000  }
0x26d: {  	v18 =	vld [tilespmem:s19+$0x470]  }
0x26e: {  	v19 =	vld [tilespmem:s19+$0x20]  }
0x26f: {  	v20 =	vld [tilespmem:s19+$0x30]  }
0x270: {  	v21 =	vld [tilespmem:s19+$0x400]  }
0x271: {  	v22 =	vld [tilespmem:s19+$0x410]  }
0x272: {  	v23 =	vld [tilespmem:s19+$0x440];
	(xrf1) =	vsort.ascd.msk.f32 $0xffff, v18, v15  }
0x273: {  	v18 =	vld [tilespmem:s19+$0x40];
	(xrf1) =	vsort.dscd.msk.f32 $0xffff, v19, v2  }
0x274: {  	v19 =	vld [tilespmem:s19+$0x460];
	(xrf1) =	vsort.ascd.msk.f32 $0xffff, v20, v3  }
0x275: {  	v20 =	vld [tilespmem:s19+$0x450];
	(xrf1) =	vsort.dscd.msk.f32 $0xffff, v21, v8  }
0x276: {  	v21 =	vld [tilespmem:s19+$0x70];
	(xrf1) =	vsort.ascd.msk.f32 $0xffff, v22, v9  }
0x277: {  	v22 =	vld [tilespmem:s19+$0x50];
	(xrf1) =	vsort.dscd.msk.f32 $0xffff, v23, v12  }
0x278: {  	v23 =	vld [tilespmem:s19+$0x430];
	(xrf1) =	vsort.dscd.msk.f32 $0xffff, v18, v4  }
0x279: {  	v18 =	vld [tilespmem:s19+$0x0];
	(xrf1) =	vsort.dscd.msk.f32 $0xffff, v19, v14  }
0x27a: {  	v19 =	vld [tilespmem:s19+$0x420];
	(xrf1) =	vsort.ascd.msk.f32 $0xffff, v20, v13  }
0x27b: {  	v20 =	vld [tilespmem:s19+$0x60];
	(xrf1) =	vsort.ascd.msk.f32 $0xffff, v21, v7  }
0x27c: {  	v21 =	vld [tilespmem:s19+$0x10];
	(xrf1) =	vsort.ascd.msk.f32 $0xffff, v22, v5  }
0x27d: {  	(xrf1) =	vsort.ascd.msk.f32 $0xffff, v23, v11  }
0x27e: {  	(xrf1) =	vsort.dscd.msk.f32 $0xffff, v18, v0  }
0x27f: {  	(xrf1) =	vsort.dscd.msk.f32 $0xffff, v19, v10  }
0x280: {  	(xrf1) =	vsort.dscd.msk.f32 $0xffff, v20, v6;
	v18, v19, _ =	vpop (xrf1)  }
0x281: {  	(xrf1) =	vsort.ascd.msk.f32 $0xffff, v21, v1;
	v20, v21, _ =	vpop (xrf1)  }
0x282: {  	v22, v23, _ =	vpop (xrf1)  }
0x283: {  	v24, v25, _ =	vpop (xrf1)  }
0x284: {  	v26, v27, _ =	vpop (xrf1)  }
0x285: {  	v28, v29, _ =	vpop (xrf1)  }
0x286: {  	v30, v31, _ =	vpop (xrf1)  }
0x287: {  	v32, v33, _ =	vpop (xrf1)  }
0x288: {  	v19 =	vsel vm0, v33, v19  }
0x289: {  	v18 =	vsel vm0, v32, v18  }
0x28a: {  	v34, v35, _ =	vpop (xrf1)  }
0x28b: {  	v36, v37, _ =	vpop (xrf1)  }
0x28c: {  	v21 =	vsel vm0, v21, v23;
	v20 =	vsel vm0, v20, v22;
	(xrf1) =	vsort.ascd.msk.f32 $0xffff, v18, v19;
	v18, v19, _ =	vpop (xrf1)  }
0x28d: {  	v28 =	vsel vm0, v28, v34;
	v29 =	vsel vm0, v29, v35;
	v19 =	vsel vm0, v31, v19  }
0x28e: {  	(xrf1) =	vsort.dscd.msk.f32 $0xffff, v28, v29;
	v22, v23, _ =	vpop (xrf1);
	v18 =	vsel vm0, v30, v18  }
0x28f: {  	v24 =	vsel vm0, v24, v26;
	v25 =	vsel vm0, v25, v27;
	(xrf1) =	vsort.ascd.msk.f32 $0xffff, v20, v21;
	v38, v39, _ =	vpop (xrf1)  }
0x290: {  	(xrf1) =	vsort.dscd.msk.f32 $0xffff, v24, v25;
	v20, v21, _ =	vpop (xrf1)  }
0x291: {  	(xrf1) =	vsort.dscd.msk.f32 $0xffff, v18, v19;
	v20 =	vsel vm0, v20, v22;
	v21 =	vsel vm0, v21, v23;
	v18, v19, _ =	vpop (xrf1)  }
0x292: {  	(xrf1) =	vsort.ascd.msk.f32 $0xffff, v20, v21;
	v18 =	vsel vm0, v18, v36;
	v19 =	vsel vm0, v19, v37;
	v22, v23, _ =	vpop (xrf1)  }
0x293: {  	v20 =	vsel vm0, v38, v22;
	v21 =	vsel vm0, v39, v23;
	(xrf1) =	vsort.ascd.msk.f32 $0xffff, v18, v19  }
0x294: {  	(xrf1) =	vsort.dscd.msk.f32 $0xffff, v20, v21;
	_ =	sdelay $0x6  }
0x295: {  	v18, v19, _ =	vpop (xrf1)  }
0x296: {  	v20, v21, _ =	vpop (xrf1)  }
0x297: {  	v22, v23, _ =	vpop (xrf1)  }
0x298: {  	v24, v25, _ =	vpop (xrf1)  }
0x299: {  	v40, v41, _ =	vpop (xrf1)  }
0x29a: {  	v18 =	vsel vm0, v20, v18;
	v19 =	vsel vm0, v21, v19;
	v20, v21, _ =	vpop (xrf1)  }
0x29b: {  	(xrf1) =	vsort.ascd.msk.f32 $0xffff, v18, v19;
	v20 =	vsel vm0, v24, v20;
	v21 =	vsel vm0, v25, v21;
	v42, v43, _ =	vpop (xrf1)  }
0x29c: {  	(xrf1) =	vsort.dscd.msk.f32 $0xffff, v20, v21;
	v18 =	vsel vm0, v40, v42;
	v19 =	vsel vm0, v41, v43;
	v44, v45, _ =	vpop (xrf1)  }
0x29d: {  	v20 =	vsel vm0, v44, v22;
	v21 =	vsel vm0, v45, v23;
	(xrf1) =	vsort.ascd.msk.f32 $0xffff, v18, v19  }
0x29e: {  	(xrf1) =	vsort.dscd.msk.f32 $0xffff, v20, v21;
	_ =	sdelay $0xa  }
0x29f: {  	v18, v19, _ =	vpop (xrf1)  }
0x2a0: {  	v20, v21, _ =	vpop (xrf1)  }
0x2a1: {  	v22, v23, _ =	vpop (xrf1)  }
0x2a2: {  	v18 =	vsel vm0, v20, v18;
	v19 =	vsel vm0, v21, v19;
	v20, v21, _ =	vpop (xrf1)  }
0x2a3: {  	(xrf1) =	vsort.ascd.msk.f32 $0xffff, v18, v19;
	v20 =	vsel vm0, v20, v22;
	v21 =	vsel vm0, v21, v23  }
0x2a4: {  	(xrf1) =	vsort.dscd.msk.f32 $0xffff, v20, v21;
	_ =	sdelay $0xc  }
0x2a5: {  	v18, v19, _ =	vpop (xrf1)  }
0x2a6: {  	v20, v21, _ =	vpop (xrf1)  }
0x2a7: {  	v18 =	vsel vm0, v20, v18;
	v19 =	vsel vm0, v21, v19  }
0x2a8: {  	(xrf1) =	vsort.dscd.msk.f32 $0xffff, v18, v19;
	_ =	sdelay $0xd  }
0x2a9: {  	v18, v19, _ =	vpop (xrf1)  }
0x2aa: {  	[tilespmem:$0x9000] =	vst v18  }
0x2ab: {  	v20 =	vld.idx.msk [tilespmem:v16+s12+$0x0], $0xffff;
	_ =	sdelay $0x4  }
0x2ac: {  	vm1 =	vlt.f32 v18, v20;
	vm2 =	vgt.f32 v18, v20  }
0x2ad: {  	vm1 =	vmor vm2, vm1  }
0x2ae: {  	v18 =	vnsel vm1, $0x80000000, v17  }
0x2af: {  	(xrf0) =	vmax.scan.msk.u32 $0xffff, v18;
	_ =	sdelay $0x5  }
0x2b0: {  	v18, _, _ =	vpop (xrf0)  }
0x2b1: {  	v18 =	vshll.u32 v18, $0x8  }
0x2b2: {  	v18 =	vadd.s32 v19, v18  }
0x2b3: {  	v18 =	vxor.u32 $0x80000000, v18  }
0x2b4: {  	(xrf1) =	vsort.ascd.msk.u32 $0xffff, v18, v19;
	_ =	sdelay $0xd  }
0x2b5: {  	s18 =	simm.s32 $0x6080;
	_, v18, _ =	vpop (xrf1)  }
0x2b6: {  	[tilespmem:s18+$0xFFFFFF80] =	vst v18  }
0x2b7: {  	v18 =	vld [tilespmem:s19+$0x80]  }
0x2b8: {  	v19 =	vld [tilespmem:s19+$0x90]  }
0x2b9: {  	v20 =	vld [tilespmem:s19+$0x4D0]  }
0x2ba: {  	v21 =	vld [tilespmem:s19+$0xC0]  }
0x2bb: {  	v22 =	vld [tilespmem:s19+$0x4B0]  }
0x2bc: {  	v23 =	vld [tilespmem:s19+$0xF0];
	(xrf1) =	vsort.dscd.msk.f32 $0xffff, v18, v0  }
0x2bd: {  	v18 =	vld [tilespmem:s19+$0x480];
	(xrf1) =	vsort.ascd.msk.f32 $0xffff, v19, v1  }
0x2be: {  	v19 =	vld [tilespmem:s19+$0x490];
	(xrf1) =	vsort.ascd.msk.f32 $0xffff, v20, v13  }
0x2bf: {  	v20 =	vld [tilespmem:s19+$0x4A0];
	(xrf1) =	vsort.dscd.msk.f32 $0xffff, v21, v4  }
0x2c0: {  	v21 =	vld [tilespmem:s19+$0xA0];
	(xrf1) =	vsort.ascd.msk.f32 $0xffff, v22, v11  }
0x2c1: {  	v22 =	vld [tilespmem:s19+$0xE0];
	(xrf1) =	vsort.ascd.msk.f32 $0xffff, v23, v7  }
0x2c2: {  	v23 =	vld [tilespmem:s19+$0xB0];
	(xrf1) =	vsort.dscd.msk.f32 $0xffff, v18, v8  }
0x2c3: {  	(xrf1) =	vsort.ascd.msk.f32 $0xffff, v19, v9  }
0x2c4: {  	v18 =	vld [tilespmem:s19+$0xD0];
	(xrf1) =	vsort.dscd.msk.f32 $0xffff, v20, v10  }
0x2c5: {  	v19 =	vld [tilespmem:s19+$0x4E0];
	(xrf1) =	vsort.dscd.msk.f32 $0xffff, v21, v2  }
0x2c6: {  	v20 =	vld [tilespmem:s19+$0x4F0];
	(xrf1) =	vsort.dscd.msk.f32 $0xffff, v22, v6  }
0x2c7: {  	v21 =	vld [tilespmem:s19+$0x4C0];
	(xrf1) =	vsort.ascd.msk.f32 $0xffff, v23, v3;
	_ =	sdelay $0x1  }
0x2c8: {  	(xrf1) =	vsort.ascd.msk.f32 $0xffff, v18, v5  }
0x2c9: {  	(xrf1) =	vsort.dscd.msk.f32 $0xffff, v19, v14;
	v18, v19, _ =	vpop (xrf1)  }
0x2ca: {  	(xrf1) =	vsort.ascd.msk.f32 $0xffff, v20, v15;
	v20, v22, _ =	vpop (xrf1)  }
0x2cb: {  	(xrf1) =	vsort.dscd.msk.f32 $0xffff, v21, v12;
	v21, v23, _ =	vpop (xrf1)  }
0x2cc: {  	v46, v47, _ =	vpop (xrf1)  }
0x2cd: {  	v48, v49, _ =	vpop (xrf1)  }
0x2ce: {  	v28, v29, _ =	vpop (xrf1)  }
0x2cf: {  	v51, v50, _ =	vpop (xrf1)  }
0x2d0: {  	v19 =	vsel vm0, v19, v22;
	v52, v53, _ =	vpop (xrf1)  }
0x2d1: {  	v18 =	vsel vm0, v18, v20;
	v54, v55, _ =	vpop (xrf1)  }
0x2d2: {  	v30 =	vsel vm0, v51, v52;
	v31 =	vsel vm0, v50, v53;
	v56, v57, _ =	vpop (xrf1)  }
0x2d3: {  	(xrf1) =	vsort.dscd.msk.f32 $0xffff, v30, v31;
	v20, v22, _ =	vpop (xrf1)  }
0x2d4: {  	(xrf1) =	vsort.dscd.msk.f32 $0xffff, v18, v19;
	v18, v19, _ =	vpop (xrf1)  }
0x2d5: {  	v20 =	vsel vm0, v20, v28;
	v22 =	vsel vm0, v22, v29;
	v19 =	vsel vm0, v57, v19  }
0x2d6: {  	v18 =	vsel vm0, v56, v18;
	(xrf1) =	vsort.ascd.msk.f32 $0xffff, v20, v22;
	v22 =	vsel vm0, v55, v49  }
0x2d7: {  	v20 =	vsel vm0, v54, v48  }
0x2d8: {  	v58, v59, _ =	vpop (xrf1);
	(xrf1) =	vsort.ascd.msk.f32 $0xffff, v18, v19  }
0x2d9: {  	v24 =	vsel vm0, v46, v58;
	v25 =	vsel vm0, v47, v59;
	(xrf1) =	vsort.ascd.msk.f32 $0xffff, v20, v22;
	v18, v19, _ =	vpop (xrf1)  }
0x2da: {  	v20, v22, _ =	vpop (xrf1);
	(xrf1) =	vsort.dscd.msk.f32 $0xffff, v24, v25;
	_ =	sdelay $0x2  }
0x2db: {  	v18 =	vsel vm0, v18, v20;
	v19 =	vsel vm0, v19, v22;
	v20, v22, _ =	vpop (xrf1)  }
0x2dc: {  	v20 =	vsel vm0, v20, v21;
	v21 =	vsel vm0, v22, v23;
	(xrf1) =	vsort.ascd.msk.f32 $0xffff, v18, v19  }
0x2dd: {  	(xrf1) =	vsort.dscd.msk.f32 $0xffff, v20, v21;
	_ =	sdelay $0x3  }
0x2de: {  	v18, v19, _ =	vpop (xrf1)  }
0x2df: {  	v20, v21, _ =	vpop (xrf1)  }
0x2e0: {  	v22, v23, _ =	vpop (xrf1)  }
0x2e1: {  	v24, v25, _ =	vpop (xrf1)  }
0x2e2: {  	v60, v61, _ =	vpop (xrf1)  }
0x2e3: {  	v21 =	vsel vm0, v21, v25;
	v62, v63, _ =	vpop (xrf1)  }
0x2e4: {  	v20 =	vsel vm0, v20, v24;
	v23 =	vsel vm0, v63, v23  }
0x2e5: {  	v22 =	vsel vm0, v62, v22;
	_ =	sdelay $0x1  }
0x2e6: {  	(xrf1) =	vsort.dscd.msk.f32 $0xffff, v20, v21;
	v20, v21, _ =	vpop (xrf1)  }
0x2e7: {  	v18 =	vsel vm0, v18, v60;
	v19 =	vsel vm0, v19, v61;
	(xrf1) =	vsort.ascd.msk.f32 $0xffff, v22, v23;
	v22, v23, _ =	vpop (xrf1)  }
0x2e8: {  	(xrf1) =	vsort.dscd.msk.f32 $0xffff, v18, v19;
	v20 =	vsel vm0, v22, v20;
	v21 =	vsel vm0, v23, v21  }
0x2e9: {  	(xrf1) =	vsort.ascd.msk.f32 $0xffff, v20, v21;
	_ =	sdelay $0xa  }
0x2ea: {  	v18, v19, _ =	vpop (xrf1)  }
0x2eb: {  	v20, v21, _ =	vpop (xrf1)  }
0x2ec: {  	v22, v23, _ =	vpop (xrf1)  }
0x2ed: {  	v18 =	vsel vm0, v18, v20;
	v19 =	vsel vm0, v19, v21;
	v20, v21, _ =	vpop (xrf1)  }
0x2ee: {  	(xrf1) =	vsort.dscd.msk.f32 $0xffff, v18, v19;
	v20 =	vsel vm0, v22, v20;
	v21 =	vsel vm0, v23, v21  }
0x2ef: {  	(xrf1) =	vsort.ascd.msk.f32 $0xffff, v20, v21;
	_ =	sdelay $0xc  }
0x2f0: {  	v18, v19, _ =	vpop (xrf1)  }
0x2f1: {  	v20, v21, _ =	vpop (xrf1)  }
0x2f2: {  	v18 =	vsel vm0, v18, v20;
	v19 =	vsel vm0, v19, v21  }
0x2f3: {  	(xrf1) =	vsort.dscd.msk.f32 $0xffff, v18, v19;
	_ =	sdelay $0xd  }
0x2f4: {  	v19, v18, _ =	vpop (xrf1)  }
0x2f5: {  	[tilespmem:$0x9000] =	vst v19  }
0x2f6: {  	v20 =	vld.idx.msk [tilespmem:v16+s12+$0x0], $0xffff  }
0x2f7: {  	s20 =	simm.s32 $0x0;
	s21 =	simm.s32 $0x200;
	s19 =	simm.s32 $0x6080  }
.LBB2_6:
0x2f8: {  	s20 =	sadd.s32 $0x2, s20;
	s18 =	sadd.s32 $0x100, s18;
	s17 =	sadd.s32 $0x100, s17  }
0x2f9: {  	p0 =	slt.u32 s20, $0x1E;
	_ =	sdelay $0x1  }
0x2fa: {  	vm1 =	vlt.f32 v19, v20;
	vm2 =	vgt.f32 v19, v20  }
0x2fb: {  	vm1 =	vmor vm2, vm1  }
0x2fc: {  	v19 =	vnsel vm1, $0x80000000, v17  }
0x2fd: {  	(xrf0) =	vmax.scan.msk.u32 $0xffff, v19;
	_ =	sdelay $0x5  }
0x2fe: {  	v19, _, _ =	vpop (xrf0)  }
0x2ff: {  	v19 =	vshll.u32 v19, $0x8  }
0x300: {  	v19 =	vadd.s32 v18, v19  }
0x301: {  	v19 =	vxor.u32 $0x80000000, v19  }
0x302: {  	(xrf1) =	vsort.ascd.msk.u32 $0xffff, v19, v18;
	_ =	sdelay $0xd  }
0x303: {  	s22 =	sand.u32 $0x1800, s21;
	s23 =	sand.u32 $0x300, s17;
	_, v18, _ =	vpop (xrf1)  }
0x304: {  	s22 =	sor.u32 s23, s22;
	[tilespmem:s19+$0x0] =	vst v18;
	s19 =	smov.u32 s18  }
0x305: {  	v18 =	vld [tilespmem:s22+$0x20]  }
0x306: {  	v19 =	vld [tilespmem:s22+$0x470]  }
0x307: {  	v20 =	vld [tilespmem:s22+$0x60]  }
0x308: {  	v21 =	vld [tilespmem:s22+$0x30]  }
0x309: {  	v22 =	vld [tilespmem:s22+$0x400]  }
0x30a: {  	v23 =	vld [tilespmem:s22+$0x410]  }
0x30b: {  	v24 =	vld [tilespmem:s22+$0x440];
	(xrf1) =	vsort.ascd.msk.f32 $0xffff, v19, v15  }
0x30c: {  	v19 =	vld [tilespmem:s22+$0x40];
	(xrf1) =	vsort.dscd.msk.f32 $0xffff, v18, v2  }
0x30d: {  	v18 =	vld [tilespmem:s22+$0x460];
	(xrf1) =	vsort.ascd.msk.f32 $0xffff, v21, v3  }
0x30e: {  	v21 =	vld [tilespmem:s22+$0x450];
	(xrf1) =	vsort.dscd.msk.f32 $0xffff, v22, v8  }
0x30f: {  	v22 =	vld [tilespmem:s22+$0x70];
	(xrf1) =	vsort.ascd.msk.f32 $0xffff, v23, v9  }
0x310: {  	v23 =	vld [tilespmem:s22+$0x50];
	(xrf1) =	vsort.dscd.msk.f32 $0xffff, v24, v12  }
0x311: {  	v24 =	vld [tilespmem:s22+$0x430];
	(xrf1) =	vsort.dscd.msk.f32 $0xffff, v19, v4  }
0x312: {  	v19 =	vld [tilespmem:s22+$0x0];
	(xrf1) =	vsort.dscd.msk.f32 $0xffff, v18, v14  }
0x313: {  	v18 =	vld [tilespmem:s22+$0x420];
	(xrf1) =	vsort.ascd.msk.f32 $0xffff, v21, v13  }
0x314: {  	(xrf1) =	vsort.ascd.msk.f32 $0xffff, v22, v7  }
0x315: {  	v21 =	vld [tilespmem:s22+$0x10];
	(xrf1) =	vsort.ascd.msk.f32 $0xffff, v23, v5  }
0x316: {  	(xrf1) =	vsort.ascd.msk.f32 $0xffff, v24, v11  }
0x317: {  	(xrf1) =	vsort.dscd.msk.f32 $0xffff, v19, v0  }
0x318: {  	(xrf1) =	vsort.dscd.msk.f32 $0xffff, v18, v10  }
0x319: {  	(xrf1) =	vsort.dscd.msk.f32 $0xffff, v20, v6;
	v18, v19, _ =	vpop (xrf1)  }
0x31a: {  	(xrf1) =	vsort.ascd.msk.f32 $0xffff, v21, v1;
	v20, v21, _ =	vpop (xrf1)  }
0x31b: {  	v22, v23, _ =	vpop (xrf1)  }
0x31c: {  	v21 =	vsel vm0, v21, v23;
	v23, v24, _ =	vpop (xrf1)  }
0x31d: {  	v20 =	vsel vm0, v20, v22;
	v22, v25, _ =	vpop (xrf1)  }
0x31e: {  	v22 =	vsel vm0, v23, v22;
	v23 =	vsel vm0, v24, v25;
	v24, v25, _ =	vpop (xrf1)  }
0x31f: {  	v26, v27, _ =	vpop (xrf1)  }
0x320: {  	v28, v29, _ =	vpop (xrf1)  }
0x321: {  	v32 =	vsel vm0, v28, v18;
	v30 =	vsel vm0, v29, v19;
	v28, v29, _ =	vpop (xrf1)  }
0x322: {  	v33 =	vsel vm0, v24, v28;
	v31 =	vsel vm0, v25, v29;
	v28, v29, _ =	vpop (xrf1);
	(xrf1) =	vsort.ascd.msk.f32 $0xffff, v32, v30  }
0x323: {  	v18, v19, _ =	vpop (xrf1);
	(xrf1) =	vsort.dscd.msk.f32 $0xffff, v33, v31  }
0x324: {  	v31 =	vsel vm0, v27, v19;
	v24, v25, _ =	vpop (xrf1)  }
0x325: {  	v27, v30, _ =	vpop (xrf1);
	(xrf1) =	vsort.ascd.msk.f32 $0xffff, v20, v21  }
0x326: {  	v26 =	vsel vm0, v26, v18;
	(xrf1) =	vsort.dscd.msk.f32 $0xffff, v22, v23;
	v20, v21, _ =	vpop (xrf1)  }
0x327: {  	v20 =	vsel vm0, v20, v24;
	v21 =	vsel vm0, v21, v25;
	(xrf1) =	vsort.dscd.msk.f32 $0xffff, v26, v31;
	v18, v19, _ =	vpop (xrf1)  }
0x328: {  	v18 =	vsel vm0, v18, v28;
	v19 =	vsel vm0, v19, v29;
	v22, v23, _ =	vpop (xrf1);
	(xrf1) =	vsort.ascd.msk.f32 $0xffff, v20, v21  }
0x329: {  	v20 =	vsel vm0, v27, v22;
	v21 =	vsel vm0, v30, v23;
	(xrf1) =	vsort.ascd.msk.f32 $0xffff, v18, v19  }
0x32a: {  	(xrf1) =	vsort.dscd.msk.f32 $0xffff, v20, v21;
	_ =	sdelay $0x5  }
0x32b: {  	v18, v19, _ =	vpop (xrf1)  }
0x32c: {  	v20, v21, _ =	vpop (xrf1)  }
0x32d: {  	v18 =	vsel vm0, v20, v18;
	v19 =	vsel vm0, v21, v19  }
0x32e: {  	v20, v21, _ =	vpop (xrf1)  }
0x32f: {  	v22, v23, _ =	vpop (xrf1)  }
0x330: {  	v24, v25, _ =	vpop (xrf1)  }
0x331: {  	v26, v27, _ =	vpop (xrf1)  }
0x332: {  	v22 =	vsel vm0, v22, v26;
	v23 =	vsel vm0, v23, v27;
	v26, v27, _ =	vpop (xrf1);
	(xrf1) =	vsort.ascd.msk.f32 $0xffff, v18, v19  }
0x333: {  	v18 =	vsel vm0, v24, v26;
	v19 =	vsel vm0, v25, v27;
	v24, v25, _ =	vpop (xrf1);
	(xrf1) =	vsort.dscd.msk.f32 $0xffff, v22, v23  }
0x334: {  	v20 =	vsel vm0, v24, v20;
	v21 =	vsel vm0, v25, v21;
	(xrf1) =	vsort.ascd.msk.f32 $0xffff, v18, v19  }
0x335: {  	(xrf1) =	vsort.dscd.msk.f32 $0xffff, v20, v21;
	_ =	sdelay $0xa  }
0x336: {  	v18, v19, _ =	vpop (xrf1)  }
0x337: {  	v20, v21, _ =	vpop (xrf1)  }
0x338: {  	v18 =	vsel vm0, v20, v18;
	v19 =	vsel vm0, v21, v19;
	v20, v21, _ =	vpop (xrf1)  }
0x339: {  	v22, v23, _ =	vpop (xrf1)  }
0x33a: {  	v20 =	vsel vm0, v22, v20;
	v21 =	vsel vm0, v23, v21;
	(xrf1) =	vsort.ascd.msk.f32 $0xffff, v18, v19  }
0x33b: {  	(xrf1) =	vsort.dscd.msk.f32 $0xffff, v20, v21;
	_ =	sdelay $0xc  }
0x33c: {  	v18, v19, _ =	vpop (xrf1)  }
0x33d: {  	v20, v21, _ =	vpop (xrf1)  }
0x33e: {  	v18 =	vsel vm0, v20, v18;
	v19 =	vsel vm0, v21, v19  }
0x33f: {  	(xrf1) =	vsort.dscd.msk.f32 $0xffff, v18, v19;
	_ =	sdelay $0xd  }
0x340: {  	v18, v19, _ =	vpop (xrf1)  }
0x341: {  	[tilespmem:$0x9000] =	vst v18  }
0x342: {  	v20 =	vld.idx.msk [tilespmem:v16+s12+$0x0], $0xffff;
	_ =	sdelay $0x5  }
0x343: {  	vm1 =	vlt.f32 v18, v20;
	vm2 =	vgt.f32 v18, v20  }
0x344: {  	vm1 =	vmor vm2, vm1  }
0x345: {  	v18 =	vnsel vm1, $0x80000000, v17  }
0x346: {  	(xrf0) =	vmax.scan.msk.u32 $0xffff, v18;
	_ =	sdelay $0x5  }
0x347: {  	v18, _, _ =	vpop (xrf0)  }
0x348: {  	v18 =	vshll.u32 v18, $0x8  }
0x349: {  	v18 =	vadd.s32 v19, v18  }
0x34a: {  	v18 =	vxor.u32 $0x80000000, v18  }
0x34b: {  	(xrf1) =	vsort.ascd.msk.u32 $0xffff, v18, v19;
	_ =	sdelay $0xd  }
0x34c: {  	_, v18, _ =	vpop (xrf1)  }
0x34d: {  	[tilespmem:s18+$0xFFFFFF80] =	vst v18  }
0x34e: {  	v18 =	vld [tilespmem:s22+$0x80]  }
0x34f: {  	v19 =	vld [tilespmem:s22+$0x90]  }
0x350: {  	v20 =	vld [tilespmem:s22+$0x4D0]  }
0x351: {  	v21 =	vld [tilespmem:s22+$0xC0]  }
0x352: {  	v22 =	vld [tilespmem:s22+$0x4B0]  }
0x353: {  	v23 =	vld [tilespmem:s22+$0xF0];
	(xrf1) =	vsort.dscd.msk.f32 $0xffff, v18, v0  }
0x354: {  	v18 =	vld [tilespmem:s22+$0x480];
	(xrf1) =	vsort.ascd.msk.f32 $0xffff, v19, v1  }
0x355: {  	v19 =	vld [tilespmem:s22+$0x490];
	(xrf1) =	vsort.ascd.msk.f32 $0xffff, v20, v13  }
0x356: {  	v20 =	vld [tilespmem:s22+$0x4A0];
	(xrf1) =	vsort.dscd.msk.f32 $0xffff, v21, v4  }
0x357: {  	v21 =	vld [tilespmem:s22+$0xA0];
	(xrf1) =	vsort.ascd.msk.f32 $0xffff, v22, v11  }
0x358: {  	v22 =	vld [tilespmem:s22+$0xE0];
	(xrf1) =	vsort.ascd.msk.f32 $0xffff, v23, v7  }
0x359: {  	v23 =	vld [tilespmem:s22+$0xB0];
	(xrf1) =	vsort.dscd.msk.f32 $0xffff, v18, v8  }
0x35a: {  	v18 =	vld [tilespmem:s22+$0xD0];
	(xrf1) =	vsort.ascd.msk.f32 $0xffff, v19, v9  }
0x35b: {  	v19 =	vld [tilespmem:s22+$0x4E0];
	(xrf1) =	vsort.dscd.msk.f32 $0xffff, v20, v10  }
0x35c: {  	v20 =	vld [tilespmem:s22+$0x4F0];
	(xrf1) =	vsort.dscd.msk.f32 $0xffff, v21, v2  }
0x35d: {  	v21 =	vld [tilespmem:s22+$0x4C0];
	(xrf1) =	vsort.dscd.msk.f32 $0xffff, v22, v6  }
0x35e: {  	(xrf1) =	vsort.ascd.msk.f32 $0xffff, v23, v3  }
0x35f: {  	(xrf1) =	vsort.ascd.msk.f32 $0xffff, v18, v5  }
0x360: {  	(xrf1) =	vsort.dscd.msk.f32 $0xffff, v19, v14  }
0x361: {  	v18, v19, _ =	vpop (xrf1);
	(xrf1) =	vsort.ascd.msk.f32 $0xffff, v20, v15  }
0x362: {  	v20, v22, _ =	vpop (xrf1);
	(xrf1) =	vsort.dscd.msk.f32 $0xffff, v21, v12  }
0x363: {  	v18 =	vsel vm0, v18, v20;
	v19 =	vsel vm0, v19, v22;
	v20, v21, _ =	vpop (xrf1)  }
0x364: {  	v22, v23, _ =	vpop (xrf1)  }
0x365: {  	v24, v25, _ =	vpop (xrf1)  }
0x366: {  	v26, v27, _ =	vpop (xrf1)  }
0x367: {  	v28, v29, _ =	vpop (xrf1)  }
0x368: {  	v30, v31, _ =	vpop (xrf1)  }
0x369: {  	v28 =	vsel vm0, v28, v30;
	v29 =	vsel vm0, v29, v31;
	v30, v31, _ =	vpop (xrf1)  }
0x36a: {  	v32, v33, _ =	vpop (xrf1)  }
0x36b: {  	v34, v35, _ =	vpop (xrf1);
	(xrf1) =	vsort.dscd.msk.f32 $0xffff, v28, v29  }
0x36c: {  	v26 =	vsel vm0, v34, v26;
	v27 =	vsel vm0, v35, v27;
	(xrf1) =	vsort.dscd.msk.f32 $0xffff, v18, v19;
	v18, v19, _ =	vpop (xrf1)  }
0x36d: {  	v34 =	vsel vm0, v32, v18;
	v32 =	vsel vm0, v33, v19;
	v28, v29, _ =	vpop (xrf1);
	(xrf1) =	vsort.ascd.msk.f32 $0xffff, v26, v27  }
0x36e: {  	v30 =	vsel vm0, v30, v24;
	v26 =	vsel vm0, v31, v25;
	(xrf1) =	vsort.ascd.msk.f32 $0xffff, v34, v32;
	v18, v19, _ =	vpop (xrf1)  }
0x36f: {  	v28 =	vsel vm0, v22, v28;
	v27 =	vsel vm0, v23, v29;
	(xrf1) =	vsort.ascd.msk.f32 $0xffff, v30, v26;
	v24, v25, _ =	vpop (xrf1)  }
0x370: {  	v18 =	vsel vm0, v18, v24;
	v19 =	vsel vm0, v19, v25;
	(xrf1) =	vsort.dscd.msk.f32 $0xffff, v28, v27;
	v22, v23, _ =	vpop (xrf1)  }
0x371: {  	v20 =	vsel vm0, v22, v20;
	v21 =	vsel vm0, v23, v21;
	(xrf1) =	vsort.ascd.msk.f32 $0xffff, v18, v19  }
0x372: {  	(xrf1) =	vsort.dscd.msk.f32 $0xffff, v20, v21;
	_ =	sdelay $0x6  }
0x373: {  	v18, v19, _ =	vpop (xrf1)  }
0x374: {  	v20, v21, _ =	vpop (xrf1)  }
0x375: {  	v22, v23, _ =	vpop (xrf1)  }
0x376: {  	v24, v25, _ =	vpop (xrf1)  }
0x377: {  	v27 =	vsel vm0, v20, v24;
	v26 =	vsel vm0, v21, v25;
	v24, v25, _ =	vpop (xrf1)  }
0x378: {  	v18 =	vsel vm0, v18, v24;
	v19 =	vsel vm0, v19, v25;
	v24, v25, _ =	vpop (xrf1)  }
0x379: {  	v28 =	vsel vm0, v24, v22;
	v24 =	vsel vm0, v25, v23;
	(xrf1) =	vsort.dscd.msk.f32 $0xffff, v27, v26;
	v20, v21, _ =	vpop (xrf1)  }
0x37a: {  	(xrf1) =	vsort.ascd.msk.f32 $0xffff, v28, v24;
	v22, v23, _ =	vpop (xrf1)  }
0x37b: {  	v20 =	vsel vm0, v22, v20;
	v21 =	vsel vm0, v23, v21;
	(xrf1) =	vsort.dscd.msk.f32 $0xffff, v18, v19  }
0x37c: {  	(xrf1) =	vsort.ascd.msk.f32 $0xffff, v20, v21;
	_ =	sdelay $0xa  }
0x37d: {  	v18, v19, _ =	vpop (xrf1)  }
0x37e: {  	v20, v21, _ =	vpop (xrf1)  }
0x37f: {  	v18 =	vsel vm0, v18, v20;
	v19 =	vsel vm0, v19, v21;
	v20, v21, _ =	vpop (xrf1)  }
0x380: {  	v22, v23, _ =	vpop (xrf1)  }
0x381: {  	v20 =	vsel vm0, v20, v22;
	v21 =	vsel vm0, v21, v23;
	(xrf1) =	vsort.dscd.msk.f32 $0xffff, v18, v19  }
0x382: {  	(xrf1) =	vsort.ascd.msk.f32 $0xffff, v20, v21;
	_ =	sdelay $0xc  }
0x383: {  	v18, v19, _ =	vpop (xrf1)  }
0x384: {  	v20, v21, _ =	vpop (xrf1)  }
0x385: {  	v18 =	vsel vm0, v18, v20;
	v19 =	vsel vm0, v19, v21  }
0x386: {  	(xrf1) =	vsort.dscd.msk.f32 $0xffff, v18, v19;
	_ =	sdelay $0xd  }
.Ltmp2:
0x387: {  	v19, v18, _ =	vpop (xrf1);
	(pc) =	sbr.rel @p0 .LBB2_6-.Ltmp2, $3  }
0x388: {  	[tilespmem:$0x9000] =	vst v19  }
0x389: {  	v20 =	vld.idx.msk [tilespmem:v16+s12+$0x0], $0xffff;
	_ =	sdelay $0x1  }
0x38a: {  	s21 =	sadd.s32 $0x200, s21  }
0x38b: {  	_ =	sdelay $0x1  }
0x38c: {  	vm1 =	vlt.f32 v19, v20;
	vm2 =	vgt.f32 v19, v20  }
0x38d: {  	vm1 =	vmor vm2, vm1  }
0x38e: {  	v19 =	vnsel vm1, $0x80000000, v17  }
0x38f: {  	(xrf0) =	vmax.scan.msk.u32 $0xffff, v19;
	_ =	sdelay $0x5  }
0x390: {  	v19, _, _ =	vpop (xrf0)  }
0x391: {  	v19 =	vshll.u32 v19, $0x8  }
0x392: {  	v19 =	vadd.s32 v18, v19  }
0x393: {  	v19 =	vxor.u32 $0x80000000, v19  }
0x394: {  	(xrf1) =	vsort.ascd.msk.u32 $0xffff, v19, v18;
	_ =	sdelay $0xd  }
0x395: {  	_, v18, _ =	vpop (xrf1)  }
0x396: {  	s17 =	simm.s32 $0x0;
	[tilespmem:s19+$0x0] =	vst v18  }
0x397: {  	[tilespmem:s17], [sflag:$0x1] =	stream.linear.gather [hbm4b:s7+s17], $0x2000, $0x38;
	[tilespmem:$0x9080] =	vst v63  }
0x398: {  	_ =	swait.ge [sflag:s13], $0x2000  }
0x399: {  	s18 =	sand.u32 $0x1800, s17;
	s31 =	sand.u32 $0x300, s17;
	[sflag:s13] =	ssyncset.done $0x0  }
0x39a: {  	s19 =	sor.u32 s31, s18;
	[sflag:s13] =	ssyncadd.s32 $0xFFFFE000  }
0x39b: {  	v18 =	vld [tilespmem:s19+$0x2470]  }
0x39c: {  	v19 =	vld [tilespmem:s19+$0x2020]  }
0x39d: {  	v20 =	vld [tilespmem:s19+$0x2030]  }
0x39e: {  	v21 =	vld [tilespmem:s19+$0x2400]  }
0x39f: {  	v22 =	vld [tilespmem:s19+$0x2410]  }
0x3a0: {  	v23 =	vld [tilespmem:s19+$0x2440];
	(xrf1) =	vsort.ascd.msk.f32 $0xffff, v18, v15  }
0x3a1: {  	v18 =	vld [tilespmem:s19+$0x2040];
	(xrf1) =	vsort.dscd.msk.f32 $0xffff, v19, v2  }
0x3a2: {  	v19 =	vld [tilespmem:s19+$0x2460];
	(xrf1) =	vsort.ascd.msk.f32 $0xffff, v20, v3  }
0x3a3: {  	v20 =	vld [tilespmem:s19+$0x2450];
	(xrf1) =	vsort.dscd.msk.f32 $0xffff, v21, v8  }
0x3a4: {  	v21 =	vld [tilespmem:s19+$0x2070];
	(xrf1) =	vsort.ascd.msk.f32 $0xffff, v22, v9  }
0x3a5: {  	v22 =	vld [tilespmem:s19+$0x2050];
	(xrf1) =	vsort.dscd.msk.f32 $0xffff, v23, v12  }
0x3a6: {  	v23 =	vld [tilespmem:s19+$0x2430];
	(xrf1) =	vsort.dscd.msk.f32 $0xffff, v18, v4  }
0x3a7: {  	v18 =	vld [tilespmem:s19+$0x2000];
	(xrf1) =	vsort.dscd.msk.f32 $0xffff, v19, v14  }
0x3a8: {  	v19 =	vld [tilespmem:s19+$0x2420];
	(xrf1) =	vsort.ascd.msk.f32 $0xffff, v20, v13  }
0x3a9: {  	v20 =	vld [tilespmem:s19+$0x2060];
	(xrf1) =	vsort.ascd.msk.f32 $0xffff, v21, v7  }
0x3aa: {  	v21 =	vld [tilespmem:s19+$0x2010];
	(xrf1) =	vsort.ascd.msk.f32 $0xffff, v22, v5  }
0x3ab: {  	(xrf1) =	vsort.ascd.msk.f32 $0xffff, v23, v11  }
0x3ac: {  	(xrf1) =	vsort.dscd.msk.f32 $0xffff, v18, v0  }
0x3ad: {  	(xrf1) =	vsort.dscd.msk.f32 $0xffff, v19, v10  }
0x3ae: {  	(xrf1) =	vsort.dscd.msk.f32 $0xffff, v20, v6;
	v18, v19, _ =	vpop (xrf1)  }
0x3af: {  	(xrf1) =	vsort.ascd.msk.f32 $0xffff, v21, v1;
	v20, v21, _ =	vpop (xrf1)  }
0x3b0: {  	v22, v23, _ =	vpop (xrf1)  }
0x3b1: {  	v24, v25, _ =	vpop (xrf1)  }
0x3b2: {  	v26, v27, _ =	vpop (xrf1)  }
0x3b3: {  	v28, v29, _ =	vpop (xrf1)  }
0x3b4: {  	v30, v31, _ =	vpop (xrf1)  }
0x3b5: {  	v32, v33, _ =	vpop (xrf1)  }
0x3b6: {  	v19 =	vsel vm0, v33, v19  }
0x3b7: {  	v18 =	vsel vm0, v32, v18  }
0x3b8: {  	v34, v35, _ =	vpop (xrf1)  }
0x3b9: {  	v36, v37, _ =	vpop (xrf1)  }
0x3ba: {  	v21 =	vsel vm0, v21, v23;
	v20 =	vsel vm0, v20, v22;
	(xrf1) =	vsort.ascd.msk.f32 $0xffff, v18, v19;
	v18, v19, _ =	vpop (xrf1)  }
0x3bb: {  	v28 =	vsel vm0, v28, v34;
	v29 =	vsel vm0, v29, v35;
	v19 =	vsel vm0, v31, v19  }
0x3bc: {  	(xrf1) =	vsort.dscd.msk.f32 $0xffff, v28, v29;
	v22, v23, _ =	vpop (xrf1);
	v18 =	vsel vm0, v30, v18  }
0x3bd: {  	v24 =	vsel vm0, v24, v26;
	v25 =	vsel vm0, v25, v27;
	(xrf1) =	vsort.ascd.msk.f32 $0xffff, v20, v21;
	v38, v39, _ =	vpop (xrf1)  }
0x3be: {  	(xrf1) =	vsort.dscd.msk.f32 $0xffff, v24, v25;
	v20, v21, _ =	vpop (xrf1)  }
0x3bf: {  	(xrf1) =	vsort.dscd.msk.f32 $0xffff, v18, v19;
	v20 =	vsel vm0, v20, v22;
	v21 =	vsel vm0, v21, v23;
	v18, v19, _ =	vpop (xrf1)  }
0x3c0: {  	(xrf1) =	vsort.ascd.msk.f32 $0xffff, v20, v21;
	v18 =	vsel vm0, v18, v36;
	v19 =	vsel vm0, v19, v37;
	v22, v23, _ =	vpop (xrf1)  }
0x3c1: {  	v20 =	vsel vm0, v38, v22;
	v21 =	vsel vm0, v39, v23;
	(xrf1) =	vsort.ascd.msk.f32 $0xffff, v18, v19  }
0x3c2: {  	(xrf1) =	vsort.dscd.msk.f32 $0xffff, v20, v21;
	_ =	sdelay $0x6  }
0x3c3: {  	v18, v19, _ =	vpop (xrf1)  }
0x3c4: {  	v20, v21, _ =	vpop (xrf1)  }
0x3c5: {  	v22, v23, _ =	vpop (xrf1)  }
0x3c6: {  	v24, v25, _ =	vpop (xrf1)  }
0x3c7: {  	v40, v41, _ =	vpop (xrf1)  }
0x3c8: {  	v18 =	vsel vm0, v20, v18;
	v19 =	vsel vm0, v21, v19;
	v20, v21, _ =	vpop (xrf1)  }
0x3c9: {  	(xrf1) =	vsort.ascd.msk.f32 $0xffff, v18, v19;
	v20 =	vsel vm0, v24, v20;
	v21 =	vsel vm0, v25, v21;
	v42, v43, _ =	vpop (xrf1)  }
0x3ca: {  	(xrf1) =	vsort.dscd.msk.f32 $0xffff, v20, v21;
	v18 =	vsel vm0, v40, v42;
	v19 =	vsel vm0, v41, v43;
	v44, v45, _ =	vpop (xrf1)  }
0x3cb: {  	v20 =	vsel vm0, v44, v22;
	v21 =	vsel vm0, v45, v23;
	(xrf1) =	vsort.ascd.msk.f32 $0xffff, v18, v19  }
0x3cc: {  	(xrf1) =	vsort.dscd.msk.f32 $0xffff, v20, v21;
	_ =	sdelay $0xa  }
0x3cd: {  	v18, v19, _ =	vpop (xrf1)  }
0x3ce: {  	v20, v21, _ =	vpop (xrf1)  }
0x3cf: {  	v22, v23, _ =	vpop (xrf1)  }
0x3d0: {  	v18 =	vsel vm0, v20, v18;
	v19 =	vsel vm0, v21, v19;
	v20, v21, _ =	vpop (xrf1)  }
0x3d1: {  	(xrf1) =	vsort.ascd.msk.f32 $0xffff, v18, v19;
	v20 =	vsel vm0, v20, v22;
	v21 =	vsel vm0, v21, v23  }
0x3d2: {  	(xrf1) =	vsort.dscd.msk.f32 $0xffff, v20, v21;
	_ =	sdelay $0xc  }
0x3d3: {  	v18, v19, _ =	vpop (xrf1)  }
0x3d4: {  	v20, v21, _ =	vpop (xrf1)  }
0x3d5: {  	v18 =	vsel vm0, v20, v18;
	v19 =	vsel vm0, v21, v19  }
0x3d6: {  	(xrf1) =	vsort.dscd.msk.f32 $0xffff, v18, v19;
	_ =	sdelay $0xd  }
0x3d7: {  	v18, v19, _ =	vpop (xrf1)  }
0x3d8: {  	[tilespmem:$0x9000] =	vst v18  }
0x3d9: {  	v20 =	vld.idx.msk [tilespmem:v16+s12+$0x0], $0xffff;
	_ =	sdelay $0x4  }
0x3da: {  	vm1 =	vlt.f32 v18, v20;
	vm2 =	vgt.f32 v18, v20  }
0x3db: {  	vm1 =	vmor vm2, vm1  }
0x3dc: {  	v18 =	vnsel vm1, $0x80000000, v17  }
0x3dd: {  	(xrf0) =	vmax.scan.msk.u32 $0xffff, v18;
	_ =	sdelay $0x5  }
0x3de: {  	v18, _, _ =	vpop (xrf0)  }
0x3df: {  	v18 =	vshll.u32 v18, $0x8  }
0x3e0: {  	v18 =	vadd.s32 v19, v18  }
0x3e1: {  	v18 =	vxor.u32 $0x80000000, v18  }
0x3e2: {  	(xrf1) =	vsort.ascd.msk.u32 $0xffff, v18, v19;
	_ =	sdelay $0xd  }
0x3e3: {  	s18 =	simm.s32 $0x7080;
	_, v18, _ =	vpop (xrf1)  }
0x3e4: {  	[tilespmem:s18+$0xFFFFFF80] =	vst v18  }
0x3e5: {  	v18 =	vld [tilespmem:s19+$0x2080]  }
0x3e6: {  	v19 =	vld [tilespmem:s19+$0x2090]  }
0x3e7: {  	v20 =	vld [tilespmem:s19+$0x24D0]  }
0x3e8: {  	v21 =	vld [tilespmem:s19+$0x20C0]  }
0x3e9: {  	v22 =	vld [tilespmem:s19+$0x24B0]  }
0x3ea: {  	v23 =	vld [tilespmem:s19+$0x20F0];
	(xrf1) =	vsort.dscd.msk.f32 $0xffff, v18, v0  }
0x3eb: {  	v18 =	vld [tilespmem:s19+$0x2480];
	(xrf1) =	vsort.ascd.msk.f32 $0xffff, v19, v1  }
0x3ec: {  	v19 =	vld [tilespmem:s19+$0x2490];
	(xrf1) =	vsort.ascd.msk.f32 $0xffff, v20, v13  }
0x3ed: {  	v20 =	vld [tilespmem:s19+$0x24A0];
	(xrf1) =	vsort.dscd.msk.f32 $0xffff, v21, v4  }
0x3ee: {  	v21 =	vld [tilespmem:s19+$0x20A0];
	(xrf1) =	vsort.ascd.msk.f32 $0xffff, v22, v11  }
0x3ef: {  	v22 =	vld [tilespmem:s19+$0x20E0];
	(xrf1) =	vsort.ascd.msk.f32 $0xffff, v23, v7  }
0x3f0: {  	v23 =	vld [tilespmem:s19+$0x20B0];
	(xrf1) =	vsort.dscd.msk.f32 $0xffff, v18, v8  }
0x3f1: {  	(xrf1) =	vsort.ascd.msk.f32 $0xffff, v19, v9  }
0x3f2: {  	v18 =	vld [tilespmem:s19+$0x20D0];
	(xrf1) =	vsort.dscd.msk.f32 $0xffff, v20, v10  }
0x3f3: {  	v19 =	vld [tilespmem:s19+$0x24E0];
	(xrf1) =	vsort.dscd.msk.f32 $0xffff, v21, v2  }
0x3f4: {  	v20 =	vld [tilespmem:s19+$0x24F0];
	(xrf1) =	vsort.dscd.msk.f32 $0xffff, v22, v6  }
0x3f5: {  	v21 =	vld [tilespmem:s19+$0x24C0];
	(xrf1) =	vsort.ascd.msk.f32 $0xffff, v23, v3;
	_ =	sdelay $0x1  }
0x3f6: {  	(xrf1) =	vsort.ascd.msk.f32 $0xffff, v18, v5  }
0x3f7: {  	(xrf1) =	vsort.dscd.msk.f32 $0xffff, v19, v14;
	v18, v19, _ =	vpop (xrf1)  }
0x3f8: {  	(xrf1) =	vsort.ascd.msk.f32 $0xffff, v20, v15;
	v20, v22, _ =	vpop (xrf1)  }
0x3f9: {  	(xrf1) =	vsort.dscd.msk.f32 $0xffff, v21, v12;
	v21, v23, _ =	vpop (xrf1)  }
0x3fa: {  	v46, v47, _ =	vpop (xrf1)  }
0x3fb: {  	v48, v49, _ =	vpop (xrf1)  }
0x3fc: {  	v28, v29, _ =	vpop (xrf1)  }
0x3fd: {  	v51, v50, _ =	vpop (xrf1)  }
0x3fe: {  	v19 =	vsel vm0, v19, v22;
	v52, v53, _ =	vpop (xrf1)  }
0x3ff: {  	v18 =	vsel vm0, v18, v20;
	v54, v55, _ =	vpop (xrf1)  }
0x400: {  	v30 =	vsel vm0, v51, v52;
	v31 =	vsel vm0, v50, v53;
	v56, v57, _ =	vpop (xrf1)  }
0x401: {  	(xrf1) =	vsort.dscd.msk.f32 $0xffff, v30, v31;
	v20, v22, _ =	vpop (xrf1)  }
0x402: {  	(xrf1) =	vsort.dscd.msk.f32 $0xffff, v18, v19;
	v18, v19, _ =	vpop (xrf1)  }
0x403: {  	v20 =	vsel vm0, v20, v28;
	v22 =	vsel vm0, v22, v29;
	v19 =	vsel vm0, v57, v19  }
0x404: {  	v18 =	vsel vm0, v56, v18;
	(xrf1) =	vsort.ascd.msk.f32 $0xffff, v20, v22;
	v22 =	vsel vm0, v55, v49  }
0x405: {  	v20 =	vsel vm0, v54, v48  }
0x406: {  	v58, v59, _ =	vpop (xrf1);
	(xrf1) =	vsort.ascd.msk.f32 $0xffff, v18, v19  }
0x407: {  	v24 =	vsel vm0, v46, v58;
	v25 =	vsel vm0, v47, v59;
	(xrf1) =	vsort.ascd.msk.f32 $0xffff, v20, v22;
	v18, v19, _ =	vpop (xrf1)  }
0x408: {  	v20, v22, _ =	vpop (xrf1);
	(xrf1) =	vsort.dscd.msk.f32 $0xffff, v24, v25;
	_ =	sdelay $0x2  }
0x409: {  	v18 =	vsel vm0, v18, v20;
	v19 =	vsel vm0, v19, v22;
	v20, v22, _ =	vpop (xrf1)  }
0x40a: {  	v20 =	vsel vm0, v20, v21;
	v21 =	vsel vm0, v22, v23;
	(xrf1) =	vsort.ascd.msk.f32 $0xffff, v18, v19  }
0x40b: {  	(xrf1) =	vsort.dscd.msk.f32 $0xffff, v20, v21;
	_ =	sdelay $0x3  }
0x40c: {  	v18, v19, _ =	vpop (xrf1)  }
0x40d: {  	v20, v21, _ =	vpop (xrf1)  }
0x40e: {  	v22, v23, _ =	vpop (xrf1)  }
0x40f: {  	v24, v25, _ =	vpop (xrf1)  }
0x410: {  	v60, v61, _ =	vpop (xrf1)  }
0x411: {  	v21 =	vsel vm0, v21, v25;
	v62, v63, _ =	vpop (xrf1)  }
0x412: {  	v20 =	vsel vm0, v20, v24;
	v23 =	vsel vm0, v63, v23  }
0x413: {  	v22 =	vsel vm0, v62, v22;
	_ =	sdelay $0x1  }
0x414: {  	(xrf1) =	vsort.dscd.msk.f32 $0xffff, v20, v21;
	v20, v21, _ =	vpop (xrf1)  }
0x415: {  	v18 =	vsel vm0, v18, v60;
	v19 =	vsel vm0, v19, v61;
	(xrf1) =	vsort.ascd.msk.f32 $0xffff, v22, v23;
	v22, v23, _ =	vpop (xrf1)  }
0x416: {  	(xrf1) =	vsort.dscd.msk.f32 $0xffff, v18, v19;
	v20 =	vsel vm0, v22, v20;
	v21 =	vsel vm0, v23, v21  }
0x417: {  	(xrf1) =	vsort.ascd.msk.f32 $0xffff, v20, v21;
	_ =	sdelay $0xa  }
0x418: {  	v18, v19, _ =	vpop (xrf1)  }
0x419: {  	v20, v21, _ =	vpop (xrf1)  }
0x41a: {  	v22, v23, _ =	vpop (xrf1)  }
0x41b: {  	v18 =	vsel vm0, v18, v20;
	v19 =	vsel vm0, v19, v21;
	v20, v21, _ =	vpop (xrf1)  }
0x41c: {  	(xrf1) =	vsort.dscd.msk.f32 $0xffff, v18, v19;
	v20 =	vsel vm0, v22, v20;
	v21 =	vsel vm0, v23, v21  }
0x41d: {  	(xrf1) =	vsort.ascd.msk.f32 $0xffff, v20, v21;
	_ =	sdelay $0xc  }
0x41e: {  	v18, v19, _ =	vpop (xrf1)  }
0x41f: {  	v20, v21, _ =	vpop (xrf1)  }
0x420: {  	v18 =	vsel vm0, v18, v20;
	v19 =	vsel vm0, v19, v21  }
0x421: {  	(xrf1) =	vsort.dscd.msk.f32 $0xffff, v18, v19;
	_ =	sdelay $0xd  }
0x422: {  	v19, v18, _ =	vpop (xrf1)  }
0x423: {  	[tilespmem:$0x9000] =	vst v19  }
0x424: {  	v20 =	vld.idx.msk [tilespmem:v16+s12+$0x0], $0xffff  }
0x425: {  	s20 =	simm.s32 $0x0;
	s21 =	simm.s32 $0x200;
	s19 =	simm.s32 $0x7080  }
.LBB2_8:
0x426: {  	s20 =	sadd.s32 $0x2, s20;
	s18 =	sadd.s32 $0x100, s18;
	s17 =	sadd.s32 $0x100, s17  }
0x427: {  	p0 =	slt.u32 s20, $0x1E;
	_ =	sdelay $0x1  }
0x428: {  	vm1 =	vlt.f32 v19, v20;
	vm2 =	vgt.f32 v19, v20  }
0x429: {  	vm1 =	vmor vm2, vm1  }
0x42a: {  	v19 =	vnsel vm1, $0x80000000, v17  }
0x42b: {  	(xrf0) =	vmax.scan.msk.u32 $0xffff, v19;
	_ =	sdelay $0x5  }
0x42c: {  	v19, _, _ =	vpop (xrf0)  }
0x42d: {  	v19 =	vshll.u32 v19, $0x8  }
0x42e: {  	v19 =	vadd.s32 v18, v19  }
0x42f: {  	v19 =	vxor.u32 $0x80000000, v19  }
0x430: {  	(xrf1) =	vsort.ascd.msk.u32 $0xffff, v19, v18;
	_ =	sdelay $0xd  }
0x431: {  	s22 =	sand.u32 $0x1800, s21;
	s23 =	sand.u32 $0x300, s17;
	_, v18, _ =	vpop (xrf1)  }
0x432: {  	s22 =	sor.u32 s23, s22;
	[tilespmem:s19+$0x0] =	vst v18;
	s19 =	smov.u32 s18  }
0x433: {  	v18 =	vld [tilespmem:s22+$0x2020]  }
0x434: {  	v19 =	vld [tilespmem:s22+$0x2470]  }
0x435: {  	v20 =	vld [tilespmem:s22+$0x2060]  }
0x436: {  	v21 =	vld [tilespmem:s22+$0x2030]  }
0x437: {  	v22 =	vld [tilespmem:s22+$0x2400]  }
0x438: {  	v23 =	vld [tilespmem:s22+$0x2410]  }
0x439: {  	v24 =	vld [tilespmem:s22+$0x2440];
	(xrf1) =	vsort.ascd.msk.f32 $0xffff, v19, v15  }
0x43a: {  	v19 =	vld [tilespmem:s22+$0x2040];
	(xrf1) =	vsort.dscd.msk.f32 $0xffff, v18, v2  }
0x43b: {  	v18 =	vld [tilespmem:s22+$0x2460];
	(xrf1) =	vsort.ascd.msk.f32 $0xffff, v21, v3  }
0x43c: {  	v21 =	vld [tilespmem:s22+$0x2450];
	(xrf1) =	vsort.dscd.msk.f32 $0xffff, v22, v8  }
0x43d: {  	v22 =	vld [tilespmem:s22+$0x2070];
	(xrf1) =	vsort.ascd.msk.f32 $0xffff, v23, v9  }
0x43e: {  	v23 =	vld [tilespmem:s22+$0x2050];
	(xrf1) =	vsort.dscd.msk.f32 $0xffff, v24, v12  }
0x43f: {  	v24 =	vld [tilespmem:s22+$0x2430];
	(xrf1) =	vsort.dscd.msk.f32 $0xffff, v19, v4  }
0x440: {  	v19 =	vld [tilespmem:s22+$0x2000];
	(xrf1) =	vsort.dscd.msk.f32 $0xffff, v18, v14  }
0x441: {  	v18 =	vld [tilespmem:s22+$0x2420];
	(xrf1) =	vsort.ascd.msk.f32 $0xffff, v21, v13  }
0x442: {  	(xrf1) =	vsort.ascd.msk.f32 $0xffff, v22, v7  }
0x443: {  	v21 =	vld [tilespmem:s22+$0x2010];
	(xrf1) =	vsort.ascd.msk.f32 $0xffff, v23, v5  }
0x444: {  	(xrf1) =	vsort.ascd.msk.f32 $0xffff, v24, v11  }
0x445: {  	(xrf1) =	vsort.dscd.msk.f32 $0xffff, v19, v0  }
0x446: {  	(xrf1) =	vsort.dscd.msk.f32 $0xffff, v18, v10  }
0x447: {  	(xrf1) =	vsort.dscd.msk.f32 $0xffff, v20, v6;
	v18, v19, _ =	vpop (xrf1)  }
0x448: {  	(xrf1) =	vsort.ascd.msk.f32 $0xffff, v21, v1;
	v20, v21, _ =	vpop (xrf1)  }
0x449: {  	v22, v23, _ =	vpop (xrf1)  }
0x44a: {  	v21 =	vsel vm0, v21, v23;
	v23, v24, _ =	vpop (xrf1)  }
0x44b: {  	v20 =	vsel vm0, v20, v22;
	v22, v25, _ =	vpop (xrf1)  }
0x44c: {  	v22 =	vsel vm0, v23, v22;
	v23 =	vsel vm0, v24, v25;
	v24, v25, _ =	vpop (xrf1)  }
0x44d: {  	v26, v27, _ =	vpop (xrf1)  }
0x44e: {  	v28, v29, _ =	vpop (xrf1)  }
0x44f: {  	v32 =	vsel vm0, v28, v18;
	v30 =	vsel vm0, v29, v19;
	v28, v29, _ =	vpop (xrf1)  }
0x450: {  	v33 =	vsel vm0, v24, v28;
	v31 =	vsel vm0, v25, v29;
	v28, v29, _ =	vpop (xrf1);
	(xrf1) =	vsort.ascd.msk.f32 $0xffff, v32, v30  }
0x451: {  	v18, v19, _ =	vpop (xrf1);
	(xrf1) =	vsort.dscd.msk.f32 $0xffff, v33, v31  }
0x452: {  	v31 =	vsel vm0, v27, v19;
	v24, v25, _ =	vpop (xrf1)  }
0x453: {  	v27, v30, _ =	vpop (xrf1);
	(xrf1) =	vsort.ascd.msk.f32 $0xffff, v20, v21  }
0x454: {  	v26 =	vsel vm0, v26, v18;
	(xrf1) =	vsort.dscd.msk.f32 $0xffff, v22, v23;
	v20, v21, _ =	vpop (xrf1)  }
0x455: {  	v20 =	vsel vm0, v20, v24;
	v21 =	vsel vm0, v21, v25;
	(xrf1) =	vsort.dscd.msk.f32 $0xffff, v26, v31;
	v18, v19, _ =	vpop (xrf1)  }
0x456: {  	v18 =	vsel vm0, v18, v28;
	v19 =	vsel vm0, v19, v29;
	v22, v23, _ =	vpop (xrf1);
	(xrf1) =	vsort.ascd.msk.f32 $0xffff, v20, v21  }
0x457: {  	v20 =	vsel vm0, v27, v22;
	v21 =	vsel vm0, v30, v23;
	(xrf1) =	vsort.ascd.msk.f32 $0xffff, v18, v19  }
0x458: {  	(xrf1) =	vsort.dscd.msk.f32 $0xffff, v20, v21;
	_ =	sdelay $0x5  }
0x459: {  	v18, v19, _ =	vpop (xrf1)  }
0x45a: {  	v20, v21, _ =	vpop (xrf1)  }
0x45b: {  	v18 =	vsel vm0, v20, v18;
	v19 =	vsel vm0, v21, v19  }
0x45c: {  	v20, v21, _ =	vpop (xrf1)  }
0x45d: {  	v22, v23, _ =	vpop (xrf1)  }
0x45e: {  	v24, v25, _ =	vpop (xrf1)  }
0x45f: {  	v26, v27, _ =	vpop (xrf1)  }
0x460: {  	v22 =	vsel vm0, v22, v26;
	v23 =	vsel vm0, v23, v27;
	v26, v27, _ =	vpop (xrf1);
	(xrf1) =	vsort.ascd.msk.f32 $0xffff, v18, v19  }
0x461: {  	v18 =	vsel vm0, v24, v26;
	v19 =	vsel vm0, v25, v27;
	v24, v25, _ =	vpop (xrf1);
	(xrf1) =	vsort.dscd.msk.f32 $0xffff, v22, v23  }
0x462: {  	v20 =	vsel vm0, v24, v20;
	v21 =	vsel vm0, v25, v21;
	(xrf1) =	vsort.ascd.msk.f32 $0xffff, v18, v19  }
0x463: {  	(xrf1) =	vsort.dscd.msk.f32 $0xffff, v20, v21;
	_ =	sdelay $0xa  }
0x464: {  	v18, v19, _ =	vpop (xrf1)  }
0x465: {  	v20, v21, _ =	vpop (xrf1)  }
0x466: {  	v18 =	vsel vm0, v20, v18;
	v19 =	vsel vm0, v21, v19;
	v20, v21, _ =	vpop (xrf1)  }
0x467: {  	v22, v23, _ =	vpop (xrf1)  }
0x468: {  	v20 =	vsel vm0, v22, v20;
	v21 =	vsel vm0, v23, v21;
	(xrf1) =	vsort.ascd.msk.f32 $0xffff, v18, v19  }
0x469: {  	(xrf1) =	vsort.dscd.msk.f32 $0xffff, v20, v21;
	_ =	sdelay $0xc  }
0x46a: {  	v18, v19, _ =	vpop (xrf1)  }
0x46b: {  	v20, v21, _ =	vpop (xrf1)  }
0x46c: {  	v18 =	vsel vm0, v20, v18;
	v19 =	vsel vm0, v21, v19  }
0x46d: {  	(xrf1) =	vsort.dscd.msk.f32 $0xffff, v18, v19;
	_ =	sdelay $0xd  }
0x46e: {  	v18, v19, _ =	vpop (xrf1)  }
0x46f: {  	[tilespmem:$0x9000] =	vst v18  }
0x470: {  	v20 =	vld.idx.msk [tilespmem:v16+s12+$0x0], $0xffff;
	_ =	sdelay $0x5  }
0x471: {  	vm1 =	vlt.f32 v18, v20;
	vm2 =	vgt.f32 v18, v20  }
0x472: {  	vm1 =	vmor vm2, vm1  }
0x473: {  	v18 =	vnsel vm1, $0x80000000, v17  }
0x474: {  	(xrf0) =	vmax.scan.msk.u32 $0xffff, v18;
	_ =	sdelay $0x5  }
0x475: {  	v18, _, _ =	vpop (xrf0)  }
0x476: {  	v18 =	vshll.u32 v18, $0x8  }
0x477: {  	v18 =	vadd.s32 v19, v18  }
0x478: {  	v18 =	vxor.u32 $0x80000000, v18  }
0x479: {  	(xrf1) =	vsort.ascd.msk.u32 $0xffff, v18, v19;
	_ =	sdelay $0xd  }
0x47a: {  	_, v18, _ =	vpop (xrf1)  }
0x47b: {  	[tilespmem:s18+$0xFFFFFF80] =	vst v18  }
0x47c: {  	v18 =	vld [tilespmem:s22+$0x2080]  }
0x47d: {  	v19 =	vld [tilespmem:s22+$0x2090]  }
0x47e: {  	v20 =	vld [tilespmem:s22+$0x24D0]  }
0x47f: {  	v21 =	vld [tilespmem:s22+$0x20C0]  }
0x480: {  	v22 =	vld [tilespmem:s22+$0x24B0]  }
0x481: {  	v23 =	vld [tilespmem:s22+$0x20F0];
	(xrf1) =	vsort.dscd.msk.f32 $0xffff, v18, v0  }
0x482: {  	v18 =	vld [tilespmem:s22+$0x2480];
	(xrf1) =	vsort.ascd.msk.f32 $0xffff, v19, v1  }
0x483: {  	v19 =	vld [tilespmem:s22+$0x2490];
	(xrf1) =	vsort.ascd.msk.f32 $0xffff, v20, v13  }
0x484: {  	v20 =	vld [tilespmem:s22+$0x24A0];
	(xrf1) =	vsort.dscd.msk.f32 $0xffff, v21, v4  }
0x485: {  	v21 =	vld [tilespmem:s22+$0x20A0];
	(xrf1) =	vsort.ascd.msk.f32 $0xffff, v22, v11  }
0x486: {  	v22 =	vld [tilespmem:s22+$0x20E0];
	(xrf1) =	vsort.ascd.msk.f32 $0xffff, v23, v7  }
0x487: {  	v23 =	vld [tilespmem:s22+$0x20B0];
	(xrf1) =	vsort.dscd.msk.f32 $0xffff, v18, v8  }
0x488: {  	v18 =	vld [tilespmem:s22+$0x20D0];
	(xrf1) =	vsort.ascd.msk.f32 $0xffff, v19, v9  }
0x489: {  	v19 =	vld [tilespmem:s22+$0x24E0];
	(xrf1) =	vsort.dscd.msk.f32 $0xffff, v20, v10  }
0x48a: {  	v20 =	vld [tilespmem:s22+$0x24F0];
	(xrf1) =	vsort.dscd.msk.f32 $0xffff, v21, v2  }
0x48b: {  	v21 =	vld [tilespmem:s22+$0x24C0];
	(xrf1) =	vsort.dscd.msk.f32 $0xffff, v22, v6  }
0x48c: {  	(xrf1) =	vsort.ascd.msk.f32 $0xffff, v23, v3  }
0x48d: {  	(xrf1) =	vsort.ascd.msk.f32 $0xffff, v18, v5  }
0x48e: {  	(xrf1) =	vsort.dscd.msk.f32 $0xffff, v19, v14  }
0x48f: {  	v18, v19, _ =	vpop (xrf1);
	(xrf1) =	vsort.ascd.msk.f32 $0xffff, v20, v15  }
0x490: {  	v20, v22, _ =	vpop (xrf1);
	(xrf1) =	vsort.dscd.msk.f32 $0xffff, v21, v12  }
0x491: {  	v18 =	vsel vm0, v18, v20;
	v19 =	vsel vm0, v19, v22;
	v20, v21, _ =	vpop (xrf1)  }
0x492: {  	v22, v23, _ =	vpop (xrf1)  }
0x493: {  	v24, v25, _ =	vpop (xrf1)  }
0x494: {  	v26, v27, _ =	vpop (xrf1)  }
0x495: {  	v28, v29, _ =	vpop (xrf1)  }
0x496: {  	v30, v31, _ =	vpop (xrf1)  }
0x497: {  	v28 =	vsel vm0, v28, v30;
	v29 =	vsel vm0, v29, v31;
	v30, v31, _ =	vpop (xrf1)  }
0x498: {  	v32, v33, _ =	vpop (xrf1)  }
0x499: {  	v34, v35, _ =	vpop (xrf1);
	(xrf1) =	vsort.dscd.msk.f32 $0xffff, v28, v29  }
0x49a: {  	v26 =	vsel vm0, v34, v26;
	v27 =	vsel vm0, v35, v27;
	(xrf1) =	vsort.dscd.msk.f32 $0xffff, v18, v19;
	v18, v19, _ =	vpop (xrf1)  }
0x49b: {  	v34 =	vsel vm0, v32, v18;
	v32 =	vsel vm0, v33, v19;
	v28, v29, _ =	vpop (xrf1);
	(xrf1) =	vsort.ascd.msk.f32 $0xffff, v26, v27  }
0x49c: {  	v30 =	vsel vm0, v30, v24;
	v26 =	vsel vm0, v31, v25;
	(xrf1) =	vsort.ascd.msk.f32 $0xffff, v34, v32;
	v18, v19, _ =	vpop (xrf1)  }
0x49d: {  	v28 =	vsel vm0, v22, v28;
	v27 =	vsel vm0, v23, v29;
	(xrf1) =	vsort.ascd.msk.f32 $0xffff, v30, v26;
	v24, v25, _ =	vpop (xrf1)  }
0x49e: {  	v18 =	vsel vm0, v18, v24;
	v19 =	vsel vm0, v19, v25;
	(xrf1) =	vsort.dscd.msk.f32 $0xffff, v28, v27;
	v22, v23, _ =	vpop (xrf1)  }
0x49f: {  	v20 =	vsel vm0, v22, v20;
	v21 =	vsel vm0, v23, v21;
	(xrf1) =	vsort.ascd.msk.f32 $0xffff, v18, v19  }
0x4a0: {  	(xrf1) =	vsort.dscd.msk.f32 $0xffff, v20, v21;
	_ =	sdelay $0x6  }
0x4a1: {  	v18, v19, _ =	vpop (xrf1)  }
0x4a2: {  	v20, v21, _ =	vpop (xrf1)  }
0x4a3: {  	v22, v23, _ =	vpop (xrf1)  }
0x4a4: {  	v24, v25, _ =	vpop (xrf1)  }
0x4a5: {  	v27 =	vsel vm0, v20, v24;
	v26 =	vsel vm0, v21, v25;
	v24, v25, _ =	vpop (xrf1)  }
0x4a6: {  	v18 =	vsel vm0, v18, v24;
	v19 =	vsel vm0, v19, v25;
	v24, v25, _ =	vpop (xrf1)  }
0x4a7: {  	v28 =	vsel vm0, v24, v22;
	v24 =	vsel vm0, v25, v23;
	(xrf1) =	vsort.dscd.msk.f32 $0xffff, v27, v26;
	v20, v21, _ =	vpop (xrf1)  }
0x4a8: {  	(xrf1) =	vsort.ascd.msk.f32 $0xffff, v28, v24;
	v22, v23, _ =	vpop (xrf1)  }
0x4a9: {  	v20 =	vsel vm0, v22, v20;
	v21 =	vsel vm0, v23, v21;
	(xrf1) =	vsort.dscd.msk.f32 $0xffff, v18, v19  }
0x4aa: {  	(xrf1) =	vsort.ascd.msk.f32 $0xffff, v20, v21;
	_ =	sdelay $0xa  }
0x4ab: {  	v18, v19, _ =	vpop (xrf1)  }
0x4ac: {  	v20, v21, _ =	vpop (xrf1)  }
0x4ad: {  	v18 =	vsel vm0, v18, v20;
	v19 =	vsel vm0, v19, v21;
	v20, v21, _ =	vpop (xrf1)  }
0x4ae: {  	v22, v23, _ =	vpop (xrf1)  }
0x4af: {  	v20 =	vsel vm0, v20, v22;
	v21 =	vsel vm0, v21, v23;
	(xrf1) =	vsort.dscd.msk.f32 $0xffff, v18, v19  }
0x4b0: {  	(xrf1) =	vsort.ascd.msk.f32 $0xffff, v20, v21;
	_ =	sdelay $0xc  }
0x4b1: {  	v18, v19, _ =	vpop (xrf1)  }
0x4b2: {  	v20, v21, _ =	vpop (xrf1)  }
0x4b3: {  	v18 =	vsel vm0, v18, v20;
	v19 =	vsel vm0, v19, v21  }
0x4b4: {  	(xrf1) =	vsort.dscd.msk.f32 $0xffff, v18, v19;
	_ =	sdelay $0xd  }
.Ltmp3:
0x4b5: {  	v19, v18, _ =	vpop (xrf1);
	(pc) =	sbr.rel @p0 .LBB2_8-.Ltmp3, $3  }
0x4b6: {  	[tilespmem:$0x9000] =	vst v19  }
0x4b7: {  	v20 =	vld.idx.msk [tilespmem:v16+s12+$0x0], $0xffff;
	_ =	sdelay $0x1  }
0x4b8: {  	s21 =	sadd.s32 $0x200, s21  }
0x4b9: {  	_ =	sdelay $0x1  }
0x4ba: {  	vm1 =	vlt.f32 v19, v20;
	vm2 =	vgt.f32 v19, v20  }
0x4bb: {  	vm1 =	vmor vm2, vm1  }
0x4bc: {  	v19 =	vnsel vm1, $0x80000000, v17  }
0x4bd: {  	(xrf0) =	vmax.scan.msk.u32 $0xffff, v19;
	_ =	sdelay $0x5  }
0x4be: {  	v19, _, _ =	vpop (xrf0)  }
0x4bf: {  	v19 =	vshll.u32 v19, $0x8  }
0x4c0: {  	v19 =	vadd.s32 v18, v19  }
0x4c1: {  	v19 =	vxor.u32 $0x80000000, v19  }
0x4c2: {  	(xrf1) =	vsort.ascd.msk.u32 $0xffff, v19, v18;
	_ =	sdelay $0xd  }
0x4c3: {  	_, v18, _ =	vpop (xrf1)  }
0x4c4: {  	[tilespmem:s19+$0x0] =	vst v18  }
0x4c5: {  	s17 =	simm.s32 $0x0;
	_ =	swait.ge [sflag:s11], $0x2000  }
0x4c6: {  	s18 =	sand.u32 $0x1800, s17;
	s31 =	sand.u32 $0x300, s17;
	[sflag:s11] =	ssyncset.done $0x0  }
0x4c7: {  	s19 =	sor.u32 s31, s18;
	[sflag:s11] =	ssyncadd.s32 $0xFFFFE000  }
0x4c8: {  	v18 =	vld [tilespmem:s19+$0x470]  }
0x4c9: {  	v19 =	vld [tilespmem:s19+$0x20]  }
0x4ca: {  	v20 =	vld [tilespmem:s19+$0x30]  }
0x4cb: {  	v21 =	vld [tilespmem:s19+$0x400]  }
0x4cc: {  	v22 =	vld [tilespmem:s19+$0x410]  }
0x4cd: {  	v23 =	vld [tilespmem:s19+$0x440];
	(xrf1) =	vsort.ascd.msk.f32 $0xffff, v18, v15  }
0x4ce: {  	v18 =	vld [tilespmem:s19+$0x40];
	(xrf1) =	vsort.dscd.msk.f32 $0xffff, v19, v2  }
0x4cf: {  	v19 =	vld [tilespmem:s19+$0x460];
	(xrf1) =	vsort.ascd.msk.f32 $0xffff, v20, v3  }
0x4d0: {  	v20 =	vld [tilespmem:s19+$0x450];
	(xrf1) =	vsort.dscd.msk.f32 $0xffff, v21, v8  }
0x4d1: {  	v21 =	vld [tilespmem:s19+$0x70];
	(xrf1) =	vsort.ascd.msk.f32 $0xffff, v22, v9  }
0x4d2: {  	v22 =	vld [tilespmem:s19+$0x50];
	(xrf1) =	vsort.dscd.msk.f32 $0xffff, v23, v12  }
0x4d3: {  	v23 =	vld [tilespmem:s19+$0x430];
	(xrf1) =	vsort.dscd.msk.f32 $0xffff, v18, v4  }
0x4d4: {  	v18 =	vld [tilespmem:s19+$0x0];
	(xrf1) =	vsort.dscd.msk.f32 $0xffff, v19, v14  }
0x4d5: {  	v19 =	vld [tilespmem:s19+$0x420];
	(xrf1) =	vsort.ascd.msk.f32 $0xffff, v20, v13  }
0x4d6: {  	v20 =	vld [tilespmem:s19+$0x60];
	(xrf1) =	vsort.ascd.msk.f32 $0xffff, v21, v7  }
0x4d7: {  	v21 =	vld [tilespmem:s19+$0x10];
	(xrf1) =	vsort.ascd.msk.f32 $0xffff, v22, v5  }
0x4d8: {  	(xrf1) =	vsort.ascd.msk.f32 $0xffff, v23, v11  }
0x4d9: {  	(xrf1) =	vsort.dscd.msk.f32 $0xffff, v18, v0  }
0x4da: {  	(xrf1) =	vsort.dscd.msk.f32 $0xffff, v19, v10  }
0x4db: {  	(xrf1) =	vsort.dscd.msk.f32 $0xffff, v20, v6;
	v18, v19, _ =	vpop (xrf1)  }
0x4dc: {  	(xrf1) =	vsort.ascd.msk.f32 $0xffff, v21, v1;
	v20, v21, _ =	vpop (xrf1)  }
0x4dd: {  	v22, v23, _ =	vpop (xrf1)  }
0x4de: {  	v24, v25, _ =	vpop (xrf1)  }
0x4df: {  	v26, v27, _ =	vpop (xrf1)  }
0x4e0: {  	v28, v29, _ =	vpop (xrf1)  }
0x4e1: {  	v30, v31, _ =	vpop (xrf1)  }
0x4e2: {  	v32, v33, _ =	vpop (xrf1)  }
0x4e3: {  	v19 =	vsel vm0, v33, v19  }
0x4e4: {  	v18 =	vsel vm0, v32, v18  }
0x4e5: {  	v34, v35, _ =	vpop (xrf1)  }
0x4e6: {  	v36, v37, _ =	vpop (xrf1)  }
0x4e7: {  	v21 =	vsel vm0, v21, v23;
	v20 =	vsel vm0, v20, v22;
	(xrf1) =	vsort.ascd.msk.f32 $0xffff, v18, v19;
	v18, v19, _ =	vpop (xrf1)  }
0x4e8: {  	v28 =	vsel vm0, v28, v34;
	v29 =	vsel vm0, v29, v35;
	v19 =	vsel vm0, v31, v19  }
0x4e9: {  	(xrf1) =	vsort.dscd.msk.f32 $0xffff, v28, v29;
	v22, v23, _ =	vpop (xrf1);
	v18 =	vsel vm0, v30, v18  }
0x4ea: {  	v24 =	vsel vm0, v24, v26;
	v25 =	vsel vm0, v25, v27;
	(xrf1) =	vsort.ascd.msk.f32 $0xffff, v20, v21;
	v38, v39, _ =	vpop (xrf1)  }
0x4eb: {  	(xrf1) =	vsort.dscd.msk.f32 $0xffff, v24, v25;
	v20, v21, _ =	vpop (xrf1)  }
0x4ec: {  	(xrf1) =	vsort.dscd.msk.f32 $0xffff, v18, v19;
	v20 =	vsel vm0, v20, v22;
	v21 =	vsel vm0, v21, v23;
	v18, v19, _ =	vpop (xrf1)  }
0x4ed: {  	(xrf1) =	vsort.ascd.msk.f32 $0xffff, v20, v21;
	v18 =	vsel vm0, v18, v36;
	v19 =	vsel vm0, v19, v37;
	v22, v23, _ =	vpop (xrf1)  }
0x4ee: {  	v20 =	vsel vm0, v38, v22;
	v21 =	vsel vm0, v39, v23;
	(xrf1) =	vsort.ascd.msk.f32 $0xffff, v18, v19  }
0x4ef: {  	(xrf1) =	vsort.dscd.msk.f32 $0xffff, v20, v21;
	_ =	sdelay $0x6  }
0x4f0: {  	v18, v19, _ =	vpop (xrf1)  }
0x4f1: {  	v20, v21, _ =	vpop (xrf1)  }
0x4f2: {  	v22, v23, _ =	vpop (xrf1)  }
0x4f3: {  	v24, v25, _ =	vpop (xrf1)  }
0x4f4: {  	v40, v41, _ =	vpop (xrf1)  }
0x4f5: {  	v18 =	vsel vm0, v20, v18;
	v19 =	vsel vm0, v21, v19;
	v20, v21, _ =	vpop (xrf1)  }
0x4f6: {  	(xrf1) =	vsort.ascd.msk.f32 $0xffff, v18, v19;
	v20 =	vsel vm0, v24, v20;
	v21 =	vsel vm0, v25, v21;
	v42, v43, _ =	vpop (xrf1)  }
0x4f7: {  	(xrf1) =	vsort.dscd.msk.f32 $0xffff, v20, v21;
	v18 =	vsel vm0, v40, v42;
	v19 =	vsel vm0, v41, v43;
	v44, v45, _ =	vpop (xrf1)  }
0x4f8: {  	v20 =	vsel vm0, v44, v22;
	v21 =	vsel vm0, v45, v23;
	(xrf1) =	vsort.ascd.msk.f32 $0xffff, v18, v19  }
0x4f9: {  	(xrf1) =	vsort.dscd.msk.f32 $0xffff, v20, v21;
	_ =	sdelay $0xa  }
0x4fa: {  	v18, v19, _ =	vpop (xrf1)  }
0x4fb: {  	v20, v21, _ =	vpop (xrf1)  }
0x4fc: {  	v22, v23, _ =	vpop (xrf1)  }
0x4fd: {  	v18 =	vsel vm0, v20, v18;
	v19 =	vsel vm0, v21, v19;
	v20, v21, _ =	vpop (xrf1)  }
0x4fe: {  	(xrf1) =	vsort.ascd.msk.f32 $0xffff, v18, v19;
	v20 =	vsel vm0, v20, v22;
	v21 =	vsel vm0, v21, v23  }
0x4ff: {  	(xrf1) =	vsort.dscd.msk.f32 $0xffff, v20, v21;
	_ =	sdelay $0xc  }
0x500: {  	v18, v19, _ =	vpop (xrf1)  }
0x501: {  	v20, v21, _ =	vpop (xrf1)  }
0x502: {  	v18 =	vsel vm0, v20, v18;
	v19 =	vsel vm0, v21, v19  }
0x503: {  	(xrf1) =	vsort.dscd.msk.f32 $0xffff, v18, v19;
	_ =	sdelay $0xd  }
0x504: {  	v18, v19, _ =	vpop (xrf1)  }
0x505: {  	[tilespmem:$0x9000] =	vst v18  }
0x506: {  	v20 =	vld.idx.msk [tilespmem:v16+s12+$0x0], $0xffff;
	_ =	sdelay $0x4  }
0x507: {  	vm1 =	vlt.f32 v18, v20;
	vm2 =	vgt.f32 v18, v20  }
0x508: {  	vm1 =	vmor vm2, vm1  }
0x509: {  	v18 =	vnsel vm1, $0x80000000, v17  }
0x50a: {  	(xrf0) =	vmax.scan.msk.u32 $0xffff, v18;
	_ =	sdelay $0x5  }
0x50b: {  	v18, _, _ =	vpop (xrf0)  }
0x50c: {  	v18 =	vshll.u32 v18, $0x8  }
0x50d: {  	v18 =	vadd.s32 v19, v18  }
0x50e: {  	v18 =	vxor.u32 $0x80000000, v18  }
0x50f: {  	(xrf1) =	vsort.ascd.msk.u32 $0xffff, v18, v19;
	_ =	sdelay $0xd  }
0x510: {  	s18 =	simm.s32 $0x8080;
	_, v18, _ =	vpop (xrf1)  }
0x511: {  	[tilespmem:s18+$0xFFFFFF80] =	vst v18  }
0x512: {  	v18 =	vld [tilespmem:s19+$0x80]  }
0x513: {  	v19 =	vld [tilespmem:s19+$0x90]  }
0x514: {  	v20 =	vld [tilespmem:s19+$0x4D0]  }
0x515: {  	v21 =	vld [tilespmem:s19+$0xC0]  }
0x516: {  	v22 =	vld [tilespmem:s19+$0x4B0]  }
0x517: {  	v23 =	vld [tilespmem:s19+$0xF0];
	(xrf1) =	vsort.dscd.msk.f32 $0xffff, v18, v0  }
0x518: {  	v18 =	vld [tilespmem:s19+$0x480];
	(xrf1) =	vsort.ascd.msk.f32 $0xffff, v19, v1  }
0x519: {  	v19 =	vld [tilespmem:s19+$0x490];
	(xrf1) =	vsort.ascd.msk.f32 $0xffff, v20, v13  }
0x51a: {  	v20 =	vld [tilespmem:s19+$0x4A0];
	(xrf1) =	vsort.dscd.msk.f32 $0xffff, v21, v4  }
0x51b: {  	v21 =	vld [tilespmem:s19+$0xA0];
	(xrf1) =	vsort.ascd.msk.f32 $0xffff, v22, v11  }
0x51c: {  	v22 =	vld [tilespmem:s19+$0xE0];
	(xrf1) =	vsort.ascd.msk.f32 $0xffff, v23, v7  }
0x51d: {  	v23 =	vld [tilespmem:s19+$0xB0];
	(xrf1) =	vsort.dscd.msk.f32 $0xffff, v18, v8  }
0x51e: {  	(xrf1) =	vsort.ascd.msk.f32 $0xffff, v19, v9  }
0x51f: {  	v18 =	vld [tilespmem:s19+$0xD0];
	(xrf1) =	vsort.dscd.msk.f32 $0xffff, v20, v10  }
0x520: {  	v19 =	vld [tilespmem:s19+$0x4E0];
	(xrf1) =	vsort.dscd.msk.f32 $0xffff, v21, v2  }
0x521: {  	v20 =	vld [tilespmem:s19+$0x4F0];
	(xrf1) =	vsort.dscd.msk.f32 $0xffff, v22, v6  }
0x522: {  	v21 =	vld [tilespmem:s19+$0x4C0];
	(xrf1) =	vsort.ascd.msk.f32 $0xffff, v23, v3;
	_ =	sdelay $0x1  }
0x523: {  	(xrf1) =	vsort.ascd.msk.f32 $0xffff, v18, v5  }
0x524: {  	(xrf1) =	vsort.dscd.msk.f32 $0xffff, v19, v14;
	v18, v19, _ =	vpop (xrf1)  }
0x525: {  	(xrf1) =	vsort.ascd.msk.f32 $0xffff, v20, v15;
	v20, v22, _ =	vpop (xrf1)  }
0x526: {  	(xrf1) =	vsort.dscd.msk.f32 $0xffff, v21, v12;
	v21, v23, _ =	vpop (xrf1)  }
0x527: {  	v46, v47, _ =	vpop (xrf1)  }
0x528: {  	v48, v49, _ =	vpop (xrf1)  }
0x529: {  	v28, v29, _ =	vpop (xrf1)  }
0x52a: {  	v51, v50, _ =	vpop (xrf1)  }
0x52b: {  	v19 =	vsel vm0, v19, v22;
	v52, v53, _ =	vpop (xrf1)  }
0x52c: {  	v18 =	vsel vm0, v18, v20;
	v54, v55, _ =	vpop (xrf1)  }
0x52d: {  	v30 =	vsel vm0, v51, v52;
	v31 =	vsel vm0, v50, v53;
	v56, v57, _ =	vpop (xrf1)  }
0x52e: {  	(xrf1) =	vsort.dscd.msk.f32 $0xffff, v30, v31;
	v20, v22, _ =	vpop (xrf1)  }
0x52f: {  	(xrf1) =	vsort.dscd.msk.f32 $0xffff, v18, v19;
	v18, v19, _ =	vpop (xrf1)  }
0x530: {  	v20 =	vsel vm0, v20, v28;
	v22 =	vsel vm0, v22, v29;
	v19 =	vsel vm0, v57, v19  }
0x531: {  	v18 =	vsel vm0, v56, v18;
	(xrf1) =	vsort.ascd.msk.f32 $0xffff, v20, v22;
	v22 =	vsel vm0, v55, v49  }
0x532: {  	v20 =	vsel vm0, v54, v48  }
0x533: {  	v58, v59, _ =	vpop (xrf1);
	(xrf1) =	vsort.ascd.msk.f32 $0xffff, v18, v19  }
0x534: {  	v24 =	vsel vm0, v46, v58;
	v25 =	vsel vm0, v47, v59;
	(xrf1) =	vsort.ascd.msk.f32 $0xffff, v20, v22;
	v18, v19, _ =	vpop (xrf1)  }
0x535: {  	v20, v22, _ =	vpop (xrf1);
	(xrf1) =	vsort.dscd.msk.f32 $0xffff, v24, v25;
	_ =	sdelay $0x2  }
0x536: {  	v18 =	vsel vm0, v18, v20;
	v19 =	vsel vm0, v19, v22;
	v20, v22, _ =	vpop (xrf1)  }
0x537: {  	v20 =	vsel vm0, v20, v21;
	v21 =	vsel vm0, v22, v23;
	(xrf1) =	vsort.ascd.msk.f32 $0xffff, v18, v19  }
0x538: {  	(xrf1) =	vsort.dscd.msk.f32 $0xffff, v20, v21;
	_ =	sdelay $0x3  }
0x539: {  	v18, v19, _ =	vpop (xrf1)  }
0x53a: {  	v20, v21, _ =	vpop (xrf1)  }
0x53b: {  	v22, v23, _ =	vpop (xrf1)  }
0x53c: {  	v24, v25, _ =	vpop (xrf1)  }
0x53d: {  	v60, v61, _ =	vpop (xrf1)  }
0x53e: {  	v21 =	vsel vm0, v21, v25;
	v62, v63, _ =	vpop (xrf1)  }
0x53f: {  	v20 =	vsel vm0, v20, v24;
	v23 =	vsel vm0, v63, v23  }
0x540: {  	v22 =	vsel vm0, v62, v22;
	_ =	sdelay $0x1  }
0x541: {  	(xrf1) =	vsort.dscd.msk.f32 $0xffff, v20, v21;
	v20, v21, _ =	vpop (xrf1)  }
0x542: {  	v18 =	vsel vm0, v18, v60;
	v19 =	vsel vm0, v19, v61;
	(xrf1) =	vsort.ascd.msk.f32 $0xffff, v22, v23;
	v22, v23, _ =	vpop (xrf1)  }
0x543: {  	(xrf1) =	vsort.dscd.msk.f32 $0xffff, v18, v19;
	v20 =	vsel vm0, v22, v20;
	v21 =	vsel vm0, v23, v21  }
0x544: {  	(xrf1) =	vsort.ascd.msk.f32 $0xffff, v20, v21;
	_ =	sdelay $0xa  }
0x545: {  	v18, v19, _ =	vpop (xrf1)  }
0x546: {  	v20, v21, _ =	vpop (xrf1)  }
0x547: {  	v22, v23, _ =	vpop (xrf1)  }
0x548: {  	v18 =	vsel vm0, v18, v20;
	v19 =	vsel vm0, v19, v21;
	v20, v21, _ =	vpop (xrf1)  }
0x549: {  	(xrf1) =	vsort.dscd.msk.f32 $0xffff, v18, v19;
	v20 =	vsel vm0, v22, v20;
	v21 =	vsel vm0, v23, v21  }
0x54a: {  	(xrf1) =	vsort.ascd.msk.f32 $0xffff, v20, v21;
	_ =	sdelay $0xc  }
0x54b: {  	v18, v19, _ =	vpop (xrf1)  }
0x54c: {  	v20, v21, _ =	vpop (xrf1)  }
0x54d: {  	v18 =	vsel vm0, v18, v20;
	v19 =	vsel vm0, v19, v21  }
0x54e: {  	(xrf1) =	vsort.dscd.msk.f32 $0xffff, v18, v19;
	_ =	sdelay $0xd  }
0x54f: {  	v19, v18, _ =	vpop (xrf1)  }
0x550: {  	[tilespmem:$0x9000] =	vst v19  }
0x551: {  	v20 =	vld.idx.msk [tilespmem:v16+s12+$0x0], $0xffff  }
0x552: {  	s20 =	simm.s32 $0x0;
	s21 =	simm.s32 $0x200;
	s19 =	simm.s32 $0x8080  }
.LBB2_10:
0x553: {  	s20 =	sadd.s32 $0x2, s20;
	s18 =	sadd.s32 $0x100, s18;
	s17 =	sadd.s32 $0x100, s17  }
0x554: {  	p0 =	slt.u32 s20, $0x1E;
	_ =	sdelay $0x1  }
0x555: {  	vm1 =	vlt.f32 v19, v20;
	vm2 =	vgt.f32 v19, v20  }
0x556: {  	vm1 =	vmor vm2, vm1  }
0x557: {  	v19 =	vnsel vm1, $0x80000000, v17  }
0x558: {  	(xrf0) =	vmax.scan.msk.u32 $0xffff, v19;
	_ =	sdelay $0x5  }
0x559: {  	v19, _, _ =	vpop (xrf0)  }
0x55a: {  	v19 =	vshll.u32 v19, $0x8  }
0x55b: {  	v19 =	vadd.s32 v18, v19  }
0x55c: {  	v19 =	vxor.u32 $0x80000000, v19  }
0x55d: {  	(xrf1) =	vsort.ascd.msk.u32 $0xffff, v19, v18;
	_ =	sdelay $0xd  }
0x55e: {  	s22 =	sand.u32 $0x1800, s21;
	s23 =	sand.u32 $0x300, s17;
	_, v18, _ =	vpop (xrf1)  }
0x55f: {  	s22 =	sor.u32 s23, s22;
	[tilespmem:s19+$0x0] =	vst v18;
	s19 =	smov.u32 s18  }
0x560: {  	v18 =	vld [tilespmem:s22+$0x20]  }
0x561: {  	v19 =	vld [tilespmem:s22+$0x470]  }
0x562: {  	v20 =	vld [tilespmem:s22+$0x60]  }
0x563: {  	v21 =	vld [tilespmem:s22+$0x30]  }
0x564: {  	v22 =	vld [tilespmem:s22+$0x400]  }
0x565: {  	v23 =	vld [tilespmem:s22+$0x410]  }
0x566: {  	v24 =	vld [tilespmem:s22+$0x440];
	(xrf1) =	vsort.ascd.msk.f32 $0xffff, v19, v15  }
0x567: {  	v19 =	vld [tilespmem:s22+$0x40];
	(xrf1) =	vsort.dscd.msk.f32 $0xffff, v18, v2  }
0x568: {  	v18 =	vld [tilespmem:s22+$0x460];
	(xrf1) =	vsort.ascd.msk.f32 $0xffff, v21, v3  }
0x569: {  	v21 =	vld [tilespmem:s22+$0x450];
	(xrf1) =	vsort.dscd.msk.f32 $0xffff, v22, v8  }
0x56a: {  	v22 =	vld [tilespmem:s22+$0x70];
	(xrf1) =	vsort.ascd.msk.f32 $0xffff, v23, v9  }
0x56b: {  	v23 =	vld [tilespmem:s22+$0x50];
	(xrf1) =	vsort.dscd.msk.f32 $0xffff, v24, v12  }
0x56c: {  	v24 =	vld [tilespmem:s22+$0x430];
	(xrf1) =	vsort.dscd.msk.f32 $0xffff, v19, v4  }
0x56d: {  	v19 =	vld [tilespmem:s22+$0x0];
	(xrf1) =	vsort.dscd.msk.f32 $0xffff, v18, v14  }
0x56e: {  	v18 =	vld [tilespmem:s22+$0x420];
	(xrf1) =	vsort.ascd.msk.f32 $0xffff, v21, v13  }
0x56f: {  	(xrf1) =	vsort.ascd.msk.f32 $0xffff, v22, v7  }
0x570: {  	v21 =	vld [tilespmem:s22+$0x10];
	(xrf1) =	vsort.ascd.msk.f32 $0xffff, v23, v5  }
0x571: {  	(xrf1) =	vsort.ascd.msk.f32 $0xffff, v24, v11  }
0x572: {  	(xrf1) =	vsort.dscd.msk.f32 $0xffff, v19, v0  }
0x573: {  	(xrf1) =	vsort.dscd.msk.f32 $0xffff, v18, v10  }
0x574: {  	(xrf1) =	vsort.dscd.msk.f32 $0xffff, v20, v6;
	v18, v19, _ =	vpop (xrf1)  }
0x575: {  	(xrf1) =	vsort.ascd.msk.f32 $0xffff, v21, v1;
	v20, v21, _ =	vpop (xrf1)  }
0x576: {  	v22, v23, _ =	vpop (xrf1)  }
0x577: {  	v21 =	vsel vm0, v21, v23;
	v23, v24, _ =	vpop (xrf1)  }
0x578: {  	v20 =	vsel vm0, v20, v22;
	v22, v25, _ =	vpop (xrf1)  }
0x579: {  	v22 =	vsel vm0, v23, v22;
	v23 =	vsel vm0, v24, v25;
	v24, v25, _ =	vpop (xrf1)  }
0x57a: {  	v26, v27, _ =	vpop (xrf1)  }
0x57b: {  	v28, v29, _ =	vpop (xrf1)  }
0x57c: {  	v32 =	vsel vm0, v28, v18;
	v30 =	vsel vm0, v29, v19;
	v28, v29, _ =	vpop (xrf1)  }
0x57d: {  	v33 =	vsel vm0, v24, v28;
	v31 =	vsel vm0, v25, v29;
	v28, v29, _ =	vpop (xrf1);
	(xrf1) =	vsort.ascd.msk.f32 $0xffff, v32, v30  }
0x57e: {  	v18, v19, _ =	vpop (xrf1);
	(xrf1) =	vsort.dscd.msk.f32 $0xffff, v33, v31  }
0x57f: {  	v31 =	vsel vm0, v27, v19;
	v24, v25, _ =	vpop (xrf1)  }
0x580: {  	v27, v30, _ =	vpop (xrf1);
	(xrf1) =	vsort.ascd.msk.f32 $0xffff, v20, v21  }
0x581: {  	v26 =	vsel vm0, v26, v18;
	(xrf1) =	vsort.dscd.msk.f32 $0xffff, v22, v23;
	v20, v21, _ =	vpop (xrf1)  }
0x582: {  	v20 =	vsel vm0, v20, v24;
	v21 =	vsel vm0, v21, v25;
	(xrf1) =	vsort.dscd.msk.f32 $0xffff, v26, v31;
	v18, v19, _ =	vpop (xrf1)  }
0x583: {  	v18 =	vsel vm0, v18, v28;
	v19 =	vsel vm0, v19, v29;
	v22, v23, _ =	vpop (xrf1);
	(xrf1) =	vsort.ascd.msk.f32 $0xffff, v20, v21  }
0x584: {  	v20 =	vsel vm0, v27, v22;
	v21 =	vsel vm0, v30, v23;
	(xrf1) =	vsort.ascd.msk.f32 $0xffff, v18, v19  }
0x585: {  	(xrf1) =	vsort.dscd.msk.f32 $0xffff, v20, v21;
	_ =	sdelay $0x5  }
0x586: {  	v18, v19, _ =	vpop (xrf1)  }
0x587: {  	v20, v21, _ =	vpop (xrf1)  }
0x588: {  	v18 =	vsel vm0, v20, v18;
	v19 =	vsel vm0, v21, v19  }
0x589: {  	v20, v21, _ =	vpop (xrf1)  }
0x58a: {  	v22, v23, _ =	vpop (xrf1)  }
0x58b: {  	v24, v25, _ =	vpop (xrf1)  }
0x58c: {  	v26, v27, _ =	vpop (xrf1)  }
0x58d: {  	v22 =	vsel vm0, v22, v26;
	v23 =	vsel vm0, v23, v27;
	v26, v27, _ =	vpop (xrf1);
	(xrf1) =	vsort.ascd.msk.f32 $0xffff, v18, v19  }
0x58e: {  	v18 =	vsel vm0, v24, v26;
	v19 =	vsel vm0, v25, v27;
	v24, v25, _ =	vpop (xrf1);
	(xrf1) =	vsort.dscd.msk.f32 $0xffff, v22, v23  }
0x58f: {  	v20 =	vsel vm0, v24, v20;
	v21 =	vsel vm0, v25, v21;
	(xrf1) =	vsort.ascd.msk.f32 $0xffff, v18, v19  }
0x590: {  	(xrf1) =	vsort.dscd.msk.f32 $0xffff, v20, v21;
	_ =	sdelay $0xa  }
0x591: {  	v18, v19, _ =	vpop (xrf1)  }
0x592: {  	v20, v21, _ =	vpop (xrf1)  }
0x593: {  	v18 =	vsel vm0, v20, v18;
	v19 =	vsel vm0, v21, v19;
	v20, v21, _ =	vpop (xrf1)  }
0x594: {  	v22, v23, _ =	vpop (xrf1)  }
0x595: {  	v20 =	vsel vm0, v22, v20;
	v21 =	vsel vm0, v23, v21;
	(xrf1) =	vsort.ascd.msk.f32 $0xffff, v18, v19  }
0x596: {  	(xrf1) =	vsort.dscd.msk.f32 $0xffff, v20, v21;
	_ =	sdelay $0xc  }
0x597: {  	v18, v19, _ =	vpop (xrf1)  }
0x598: {  	v20, v21, _ =	vpop (xrf1)  }
0x599: {  	v18 =	vsel vm0, v20, v18;
	v19 =	vsel vm0, v21, v19  }
0x59a: {  	(xrf1) =	vsort.dscd.msk.f32 $0xffff, v18, v19;
	_ =	sdelay $0xd  }
0x59b: {  	v18, v19, _ =	vpop (xrf1)  }
0x59c: {  	[tilespmem:$0x9000] =	vst v18  }
0x59d: {  	v20 =	vld.idx.msk [tilespmem:v16+s12+$0x0], $0xffff;
	_ =	sdelay $0x5  }
0x59e: {  	vm1 =	vlt.f32 v18, v20;
	vm2 =	vgt.f32 v18, v20  }
0x59f: {  	vm1 =	vmor vm2, vm1  }
0x5a0: {  	v18 =	vnsel vm1, $0x80000000, v17  }
0x5a1: {  	(xrf0) =	vmax.scan.msk.u32 $0xffff, v18;
	_ =	sdelay $0x5  }
0x5a2: {  	v18, _, _ =	vpop (xrf0)  }
0x5a3: {  	v18 =	vshll.u32 v18, $0x8  }
0x5a4: {  	v18 =	vadd.s32 v19, v18  }
0x5a5: {  	v18 =	vxor.u32 $0x80000000, v18  }
0x5a6: {  	(xrf1) =	vsort.ascd.msk.u32 $0xffff, v18, v19;
	_ =	sdelay $0xd  }
0x5a7: {  	_, v18, _ =	vpop (xrf1)  }
0x5a8: {  	[tilespmem:s18+$0xFFFFFF80] =	vst v18  }
0x5a9: {  	v18 =	vld [tilespmem:s22+$0x80]  }
0x5aa: {  	v19 =	vld [tilespmem:s22+$0x90]  }
0x5ab: {  	v20 =	vld [tilespmem:s22+$0x4D0]  }
0x5ac: {  	v21 =	vld [tilespmem:s22+$0xC0]  }
0x5ad: {  	v22 =	vld [tilespmem:s22+$0x4B0]  }
0x5ae: {  	v23 =	vld [tilespmem:s22+$0xF0];
	(xrf1) =	vsort.dscd.msk.f32 $0xffff, v18, v0  }
0x5af: {  	v18 =	vld [tilespmem:s22+$0x480];
	(xrf1) =	vsort.ascd.msk.f32 $0xffff, v19, v1  }
0x5b0: {  	v19 =	vld [tilespmem:s22+$0x490];
	(xrf1) =	vsort.ascd.msk.f32 $0xffff, v20, v13  }
0x5b1: {  	v20 =	vld [tilespmem:s22+$0x4A0];
	(xrf1) =	vsort.dscd.msk.f32 $0xffff, v21, v4  }
0x5b2: {  	v21 =	vld [tilespmem:s22+$0xA0];
	(xrf1) =	vsort.ascd.msk.f32 $0xffff, v22, v11  }
0x5b3: {  	v22 =	vld [tilespmem:s22+$0xE0];
	(xrf1) =	vsort.ascd.msk.f32 $0xffff, v23, v7  }
0x5b4: {  	v23 =	vld [tilespmem:s22+$0xB0];
	(xrf1) =	vsort.dscd.msk.f32 $0xffff, v18, v8  }
0x5b5: {  	v18 =	vld [tilespmem:s22+$0xD0];
	(xrf1) =	vsort.ascd.msk.f32 $0xffff, v19, v9  }
0x5b6: {  	v19 =	vld [tilespmem:s22+$0x4E0];
	(xrf1) =	vsort.dscd.msk.f32 $0xffff, v20, v10  }
0x5b7: {  	v20 =	vld [tilespmem:s22+$0x4F0];
	(xrf1) =	vsort.dscd.msk.f32 $0xffff, v21, v2  }
0x5b8: {  	v21 =	vld [tilespmem:s22+$0x4C0];
	(xrf1) =	vsort.dscd.msk.f32 $0xffff, v22, v6  }
0x5b9: {  	(xrf1) =	vsort.ascd.msk.f32 $0xffff, v23, v3  }
0x5ba: {  	(xrf1) =	vsort.ascd.msk.f32 $0xffff, v18, v5  }
0x5bb: {  	(xrf1) =	vsort.dscd.msk.f32 $0xffff, v19, v14  }
0x5bc: {  	v18, v19, _ =	vpop (xrf1);
	(xrf1) =	vsort.ascd.msk.f32 $0xffff, v20, v15  }
0x5bd: {  	v20, v22, _ =	vpop (xrf1);
	(xrf1) =	vsort.dscd.msk.f32 $0xffff, v21, v12  }
0x5be: {  	v18 =	vsel vm0, v18, v20;
	v19 =	vsel vm0, v19, v22;
	v20, v21, _ =	vpop (xrf1)  }
0x5bf: {  	v22, v23, _ =	vpop (xrf1)  }
0x5c0: {  	v24, v25, _ =	vpop (xrf1)  }
0x5c1: {  	v26, v27, _ =	vpop (xrf1)  }
0x5c2: {  	v28, v29, _ =	vpop (xrf1)  }
0x5c3: {  	v30, v31, _ =	vpop (xrf1)  }
0x5c4: {  	v28 =	vsel vm0, v28, v30;
	v29 =	vsel vm0, v29, v31;
	v30, v31, _ =	vpop (xrf1)  }
0x5c5: {  	v32, v33, _ =	vpop (xrf1)  }
0x5c6: {  	v34, v35, _ =	vpop (xrf1);
	(xrf1) =	vsort.dscd.msk.f32 $0xffff, v28, v29  }
0x5c7: {  	v26 =	vsel vm0, v34, v26;
	v27 =	vsel vm0, v35, v27;
	(xrf1) =	vsort.dscd.msk.f32 $0xffff, v18, v19;
	v18, v19, _ =	vpop (xrf1)  }
0x5c8: {  	v34 =	vsel vm0, v32, v18;
	v32 =	vsel vm0, v33, v19;
	v28, v29, _ =	vpop (xrf1);
	(xrf1) =	vsort.ascd.msk.f32 $0xffff, v26, v27  }
0x5c9: {  	v30 =	vsel vm0, v30, v24;
	v26 =	vsel vm0, v31, v25;
	(xrf1) =	vsort.ascd.msk.f32 $0xffff, v34, v32;
	v18, v19, _ =	vpop (xrf1)  }
0x5ca: {  	v28 =	vsel vm0, v22, v28;
	v27 =	vsel vm0, v23, v29;
	(xrf1) =	vsort.ascd.msk.f32 $0xffff, v30, v26;
	v24, v25, _ =	vpop (xrf1)  }
0x5cb: {  	v18 =	vsel vm0, v18, v24;
	v19 =	vsel vm0, v19, v25;
	(xrf1) =	vsort.dscd.msk.f32 $0xffff, v28, v27;
	v22, v23, _ =	vpop (xrf1)  }
0x5cc: {  	v20 =	vsel vm0, v22, v20;
	v21 =	vsel vm0, v23, v21;
	(xrf1) =	vsort.ascd.msk.f32 $0xffff, v18, v19  }
0x5cd: {  	(xrf1) =	vsort.dscd.msk.f32 $0xffff, v20, v21;
	_ =	sdelay $0x6  }
0x5ce: {  	v18, v19, _ =	vpop (xrf1)  }
0x5cf: {  	v20, v21, _ =	vpop (xrf1)  }
0x5d0: {  	v22, v23, _ =	vpop (xrf1)  }
0x5d1: {  	v24, v25, _ =	vpop (xrf1)  }
0x5d2: {  	v27 =	vsel vm0, v20, v24;
	v26 =	vsel vm0, v21, v25;
	v24, v25, _ =	vpop (xrf1)  }
0x5d3: {  	v18 =	vsel vm0, v18, v24;
	v19 =	vsel vm0, v19, v25;
	v24, v25, _ =	vpop (xrf1)  }
0x5d4: {  	v28 =	vsel vm0, v24, v22;
	v24 =	vsel vm0, v25, v23;
	(xrf1) =	vsort.dscd.msk.f32 $0xffff, v27, v26;
	v20, v21, _ =	vpop (xrf1)  }
0x5d5: {  	(xrf1) =	vsort.ascd.msk.f32 $0xffff, v28, v24;
	v22, v23, _ =	vpop (xrf1)  }
0x5d6: {  	v20 =	vsel vm0, v22, v20;
	v21 =	vsel vm0, v23, v21;
	(xrf1) =	vsort.dscd.msk.f32 $0xffff, v18, v19  }
0x5d7: {  	(xrf1) =	vsort.ascd.msk.f32 $0xffff, v20, v21;
	_ =	sdelay $0xa  }
0x5d8: {  	v18, v19, _ =	vpop (xrf1)  }
0x5d9: {  	v20, v21, _ =	vpop (xrf1)  }
0x5da: {  	v18 =	vsel vm0, v18, v20;
	v19 =	vsel vm0, v19, v21;
	v20, v21, _ =	vpop (xrf1)  }
0x5db: {  	v22, v23, _ =	vpop (xrf1)  }
0x5dc: {  	v20 =	vsel vm0, v20, v22;
	v21 =	vsel vm0, v21, v23;
	(xrf1) =	vsort.dscd.msk.f32 $0xffff, v18, v19  }
0x5dd: {  	(xrf1) =	vsort.ascd.msk.f32 $0xffff, v20, v21;
	_ =	sdelay $0xc  }
0x5de: {  	v18, v19, _ =	vpop (xrf1)  }
0x5df: {  	v20, v21, _ =	vpop (xrf1)  }
0x5e0: {  	v18 =	vsel vm0, v18, v20;
	v19 =	vsel vm0, v19, v21  }
0x5e1: {  	(xrf1) =	vsort.dscd.msk.f32 $0xffff, v18, v19;
	_ =	sdelay $0xd  }
.Ltmp4:
0x5e2: {  	v19, v18, _ =	vpop (xrf1);
	(pc) =	sbr.rel @p0 .LBB2_10-.Ltmp4, $3  }
0x5e3: {  	[tilespmem:$0x9000] =	vst v19  }
0x5e4: {  	v20 =	vld.idx.msk [tilespmem:v16+s12+$0x0], $0xffff;
	_ =	sdelay $0x1  }
0x5e5: {  	s21 =	sadd.s32 $0x200, s21  }
0x5e6: {  	_ =	sdelay $0x1  }
0x5e7: {  	vm1 =	vlt.f32 v19, v20;
	vm2 =	vgt.f32 v19, v20  }
0x5e8: {  	vm1 =	vmor vm2, vm1  }
0x5e9: {  	v19 =	vnsel vm1, $0x80000000, v17  }
0x5ea: {  	(xrf0) =	vmax.scan.msk.u32 $0xffff, v19;
	_ =	sdelay $0x5  }
0x5eb: {  	v19, _, _ =	vpop (xrf0)  }
0x5ec: {  	v19 =	vshll.u32 v19, $0x8  }
0x5ed: {  	v19 =	vadd.s32 v18, v19  }
0x5ee: {  	v19 =	vxor.u32 $0x80000000, v19  }
0x5ef: {  	(xrf1) =	vsort.ascd.msk.u32 $0xffff, v19, v18;
	_ =	sdelay $0xc  }
0x5f0: {  	s16 =	sadd.s32 $0x1, s16  }
0x5f1: {  	p0 =	sne.s32 s16, s9;
	_, v18, _ =	vpop (xrf1)  }
.Ltmp5:
0x5f2: {  	[tilespmem:s19+$0x0] =	vst v18;
	(pc) =	sbr.rel @p0 .LBB2_1-.Ltmp5, $4  }
0x5f3: {  	[hbm4b:s8+s2] =	stream.linear.scatter [tilespmem:s14], [sflag:$0x3], $0x5000, $0x38;
	[tilespmem:$0x9080] =	vst v63  }
0x5f4: {  	_ =	swait.ge [sflag:s15], $0x5000  }
0x5f5: {  	[sflag:s15] =	ssyncset.done $0x0  }
0x5f6: {  	[sflag:s15] =	ssyncadd.s32 $0xFFFFB000  }
0x5f7: {  	_ =	sfence.sel $0x180000  }
0x5f8: {  	[bflag:$0x0] =	sbarrier.arrive $0xFFFF  }
0x5f9: {  	p0 =	sne.s32 s0, $0x0;
	_ =	strace $0x90000047  }
0x5fa: {  	s0 =	sadd.s32 @!p0 $0x100000, s1;
	[bflag:$0x2] =	sbarrier.arrive $0xFFFF  }
0x5fb: {  	[sflag:s0] =	ssyncadd.tile.s32 @!p0 $0x1;
	_ =	shalt  }
.Lfunc_end2:
_tile_overlayer_lowered:
.L_overlay_start_2:
0x5fc: {  	(tag) =	ssettag $0x2  }
0x5fd: {  	s0 =	rddreg [dreg:$0x0];
	s2 =	stileid.u32  }
0x5fe: {  	s1 =	rddreg [dreg:$0x1];
	p0 =	sne.s32 s2, $0x0  }
0x5ff: {  	s3 =	rddreg [dreg:$0x2];
	[bflag:$0x3] =	sbarrier.arrive $0xFFFF;
	s2 =	simm.s32 @!p0 $0x1C03  }
0x600: {  	[timem:s3], [sflag:s2] =	dma.local @!p0 [hbm:s0], s1  }
0x601: {  	s0 =	simm.s32 @!p0 $0x3  }
0x602: {  	_ =	swait.ge @!p0 [sflag:s0], s1  }
0x603: {  	s1 =	ssub.s32 @!p0 $0x0, s1;
	[sflag:s0] =	ssyncset.done @!p0 $0x0  }
0x604: {  	[sflag:s0] =	ssyncadd.s32 @!p0 s1  }
0x605: {  	[bflag:$0x3] =	sbarrier.arrive $0xFFFF  }
0x606: {  	_ =	shalt  }

</sc_bundles>
